<compile_context>
chip_gen: v7x
topology: tpu7x:2x2x1
jax: 0.10.2.dev20260603
libtpu: 0.0.44.dev20260713+nightly
codegen_flags: <defaults>
</compile_context>

<pallas_src>
import functools

import jax
import jax.numpy as jnp
from jax import lax
from jax.experimental import pallas as pl
from jax.experimental.pallas import tpu as pltpu
from jax.experimental.pallas import tpu_sc as plsc

D_MODEL = 128
SCALE = float(D_MODEL) ** 0.5

_info = plsc.get_sparse_core_info()
_NC, _NS = _info.num_cores, _info.num_subcores
_NW = _NC * _NS

_B = 4096 * 200
_CHUNK = 128
_ROWS_PER_W = _B // _NW
_CHUNKS_PER_W = _ROWS_PER_W // _CHUNK


@functools.partial(
    pl.kernel,
    mesh=plsc.VectorSubcoreMesh(core_axis_name="c", subcore_axis_name="s"),
    out_type=jax.ShapeDtypeStruct((_B, D_MODEL), jnp.float32),
    scratch_types=(
        [pltpu.VMEM((_CHUNKS_PER_W, _CHUNK), jnp.int32)]
        + [pltpu.VMEM((_CHUNK, D_MODEL), jnp.float32) for _ in range(4)]
        + [pltpu.SemaphoreType.DMA for _ in range(8)]
    ),
)
def _sc_gather(table_hbm, idx_hbm, out_hbm, idx_v, b0, b1, b2, b3,
               g0, g1, g2, g3, s0, s1, s2, s3):
    bufs = [b0, b1, b2, b3]
    gsems = [g0, g1, g2, g3]
    ssems = [s0, s1, s2, s3]
    wid = lax.axis_index("s") * _NC + lax.axis_index("c")
    ibase = wid * _CHUNKS_PER_W
    obase = wid * _ROWS_PER_W
    pltpu.sync_copy(idx_hbm.at[pl.ds(ibase, _CHUNKS_PER_W)], idx_v)

    def gather(j, k):
        pltpu.make_async_copy(table_hbm.at[idx_v.at[j]], bufs[k], gsems[k]).start()

    def gwait(k):
        pltpu.make_async_copy(table_hbm.at[idx_v.at[0]], bufs[k], gsems[k]).wait()

    def scatter(j, k):
        pltpu.make_async_copy(
            bufs[k], out_hbm.at[pl.ds(obase + j * _CHUNK, _CHUNK)], ssems[k]
        ).start()

    def swait(k):
        pltpu.make_async_copy(
            bufs[k], out_hbm.at[pl.ds(obase, _CHUNK)], ssems[k]
        ).wait()

    def scale_buf(k):
        buf = bufs[k]

        def row_body(i, carry):
            for r_off in range(4):
                r = 4 * i + r_off
                for c in range(D_MODEL // 16):
                    sl = pl.ds(c * 16, 16)
                    buf[r, sl] = buf[r, sl] * SCALE
            return carry

        lax.fori_loop(0, _CHUNK // 4, row_body, 0)

    for k in range(4):
        gather(k, k)
        if k >= 2:
            gwait(k - 2)
            scale_buf(k - 2)
            scatter(k - 2, k - 2)

    ngroups = _CHUNKS_PER_W // 4

    def body(i, carry):
        j0 = 4 * i
        for k in range(4):
            j = j0 + k
            swait(k)
            gather(j, k)
            gwait((k + 2) % 4)
            scale_buf((k + 2) % 4)
            scatter(j - 2, (k + 2) % 4)
        return carry

    lax.fori_loop(1, ngroups, body, 0)

    for k in (2, 3):
        gwait(k)
        scale_buf(k)
        scatter(_CHUNKS_PER_W - 4 + k, k)
    for k in range(4):
        swait(k)


def kernel(x, table):
    idx = x.reshape(_B // _CHUNK, _CHUNK).astype(jnp.int32)
    out = _sc_gather(table, idx)
    return out.reshape(x.shape[0], x.shape[1], D_MODEL)

# --- scband reference (transcript-rebuilt; emitter-appended) ---
"""Pipeline reference for scband-input-embeddings-7679401525622 (READ-ONLY COPY).

The authoritative reference and input builder live on the scoring server;
editing this copy changes nothing except your own understanding.
"""

import jax, jax.numpy as jnp
import numpy as np

D_MODEL = 128
VOCAB_SIZE = 100000

def setup_inputs(seed: int = 0) -> dict:
    key = jax.random.key(seed)
    k1, k2 = jax.random.split(key)
    x = jax.random.randint(k1, (4096, 200), 0, VOCAB_SIZE, dtype=jnp.int64 if jax.config.jax_enable_x64 else jnp.int32)
    table = jax.random.normal(k2, (VOCAB_SIZE, D_MODEL), dtype=jnp.float32)
    return {"x": x, "table": table}

def reference(x, table):
    # Faithful translation of InputEmbeddings.forward:
    # embedding lookup followed by scaling by sqrt(d_model)
    emb = jnp.take(table, x, axis=0)
    return emb * (D_MODEL ** 0.5)

if __name__ == "__main__":
    import jax
    _d = setup_inputs()
    print(jax.jit(kernel)(*tuple(_d.values())))

</pallas_src>

<mosaic_0001>
#map = affine_map<(d0, d1) -> (0, 0)>
module attributes {stable_mosaic.version = 14 : i64} {
  func.func @_sc_gather(%arg0: i32, %arg1: i32, %arg2: memref<100000x128xf32, #tpu.memory_space<hbm>>, %arg3: memref<6400x128xi32, #tpu.memory_space<hbm>>, %arg4: memref<819200x128xf32, #tpu.memory_space<hbm>>, %arg5: memref<200x128xi32, #tpu.memory_space<vmem>>, %arg6: memref<128x128xf32, #tpu.memory_space<vmem>>, %arg7: memref<128x128xf32, #tpu.memory_space<vmem>>, %arg8: memref<128x128xf32, #tpu.memory_space<vmem>>, %arg9: memref<128x128xf32, #tpu.memory_space<vmem>>, %arg10: memref<!tpu.dma_semaphore, #tpu.memory_space<semaphore_mem>>, %arg11: memref<!tpu.dma_semaphore, #tpu.memory_space<semaphore_mem>>, %arg12: memref<!tpu.dma_semaphore, #tpu.memory_space<semaphore_mem>>, %arg13: memref<!tpu.dma_semaphore, #tpu.memory_space<semaphore_mem>>, %arg14: memref<!tpu.dma_semaphore, #tpu.memory_space<semaphore_mem>>, %arg15: memref<!tpu.dma_semaphore, #tpu.memory_space<semaphore_mem>>, %arg16: memref<!tpu.dma_semaphore, #tpu.memory_space<semaphore_mem>>, %arg17: memref<!tpu.dma_semaphore, #tpu.memory_space<semaphore_mem>>) attributes {dimension_semantics = [#tpu.dimension_semantics<core_parallel>, #tpu.dimension_semantics<subcore_parallel>], iteration_bounds = array<i64: 2, 16>, scalar_prefetch = 0 : i64, scratch_operands = 13 : i64, tpu.core_type = #tpu.core_type<sc_vector_subcore>, window_params = [{transform_indices = #map}, {transform_indices = #map}, {transform_indices = #map}]} {
    %mul3A = arith.constant 2 : i32
    %mul3A_0 = arith.muli %arg1, %mul3A : i32
    %add3A = arith.addi %mul3A_0, %arg0 : i32
    %mul3A_1 = arith.constant 200 : i32
    %mul3A_2 = arith.muli %add3A, %mul3A_1 : i32
    %mul3A_3 = arith.constant 25600 : i32
    %mul3A_4 = arith.muli %add3A, %mul3A_3 : i32
    "tpu.region"() ({
      %run_scoped3A = tpu.sem_alloc : memref<!tpu.dma_semaphore, #tpu.memory_space<semaphore_mem>>
      %dma_start3A_128 = arith.constant 0 : i32
      %dma_start3A_129 = tpu.memref_slice %arg3[%mul3A_2, %dma_start3A_128] : memref<6400x128xi32, #tpu.memory_space<hbm>> -> memref<200x128xi32, #tpu.memory_space<hbm>>
      %dma_start3A_130 = arith.constant 0 : i32
      %dma_start3A_131 = tpu.memref_slice %arg3[%mul3A_2, %dma_start3A_130] : memref<6400x128xi32, #tpu.memory_space<hbm>> -> memref<200x128xi32, #tpu.memory_space<hbm>>
      tpu.enqueue_dma source(%dma_start3A_131 : memref<200x128xi32, #tpu.memory_space<hbm>>) target(%arg5 : memref<200x128xi32, #tpu.memory_space<vmem>>) target_semaphore(%run_scoped3A : memref<!tpu.dma_semaphore, #tpu.memory_space<semaphore_mem>>)
      %dma_wait3A_132 = arith.constant 0 : i32
      %dma_wait3A_133 = tpu.memref_slice %arg3[%mul3A_2, %dma_wait3A_132] : memref<6400x128xi32, #tpu.memory_space<hbm>> -> memref<200x128xi32, #tpu.memory_space<hbm>>
      %dma_wait3A_134 = arith.constant 0 : i32
      %dma_wait3A_135 = tpu.memref_slice %arg3[%mul3A_2, %dma_wait3A_134] : memref<6400x128xi32, #tpu.memory_space<hbm>> -> memref<200x128xi32, #tpu.memory_space<hbm>>
      tpu.wait_dma2 semaphore(%run_scoped3A : memref<!tpu.dma_semaphore, #tpu.memory_space<semaphore_mem>>) src(%dma_wait3A_135 : memref<200x128xi32, #tpu.memory_space<hbm>>) dst(%arg5 : memref<200x128xi32, #tpu.memory_space<vmem>>)
      tpu.yield
    }) : () -> ()
    %dma_start3A = arith.constant 0 : i32
    %dma_start3A_5 = arith.constant 0 : i32
    %dma_start3A_6 = tpu.memref_slice %arg5[%dma_start3A, %dma_start3A_5] : memref<200x128xi32, #tpu.memory_space<vmem>> -> memref<1x128xi32, #tpu.memory_space<vmem>>
    %dma_start3A_7 = tpu.memref_squeeze %dma_start3A_6 : memref<1x128xi32, #tpu.memory_space<vmem>> -> memref<128xi32, #tpu.memory_space<vmem>>
    %dma_start3A_8 = arith.constant 0 : i32
    %dma_start3A_9 = arith.constant 0 : i32
    %dma_start3A_10 = tpu.memref_slice %arg2[%dma_start3A_8, %dma_start3A_9] : memref<100000x128xf32, #tpu.memory_space<hbm>> -> memref<100000x128xf32, #tpu.memory_space<hbm>>
    tpu.enqueue_indirect_dma source(%dma_start3A_10 : memref<100000x128xf32, #tpu.memory_space<hbm>>) target(%arg6 : memref<128x128xf32, #tpu.memory_space<vmem>>) offsets(%dma_start3A_7 : memref<128xi32, #tpu.memory_space<vmem>>) semaphore(%arg10 : memref<!tpu.dma_semaphore, #tpu.memory_space<semaphore_mem>>)
    %dma_start3A_11 = arith.constant 1 : i32
    %dma_start3A_12 = arith.constant 0 : i32
    %dma_start3A_13 = tpu.memref_slice %arg5[%dma_start3A_11, %dma_start3A_12] : memref<200x128xi32, #tpu.memory_space<vmem>> -> memref<1x128xi32, #tpu.memory_space<vmem>>
    %dma_start3A_14 = tpu.memref_squeeze %dma_start3A_13 : memref<1x128xi32, #tpu.memory_space<vmem>> -> memref<128xi32, #tpu.memory_space<vmem>>
    %dma_start3A_15 = arith.constant 0 : i32
    %dma_start3A_16 = arith.constant 0 : i32
    %dma_start3A_17 = tpu.memref_slice %arg2[%dma_start3A_15, %dma_start3A_16] : memref<100000x128xf32, #tpu.memory_space<hbm>> -> memref<100000x128xf32, #tpu.memory_space<hbm>>
    tpu.enqueue_indirect_dma source(%dma_start3A_17 : memref<100000x128xf32, #tpu.memory_space<hbm>>) target(%arg7 : memref<128x128xf32, #tpu.memory_space<vmem>>) offsets(%dma_start3A_14 : memref<128xi32, #tpu.memory_space<vmem>>) semaphore(%arg11 : memref<!tpu.dma_semaphore, #tpu.memory_space<semaphore_mem>>)
    %dma_start3A_18 = arith.constant 2 : i32
    %dma_start3A_19 = arith.constant 0 : i32
    %dma_start3A_20 = tpu.memref_slice %arg5[%dma_start3A_18, %dma_start3A_19] : memref<200x128xi32, #tpu.memory_space<vmem>> -> memref<1x128xi32, #tpu.memory_space<vmem>>
    %dma_start3A_21 = tpu.memref_squeeze %dma_start3A_20 : memref<1x128xi32, #tpu.memory_space<vmem>> -> memref<128xi32, #tpu.memory_space<vmem>>
    %dma_start3A_22 = arith.constant 0 : i32
    %dma_start3A_23 = arith.constant 0 : i32
    %dma_start3A_24 = tpu.memref_slice %arg2[%dma_start3A_22, %dma_start3A_23] : memref<100000x128xf32, #tpu.memory_space<hbm>> -> memref<100000x128xf32, #tpu.memory_space<hbm>>
    tpu.enqueue_indirect_dma source(%dma_start3A_24 : memref<100000x128xf32, #tpu.memory_space<hbm>>) target(%arg8 : memref<128x128xf32, #tpu.memory_space<vmem>>) offsets(%dma_start3A_21 : memref<128xi32, #tpu.memory_space<vmem>>) semaphore(%arg12 : memref<!tpu.dma_semaphore, #tpu.memory_space<semaphore_mem>>)
    %dma_wait3A = arith.constant 0 : i32
    %dma_wait3A_25 = arith.constant 0 : i32
    %dma_wait3A_26 = tpu.memref_slice %arg5[%dma_wait3A, %dma_wait3A_25] : memref<200x128xi32, #tpu.memory_space<vmem>> -> memref<1x128xi32, #tpu.memory_space<vmem>>
    %dma_wait3A_27 = tpu.memref_squeeze %dma_wait3A_26 : memref<1x128xi32, #tpu.memory_space<vmem>> -> memref<128xi32, #tpu.memory_space<vmem>>
    %dma_wait3A_28 = arith.constant 0 : i32
    %dma_wait3A_29 = arith.constant 0 : i32
    %dma_wait3A_30 = tpu.memref_slice %arg2[%dma_wait3A_28, %dma_wait3A_29] : memref<100000x128xf32, #tpu.memory_space<hbm>> -> memref<100000x128xf32, #tpu.memory_space<hbm>>
    tpu.wait_indirect_dma semaphore(%arg10 : memref<!tpu.dma_semaphore, #tpu.memory_space<semaphore_mem>>) src(%dma_wait3A_30 : memref<100000x128xf32, #tpu.memory_space<hbm>>) dst(%arg6 : memref<128x128xf32, #tpu.memory_space<vmem>>)
    %scan3A = arith.constant 0 : i32
    %scan3A_31 = arith.constant 0 : i32
    %scan3A_32 = arith.constant 32 : i32
    %scan3A_33 = arith.addi %scan3A_31, %scan3A_32 : i32
    %scan3A_34 = arith.constant 1 : i32
    scf.for %scan3A_128 = %scan3A_31 to %scan3A_33 step %scan3A_34  : i32 {
      %mul3A_129 = arith.constant 4 : i32
      %mul3A_130 = arith.muli %mul3A_129, %scan3A_128 : i32
      %add3A_131 = arith.constant 0 : i32
      %add3A_132 = arith.addi %mul3A_130, %add3A_131 : i32
      %get3A = arith.index_cast %add3A_132 : i32 to index
      %get3A_133 = arith.constant 0 : index
      %get3A_134 = tpu.vector_load %arg6[%get3A, %get3A_133] {strides = array<i32>} : memref<128x128xf32, #tpu.memory_space<vmem>>, vector<1x16xf32>,
      %get3A_135 = vector.shape_cast %get3A_134 : vector<1x16xf32> to vector<16xf32>
      %mul3A_136 = arith.constant 11.3137083 : f32
      %mul3A_137 = vector.broadcast %mul3A_136 : f32 to vector<16xf32>
      %mul3A_138 = arith.mulf %get3A_135, %mul3A_137 : vector<16xf32>
      %swap3A = arith.index_cast %add3A_132 : i32 to index
      %swap3A_139 = arith.constant 0 : index
      %swap3A_140 = tpu.vector_load %arg6[%swap3A, %swap3A_139] {strides = array<i32>} : memref<128x128xf32, #tpu.memory_space<vmem>>, vector<1x16xf32>,
      %swap3A_141 = vector.shape_cast %swap3A_140 : vector<1x16xf32> to vector<16xf32>
      %swap3A_142 = vector.shape_cast %mul3A_138 : vector<16xf32> to vector<1x16xf32>
      tpu.vector_store %arg6[%swap3A, %swap3A_139], %swap3A_142 {strides = array<i32>} : memref<128x128xf32, #tpu.memory_space<vmem>>, vector<1x16xf32>,
      %get3A_143 = arith.index_cast %add3A_132 : i32 to index
      %get3A_144 = arith.constant 16 : index
      %get3A_145 = tpu.vector_load %arg6[%get3A_143, %get3A_144] {strides = array<i32>} : memref<128x128xf32, #tpu.memory_space<vmem>>, vector<1x16xf32>,
      %get3A_146 = vector.shape_cast %get3A_145 : vector<1x16xf32> to vector<16xf32>
      %mul3A_147 = arith.constant 11.3137083 : f32
      %mul3A_148 = vector.broadcast %mul3A_147 : f32 to vector<16xf32>
      %mul3A_149 = arith.mulf %get3A_146, %mul3A_148 : vector<16xf32>
      %swap3A_150 = arith.index_cast %add3A_132 : i32 to index
      %swap3A_151 = arith.constant 16 : index
      %swap3A_152 = tpu.vector_load %arg6[%swap3A_150, %swap3A_151] {strides = array<i32>} : memref<128x128xf32, #tpu.memory_space<vmem>>, vector<1x16xf32>,
      %swap3A_153 = vector.shape_cast %swap3A_152 : vector<1x16xf32> to vector<16xf32>
      %swap3A_154 = vector.shape_cast %mul3A_149 : vector<16xf32> to vector<1x16xf32>
      tpu.vector_store %arg6[%swap3A_150, %swap3A_151], %swap3A_154 {strides = array<i32>} : memref<128x128xf32, #tpu.memory_space<vmem>>, vector<1x16xf32>,
      %get3A_155 = arith.index_cast %add3A_132 : i32 to index
      %get3A_156 = arith.constant 32 : index
      %get3A_157 = tpu.vector_load %arg6[%get3A_155, %get3A_156] {strides = array<i32>} : memref<128x128xf32, #tpu.memory_space<vmem>>, vector<1x16xf32>,
      %get3A_158 = vector.shape_cast %get3A_157 : vector<1x16xf32> to vector<16xf32>
      %mul3A_159 = arith.constant 11.3137083 : f32
      %mul3A_160 = vector.broadcast %mul3A_159 : f32 to vector<16xf32>
      %mul3A_161 = arith.mulf %get3A_158, %mul3A_160 : vector<16xf32>
      %swap3A_162 = arith.index_cast %add3A_132 : i32 to index
      %swap3A_163 = arith.constant 32 : index
      %swap3A_164 = tpu.vector_load %arg6[%swap3A_162, %swap3A_163] {strides = array<i32>} : memref<128x128xf32, #tpu.memory_space<vmem>>, vector<1x16xf32>,
      %swap3A_165 = vector.shape_cast %swap3A_164 : vector<1x16xf32> to vector<16xf32>
      %swap3A_166 = vector.shape_cast %mul3A_161 : vector<16xf32> to vector<1x16xf32>
      tpu.vector_store %arg6[%swap3A_162, %swap3A_163], %swap3A_166 {strides = array<i32>} : memref<128x128xf32, #tpu.memory_space<vmem>>, vector<1x16xf32>,
      %get3A_167 = arith.index_cast %add3A_132 : i32 to index
      %get3A_168 = arith.constant 48 : index
      %get3A_169 = tpu.vector_load %arg6[%get3A_167, %get3A_168] {strides = array<i32>} : memref<128x128xf32, #tpu.memory_space<vmem>>, vector<1x16xf32>,
      %get3A_170 = vector.shape_cast %get3A_169 : vector<1x16xf32> to vector<16xf32>
      %mul3A_171 = arith.constant 11.3137083 : f32
      %mul3A_172 = vector.broadcast %mul3A_171 : f32 to vector<16xf32>
      %mul3A_173 = arith.mulf %get3A_170, %mul3A_172 : vector<16xf32>
      %swap3A_174 = arith.index_cast %add3A_132 : i32 to index
      %swap3A_175 = arith.constant 48 : index
      %swap3A_176 = tpu.vector_load %arg6[%swap3A_174, %swap3A_175] {strides = array<i32>} : memref<128x128xf32, #tpu.memory_space<vmem>>, vector<1x16xf32>,
      %swap3A_177 = vector.shape_cast %swap3A_176 : vector<1x16xf32> to vector<16xf32>
      %swap3A_178 = vector.shape_cast %mul3A_173 : vector<16xf32> to vector<1x16xf32>
      tpu.vector_store %arg6[%swap3A_174, %swap3A_175], %swap3A_178 {strides = array<i32>} : memref<128x128xf32, #tpu.memory_space<vmem>>, vector<1x16xf32>,
      %get3A_179 = arith.index_cast %add3A_132 : i32 to index
      %get3A_180 = arith.constant 64 : index
      %get3A_181 = tpu.vector_load %arg6[%get3A_179, %get3A_180] {strides = array<i32>} : memref<128x128xf32, #tpu.memory_space<vmem>>, vector<1x16xf32>,
      %get3A_182 = vector.shape_cast %get3A_181 : vector<1x16xf32> to vector<16xf32>
      %mul3A_183 = arith.constant 11.3137083 : f32
      %mul3A_184 = vector.broadcast %mul3A_183 : f32 to vector<16xf32>
      %mul3A_185 = arith.mulf %get3A_182, %mul3A_184 : vector<16xf32>
      %swap3A_186 = arith.index_cast %add3A_132 : i32 to index
      %swap3A_187 = arith.constant 64 : index
      %swap3A_188 = tpu.vector_load %arg6[%swap3A_186, %swap3A_187] {strides = array<i32>} : memref<128x128xf32, #tpu.memory_space<vmem>>, vector<1x16xf32>,
      %swap3A_189 = vector.shape_cast %swap3A_188 : vector<1x16xf32> to vector<16xf32>
      %swap3A_190 = vector.shape_cast %mul3A_185 : vector<16xf32> to vector<1x16xf32>
      tpu.vector_store %arg6[%swap3A_186, %swap3A_187], %swap3A_190 {strides = array<i32>} : memref<128x128xf32, #tpu.memory_space<vmem>>, vector<1x16xf32>,
      %get3A_191 = arith.index_cast %add3A_132 : i32 to index
      %get3A_192 = arith.constant 80 : index
      %get3A_193 = tpu.vector_load %arg6[%get3A_191, %get3A_192] {strides = array<i32>} : memref<128x128xf32, #tpu.memory_space<vmem>>, vector<1x16xf32>,
      %get3A_194 = vector.shape_cast %get3A_193 : vector<1x16xf32> to vector<16xf32>
      %mul3A_195 = arith.constant 11.3137083 : f32
      %mul3A_196 = vector.broadcast %mul3A_195 : f32 to vector<16xf32>
      %mul3A_197 = arith.mulf %get3A_194, %mul3A_196 : vector<16xf32>
      %swap3A_198 = arith.index_cast %add3A_132 : i32 to index
      %swap3A_199 = arith.constant 80 : index
      %swap3A_200 = tpu.vector_load %arg6[%swap3A_198, %swap3A_199] {strides = array<i32>} : memref<128x128xf32, #tpu.memory_space<vmem>>, vector<1x16xf32>,
      %swap3A_201 = vector.shape_cast %swap3A_200 : vector<1x16xf32> to vector<16xf32>
      %swap3A_202 = vector.shape_cast %mul3A_197 : vector<16xf32> to vector<1x16xf32>
      tpu.vector_store %arg6[%swap3A_198, %swap3A_199], %swap3A_202 {strides = array<i32>} : memref<128x128xf32, #tpu.memory_space<vmem>>, vector<1x16xf32>,
      %get3A_203 = arith.index_cast %add3A_132 : i32 to index
      %get3A_204 = arith.constant 96 : index
      %get3A_205 = tpu.vector_load %arg6[%get3A_203, %get3A_204] {strides = array<i32>} : memref<128x128xf32, #tpu.memory_space<vmem>>, vector<1x16xf32>,
      %get3A_206 = vector.shape_cast %get3A_205 : vector<1x16xf32> to vector<16xf32>
      %mul3A_207 = arith.constant 11.3137083 : f32
      %mul3A_208 = vector.broadcast %mul3A_207 : f32 to vector<16xf32>
      %mul3A_209 = arith.mulf %get3A_206, %mul3A_208 : vector<16xf32>
      %swap3A_210 = arith.index_cast %add3A_132 : i32 to index
      %swap3A_211 = arith.constant 96 : index
      %swap3A_212 = tpu.vector_load %arg6[%swap3A_210, %swap3A_211] {strides = array<i32>} : memref<128x128xf32, #tpu.memory_space<vmem>>, vector<1x16xf32>,
      %swap3A_213 = vector.shape_cast %swap3A_212 : vector<1x16xf32> to vector<16xf32>
      %swap3A_214 = vector.shape_cast %mul3A_209 : vector<16xf32> to vector<1x16xf32>
      tpu.vector_store %arg6[%swap3A_210, %swap3A_211], %swap3A_214 {strides = array<i32>} : memref<128x128xf32, #tpu.memory_space<vmem>>, vector<1x16xf32>,
      %get3A_215 = arith.index_cast %add3A_132 : i32 to index
      %get3A_216 = arith.constant 112 : index
      %get3A_217 = tpu.vector_load %arg6[%get3A_215, %get3A_216] {strides = array<i32>} : memref<128x128xf32, #tpu.memory_space<vmem>>, vector<1x16xf32>,
      %get3A_218 = vector.shape_cast %get3A_217 : vector<1x16xf32> to vector<16xf32>
      %mul3A_219 = arith.constant 11.3137083 : f32
      %mul3A_220 = vector.broadcast %mul3A_219 : f32 to vector<16xf32>
      %mul3A_221 = arith.mulf %get3A_218, %mul3A_220 : vector<16xf32>
      %swap3A_222 = arith.index_cast %add3A_132 : i32 to index
      %swap3A_223 = arith.constant 112 : index
      %swap3A_224 = tpu.vector_load %arg6[%swap3A_222, %swap3A_223] {strides = array<i32>} : memref<128x128xf32, #tpu.memory_space<vmem>>, vector<1x16xf32>,
      %swap3A_225 = vector.shape_cast %swap3A_224 : vector<1x16xf32> to vector<16xf32>
      %swap3A_226 = vector.shape_cast %mul3A_221 : vector<16xf32> to vector<1x16xf32>
      tpu.vector_store %arg6[%swap3A_222, %swap3A_223], %swap3A_226 {strides = array<i32>} : memref<128x128xf32, #tpu.memory_space<vmem>>, vector<1x16xf32>,
      %mul3A_227 = arith.constant 4 : i32
      %mul3A_228 = arith.muli %mul3A_227, %scan3A_128 : i32
      %add3A_229 = arith.constant 1 : i32
      %add3A_230 = arith.addi %mul3A_228, %add3A_229 : i32
      %get3A_231 = arith.index_cast %add3A_230 : i32 to index
      %get3A_232 = arith.constant 0 : index
      %get3A_233 = tpu.vector_load %arg6[%get3A_231, %get3A_232] {strides = array<i32>} : memref<128x128xf32, #tpu.memory_space<vmem>>, vector<1x16xf32>,
      %get3A_234 = vector.shape_cast %get3A_233 : vector<1x16xf32> to vector<16xf32>
      %mul3A_235 = arith.constant 11.3137083 : f32
      %mul3A_236 = vector.broadcast %mul3A_235 : f32 to vector<16xf32>
      %mul3A_237 = arith.mulf %get3A_234, %mul3A_236 : vector<16xf32>
      %swap3A_238 = arith.index_cast %add3A_230 : i32 to index
      %swap3A_239 = arith.constant 0 : index
      %swap3A_240 = tpu.vector_load %arg6[%swap3A_238, %swap3A_239] {strides = array<i32>} : memref<128x128xf32, #tpu.memory_space<vmem>>, vector<1x16xf32>,
      %swap3A_241 = vector.shape_cast %swap3A_240 : vector<1x16xf32> to vector<16xf32>
      %swap3A_242 = vector.shape_cast %mul3A_237 : vector<16xf32> to vector<1x16xf32>
      tpu.vector_store %arg6[%swap3A_238, %swap3A_239], %swap3A_242 {strides = array<i32>} : memref<128x128xf32, #tpu.memory_space<vmem>>, vector<1x16xf32>,
      %get3A_243 = arith.index_cast %add3A_230 : i32 to index
      %get3A_244 = arith.constant 16 : index
      %get3A_245 = tpu.vector_load %arg6[%get3A_243, %get3A_244] {strides = array<i32>} : memref<128x128xf32, #tpu.memory_space<vmem>>, vector<1x16xf32>,
      %get3A_246 = vector.shape_cast %get3A_245 : vector<1x16xf32> to vector<16xf32>
      %mul3A_247 = arith.constant 11.3137083 : f32
      %mul3A_248 = vector.broadcast %mul3A_247 : f32 to vector<16xf32>
      %mul3A_249 = arith.mulf %get3A_246, %mul3A_248 : vector<16xf32>
      %swap3A_250 = arith.index_cast %add3A_230 : i32 to index
      %swap3A_251 = arith.constant 16 : index
      %swap3A_252 = tpu.vector_load %arg6[%swap3A_250, %swap3A_251] {strides = array<i32>} : memref<128x128xf32, #tpu.memory_space<vmem>>, vector<1x16xf32>,
      %swap3A_253 = vector.shape_cast %swap3A_252 : vector<1x16xf32> to vector<16xf32>
      %swap3A_254 = vector.shape_cast %mul3A_249 : vector<16xf32> to vector<1x16xf32>
      tpu.vector_store %arg6[%swap3A_250, %swap3A_251], %swap3A_254 {strides = array<i32>} : memref<128x128xf32, #tpu.memory_space<vmem>>, vector<1x16xf32>,
      %get3A_255 = arith.index_cast %add3A_230 : i32 to index
      %get3A_256 = arith.constant 32 : index
      %get3A_257 = tpu.vector_load %arg6[%get3A_255, %get3A_256] {strides = array<i32>} : memref<128x128xf32, #tpu.memory_space<vmem>>, vector<1x16xf32>,
      %get3A_258 = vector.shape_cast %get3A_257 : vector<1x16xf32> to vector<16xf32>
      %mul3A_259 = arith.constant 11.3137083 : f32
      %mul3A_260 = vector.broadcast %mul3A_259 : f32 to vector<16xf32>
      %mul3A_261 = arith.mulf %get3A_258, %mul3A_260 : vector<16xf32>
      %swap3A_262 = arith.index_cast %add3A_230 : i32 to index
      %swap3A_263 = arith.constant 32 : index
      %swap3A_264 = tpu.vector_load %arg6[%swap3A_262, %swap3A_263] {strides = array<i32>} : memref<128x128xf32, #tpu.memory_space<vmem>>, vector<1x16xf32>,
      %swap3A_265 = vector.shape_cast %swap3A_264 : vector<1x16xf32> to vector<16xf32>
      %swap3A_266 = vector.shape_cast %mul3A_261 : vector<16xf32> to vector<1x16xf32>
      tpu.vector_store %arg6[%swap3A_262, %swap3A_263], %swap3A_266 {strides = array<i32>} : memref<128x128xf32, #tpu.memory_space<vmem>>, vector<1x16xf32>,
      %get3A_267 = arith.index_cast %add3A_230 : i32 to index
      %get3A_268 = arith.constant 48 : index
      %get3A_269 = tpu.vector_load %arg6[%get3A_267, %get3A_268] {strides = array<i32>} : memref<128x128xf32, #tpu.memory_space<vmem>>, vector<1x16xf32>,
      %get3A_270 = vector.shape_cast %get3A_269 : vector<1x16xf32> to vector<16xf32>
      %mul3A_271 = arith.constant 11.3137083 : f32
      %mul3A_272 = vector.broadcast %mul3A_271 : f32 to vector<16xf32>
      %mul3A_273 = arith.mulf %get3A_270, %mul3A_272 : vector<16xf32>
      %swap3A_274 = arith.index_cast %add3A_230 : i32 to index
      %swap3A_275 = arith.constant 48 : index
      %swap3A_276 = tpu.vector_load %arg6[%swap3A_274, %swap3A_275] {strides = array<i32>} : memref<128x128xf32, #tpu.memory_space<vmem>>, vector<1x16xf32>,
      %swap3A_277 = vector.shape_cast %swap3A_276 : vector<1x16xf32> to vector<16xf32>
      %swap3A_278 = vector.shape_cast %mul3A_273 : vector<16xf32> to vector<1x16xf32>
      tpu.vector_store %arg6[%swap3A_274, %swap3A_275], %swap3A_278 {strides = array<i32>} : memref<128x128xf32, #tpu.memory_space<vmem>>, vector<1x16xf32>,
      %get3A_279 = arith.index_cast %add3A_230 : i32 to index
      %get3A_280 = arith.constant 64 : index
      %get3A_281 = tpu.vector_load %arg6[%get3A_279, %get3A_280] {strides = array<i32>} : memref<128x128xf32, #tpu.memory_space<vmem>>, vector<1x16xf32>,
      %get3A_282 = vector.shape_cast %get3A_281 : vector<1x16xf32> to vector<16xf32>
      %mul3A_283 = arith.constant 11.3137083 : f32
      %mul3A_284 = vector.broadcast %mul3A_283 : f32 to vector<16xf32>
      %mul3A_285 = arith.mulf %get3A_282, %mul3A_284 : vector<16xf32>
      %swap3A_286 = arith.index_cast %add3A_230 : i32 to index
      %swap3A_287 = arith.constant 64 : index
      %swap3A_288 = tpu.vector_load %arg6[%swap3A_286, %swap3A_287] {strides = array<i32>} : memref<128x128xf32, #tpu.memory_space<vmem>>, vector<1x16xf32>,
      %swap3A_289 = vector.shape_cast %swap3A_288 : vector<1x16xf32> to vector<16xf32>
      %swap3A_290 = vector.shape_cast %mul3A_285 : vector<16xf32> to vector<1x16xf32>
      tpu.vector_store %arg6[%swap3A_286, %swap3A_287], %swap3A_290 {strides = array<i32>} : memref<128x128xf32, #tpu.memory_space<vmem>>, vector<1x16xf32>,
      %get3A_291 = arith.index_cast %add3A_230 : i32 to index
      %get3A_292 = arith.constant 80 : index
      %get3A_293 = tpu.vector_load %arg6[%get3A_291, %get3A_292] {strides = array<i32>} : memref<128x128xf32, #tpu.memory_space<vmem>>, vector<1x16xf32>,
      %get3A_294 = vector.shape_cast %get3A_293 : vector<1x16xf32> to vector<16xf32>
      %mul3A_295 = arith.constant 11.3137083 : f32
      %mul3A_296 = vector.broadcast %mul3A_295 : f32 to vector<16xf32>
      %mul3A_297 = arith.mulf %get3A_294, %mul3A_296 : vector<16xf32>
      %swap3A_298 = arith.index_cast %add3A_230 : i32 to index
      %swap3A_299 = arith.constant 80 : index
      %swap3A_300 = tpu.vector_load %arg6[%swap3A_298, %swap3A_299] {strides = array<i32>} : memref<128x128xf32, #tpu.memory_space<vmem>>, vector<1x16xf32>,
      %swap3A_301 = vector.shape_cast %swap3A_300 : vector<1x16xf32> to vector<16xf32>
      %swap3A_302 = vector.shape_cast %mul3A_297 : vector<16xf32> to vector<1x16xf32>
      tpu.vector_store %arg6[%swap3A_298, %swap3A_299], %swap3A_302 {strides = array<i32>} : memref<128x128xf32, #tpu.memory_space<vmem>>, vector<1x16xf32>,
      %get3A_303 = arith.index_cast %add3A_230 : i32 to index
      %get3A_304 = arith.constant 96 : index
      %get3A_305 = tpu.vector_load %arg6[%get3A_303, %get3A_304] {strides = array<i32>} : memref<128x128xf32, #tpu.memory_space<vmem>>, vector<1x16xf32>,
      %get3A_306 = vector.shape_cast %get3A_305 : vector<1x16xf32> to vector<16xf32>
      %mul3A_307 = arith.constant 11.3137083 : f32
      %mul3A_308 = vector.broadcast %mul3A_307 : f32 to vector<16xf32>
      %mul3A_309 = arith.mulf %get3A_306, %mul3A_308 : vector<16xf32>
      %swap3A_310 = arith.index_cast %add3A_230 : i32 to index
      %swap3A_311 = arith.constant 96 : index
      %swap3A_312 = tpu.vector_load %arg6[%swap3A_310, %swap3A_311] {strides = array<i32>} : memref<128x128xf32, #tpu.memory_space<vmem>>, vector<1x16xf32>,
      %swap3A_313 = vector.shape_cast %swap3A_312 : vector<1x16xf32> to vector<16xf32>
      %swap3A_314 = vector.shape_cast %mul3A_309 : vector<16xf32> to vector<1x16xf32>
      tpu.vector_store %arg6[%swap3A_310, %swap3A_311], %swap3A_314 {strides = array<i32>} : memref<128x128xf32, #tpu.memory_space<vmem>>, vector<1x16xf32>,
      %get3A_315 = arith.index_cast %add3A_230 : i32 to index
      %get3A_316 = arith.constant 112 : index
      %get3A_317 = tpu.vector_load %arg6[%get3A_315, %get3A_316] {strides = array<i32>} : memref<128x128xf32, #tpu.memory_space<vmem>>, vector<1x16xf32>,
      %get3A_318 = vector.shape_cast %get3A_317 : vector<1x16xf32> to vector<16xf32>
      %mul3A_319 = arith.constant 11.3137083 : f32
      %mul3A_320 = vector.broadcast %mul3A_319 : f32 to vector<16xf32>
      %mul3A_321 = arith.mulf %get3A_318, %mul3A_320 : vector<16xf32>
      %swap3A_322 = arith.index_cast %add3A_230 : i32 to index
      %swap3A_323 = arith.constant 112 : index
      %swap3A_324 = tpu.vector_load %arg6[%swap3A_322, %swap3A_323] {strides = array<i32>} : memref<128x128xf32, #tpu.memory_space<vmem>>, vector<1x16xf32>,
      %swap3A_325 = vector.shape_cast %swap3A_324 : vector<1x16xf32> to vector<16xf32>
      %swap3A_326 = vector.shape_cast %mul3A_321 : vector<16xf32> to vector<1x16xf32>
      tpu.vector_store %arg6[%swap3A_322, %swap3A_323], %swap3A_326 {strides = array<i32>} : memref<128x128xf32, #tpu.memory_space<vmem>>, vector<1x16xf32>,
      %mul3A_327 = arith.constant 4 : i32
      %mul3A_328 = arith.muli %mul3A_327, %scan3A_128 : i32
      %add3A_329 = arith.constant 2 : i32
      %add3A_330 = arith.addi %mul3A_328, %add3A_329 : i32
      %get3A_331 = arith.index_cast %add3A_330 : i32 to index
      %get3A_332 = arith.constant 0 : index
      %get3A_333 = tpu.vector_load %arg6[%get3A_331, %get3A_332] {strides = array<i32>} : memref<128x128xf32, #tpu.memory_space<vmem>>, vector<1x16xf32>,
      %get3A_334 = vector.shape_cast %get3A_333 : vector<1x16xf32> to vector<16xf32>
      %mul3A_335 = arith.constant 11.3137083 : f32
      %mul3A_336 = vector.broadcast %mul3A_335 : f32 to vector<16xf32>
      %mul3A_337 = arith.mulf %get3A_334, %mul3A_336 : vector<16xf32>
      %swap3A_338 = arith.index_cast %add3A_330 : i32 to index
      %swap3A_339 = arith.constant 0 : index
      %swap3A_340 = tpu.vector_load %arg6[%swap3A_338, %swap3A_339] {strides = array<i32>} : memref<128x128xf32, #tpu.memory_space<vmem>>, vector<1x16xf32>,
      %swap3A_341 = vector.shape_cast %swap3A_340 : vector<1x16xf32> to vector<16xf32>
      %swap3A_342 = vector.shape_cast %mul3A_337 : vector<16xf32> to vector<1x16xf32>
      tpu.vector_store %arg6[%swap3A_338, %swap3A_339], %swap3A_342 {strides = array<i32>} : memref<128x128xf32, #tpu.memory_space<vmem>>, vector<1x16xf32>,
      %get3A_343 = arith.index_cast %add3A_330 : i32 to index
      %get3A_344 = arith.constant 16 : index
      %get3A_345 = tpu.vector_load %arg6[%get3A_343, %get3A_344] {strides = array<i32>} : memref<128x128xf32, #tpu.memory_space<vmem>>, vector<1x16xf32>,
      %get3A_346 = vector.shape_cast %get3A_345 : vector<1x16xf32> to vector<16xf32>
      %mul3A_347 = arith.constant 11.3137083 : f32
      %mul3A_348 = vector.broadcast %mul3A_347 : f32 to vector<16xf32>
      %mul3A_349 = arith.mulf %get3A_346, %mul3A_348 : vector<16xf32>
      %swap3A_350 = arith.index_cast %add3A_330 : i32 to index
      %swap3A_351 = arith.constant 16 : index
      %swap3A_352 = tpu.vector_load %arg6[%swap3A_350, %swap3A_351] {strides = array<i32>} : memref<128x128xf32, #tpu.memory_space<vmem>>, vector<1x16xf32>,
      %swap3A_353 = vector.shape_cast %swap3A_352 : vector<1x16xf32> to vector<16xf32>
      %swap3A_354 = vector.shape_cast %mul3A_349 : vector<16xf32> to vector<1x16xf32>
      tpu.vector_store %arg6[%swap3A_350, %swap3A_351], %swap3A_354 {strides = array<i32>} : memref<128x128xf32, #tpu.memory_space<vmem>>, vector<1x16xf32>,
      %get3A_355 = arith.index_cast %add3A_330 : i32 to index
      %get3A_356 = arith.constant 32 : index
      %get3A_357 = tpu.vector_load %arg6[%get3A_355, %get3A_356] {strides = array<i32>} : memref<128x128xf32, #tpu.memory_space<vmem>>, vector<1x16xf32>,
      %get3A_358 = vector.shape_cast %get3A_357 : vector<1x16xf32> to vector<16xf32>
      %mul3A_359 = arith.constant 11.3137083 : f32
      %mul3A_360 = vector.broadcast %mul3A_359 : f32 to vector<16xf32>
      %mul3A_361 = arith.mulf %get3A_358, %mul3A_360 : vector<16xf32>
      %swap3A_362 = arith.index_cast %add3A_330 : i32 to index
      %swap3A_363 = arith.constant 32 : index
      %swap3A_364 = tpu.vector_load %arg6[%swap3A_362, %swap3A_363] {strides = array<i32>} : memref<128x128xf32, #tpu.memory_space<vmem>>, vector<1x16xf32>,
      %swap3A_365 = vector.shape_cast %swap3A_364 : vector<1x16xf32> to vector<16xf32>
      %swap3A_366 = vector.shape_cast %mul3A_361 : vector<16xf32> to vector<1x16xf32>
      tpu.vector_store %arg6[%swap3A_362, %swap3A_363], %swap3A_366 {strides = array<i32>} : memref<128x128xf32, #tpu.memory_space<vmem>>, vector<1x16xf32>,
      %get3A_367 = arith.index_cast %add3A_330 : i32 to index
      %get3A_368 = arith.constant 48 : index
      %get3A_369 = tpu.vector_load %arg6[%get3A_367, %get3A_368] {strides = array<i32>} : memref<128x128xf32, #tpu.memory_space<vmem>>, vector<1x16xf32>,
      %get3A_370 = vector.shape_cast %get3A_369 : vector<1x16xf32> to vector<16xf32>
      %mul3A_371 = arith.constant 11.3137083 : f32
      %mul3A_372 = vector.broadcast %mul3A_371 : f32 to vector<16xf32>
      %mul3A_373 = arith.mulf %get3A_370, %mul3A_372 : vector<16xf32>
      %swap3A_374 = arith.index_cast %add3A_330 : i32 to index
      %swap3A_375 = arith.constant 48 : index
      %swap3A_376 = tpu.vector_load %arg6[%swap3A_374, %swap3A_375] {strides = array<i32>} : memref<128x128xf32, #tpu.memory_space<vmem>>, vector<1x16xf32>,
      %swap3A_377 = vector.shape_cast %swap3A_376 : vector<1x16xf32> to vector<16xf32>
      %swap3A_378 = vector.shape_cast %mul3A_373 : vector<16xf32> to vector<1x16xf32>
      tpu.vector_store %arg6[%swap3A_374, %swap3A_375], %swap3A_378 {strides = array<i32>} : memref<128x128xf32, #tpu.memory_space<vmem>>, vector<1x16xf32>,
      %get3A_379 = arith.index_cast %add3A_330 : i32 to index
      %get3A_380 = arith.constant 64 : index
      %get3A_381 = tpu.vector_load %arg6[%get3A_379, %get3A_380] {strides = array<i32>} : memref<128x128xf32, #tpu.memory_space<vmem>>, vector<1x16xf32>,
      %get3A_382 = vector.shape_cast %get3A_381 : vector<1x16xf32> to vector<16xf32>
      %mul3A_383 = arith.constant 11.3137083 : f32
      %mul3A_384 = vector.broadcast %mul3A_383 : f32 to vector<16xf32>
      %mul3A_385 = arith.mulf %get3A_382, %mul3A_384 : vector<16xf32>
      %swap3A_386 = arith.index_cast %add3A_330 : i32 to index
      %swap3A_387 = arith.constant 64 : index
      %swap3A_388 = tpu.vector_load %arg6[%swap3A_386, %swap3A_387] {strides = array<i32>} : memref<128x128xf32, #tpu.memory_space<vmem>>, vector<1x16xf32>,
      %swap3A_389 = vector.shape_cast %swap3A_388 : vector<1x16xf32> to vector<16xf32>
      %swap3A_390 = vector.shape_cast %mul3A_385 : vector<16xf32> to vector<1x16xf32>
      tpu.vector_store %arg6[%swap3A_386, %swap3A_387], %swap3A_390 {strides = array<i32>} : memref<128x128xf32, #tpu.memory_space<vmem>>, vector<1x16xf32>,
      %get3A_391 = arith.index_cast %add3A_330 : i32 to index
      %get3A_392 = arith.constant 80 : index
      %get3A_393 = tpu.vector_load %arg6[%get3A_391, %get3A_392] {strides = array<i32>} : memref<128x128xf32, #tpu.memory_space<vmem>>, vector<1x16xf32>,
      %get3A_394 = vector.shape_cast %get3A_393 : vector<1x16xf32> to vector<16xf32>
      %mul3A_395 = arith.constant 11.3137083 : f32
      %mul3A_396 = vector.broadcast %mul3A_395 : f32 to vector<16xf32>
      %mul3A_397 = arith.mulf %get3A_394, %mul3A_396 : vector<16xf32>
      %swap3A_398 = arith.index_cast %add3A_330 : i32 to index
      %swap3A_399 = arith.constant 80 : index
      %swap3A_400 = tpu.vector_load %arg6[%swap3A_398, %swap3A_399] {strides = array<i32>} : memref<128x128xf32, #tpu.memory_space<vmem>>, vector<1x16xf32>,
      %swap3A_401 = vector.shape_cast %swap3A_400 : vector<1x16xf32> to vector<16xf32>
      %swap3A_402 = vector.shape_cast %mul3A_397 : vector<16xf32> to vector<1x16xf32>
      tpu.vector_store %arg6[%swap3A_398, %swap3A_399], %swap3A_402 {strides = array<i32>} : memref<128x128xf32, #tpu.memory_space<vmem>>, vector<1x16xf32>,
      %get3A_403 = arith.index_cast %add3A_330 : i32 to index
      %get3A_404 = arith.constant 96 : index
      %get3A_405 = tpu.vector_load %arg6[%get3A_403, %get3A_404] {strides = array<i32>} : memref<128x128xf32, #tpu.memory_space<vmem>>, vector<1x16xf32>,
      %get3A_406 = vector.shape_cast %get3A_405 : vector<1x16xf32> to vector<16xf32>
      %mul3A_407 = arith.constant 11.3137083 : f32
      %mul3A_408 = vector.broadcast %mul3A_407 : f32 to vector<16xf32>
      %mul3A_409 = arith.mulf %get3A_406, %mul3A_408 : vector<16xf32>
      %swap3A_410 = arith.index_cast %add3A_330 : i32 to index
      %swap3A_411 = arith.constant 96 : index
      %swap3A_412 = tpu.vector_load %arg6[%swap3A_410, %swap3A_411] {strides = array<i32>} : memref<128x128xf32, #tpu.memory_space<vmem>>, vector<1x16xf32>,
      %swap3A_413 = vector.shape_cast %swap3A_412 : vector<1x16xf32> to vector<16xf32>
      %swap3A_414 = vector.shape_cast %mul3A_409 : vector<16xf32> to vector<1x16xf32>
      tpu.vector_store %arg6[%swap3A_410, %swap3A_411], %swap3A_414 {strides = array<i32>} : memref<128x128xf32, #tpu.memory_space<vmem>>, vector<1x16xf32>,
      %get3A_415 = arith.index_cast %add3A_330 : i32 to index
      %get3A_416 = arith.constant 112 : index
      %get3A_417 = tpu.vector_load %arg6[%get3A_415, %get3A_416] {strides = array<i32>} : memref<128x128xf32, #tpu.memory_space<vmem>>, vector<1x16xf32>,
      %get3A_418 = vector.shape_cast %get3A_417 : vector<1x16xf32> to vector<16xf32>
      %mul3A_419 = arith.constant 11.3137083 : f32
      %mul3A_420 = vector.broadcast %mul3A_419 : f32 to vector<16xf32>
      %mul3A_421 = arith.mulf %get3A_418, %mul3A_420 : vector<16xf32>
      %swap3A_422 = arith.index_cast %add3A_330 : i32 to index
      %swap3A_423 = arith.constant 112 : index
      %swap3A_424 = tpu.vector_load %arg6[%swap3A_422, %swap3A_423] {strides = array<i32>} : memref<128x128xf32, #tpu.memory_space<vmem>>, vector<1x16xf32>,
      %swap3A_425 = vector.shape_cast %swap3A_424 : vector<1x16xf32> to vector<16xf32>
      %swap3A_426 = vector.shape_cast %mul3A_421 : vector<16xf32> to vector<1x16xf32>
      tpu.vector_store %arg6[%swap3A_422, %swap3A_423], %swap3A_426 {strides = array<i32>} : memref<128x128xf32, #tpu.memory_space<vmem>>, vector<1x16xf32>,
      %mul3A_427 = arith.constant 4 : i32
      %mul3A_428 = arith.muli %mul3A_427, %scan3A_128 : i32
      %add3A_429 = arith.constant 3 : i32
      %add3A_430 = arith.addi %mul3A_428, %add3A_429 : i32
      %get3A_431 = arith.index_cast %add3A_430 : i32 to index
      %get3A_432 = arith.constant 0 : index
      %get3A_433 = tpu.vector_load %arg6[%get3A_431, %get3A_432] {strides = array<i32>} : memref<128x128xf32, #tpu.memory_space<vmem>>, vector<1x16xf32>,
      %get3A_434 = vector.shape_cast %get3A_433 : vector<1x16xf32> to vector<16xf32>
      %mul3A_435 = arith.constant 11.3137083 : f32
      %mul3A_436 = vector.broadcast %mul3A_435 : f32 to vector<16xf32>
      %mul3A_437 = arith.mulf %get3A_434, %mul3A_436 : vector<16xf32>
      %swap3A_438 = arith.index_cast %add3A_430 : i32 to index
      %swap3A_439 = arith.constant 0 : index
      %swap3A_440 = tpu.vector_load %arg6[%swap3A_438, %swap3A_439] {strides = array<i32>} : memref<128x128xf32, #tpu.memory_space<vmem>>, vector<1x16xf32>,
      %swap3A_441 = vector.shape_cast %swap3A_440 : vector<1x16xf32> to vector<16xf32>
      %swap3A_442 = vector.shape_cast %mul3A_437 : vector<16xf32> to vector<1x16xf32>
      tpu.vector_store %arg6[%swap3A_438, %swap3A_439], %swap3A_442 {strides = array<i32>} : memref<128x128xf32, #tpu.memory_space<vmem>>, vector<1x16xf32>,
      %get3A_443 = arith.index_cast %add3A_430 : i32 to index
      %get3A_444 = arith.constant 16 : index
      %get3A_445 = tpu.vector_load %arg6[%get3A_443, %get3A_444] {strides = array<i32>} : memref<128x128xf32, #tpu.memory_space<vmem>>, vector<1x16xf32>,
      %get3A_446 = vector.shape_cast %get3A_445 : vector<1x16xf32> to vector<16xf32>
      %mul3A_447 = arith.constant 11.3137083 : f32
      %mul3A_448 = vector.broadcast %mul3A_447 : f32 to vector<16xf32>
      %mul3A_449 = arith.mulf %get3A_446, %mul3A_448 : vector<16xf32>
      %swap3A_450 = arith.index_cast %add3A_430 : i32 to index
      %swap3A_451 = arith.constant 16 : index
      %swap3A_452 = tpu.vector_load %arg6[%swap3A_450, %swap3A_451] {strides = array<i32>} : memref<128x128xf32, #tpu.memory_space<vmem>>, vector<1x16xf32>,
      %swap3A_453 = vector.shape_cast %swap3A_452 : vector<1x16xf32> to vector<16xf32>
      %swap3A_454 = vector.shape_cast %mul3A_449 : vector<16xf32> to vector<1x16xf32>
      tpu.vector_store %arg6[%swap3A_450, %swap3A_451], %swap3A_454 {strides = array<i32>} : memref<128x128xf32, #tpu.memory_space<vmem>>, vector<1x16xf32>,
      %get3A_455 = arith.index_cast %add3A_430 : i32 to index
      %get3A_456 = arith.constant 32 : index
      %get3A_457 = tpu.vector_load %arg6[%get3A_455, %get3A_456] {strides = array<i32>} : memref<128x128xf32, #tpu.memory_space<vmem>>, vector<1x16xf32>,
      %get3A_458 = vector.shape_cast %get3A_457 : vector<1x16xf32> to vector<16xf32>
      %mul3A_459 = arith.constant 11.3137083 : f32
      %mul3A_460 = vector.broadcast %mul3A_459 : f32 to vector<16xf32>
      %mul3A_461 = arith.mulf %get3A_458, %mul3A_460 : vector<16xf32>
      %swap3A_462 = arith.index_cast %add3A_430 : i32 to index
      %swap3A_463 = arith.constant 32 : index
      %swap3A_464 = tpu.vector_load %arg6[%swap3A_462, %swap3A_463] {strides = array<i32>} : memref<128x128xf32, #tpu.memory_space<vmem>>, vector<1x16xf32>,
      %swap3A_465 = vector.shape_cast %swap3A_464 : vector<1x16xf32> to vector<16xf32>
      %swap3A_466 = vector.shape_cast %mul3A_461 : vector<16xf32> to vector<1x16xf32>
      tpu.vector_store %arg6[%swap3A_462, %swap3A_463], %swap3A_466 {strides = array<i32>} : memref<128x128xf32, #tpu.memory_space<vmem>>, vector<1x16xf32>,
      %get3A_467 = arith.index_cast %add3A_430 : i32 to index
      %get3A_468 = arith.constant 48 : index
      %get3A_469 = tpu.vector_load %arg6[%get3A_467, %get3A_468] {strides = array<i32>} : memref<128x128xf32, #tpu.memory_space<vmem>>, vector<1x16xf32>,
      %get3A_470 = vector.shape_cast %get3A_469 : vector<1x16xf32> to vector<16xf32>
      %mul3A_471 = arith.constant 11.3137083 : f32
      %mul3A_472 = vector.broadcast %mul3A_471 : f32 to vector<16xf32>
      %mul3A_473 = arith.mulf %get3A_470, %mul3A_472 : vector<16xf32>
      %swap3A_474 = arith.index_cast %add3A_430 : i32 to index
      %swap3A_475 = arith.constant 48 : index
      %swap3A_476 = tpu.vector_load %arg6[%swap3A_474, %swap3A_475] {strides = array<i32>} : memref<128x128xf32, #tpu.memory_space<vmem>>, vector<1x16xf32>,
      %swap3A_477 = vector.shape_cast %swap3A_476 : vector<1x16xf32> to vector<16xf32>
      %swap3A_478 = vector.shape_cast %mul3A_473 : vector<16xf32> to vector<1x16xf32>
      tpu.vector_store %arg6[%swap3A_474, %swap3A_475], %swap3A_478 {strides = array<i32>} : memref<128x128xf32, #tpu.memory_space<vmem>>, vector<1x16xf32>,
      %get3A_479 = arith.index_cast %add3A_430 : i32 to index
      %get3A_480 = arith.constant 64 : index
      %get3A_481 = tpu.vector_load %arg6[%get3A_479, %get3A_480] {strides = array<i32>} : memref<128x128xf32, #tpu.memory_space<vmem>>, vector<1x16xf32>,
      %get3A_482 = vector.shape_cast %get3A_481 : vector<1x16xf32> to vector<16xf32>
      %mul3A_483 = arith.constant 11.3137083 : f32
      %mul3A_484 = vector.broadcast %mul3A_483 : f32 to vector<16xf32>
      %mul3A_485 = arith.mulf %get3A_482, %mul3A_484 : vector<16xf32>
      %swap3A_486 = arith.index_cast %add3A_430 : i32 to index
      %swap3A_487 = arith.constant 64 : index
      %swap3A_488 = tpu.vector_load %arg6[%swap3A_486, %swap3A_487] {strides = array<i32>} : memref<128x128xf32, #tpu.memory_space<vmem>>, vector<1x16xf32>,
      %swap3A_489 = vector.shape_cast %swap3A_488 : vector<1x16xf32> to vector<16xf32>
      %swap3A_490 = vector.shape_cast %mul3A_485 : vector<16xf32> to vector<1x16xf32>
      tpu.vector_store %arg6[%swap3A_486, %swap3A_487], %swap3A_490 {strides = array<i32>} : memref<128x128xf32, #tpu.memory_space<vmem>>, vector<1x16xf32>,
      %get3A_491 = arith.index_cast %add3A_430 : i32 to index
      %get3A_492 = arith.constant 80 : index
      %get3A_493 = tpu.vector_load %arg6[%get3A_491, %get3A_492] {strides = array<i32>} : memref<128x128xf32, #tpu.memory_space<vmem>>, vector<1x16xf32>,
      %get3A_494 = vector.shape_cast %get3A_493 : vector<1x16xf32> to vector<16xf32>
      %mul3A_495 = arith.constant 11.3137083 : f32
      %mul3A_496 = vector.broadcast %mul3A_495 : f32 to vector<16xf32>
      %mul3A_497 = arith.mulf %get3A_494, %mul3A_496 : vector<16xf32>
      %swap3A_498 = arith.index_cast %add3A_430 : i32 to index
      %swap3A_499 = arith.constant 80 : index
      %swap3A_500 = tpu.vector_load %arg6[%swap3A_498, %swap3A_499] {strides = array<i32>} : memref<128x128xf32, #tpu.memory_space<vmem>>, vector<1x16xf32>,
      %swap3A_501 = vector.shape_cast %swap3A_500 : vector<1x16xf32> to vector<16xf32>
      %swap3A_502 = vector.shape_cast %mul3A_497 : vector<16xf32> to vector<1x16xf32>
      tpu.vector_store %arg6[%swap3A_498, %swap3A_499], %swap3A_502 {strides = array<i32>} : memref<128x128xf32, #tpu.memory_space<vmem>>, vector<1x16xf32>,
      %get3A_503 = arith.index_cast %add3A_430 : i32 to index
      %get3A_504 = arith.constant 96 : index
      %get3A_505 = tpu.vector_load %arg6[%get3A_503, %get3A_504] {strides = array<i32>} : memref<128x128xf32, #tpu.memory_space<vmem>>, vector<1x16xf32>,
      %get3A_506 = vector.shape_cast %get3A_505 : vector<1x16xf32> to vector<16xf32>
      %mul3A_507 = arith.constant 11.3137083 : f32
      %mul3A_508 = vector.broadcast %mul3A_507 : f32 to vector<16xf32>
      %mul3A_509 = arith.mulf %get3A_506, %mul3A_508 : vector<16xf32>
      %swap3A_510 = arith.index_cast %add3A_430 : i32 to index
      %swap3A_511 = arith.constant 96 : index
      %swap3A_512 = tpu.vector_load %arg6[%swap3A_510, %swap3A_511] {strides = array<i32>} : memref<128x128xf32, #tpu.memory_space<vmem>>, vector<1x16xf32>,
      %swap3A_513 = vector.shape_cast %swap3A_512 : vector<1x16xf32> to vector<16xf32>
      %swap3A_514 = vector.shape_cast %mul3A_509 : vector<16xf32> to vector<1x16xf32>
      tpu.vector_store %arg6[%swap3A_510, %swap3A_511], %swap3A_514 {strides = array<i32>} : memref<128x128xf32, #tpu.memory_space<vmem>>, vector<1x16xf32>,
      %get3A_515 = arith.index_cast %add3A_430 : i32 to index
      %get3A_516 = arith.constant 112 : index
      %get3A_517 = tpu.vector_load %arg6[%get3A_515, %get3A_516] {strides = array<i32>} : memref<128x128xf32, #tpu.memory_space<vmem>>, vector<1x16xf32>,
      %get3A_518 = vector.shape_cast %get3A_517 : vector<1x16xf32> to vector<16xf32>
      %mul3A_519 = arith.constant 11.3137083 : f32
      %mul3A_520 = vector.broadcast %mul3A_519 : f32 to vector<16xf32>
      %mul3A_521 = arith.mulf %get3A_518, %mul3A_520 : vector<16xf32>
      %swap3A_522 = arith.index_cast %add3A_430 : i32 to index
      %swap3A_523 = arith.constant 112 : index
      %swap3A_524 = tpu.vector_load %arg6[%swap3A_522, %swap3A_523] {strides = array<i32>} : memref<128x128xf32, #tpu.memory_space<vmem>>, vector<1x16xf32>,
      %swap3A_525 = vector.shape_cast %swap3A_524 : vector<1x16xf32> to vector<16xf32>
      %swap3A_526 = vector.shape_cast %mul3A_521 : vector<16xf32> to vector<1x16xf32>
      tpu.vector_store %arg6[%swap3A_522, %swap3A_523], %swap3A_526 {strides = array<i32>} : memref<128x128xf32, #tpu.memory_space<vmem>>, vector<1x16xf32>,
    }
    %scan3A_35 = arith.constant 32 : i32
    %add3A_36 = arith.constant 0 : i32
    %add3A_37 = arith.addi %mul3A_4, %add3A_36 : i32
    %dma_start3A_38 = arith.constant 0 : i32
    %dma_start3A_39 = tpu.memref_slice %arg4[%add3A_37, %dma_start3A_38] : memref<819200x128xf32, #tpu.memory_space<hbm>> -> memref<128x128xf32, #tpu.memory_space<hbm>>
    %dma_start3A_40 = arith.constant 0 : i32
    %dma_start3A_41 = tpu.memref_slice %arg4[%add3A_37, %dma_start3A_40] : memref<819200x128xf32, #tpu.memory_space<hbm>> -> memref<128x128xf32, #tpu.memory_space<hbm>>
    tpu.enqueue_dma source(%arg6 : memref<128x128xf32, #tpu.memory_space<vmem>>) target(%dma_start3A_41 : memref<128x128xf32, #tpu.memory_space<hbm>>) target_semaphore(%arg14 : memref<!tpu.dma_semaphore, #tpu.memory_space<semaphore_mem>>)
    %dma_start3A_42 = arith.constant 3 : i32
    %dma_start3A_43 = arith.constant 0 : i32
    %dma_start3A_44 = tpu.memref_slice %arg5[%dma_start3A_42, %dma_start3A_43] : memref<200x128xi32, #tpu.memory_space<vmem>> -> memref<1x128xi32, #tpu.memory_space<vmem>>
    %dma_start3A_45 = tpu.memref_squeeze %dma_start3A_44 : memref<1x128xi32, #tpu.memory_space<vmem>> -> memref<128xi32, #tpu.memory_space<vmem>>
    %dma_start3A_46 = arith.constant 0 : i32
    %dma_start3A_47 = arith.constant 0 : i32
    %dma_start3A_48 = tpu.memref_slice %arg2[%dma_start3A_46, %dma_start3A_47] : memref<100000x128xf32, #tpu.memory_space<hbm>> -> memref<100000x128xf32, #tpu.memory_space<hbm>>
    tpu.enqueue_indirect_dma source(%dma_start3A_48 : memref<100000x128xf32, #tpu.memory_space<hbm>>) target(%arg9 : memref<128x128xf32, #tpu.memory_space<vmem>>) offsets(%dma_start3A_45 : memref<128xi32, #tpu.memory_space<vmem>>) semaphore(%arg13 : memref<!tpu.dma_semaphore, #tpu.memory_space<semaphore_mem>>)
    %dma_wait3A_49 = arith.constant 0 : i32
    %dma_wait3A_50 = arith.constant 0 : i32
    %dma_wait3A_51 = tpu.memref_slice %arg5[%dma_wait3A_49, %dma_wait3A_50] : memref<200x128xi32, #tpu.memory_space<vmem>> -> memref<1x128xi32, #tpu.memory_space<vmem>>
    %dma_wait3A_52 = tpu.memref_squeeze %dma_wait3A_51 : memref<1x128xi32, #tpu.memory_space<vmem>> -> memref<128xi32, #tpu.memory_space<vmem>>
    %dma_wait3A_53 = arith.constant 0 : i32
    %dma_wait3A_54 = arith.constant 0 : i32
    %dma_wait3A_55 = tpu.memref_slice %arg2[%dma_wait3A_53, %dma_wait3A_54] : memref<100000x128xf32, #tpu.memory_space<hbm>> -> memref<100000x128xf32, #tpu.memory_space<hbm>>
    tpu.wait_indirect_dma semaphore(%arg11 : memref<!tpu.dma_semaphore, #tpu.memory_space<semaphore_mem>>) src(%dma_wait3A_55 : memref<100000x128xf32, #tpu.memory_space<hbm>>) dst(%arg7 : memref<128x128xf32, #tpu.memory_space<vmem>>)
    %scan3A_56 = arith.constant 0 : i32
    %scan3A_57 = arith.constant 0 : i32
    %scan3A_58 = arith.constant 32 : i32
    %scan3A_59 = arith.addi %scan3A_57, %scan3A_58 : i32
    %scan3A_60 = arith.constant 1 : i32
    scf.for %scan3A_128 = %scan3A_57 to %scan3A_59 step %scan3A_60  : i32 {
      %mul3A_129 = arith.constant 4 : i32
      %mul3A_130 = arith.muli %mul3A_129, %scan3A_128 : i32
      %add3A_131 = arith.constant 0 : i32
      %add3A_132 = arith.addi %mul3A_130, %add3A_131 : i32
      %get3A = arith.index_cast %add3A_132 : i32 to index
      %get3A_133 = arith.constant 0 : index
      %get3A_134 = tpu.vector_load %arg7[%get3A, %get3A_133] {strides = array<i32>} : memref<128x128xf32, #tpu.memory_space<vmem>>, vector<1x16xf32>,
      %get3A_135 = vector.shape_cast %get3A_134 : vector<1x16xf32> to vector<16xf32>
      %mul3A_136 = arith.constant 11.3137083 : f32
      %mul3A_137 = vector.broadcast %mul3A_136 : f32 to vector<16xf32>
      %mul3A_138 = arith.mulf %get3A_135, %mul3A_137 : vector<16xf32>
      %swap3A = arith.index_cast %add3A_132 : i32 to index
      %swap3A_139 = arith.constant 0 : index
      %swap3A_140 = tpu.vector_load %arg7[%swap3A, %swap3A_139] {strides = array<i32>} : memref<128x128xf32, #tpu.memory_space<vmem>>, vector<1x16xf32>,
      %swap3A_141 = vector.shape_cast %swap3A_140 : vector<1x16xf32> to vector<16xf32>
      %swap3A_142 = vector.shape_cast %mul3A_138 : vector<16xf32> to vector<1x16xf32>
      tpu.vector_store %arg7[%swap3A, %swap3A_139], %swap3A_142 {strides = array<i32>} : memref<128x128xf32, #tpu.memory_space<vmem>>, vector<1x16xf32>,
      %get3A_143 = arith.index_cast %add3A_132 : i32 to index
      %get3A_144 = arith.constant 16 : index
      %get3A_145 = tpu.vector_load %arg7[%get3A_143, %get3A_144] {strides = array<i32>} : memref<128x128xf32, #tpu.memory_space<vmem>>, vector<1x16xf32>,
      %get3A_146 = vector.shape_cast %get3A_145 : vector<1x16xf32> to vector<16xf32>
      %mul3A_147 = arith.constant 11.3137083 : f32
      %mul3A_148 = vector.broadcast %mul3A_147 : f32 to vector<16xf32>
      %mul3A_149 = arith.mulf %get3A_146, %mul3A_148 : vector<16xf32>
      %swap3A_150 = arith.index_cast %add3A_132 : i32 to index
      %swap3A_151 = arith.constant 16 : index
      %swap3A_152 = tpu.vector_load %arg7[%swap3A_150, %swap3A_151] {strides = array<i32>} : memref<128x128xf32, #tpu.memory_space<vmem>>, vector<1x16xf32>,
      %swap3A_153 = vector.shape_cast %swap3A_152 : vector<1x16xf32> to vector<16xf32>
      %swap3A_154 = vector.shape_cast %mul3A_149 : vector<16xf32> to vector<1x16xf32>
      tpu.vector_store %arg7[%swap3A_150, %swap3A_151], %swap3A_154 {strides = array<i32>} : memref<128x128xf32, #tpu.memory_space<vmem>>, vector<1x16xf32>,
      %get3A_155 = arith.index_cast %add3A_132 : i32 to index
      %get3A_156 = arith.constant 32 : index
      %get3A_157 = tpu.vector_load %arg7[%get3A_155, %get3A_156] {strides = array<i32>} : memref<128x128xf32, #tpu.memory_space<vmem>>, vector<1x16xf32>,
      %get3A_158 = vector.shape_cast %get3A_157 : vector<1x16xf32> to vector<16xf32>
      %mul3A_159 = arith.constant 11.3137083 : f32
      %mul3A_160 = vector.broadcast %mul3A_159 : f32 to vector<16xf32>
      %mul3A_161 = arith.mulf %get3A_158, %mul3A_160 : vector<16xf32>
      %swap3A_162 = arith.index_cast %add3A_132 : i32 to index
      %swap3A_163 = arith.constant 32 : index
      %swap3A_164 = tpu.vector_load %arg7[%swap3A_162, %swap3A_163] {strides = array<i32>} : memref<128x128xf32, #tpu.memory_space<vmem>>, vector<1x16xf32>,
      %swap3A_165 = vector.shape_cast %swap3A_164 : vector<1x16xf32> to vector<16xf32>
      %swap3A_166 = vector.shape_cast %mul3A_161 : vector<16xf32> to vector<1x16xf32>
      tpu.vector_store %arg7[%swap3A_162, %swap3A_163], %swap3A_166 {strides = array<i32>} : memref<128x128xf32, #tpu.memory_space<vmem>>, vector<1x16xf32>,
      %get3A_167 = arith.index_cast %add3A_132 : i32 to index
      %get3A_168 = arith.constant 48 : index
      %get3A_169 = tpu.vector_load %arg7[%get3A_167, %get3A_168] {strides = array<i32>} : memref<128x128xf32, #tpu.memory_space<vmem>>, vector<1x16xf32>,
      %get3A_170 = vector.shape_cast %get3A_169 : vector<1x16xf32> to vector<16xf32>
      %mul3A_171 = arith.constant 11.3137083 : f32
      %mul3A_172 = vector.broadcast %mul3A_171 : f32 to vector<16xf32>
      %mul3A_173 = arith.mulf %get3A_170, %mul3A_172 : vector<16xf32>
      %swap3A_174 = arith.index_cast %add3A_132 : i32 to index
      %swap3A_175 = arith.constant 48 : index
      %swap3A_176 = tpu.vector_load %arg7[%swap3A_174, %swap3A_175] {strides = array<i32>} : memref<128x128xf32, #tpu.memory_space<vmem>>, vector<1x16xf32>,
      %swap3A_177 = vector.shape_cast %swap3A_176 : vector<1x16xf32> to vector<16xf32>
      %swap3A_178 = vector.shape_cast %mul3A_173 : vector<16xf32> to vector<1x16xf32>
      tpu.vector_store %arg7[%swap3A_174, %swap3A_175], %swap3A_178 {strides = array<i32>} : memref<128x128xf32, #tpu.memory_space<vmem>>, vector<1x16xf32>,
      %get3A_179 = arith.index_cast %add3A_132 : i32 to index
      %get3A_180 = arith.constant 64 : index
      %get3A_181 = tpu.vector_load %arg7[%get3A_179, %get3A_180] {strides = array<i32>} : memref<128x128xf32, #tpu.memory_space<vmem>>, vector<1x16xf32>,
      %get3A_182 = vector.shape_cast %get3A_181 : vector<1x16xf32> to vector<16xf32>
      %mul3A_183 = arith.constant 11.3137083 : f32
      %mul3A_184 = vector.broadcast %mul3A_183 : f32 to vector<16xf32>
      %mul3A_185 = arith.mulf %get3A_182, %mul3A_184 : vector<16xf32>
      %swap3A_186 = arith.index_cast %add3A_132 : i32 to index
      %swap3A_187 = arith.constant 64 : index
      %swap3A_188 = tpu.vector_load %arg7[%swap3A_186, %swap3A_187] {strides = array<i32>} : memref<128x128xf32, #tpu.memory_space<vmem>>, vector<1x16xf32>,
      %swap3A_189 = vector.shape_cast %swap3A_188 : vector<1x16xf32> to vector<16xf32>
      %swap3A_190 = vector.shape_cast %mul3A_185 : vector<16xf32> to vector<1x16xf32>
      tpu.vector_store %arg7[%swap3A_186, %swap3A_187], %swap3A_190 {strides = array<i32>} : memref<128x128xf32, #tpu.memory_space<vmem>>, vector<1x16xf32>,
      %get3A_191 = arith.index_cast %add3A_132 : i32 to index
      %get3A_192 = arith.constant 80 : index
      %get3A_193 = tpu.vector_load %arg7[%get3A_191, %get3A_192] {strides = array<i32>} : memref<128x128xf32, #tpu.memory_space<vmem>>, vector<1x16xf32>,
      %get3A_194 = vector.shape_cast %get3A_193 : vector<1x16xf32> to vector<16xf32>
      %mul3A_195 = arith.constant 11.3137083 : f32
      %mul3A_196 = vector.broadcast %mul3A_195 : f32 to vector<16xf32>
      %mul3A_197 = arith.mulf %get3A_194, %mul3A_196 : vector<16xf32>
      %swap3A_198 = arith.index_cast %add3A_132 : i32 to index
      %swap3A_199 = arith.constant 80 : index
      %swap3A_200 = tpu.vector_load %arg7[%swap3A_198, %swap3A_199] {strides = array<i32>} : memref<128x128xf32, #tpu.memory_space<vmem>>, vector<1x16xf32>,
      %swap3A_201 = vector.shape_cast %swap3A_200 : vector<1x16xf32> to vector<16xf32>
      %swap3A_202 = vector.shape_cast %mul3A_197 : vector<16xf32> to vector<1x16xf32>
      tpu.vector_store %arg7[%swap3A_198, %swap3A_199], %swap3A_202 {strides = array<i32>} : memref<128x128xf32, #tpu.memory_space<vmem>>, vector<1x16xf32>,
      %get3A_203 = arith.index_cast %add3A_132 : i32 to index
      %get3A_204 = arith.constant 96 : index
      %get3A_205 = tpu.vector_load %arg7[%get3A_203, %get3A_204] {strides = array<i32>} : memref<128x128xf32, #tpu.memory_space<vmem>>, vector<1x16xf32>,
      %get3A_206 = vector.shape_cast %get3A_205 : vector<1x16xf32> to vector<16xf32>
      %mul3A_207 = arith.constant 11.3137083 : f32
      %mul3A_208 = vector.broadcast %mul3A_207 : f32 to vector<16xf32>
      %mul3A_209 = arith.mulf %get3A_206, %mul3A_208 : vector<16xf32>
      %swap3A_210 = arith.index_cast %add3A_132 : i32 to index
      %swap3A_211 = arith.constant 96 : index
      %swap3A_212 = tpu.vector_load %arg7[%swap3A_210, %swap3A_211] {strides = array<i32>} : memref<128x128xf32, #tpu.memory_space<vmem>>, vector<1x16xf32>,
      %swap3A_213 = vector.shape_cast %swap3A_212 : vector<1x16xf32> to vector<16xf32>
      %swap3A_214 = vector.shape_cast %mul3A_209 : vector<16xf32> to vector<1x16xf32>
      tpu.vector_store %arg7[%swap3A_210, %swap3A_211], %swap3A_214 {strides = array<i32>} : memref<128x128xf32, #tpu.memory_space<vmem>>, vector<1x16xf32>,
      %get3A_215 = arith.index_cast %add3A_132 : i32 to index
      %get3A_216 = arith.constant 112 : index
      %get3A_217 = tpu.vector_load %arg7[%get3A_215, %get3A_216] {strides = array<i32>} : memref<128x128xf32, #tpu.memory_space<vmem>>, vector<1x16xf32>,
      %get3A_218 = vector.shape_cast %get3A_217 : vector<1x16xf32> to vector<16xf32>
      %mul3A_219 = arith.constant 11.3137083 : f32
      %mul3A_220 = vector.broadcast %mul3A_219 : f32 to vector<16xf32>
      %mul3A_221 = arith.mulf %get3A_218, %mul3A_220 : vector<16xf32>
      %swap3A_222 = arith.index_cast %add3A_132 : i32 to index
      %swap3A_223 = arith.constant 112 : index
      %swap3A_224 = tpu.vector_load %arg7[%swap3A_222, %swap3A_223] {strides = array<i32>} : memref<128x128xf32, #tpu.memory_space<vmem>>, vector<1x16xf32>,
      %swap3A_225 = vector.shape_cast %swap3A_224 : vector<1x16xf32> to vector<16xf32>
      %swap3A_226 = vector.shape_cast %mul3A_221 : vector<16xf32> to vector<1x16xf32>
      tpu.vector_store %arg7[%swap3A_222, %swap3A_223], %swap3A_226 {strides = array<i32>} : memref<128x128xf32, #tpu.memory_space<vmem>>, vector<1x16xf32>,
      %mul3A_227 = arith.constant 4 : i32
      %mul3A_228 = arith.muli %mul3A_227, %scan3A_128 : i32
      %add3A_229 = arith.constant 1 : i32
      %add3A_230 = arith.addi %mul3A_228, %add3A_229 : i32
      %get3A_231 = arith.index_cast %add3A_230 : i32 to index
      %get3A_232 = arith.constant 0 : index
      %get3A_233 = tpu.vector_load %arg7[%get3A_231, %get3A_232] {strides = array<i32>} : memref<128x128xf32, #tpu.memory_space<vmem>>, vector<1x16xf32>,
      %get3A_234 = vector.shape_cast %get3A_233 : vector<1x16xf32> to vector<16xf32>
      %mul3A_235 = arith.constant 11.3137083 : f32
      %mul3A_236 = vector.broadcast %mul3A_235 : f32 to vector<16xf32>
      %mul3A_237 = arith.mulf %get3A_234, %mul3A_236 : vector<16xf32>
      %swap3A_238 = arith.index_cast %add3A_230 : i32 to index
      %swap3A_239 = arith.constant 0 : index
      %swap3A_240 = tpu.vector_load %arg7[%swap3A_238, %swap3A_239] {strides = array<i32>} : memref<128x128xf32, #tpu.memory_space<vmem>>, vector<1x16xf32>,
      %swap3A_241 = vector.shape_cast %swap3A_240 : vector<1x16xf32> to vector<16xf32>
      %swap3A_242 = vector.shape_cast %mul3A_237 : vector<16xf32> to vector<1x16xf32>
      tpu.vector_store %arg7[%swap3A_238, %swap3A_239], %swap3A_242 {strides = array<i32>} : memref<128x128xf32, #tpu.memory_space<vmem>>, vector<1x16xf32>,
      %get3A_243 = arith.index_cast %add3A_230 : i32 to index
      %get3A_244 = arith.constant 16 : index
      %get3A_245 = tpu.vector_load %arg7[%get3A_243, %get3A_244] {strides = array<i32>} : memref<128x128xf32, #tpu.memory_space<vmem>>, vector<1x16xf32>,
      %get3A_246 = vector.shape_cast %get3A_245 : vector<1x16xf32> to vector<16xf32>
      %mul3A_247 = arith.constant 11.3137083 : f32
      %mul3A_248 = vector.broadcast %mul3A_247 : f32 to vector<16xf32>
      %mul3A_249 = arith.mulf %get3A_246, %mul3A_248 : vector<16xf32>
      %swap3A_250 = arith.index_cast %add3A_230 : i32 to index
      %swap3A_251 = arith.constant 16 : index
      %swap3A_252 = tpu.vector_load %arg7[%swap3A_250, %swap3A_251] {strides = array<i32>} : memref<128x128xf32, #tpu.memory_space<vmem>>, vector<1x16xf32>,
      %swap3A_253 = vector.shape_cast %swap3A_252 : vector<1x16xf32> to vector<16xf32>
      %swap3A_254 = vector.shape_cast %mul3A_249 : vector<16xf32> to vector<1x16xf32>
      tpu.vector_store %arg7[%swap3A_250, %swap3A_251], %swap3A_254 {strides = array<i32>} : memref<128x128xf32, #tpu.memory_space<vmem>>, vector<1x16xf32>,
      %get3A_255 = arith.index_cast %add3A_230 : i32 to index
      %get3A_256 = arith.constant 32 : index
      %get3A_257 = tpu.vector_load %arg7[%get3A_255, %get3A_256] {strides = array<i32>} : memref<128x128xf32, #tpu.memory_space<vmem>>, vector<1x16xf32>,
      %get3A_258 = vector.shape_cast %get3A_257 : vector<1x16xf32> to vector<16xf32>
      %mul3A_259 = arith.constant 11.3137083 : f32
      %mul3A_260 = vector.broadcast %mul3A_259 : f32 to vector<16xf32>
      %mul3A_261 = arith.mulf %get3A_258, %mul3A_260 : vector<16xf32>
      %swap3A_262 = arith.index_cast %add3A_230 : i32 to index
      %swap3A_263 = arith.constant 32 : index
      %swap3A_264 = tpu.vector_load %arg7[%swap3A_262, %swap3A_263] {strides = array<i32>} : memref<128x128xf32, #tpu.memory_space<vmem>>, vector<1x16xf32>,
      %swap3A_265 = vector.shape_cast %swap3A_264 : vector<1x16xf32> to vector<16xf32>
      %swap3A_266 = vector.shape_cast %mul3A_261 : vector<16xf32> to vector<1x16xf32>
      tpu.vector_store %arg7[%swap3A_262, %swap3A_263], %swap3A_266 {strides = array<i32>} : memref<128x128xf32, #tpu.memory_space<vmem>>, vector<1x16xf32>,
      %get3A_267 = arith.index_cast %add3A_230 : i32 to index
      %get3A_268 = arith.constant 48 : index
      %get3A_269 = tpu.vector_load %arg7[%get3A_267, %get3A_268] {strides = array<i32>} : memref<128x128xf32, #tpu.memory_space<vmem>>, vector<1x16xf32>,
      %get3A_270 = vector.shape_cast %get3A_269 : vector<1x16xf32> to vector<16xf32>
      %mul3A_271 = arith.constant 11.3137083 : f32
      %mul3A_272 = vector.broadcast %mul3A_271 : f32 to vector<16xf32>
      %mul3A_273 = arith.mulf %get3A_270, %mul3A_272 : vector<16xf32>
      %swap3A_274 = arith.index_cast %add3A_230 : i32 to index
      %swap3A_275 = arith.constant 48 : index
      %swap3A_276 = tpu.vector_load %arg7[%swap3A_274, %swap3A_275] {strides = array<i32>} : memref<128x128xf32, #tpu.memory_space<vmem>>, vector<1x16xf32>,
      %swap3A_277 = vector.shape_cast %swap3A_276 : vector<1x16xf32> to vector<16xf32>
      %swap3A_278 = vector.shape_cast %mul3A_273 : vector<16xf32> to vector<1x16xf32>
      tpu.vector_store %arg7[%swap3A_274, %swap3A_275], %swap3A_278 {strides = array<i32>} : memref<128x128xf32, #tpu.memory_space<vmem>>, vector<1x16xf32>,
      %get3A_279 = arith.index_cast %add3A_230 : i32 to index
      %get3A_280 = arith.constant 64 : index
      %get3A_281 = tpu.vector_load %arg7[%get3A_279, %get3A_280] {strides = array<i32>} : memref<128x128xf32, #tpu.memory_space<vmem>>, vector<1x16xf32>,
      %get3A_282 = vector.shape_cast %get3A_281 : vector<1x16xf32> to vector<16xf32>
      %mul3A_283 = arith.constant 11.3137083 : f32
      %mul3A_284 = vector.broadcast %mul3A_283 : f32 to vector<16xf32>
      %mul3A_285 = arith.mulf %get3A_282, %mul3A_284 : vector<16xf32>
      %swap3A_286 = arith.index_cast %add3A_230 : i32 to index
      %swap3A_287 = arith.constant 64 : index
      %swap3A_288 = tpu.vector_load %arg7[%swap3A_286, %swap3A_287] {strides = array<i32>} : memref<128x128xf32, #tpu.memory_space<vmem>>, vector<1x16xf32>,
      %swap3A_289 = vector.shape_cast %swap3A_288 : vector<1x16xf32> to vector<16xf32>
      %swap3A_290 = vector.shape_cast %mul3A_285 : vector<16xf32> to vector<1x16xf32>
      tpu.vector_store %arg7[%swap3A_286, %swap3A_287], %swap3A_290 {strides = array<i32>} : memref<128x128xf32, #tpu.memory_space<vmem>>, vector<1x16xf32>,
      %get3A_291 = arith.index_cast %add3A_230 : i32 to index
      %get3A_292 = arith.constant 80 : index
      %get3A_293 = tpu.vector_load %arg7[%get3A_291, %get3A_292] {strides = array<i32>} : memref<128x128xf32, #tpu.memory_space<vmem>>, vector<1x16xf32>,
      %get3A_294 = vector.shape_cast %get3A_293 : vector<1x16xf32> to vector<16xf32>
      %mul3A_295 = arith.constant 11.3137083 : f32
      %mul3A_296 = vector.broadcast %mul3A_295 : f32 to vector<16xf32>
      %mul3A_297 = arith.mulf %get3A_294, %mul3A_296 : vector<16xf32>
      %swap3A_298 = arith.index_cast %add3A_230 : i32 to index
      %swap3A_299 = arith.constant 80 : index
      %swap3A_300 = tpu.vector_load %arg7[%swap3A_298, %swap3A_299] {strides = array<i32>} : memref<128x128xf32, #tpu.memory_space<vmem>>, vector<1x16xf32>,
      %swap3A_301 = vector.shape_cast %swap3A_300 : vector<1x16xf32> to vector<16xf32>
      %swap3A_302 = vector.shape_cast %mul3A_297 : vector<16xf32> to vector<1x16xf32>
      tpu.vector_store %arg7[%swap3A_298, %swap3A_299], %swap3A_302 {strides = array<i32>} : memref<128x128xf32, #tpu.memory_space<vmem>>, vector<1x16xf32>,
      %get3A_303 = arith.index_cast %add3A_230 : i32 to index
      %get3A_304 = arith.constant 96 : index
      %get3A_305 = tpu.vector_load %arg7[%get3A_303, %get3A_304] {strides = array<i32>} : memref<128x128xf32, #tpu.memory_space<vmem>>, vector<1x16xf32>,
      %get3A_306 = vector.shape_cast %get3A_305 : vector<1x16xf32> to vector<16xf32>
      %mul3A_307 = arith.constant 11.3137083 : f32
      %mul3A_308 = vector.broadcast %mul3A_307 : f32 to vector<16xf32>
      %mul3A_309 = arith.mulf %get3A_306, %mul3A_308 : vector<16xf32>
      %swap3A_310 = arith.index_cast %add3A_230 : i32 to index
      %swap3A_311 = arith.constant 96 : index
      %swap3A_312 = tpu.vector_load %arg7[%swap3A_310, %swap3A_311] {strides = array<i32>} : memref<128x128xf32, #tpu.memory_space<vmem>>, vector<1x16xf32>,
      %swap3A_313 = vector.shape_cast %swap3A_312 : vector<1x16xf32> to vector<16xf32>
      %swap3A_314 = vector.shape_cast %mul3A_309 : vector<16xf32> to vector<1x16xf32>
      tpu.vector_store %arg7[%swap3A_310, %swap3A_311], %swap3A_314 {strides = array<i32>} : memref<128x128xf32, #tpu.memory_space<vmem>>, vector<1x16xf32>,
      %get3A_315 = arith.index_cast %add3A_230 : i32 to index
      %get3A_316 = arith.constant 112 : index
      %get3A_317 = tpu.vector_load %arg7[%get3A_315, %get3A_316] {strides = array<i32>} : memref<128x128xf32, #tpu.memory_space<vmem>>, vector<1x16xf32>,
      %get3A_318 = vector.shape_cast %get3A_317 : vector<1x16xf32> to vector<16xf32>
      %mul3A_319 = arith.constant 11.3137083 : f32
      %mul3A_320 = vector.broadcast %mul3A_319 : f32 to vector<16xf32>
      %mul3A_321 = arith.mulf %get3A_318, %mul3A_320 : vector<16xf32>
      %swap3A_322 = arith.index_cast %add3A_230 : i32 to index
      %swap3A_323 = arith.constant 112 : index
      %swap3A_324 = tpu.vector_load %arg7[%swap3A_322, %swap3A_323] {strides = array<i32>} : memref<128x128xf32, #tpu.memory_space<vmem>>, vector<1x16xf32>,
      %swap3A_325 = vector.shape_cast %swap3A_324 : vector<1x16xf32> to vector<16xf32>
      %swap3A_326 = vector.shape_cast %mul3A_321 : vector<16xf32> to vector<1x16xf32>
      tpu.vector_store %arg7[%swap3A_322, %swap3A_323], %swap3A_326 {strides = array<i32>} : memref<128x128xf32, #tpu.memory_space<vmem>>, vector<1x16xf32>,
      %mul3A_327 = arith.constant 4 : i32
      %mul3A_328 = arith.muli %mul3A_327, %scan3A_128 : i32
      %add3A_329 = arith.constant 2 : i32
      %add3A_330 = arith.addi %mul3A_328, %add3A_329 : i32
      %get3A_331 = arith.index_cast %add3A_330 : i32 to index
      %get3A_332 = arith.constant 0 : index
      %get3A_333 = tpu.vector_load %arg7[%get3A_331, %get3A_332] {strides = array<i32>} : memref<128x128xf32, #tpu.memory_space<vmem>>, vector<1x16xf32>,
      %get3A_334 = vector.shape_cast %get3A_333 : vector<1x16xf32> to vector<16xf32>
      %mul3A_335 = arith.constant 11.3137083 : f32
      %mul3A_336 = vector.broadcast %mul3A_335 : f32 to vector<16xf32>
      %mul3A_337 = arith.mulf %get3A_334, %mul3A_336 : vector<16xf32>
      %swap3A_338 = arith.index_cast %add3A_330 : i32 to index
      %swap3A_339 = arith.constant 0 : index
      %swap3A_340 = tpu.vector_load %arg7[%swap3A_338, %swap3A_339] {strides = array<i32>} : memref<128x128xf32, #tpu.memory_space<vmem>>, vector<1x16xf32>,
      %swap3A_341 = vector.shape_cast %swap3A_340 : vector<1x16xf32> to vector<16xf32>
      %swap3A_342 = vector.shape_cast %mul3A_337 : vector<16xf32> to vector<1x16xf32>
      tpu.vector_store %arg7[%swap3A_338, %swap3A_339], %swap3A_342 {strides = array<i32>} : memref<128x128xf32, #tpu.memory_space<vmem>>, vector<1x16xf32>,
      %get3A_343 = arith.index_cast %add3A_330 : i32 to index
      %get3A_344 = arith.constant 16 : index
      %get3A_345 = tpu.vector_load %arg7[%get3A_343, %get3A_344] {strides = array<i32>} : memref<128x128xf32, #tpu.memory_space<vmem>>, vector<1x16xf32>,
      %get3A_346 = vector.shape_cast %get3A_345 : vector<1x16xf32> to vector<16xf32>
      %mul3A_347 = arith.constant 11.3137083 : f32
      %mul3A_348 = vector.broadcast %mul3A_347 : f32 to vector<16xf32>
      %mul3A_349 = arith.mulf %get3A_346, %mul3A_348 : vector<16xf32>
      %swap3A_350 = arith.index_cast %add3A_330 : i32 to index
      %swap3A_351 = arith.constant 16 : index
      %swap3A_352 = tpu.vector_load %arg7[%swap3A_350, %swap3A_351] {strides = array<i32>} : memref<128x128xf32, #tpu.memory_space<vmem>>, vector<1x16xf32>,
      %swap3A_353 = vector.shape_cast %swap3A_352 : vector<1x16xf32> to vector<16xf32>
      %swap3A_354 = vector.shape_cast %mul3A_349 : vector<16xf32> to vector<1x16xf32>
      tpu.vector_store %arg7[%swap3A_350, %swap3A_351], %swap3A_354 {strides = array<i32>} : memref<128x128xf32, #tpu.memory_space<vmem>>, vector<1x16xf32>,
      %get3A_355 = arith.index_cast %add3A_330 : i32 to index
      %get3A_356 = arith.constant 32 : index
      %get3A_357 = tpu.vector_load %arg7[%get3A_355, %get3A_356] {strides = array<i32>} : memref<128x128xf32, #tpu.memory_space<vmem>>, vector<1x16xf32>,
      %get3A_358 = vector.shape_cast %get3A_357 : vector<1x16xf32> to vector<16xf32>
      %mul3A_359 = arith.constant 11.3137083 : f32
      %mul3A_360 = vector.broadcast %mul3A_359 : f32 to vector<16xf32>
      %mul3A_361 = arith.mulf %get3A_358, %mul3A_360 : vector<16xf32>
      %swap3A_362 = arith.index_cast %add3A_330 : i32 to index
      %swap3A_363 = arith.constant 32 : index
      %swap3A_364 = tpu.vector_load %arg7[%swap3A_362, %swap3A_363] {strides = array<i32>} : memref<128x128xf32, #tpu.memory_space<vmem>>, vector<1x16xf32>,
      %swap3A_365 = vector.shape_cast %swap3A_364 : vector<1x16xf32> to vector<16xf32>
      %swap3A_366 = vector.shape_cast %mul3A_361 : vector<16xf32> to vector<1x16xf32>
      tpu.vector_store %arg7[%swap3A_362, %swap3A_363], %swap3A_366 {strides = array<i32>} : memref<128x128xf32, #tpu.memory_space<vmem>>, vector<1x16xf32>,
      %get3A_367 = arith.index_cast %add3A_330 : i32 to index
      %get3A_368 = arith.constant 48 : index
      %get3A_369 = tpu.vector_load %arg7[%get3A_367, %get3A_368] {strides = array<i32>} : memref<128x128xf32, #tpu.memory_space<vmem>>, vector<1x16xf32>,
      %get3A_370 = vector.shape_cast %get3A_369 : vector<1x16xf32> to vector<16xf32>
      %mul3A_371 = arith.constant 11.3137083 : f32
      %mul3A_372 = vector.broadcast %mul3A_371 : f32 to vector<16xf32>
      %mul3A_373 = arith.mulf %get3A_370, %mul3A_372 : vector<16xf32>
      %swap3A_374 = arith.index_cast %add3A_330 : i32 to index
      %swap3A_375 = arith.constant 48 : index
      %swap3A_376 = tpu.vector_load %arg7[%swap3A_374, %swap3A_375] {strides = array<i32>} : memref<128x128xf32, #tpu.memory_space<vmem>>, vector<1x16xf32>,
      %swap3A_377 = vector.shape_cast %swap3A_376 : vector<1x16xf32> to vector<16xf32>
      %swap3A_378 = vector.shape_cast %mul3A_373 : vector<16xf32> to vector<1x16xf32>
      tpu.vector_store %arg7[%swap3A_374, %swap3A_375], %swap3A_378 {strides = array<i32>} : memref<128x128xf32, #tpu.memory_space<vmem>>, vector<1x16xf32>,
      %get3A_379 = arith.index_cast %add3A_330 : i32 to index
      %get3A_380 = arith.constant 64 : index
      %get3A_381 = tpu.vector_load %arg7[%get3A_379, %get3A_380] {strides = array<i32>} : memref<128x128xf32, #tpu.memory_space<vmem>>, vector<1x16xf32>,
      %get3A_382 = vector.shape_cast %get3A_381 : vector<1x16xf32> to vector<16xf32>
      %mul3A_383 = arith.constant 11.3137083 : f32
      %mul3A_384 = vector.broadcast %mul3A_383 : f32 to vector<16xf32>
      %mul3A_385 = arith.mulf %get3A_382, %mul3A_384 : vector<16xf32>
      %swap3A_386 = arith.index_cast %add3A_330 : i32 to index
      %swap3A_387 = arith.constant 64 : index
      %swap3A_388 = tpu.vector_load %arg7[%swap3A_386, %swap3A_387] {strides = array<i32>} : memref<128x128xf32, #tpu.memory_space<vmem>>, vector<1x16xf32>,
      %swap3A_389 = vector.shape_cast %swap3A_388 : vector<1x16xf32> to vector<16xf32>
      %swap3A_390 = vector.shape_cast %mul3A_385 : vector<16xf32> to vector<1x16xf32>
      tpu.vector_store %arg7[%swap3A_386, %swap3A_387], %swap3A_390 {strides = array<i32>} : memref<128x128xf32, #tpu.memory_space<vmem>>, vector<1x16xf32>,
      %get3A_391 = arith.index_cast %add3A_330 : i32 to index
      %get3A_392 = arith.constant 80 : index
      %get3A_393 = tpu.vector_load %arg7[%get3A_391, %get3A_392] {strides = array<i32>} : memref<128x128xf32, #tpu.memory_space<vmem>>, vector<1x16xf32>,
      %get3A_394 = vector.shape_cast %get3A_393 : vector<1x16xf32> to vector<16xf32>
      %mul3A_395 = arith.constant 11.3137083 : f32
      %mul3A_396 = vector.broadcast %mul3A_395 : f32 to vector<16xf32>
      %mul3A_397 = arith.mulf %get3A_394, %mul3A_396 : vector<16xf32>
      %swap3A_398 = arith.index_cast %add3A_330 : i32 to index
      %swap3A_399 = arith.constant 80 : index
      %swap3A_400 = tpu.vector_load %arg7[%swap3A_398, %swap3A_399] {strides = array<i32>} : memref<128x128xf32, #tpu.memory_space<vmem>>, vector<1x16xf32>,
      %swap3A_401 = vector.shape_cast %swap3A_400 : vector<1x16xf32> to vector<16xf32>
      %swap3A_402 = vector.shape_cast %mul3A_397 : vector<16xf32> to vector<1x16xf32>
      tpu.vector_store %arg7[%swap3A_398, %swap3A_399], %swap3A_402 {strides = array<i32>} : memref<128x128xf32, #tpu.memory_space<vmem>>, vector<1x16xf32>,
      %get3A_403 = arith.index_cast %add3A_330 : i32 to index
      %get3A_404 = arith.constant 96 : index
      %get3A_405 = tpu.vector_load %arg7[%get3A_403, %get3A_404] {strides = array<i32>} : memref<128x128xf32, #tpu.memory_space<vmem>>, vector<1x16xf32>,
      %get3A_406 = vector.shape_cast %get3A_405 : vector<1x16xf32> to vector<16xf32>
      %mul3A_407 = arith.constant 11.3137083 : f32
      %mul3A_408 = vector.broadcast %mul3A_407 : f32 to vector<16xf32>
      %mul3A_409 = arith.mulf %get3A_406, %mul3A_408 : vector<16xf32>
      %swap3A_410 = arith.index_cast %add3A_330 : i32 to index
      %swap3A_411 = arith.constant 96 : index
      %swap3A_412 = tpu.vector_load %arg7[%swap3A_410, %swap3A_411] {strides = array<i32>} : memref<128x128xf32, #tpu.memory_space<vmem>>, vector<1x16xf32>,
      %swap3A_413 = vector.shape_cast %swap3A_412 : vector<1x16xf32> to vector<16xf32>
      %swap3A_414 = vector.shape_cast %mul3A_409 : vector<16xf32> to vector<1x16xf32>
      tpu.vector_store %arg7[%swap3A_410, %swap3A_411], %swap3A_414 {strides = array<i32>} : memref<128x128xf32, #tpu.memory_space<vmem>>, vector<1x16xf32>,
      %get3A_415 = arith.index_cast %add3A_330 : i32 to index
      %get3A_416 = arith.constant 112 : index
      %get3A_417 = tpu.vector_load %arg7[%get3A_415, %get3A_416] {strides = array<i32>} : memref<128x128xf32, #tpu.memory_space<vmem>>, vector<1x16xf32>,
      %get3A_418 = vector.shape_cast %get3A_417 : vector<1x16xf32> to vector<16xf32>
      %mul3A_419 = arith.constant 11.3137083 : f32
      %mul3A_420 = vector.broadcast %mul3A_419 : f32 to vector<16xf32>
      %mul3A_421 = arith.mulf %get3A_418, %mul3A_420 : vector<16xf32>
      %swap3A_422 = arith.index_cast %add3A_330 : i32 to index
      %swap3A_423 = arith.constant 112 : index
      %swap3A_424 = tpu.vector_load %arg7[%swap3A_422, %swap3A_423] {strides = array<i32>} : memref<128x128xf32, #tpu.memory_space<vmem>>, vector<1x16xf32>,
      %swap3A_425 = vector.shape_cast %swap3A_424 : vector<1x16xf32> to vector<16xf32>
      %swap3A_426 = vector.shape_cast %mul3A_421 : vector<16xf32> to vector<1x16xf32>
      tpu.vector_store %arg7[%swap3A_422, %swap3A_423], %swap3A_426 {strides = array<i32>} : memref<128x128xf32, #tpu.memory_space<vmem>>, vector<1x16xf32>,
      %mul3A_427 = arith.constant 4 : i32
      %mul3A_428 = arith.muli %mul3A_427, %scan3A_128 : i32
      %add3A_429 = arith.constant 3 : i32
      %add3A_430 = arith.addi %mul3A_428, %add3A_429 : i32
      %get3A_431 = arith.index_cast %add3A_430 : i32 to index
      %get3A_432 = arith.constant 0 : index
      %get3A_433 = tpu.vector_load %arg7[%get3A_431, %get3A_432] {strides = array<i32>} : memref<128x128xf32, #tpu.memory_space<vmem>>, vector<1x16xf32>,
      %get3A_434 = vector.shape_cast %get3A_433 : vector<1x16xf32> to vector<16xf32>
      %mul3A_435 = arith.constant 11.3137083 : f32
      %mul3A_436 = vector.broadcast %mul3A_435 : f32 to vector<16xf32>
      %mul3A_437 = arith.mulf %get3A_434, %mul3A_436 : vector<16xf32>
      %swap3A_438 = arith.index_cast %add3A_430 : i32 to index
      %swap3A_439 = arith.constant 0 : index
      %swap3A_440 = tpu.vector_load %arg7[%swap3A_438, %swap3A_439] {strides = array<i32>} : memref<128x128xf32, #tpu.memory_space<vmem>>, vector<1x16xf32>,
      %swap3A_441 = vector.shape_cast %swap3A_440 : vector<1x16xf32> to vector<16xf32>
      %swap3A_442 = vector.shape_cast %mul3A_437 : vector<16xf32> to vector<1x16xf32>
      tpu.vector_store %arg7[%swap3A_438, %swap3A_439], %swap3A_442 {strides = array<i32>} : memref<128x128xf32, #tpu.memory_space<vmem>>, vector<1x16xf32>,
      %get3A_443 = arith.index_cast %add3A_430 : i32 to index
      %get3A_444 = arith.constant 16 : index
      %get3A_445 = tpu.vector_load %arg7[%get3A_443, %get3A_444] {strides = array<i32>} : memref<128x128xf32, #tpu.memory_space<vmem>>, vector<1x16xf32>,
      %get3A_446 = vector.shape_cast %get3A_445 : vector<1x16xf32> to vector<16xf32>
      %mul3A_447 = arith.constant 11.3137083 : f32
      %mul3A_448 = vector.broadcast %mul3A_447 : f32 to vector<16xf32>
      %mul3A_449 = arith.mulf %get3A_446, %mul3A_448 : vector<16xf32>
      %swap3A_450 = arith.index_cast %add3A_430 : i32 to index
      %swap3A_451 = arith.constant 16 : index
      %swap3A_452 = tpu.vector_load %arg7[%swap3A_450, %swap3A_451] {strides = array<i32>} : memref<128x128xf32, #tpu.memory_space<vmem>>, vector<1x16xf32>,
      %swap3A_453 = vector.shape_cast %swap3A_452 : vector<1x16xf32> to vector<16xf32>
      %swap3A_454 = vector.shape_cast %mul3A_449 : vector<16xf32> to vector<1x16xf32>
      tpu.vector_store %arg7[%swap3A_450, %swap3A_451], %swap3A_454 {strides = array<i32>} : memref<128x128xf32, #tpu.memory_space<vmem>>, vector<1x16xf32>,
      %get3A_455 = arith.index_cast %add3A_430 : i32 to index
      %get3A_456 = arith.constant 32 : index
      %get3A_457 = tpu.vector_load %arg7[%get3A_455, %get3A_456] {strides = array<i32>} : memref<128x128xf32, #tpu.memory_space<vmem>>, vector<1x16xf32>,
      %get3A_458 = vector.shape_cast %get3A_457 : vector<1x16xf32> to vector<16xf32>
      %mul3A_459 = arith.constant 11.3137083 : f32
      %mul3A_460 = vector.broadcast %mul3A_459 : f32 to vector<16xf32>
      %mul3A_461 = arith.mulf %get3A_458, %mul3A_460 : vector<16xf32>
      %swap3A_462 = arith.index_cast %add3A_430 : i32 to index
      %swap3A_463 = arith.constant 32 : index
      %swap3A_464 = tpu.vector_load %arg7[%swap3A_462, %swap3A_463] {strides = array<i32>} : memref<128x128xf32, #tpu.memory_space<vmem>>, vector<1x16xf32>,
      %swap3A_465 = vector.shape_cast %swap3A_464 : vector<1x16xf32> to vector<16xf32>
      %swap3A_466 = vector.shape_cast %mul3A_461 : vector<16xf32> to vector<1x16xf32>
      tpu.vector_store %arg7[%swap3A_462, %swap3A_463], %swap3A_466 {strides = array<i32>} : memref<128x128xf32, #tpu.memory_space<vmem>>, vector<1x16xf32>,
      %get3A_467 = arith.index_cast %add3A_430 : i32 to index
      %get3A_468 = arith.constant 48 : index
      %get3A_469 = tpu.vector_load %arg7[%get3A_467, %get3A_468] {strides = array<i32>} : memref<128x128xf32, #tpu.memory_space<vmem>>, vector<1x16xf32>,
      %get3A_470 = vector.shape_cast %get3A_469 : vector<1x16xf32> to vector<16xf32>
      %mul3A_471 = arith.constant 11.3137083 : f32
      %mul3A_472 = vector.broadcast %mul3A_471 : f32 to vector<16xf32>
      %mul3A_473 = arith.mulf %get3A_470, %mul3A_472 : vector<16xf32>
      %swap3A_474 = arith.index_cast %add3A_430 : i32 to index
      %swap3A_475 = arith.constant 48 : index
      %swap3A_476 = tpu.vector_load %arg7[%swap3A_474, %swap3A_475] {strides = array<i32>} : memref<128x128xf32, #tpu.memory_space<vmem>>, vector<1x16xf32>,
      %swap3A_477 = vector.shape_cast %swap3A_476 : vector<1x16xf32> to vector<16xf32>
      %swap3A_478 = vector.shape_cast %mul3A_473 : vector<16xf32> to vector<1x16xf32>
      tpu.vector_store %arg7[%swap3A_474, %swap3A_475], %swap3A_478 {strides = array<i32>} : memref<128x128xf32, #tpu.memory_space<vmem>>, vector<1x16xf32>,
      %get3A_479 = arith.index_cast %add3A_430 : i32 to index
      %get3A_480 = arith.constant 64 : index
      %get3A_481 = tpu.vector_load %arg7[%get3A_479, %get3A_480] {strides = array<i32>} : memref<128x128xf32, #tpu.memory_space<vmem>>, vector<1x16xf32>,
      %get3A_482 = vector.shape_cast %get3A_481 : vector<1x16xf32> to vector<16xf32>
      %mul3A_483 = arith.constant 11.3137083 : f32
      %mul3A_484 = vector.broadcast %mul3A_483 : f32 to vector<16xf32>
      %mul3A_485 = arith.mulf %get3A_482, %mul3A_484 : vector<16xf32>
      %swap3A_486 = arith.index_cast %add3A_430 : i32 to index
      %swap3A_487 = arith.constant 64 : index
      %swap3A_488 = tpu.vector_load %arg7[%swap3A_486, %swap3A_487] {strides = array<i32>} : memref<128x128xf32, #tpu.memory_space<vmem>>, vector<1x16xf32>,
      %swap3A_489 = vector.shape_cast %swap3A_488 : vector<1x16xf32> to vector<16xf32>
      %swap3A_490 = vector.shape_cast %mul3A_485 : vector<16xf32> to vector<1x16xf32>
      tpu.vector_store %arg7[%swap3A_486, %swap3A_487], %swap3A_490 {strides = array<i32>} : memref<128x128xf32, #tpu.memory_space<vmem>>, vector<1x16xf32>,
      %get3A_491 = arith.index_cast %add3A_430 : i32 to index
      %get3A_492 = arith.constant 80 : index
      %get3A_493 = tpu.vector_load %arg7[%get3A_491, %get3A_492] {strides = array<i32>} : memref<128x128xf32, #tpu.memory_space<vmem>>, vector<1x16xf32>,
      %get3A_494 = vector.shape_cast %get3A_493 : vector<1x16xf32> to vector<16xf32>
      %mul3A_495 = arith.constant 11.3137083 : f32
      %mul3A_496 = vector.broadcast %mul3A_495 : f32 to vector<16xf32>
      %mul3A_497 = arith.mulf %get3A_494, %mul3A_496 : vector<16xf32>
      %swap3A_498 = arith.index_cast %add3A_430 : i32 to index
      %swap3A_499 = arith.constant 80 : index
      %swap3A_500 = tpu.vector_load %arg7[%swap3A_498, %swap3A_499] {strides = array<i32>} : memref<128x128xf32, #tpu.memory_space<vmem>>, vector<1x16xf32>,
      %swap3A_501 = vector.shape_cast %swap3A_500 : vector<1x16xf32> to vector<16xf32>
      %swap3A_502 = vector.shape_cast %mul3A_497 : vector<16xf32> to vector<1x16xf32>
      tpu.vector_store %arg7[%swap3A_498, %swap3A_499], %swap3A_502 {strides = array<i32>} : memref<128x128xf32, #tpu.memory_space<vmem>>, vector<1x16xf32>,
      %get3A_503 = arith.index_cast %add3A_430 : i32 to index
      %get3A_504 = arith.constant 96 : index
      %get3A_505 = tpu.vector_load %arg7[%get3A_503, %get3A_504] {strides = array<i32>} : memref<128x128xf32, #tpu.memory_space<vmem>>, vector<1x16xf32>,
      %get3A_506 = vector.shape_cast %get3A_505 : vector<1x16xf32> to vector<16xf32>
      %mul3A_507 = arith.constant 11.3137083 : f32
      %mul3A_508 = vector.broadcast %mul3A_507 : f32 to vector<16xf32>
      %mul3A_509 = arith.mulf %get3A_506, %mul3A_508 : vector<16xf32>
      %swap3A_510 = arith.index_cast %add3A_430 : i32 to index
      %swap3A_511 = arith.constant 96 : index
      %swap3A_512 = tpu.vector_load %arg7[%swap3A_510, %swap3A_511] {strides = array<i32>} : memref<128x128xf32, #tpu.memory_space<vmem>>, vector<1x16xf32>,
      %swap3A_513 = vector.shape_cast %swap3A_512 : vector<1x16xf32> to vector<16xf32>
      %swap3A_514 = vector.shape_cast %mul3A_509 : vector<16xf32> to vector<1x16xf32>
      tpu.vector_store %arg7[%swap3A_510, %swap3A_511], %swap3A_514 {strides = array<i32>} : memref<128x128xf32, #tpu.memory_space<vmem>>, vector<1x16xf32>,
      %get3A_515 = arith.index_cast %add3A_430 : i32 to index
      %get3A_516 = arith.constant 112 : index
      %get3A_517 = tpu.vector_load %arg7[%get3A_515, %get3A_516] {strides = array<i32>} : memref<128x128xf32, #tpu.memory_space<vmem>>, vector<1x16xf32>,
      %get3A_518 = vector.shape_cast %get3A_517 : vector<1x16xf32> to vector<16xf32>
      %mul3A_519 = arith.constant 11.3137083 : f32
      %mul3A_520 = vector.broadcast %mul3A_519 : f32 to vector<16xf32>
      %mul3A_521 = arith.mulf %get3A_518, %mul3A_520 : vector<16xf32>
      %swap3A_522 = arith.index_cast %add3A_430 : i32 to index
      %swap3A_523 = arith.constant 112 : index
      %swap3A_524 = tpu.vector_load %arg7[%swap3A_522, %swap3A_523] {strides = array<i32>} : memref<128x128xf32, #tpu.memory_space<vmem>>, vector<1x16xf32>,
      %swap3A_525 = vector.shape_cast %swap3A_524 : vector<1x16xf32> to vector<16xf32>
      %swap3A_526 = vector.shape_cast %mul3A_521 : vector<16xf32> to vector<1x16xf32>
      tpu.vector_store %arg7[%swap3A_522, %swap3A_523], %swap3A_526 {strides = array<i32>} : memref<128x128xf32, #tpu.memory_space<vmem>>, vector<1x16xf32>,
    }
    %scan3A_61 = arith.constant 32 : i32
    %add3A_62 = arith.constant 128 : i32
    %add3A_63 = arith.addi %mul3A_4, %add3A_62 : i32
    %dma_start3A_64 = arith.constant 0 : i32
    %dma_start3A_65 = tpu.memref_slice %arg4[%add3A_63, %dma_start3A_64] : memref<819200x128xf32, #tpu.memory_space<hbm>> -> memref<128x128xf32, #tpu.memory_space<hbm>>
    %dma_start3A_66 = arith.constant 0 : i32
    %dma_start3A_67 = tpu.memref_slice %arg4[%add3A_63, %dma_start3A_66] : memref<819200x128xf32, #tpu.memory_space<hbm>> -> memref<128x128xf32, #tpu.memory_space<hbm>>
    tpu.enqueue_dma source(%arg7 : memref<128x128xf32, #tpu.memory_space<vmem>>) target(%dma_start3A_67 : memref<128x128xf32, #tpu.memory_space<hbm>>) target_semaphore(%arg15 : memref<!tpu.dma_semaphore, #tpu.memory_space<semaphore_mem>>)
    %scan3A_68 = arith.constant 0 : i32
    %scan3A_69 = arith.constant 1 : i32
    %scan3A_70 = arith.constant 49 : i32
    %scan3A_71 = arith.addi %scan3A_69, %scan3A_70 : i32
    %scan3A_72 = arith.constant 1 : i32
    scf.for %scan3A_128 = %scan3A_69 to %scan3A_71 step %scan3A_72  : i32 {
      %mul3A_129 = arith.constant 4 : i32
      %mul3A_130 = arith.muli %mul3A_129, %scan3A_128 : i32
      %add3A_131 = arith.constant 0 : i32
      %add3A_132 = arith.addi %mul3A_130, %add3A_131 : i32
      %dma_wait3A_133 = arith.constant 0 : i32
      %dma_wait3A_134 = tpu.memref_slice %arg4[%mul3A_4, %dma_wait3A_133] : memref<819200x128xf32, #tpu.memory_space<hbm>> -> memref<128x128xf32, #tpu.memory_space<hbm>>
      %dma_wait3A_135 = arith.constant 0 : i32
      %dma_wait3A_136 = tpu.memref_slice %arg4[%mul3A_4, %dma_wait3A_135] : memref<819200x128xf32, #tpu.memory_space<hbm>> -> memref<128x128xf32, #tpu.memory_space<hbm>>
      tpu.wait_dma2 semaphore(%arg14 : memref<!tpu.dma_semaphore, #tpu.memory_space<semaphore_mem>>) src(%arg6 : memref<128x128xf32, #tpu.memory_space<vmem>>) dst(%dma_wait3A_136 : memref<128x128xf32, #tpu.memory_space<hbm>>)
      %dma_start3A_137 = arith.constant 0 : i32
      %dma_start3A_138 = tpu.memref_slice %arg5[%add3A_132, %dma_start3A_137] : memref<200x128xi32, #tpu.memory_space<vmem>> -> memref<1x128xi32, #tpu.memory_space<vmem>>
      %dma_start3A_139 = tpu.memref_squeeze %dma_start3A_138 : memref<1x128xi32, #tpu.memory_space<vmem>> -> memref<128xi32, #tpu.memory_space<vmem>>
      %dma_start3A_140 = arith.constant 0 : i32
      %dma_start3A_141 = arith.constant 0 : i32
      %dma_start3A_142 = tpu.memref_slice %arg2[%dma_start3A_140, %dma_start3A_141] : memref<100000x128xf32, #tpu.memory_space<hbm>> -> memref<100000x128xf32, #tpu.memory_space<hbm>>
      tpu.enqueue_indirect_dma source(%dma_start3A_142 : memref<100000x128xf32, #tpu.memory_space<hbm>>) target(%arg6 : memref<128x128xf32, #tpu.memory_space<vmem>>) offsets(%dma_start3A_139 : memref<128xi32, #tpu.memory_space<vmem>>) semaphore(%arg10 : memref<!tpu.dma_semaphore, #tpu.memory_space<semaphore_mem>>)
      %dma_wait3A_143 = arith.constant 0 : i32
      %dma_wait3A_144 = arith.constant 0 : i32
      %dma_wait3A_145 = tpu.memref_slice %arg5[%dma_wait3A_143, %dma_wait3A_144] : memref<200x128xi32, #tpu.memory_space<vmem>> -> memref<1x128xi32, #tpu.memory_space<vmem>>
      %dma_wait3A_146 = tpu.memref_squeeze %dma_wait3A_145 : memref<1x128xi32, #tpu.memory_space<vmem>> -> memref<128xi32, #tpu.memory_space<vmem>>
      %dma_wait3A_147 = arith.constant 0 : i32
      %dma_wait3A_148 = arith.constant 0 : i32
      %dma_wait3A_149 = tpu.memref_slice %arg2[%dma_wait3A_147, %dma_wait3A_148] : memref<100000x128xf32, #tpu.memory_space<hbm>> -> memref<100000x128xf32, #tpu.memory_space<hbm>>
      tpu.wait_indirect_dma semaphore(%arg12 : memref<!tpu.dma_semaphore, #tpu.memory_space<semaphore_mem>>) src(%dma_wait3A_149 : memref<100000x128xf32, #tpu.memory_space<hbm>>) dst(%arg8 : memref<128x128xf32, #tpu.memory_space<vmem>>)
      %scan3A_150 = arith.constant 0 : i32
      %scan3A_151 = arith.constant 0 : i32
      %scan3A_152 = arith.constant 32 : i32
      %scan3A_153 = arith.addi %scan3A_151, %scan3A_152 : i32
      %scan3A_154 = arith.constant 1 : i32
      scf.for %scan3A_266 = %scan3A_151 to %scan3A_153 step %scan3A_154  : i32 {
        %mul3A_267 = arith.constant 4 : i32
        %mul3A_268 = arith.muli %mul3A_267, %scan3A_266 : i32
        %add3A_269 = arith.constant 0 : i32
        %add3A_270 = arith.addi %mul3A_268, %add3A_269 : i32
        %get3A = arith.index_cast %add3A_270 : i32 to index
        %get3A_271 = arith.constant 0 : index
        %get3A_272 = tpu.vector_load %arg8[%get3A, %get3A_271] {strides = array<i32>} : memref<128x128xf32, #tpu.memory_space<vmem>>, vector<1x16xf32>,
        %get3A_273 = vector.shape_cast %get3A_272 : vector<1x16xf32> to vector<16xf32>
        %mul3A_274 = arith.constant 11.3137083 : f32
        %mul3A_275 = vector.broadcast %mul3A_274 : f32 to vector<16xf32>
        %mul3A_276 = arith.mulf %get3A_273, %mul3A_275 : vector<16xf32>
        %swap3A = arith.index_cast %add3A_270 : i32 to index
        %swap3A_277 = arith.constant 0 : index
        %swap3A_278 = tpu.vector_load %arg8[%swap3A, %swap3A_277] {strides = array<i32>} : memref<128x128xf32, #tpu.memory_space<vmem>>, vector<1x16xf32>,
        %swap3A_279 = vector.shape_cast %swap3A_278 : vector<1x16xf32> to vector<16xf32>
        %swap3A_280 = vector.shape_cast %mul3A_276 : vector<16xf32> to vector<1x16xf32>
        tpu.vector_store %arg8[%swap3A, %swap3A_277], %swap3A_280 {strides = array<i32>} : memref<128x128xf32, #tpu.memory_space<vmem>>, vector<1x16xf32>,
        %get3A_281 = arith.index_cast %add3A_270 : i32 to index
        %get3A_282 = arith.constant 16 : index
        %get3A_283 = tpu.vector_load %arg8[%get3A_281, %get3A_282] {strides = array<i32>} : memref<128x128xf32, #tpu.memory_space<vmem>>, vector<1x16xf32>,
        %get3A_284 = vector.shape_cast %get3A_283 : vector<1x16xf32> to vector<16xf32>
        %mul3A_285 = arith.constant 11.3137083 : f32
        %mul3A_286 = vector.broadcast %mul3A_285 : f32 to vector<16xf32>
        %mul3A_287 = arith.mulf %get3A_284, %mul3A_286 : vector<16xf32>
        %swap3A_288 = arith.index_cast %add3A_270 : i32 to index
        %swap3A_289 = arith.constant 16 : index
        %swap3A_290 = tpu.vector_load %arg8[%swap3A_288, %swap3A_289] {strides = array<i32>} : memref<128x128xf32, #tpu.memory_space<vmem>>, vector<1x16xf32>,
        %swap3A_291 = vector.shape_cast %swap3A_290 : vector<1x16xf32> to vector<16xf32>
        %swap3A_292 = vector.shape_cast %mul3A_287 : vector<16xf32> to vector<1x16xf32>
        tpu.vector_store %arg8[%swap3A_288, %swap3A_289], %swap3A_292 {strides = array<i32>} : memref<128x128xf32, #tpu.memory_space<vmem>>, vector<1x16xf32>,
        %get3A_293 = arith.index_cast %add3A_270 : i32 to index
        %get3A_294 = arith.constant 32 : index
        %get3A_295 = tpu.vector_load %arg8[%get3A_293, %get3A_294] {strides = array<i32>} : memref<128x128xf32, #tpu.memory_space<vmem>>, vector<1x16xf32>,
        %get3A_296 = vector.shape_cast %get3A_295 : vector<1x16xf32> to vector<16xf32>
        %mul3A_297 = arith.constant 11.3137083 : f32
        %mul3A_298 = vector.broadcast %mul3A_297 : f32 to vector<16xf32>
        %mul3A_299 = arith.mulf %get3A_296, %mul3A_298 : vector<16xf32>
        %swap3A_300 = arith.index_cast %add3A_270 : i32 to index
        %swap3A_301 = arith.constant 32 : index
        %swap3A_302 = tpu.vector_load %arg8[%swap3A_300, %swap3A_301] {strides = array<i32>} : memref<128x128xf32, #tpu.memory_space<vmem>>, vector<1x16xf32>,
        %swap3A_303 = vector.shape_cast %swap3A_302 : vector<1x16xf32> to vector<16xf32>
        %swap3A_304 = vector.shape_cast %mul3A_299 : vector<16xf32> to vector<1x16xf32>
        tpu.vector_store %arg8[%swap3A_300, %swap3A_301], %swap3A_304 {strides = array<i32>} : memref<128x128xf32, #tpu.memory_space<vmem>>, vector<1x16xf32>,
        %get3A_305 = arith.index_cast %add3A_270 : i32 to index
        %get3A_306 = arith.constant 48 : index
        %get3A_307 = tpu.vector_load %arg8[%get3A_305, %get3A_306] {strides = array<i32>} : memref<128x128xf32, #tpu.memory_space<vmem>>, vector<1x16xf32>,
        %get3A_308 = vector.shape_cast %get3A_307 : vector<1x16xf32> to vector<16xf32>
        %mul3A_309 = arith.constant 11.3137083 : f32
        %mul3A_310 = vector.broadcast %mul3A_309 : f32 to vector<16xf32>
        %mul3A_311 = arith.mulf %get3A_308, %mul3A_310 : vector<16xf32>
        %swap3A_312 = arith.index_cast %add3A_270 : i32 to index
        %swap3A_313 = arith.constant 48 : index
        %swap3A_314 = tpu.vector_load %arg8[%swap3A_312, %swap3A_313] {strides = array<i32>} : memref<128x128xf32, #tpu.memory_space<vmem>>, vector<1x16xf32>,
        %swap3A_315 = vector.shape_cast %swap3A_314 : vector<1x16xf32> to vector<16xf32>
        %swap3A_316 = vector.shape_cast %mul3A_311 : vector<16xf32> to vector<1x16xf32>
        tpu.vector_store %arg8[%swap3A_312, %swap3A_313], %swap3A_316 {strides = array<i32>} : memref<128x128xf32, #tpu.memory_space<vmem>>, vector<1x16xf32>,
        %get3A_317 = arith.index_cast %add3A_270 : i32 to index
        %get3A_318 = arith.constant 64 : index
        %get3A_319 = tpu.vector_load %arg8[%get3A_317, %get3A_318] {strides = array<i32>} : memref<128x128xf32, #tpu.memory_space<vmem>>, vector<1x16xf32>,
        %get3A_320 = vector.shape_cast %get3A_319 : vector<1x16xf32> to vector<16xf32>
        %mul3A_321 = arith.constant 11.3137083 : f32
        %mul3A_322 = vector.broadcast %mul3A_321 : f32 to vector<16xf32>
        %mul3A_323 = arith.mulf %get3A_320, %mul3A_322 : vector<16xf32>
        %swap3A_324 = arith.index_cast %add3A_270 : i32 to index
        %swap3A_325 = arith.constant 64 : index
        %swap3A_326 = tpu.vector_load %arg8[%swap3A_324, %swap3A_325] {strides = array<i32>} : memref<128x128xf32, #tpu.memory_space<vmem>>, vector<1x16xf32>,
        %swap3A_327 = vector.shape_cast %swap3A_326 : vector<1x16xf32> to vector<16xf32>
        %swap3A_328 = vector.shape_cast %mul3A_323 : vector<16xf32> to vector<1x16xf32>
        tpu.vector_store %arg8[%swap3A_324, %swap3A_325], %swap3A_328 {strides = array<i32>} : memref<128x128xf32, #tpu.memory_space<vmem>>, vector<1x16xf32>,
        %get3A_329 = arith.index_cast %add3A_270 : i32 to index
        %get3A_330 = arith.constant 80 : index
        %get3A_331 = tpu.vector_load %arg8[%get3A_329, %get3A_330] {strides = array<i32>} : memref<128x128xf32, #tpu.memory_space<vmem>>, vector<1x16xf32>,
        %get3A_332 = vector.shape_cast %get3A_331 : vector<1x16xf32> to vector<16xf32>
        %mul3A_333 = arith.constant 11.3137083 : f32
        %mul3A_334 = vector.broadcast %mul3A_333 : f32 to vector<16xf32>
        %mul3A_335 = arith.mulf %get3A_332, %mul3A_334 : vector<16xf32>
        %swap3A_336 = arith.index_cast %add3A_270 : i32 to index
        %swap3A_337 = arith.constant 80 : index
        %swap3A_338 = tpu.vector_load %arg8[%swap3A_336, %swap3A_337] {strides = array<i32>} : memref<128x128xf32, #tpu.memory_space<vmem>>, vector<1x16xf32>,
        %swap3A_339 = vector.shape_cast %swap3A_338 : vector<1x16xf32> to vector<16xf32>
        %swap3A_340 = vector.shape_cast %mul3A_335 : vector<16xf32> to vector<1x16xf32>
        tpu.vector_store %arg8[%swap3A_336, %swap3A_337], %swap3A_340 {strides = array<i32>} : memref<128x128xf32, #tpu.memory_space<vmem>>, vector<1x16xf32>,
        %get3A_341 = arith.index_cast %add3A_270 : i32 to index
        %get3A_342 = arith.constant 96 : index
        %get3A_343 = tpu.vector_load %arg8[%get3A_341, %get3A_342] {strides = array<i32>} : memref<128x128xf32, #tpu.memory_space<vmem>>, vector<1x16xf32>,
        %get3A_344 = vector.shape_cast %get3A_343 : vector<1x16xf32> to vector<16xf32>
        %mul3A_345 = arith.constant 11.3137083 : f32
        %mul3A_346 = vector.broadcast %mul3A_345 : f32 to vector<16xf32>
        %mul3A_347 = arith.mulf %get3A_344, %mul3A_346 : vector<16xf32>
        %swap3A_348 = arith.index_cast %add3A_270 : i32 to index
        %swap3A_349 = arith.constant 96 : index
        %swap3A_350 = tpu.vector_load %arg8[%swap3A_348, %swap3A_349] {strides = array<i32>} : memref<128x128xf32, #tpu.memory_space<vmem>>, vector<1x16xf32>,
        %swap3A_351 = vector.shape_cast %swap3A_350 : vector<1x16xf32> to vector<16xf32>
        %swap3A_352 = vector.shape_cast %mul3A_347 : vector<16xf32> to vector<1x16xf32>
        tpu.vector_store %arg8[%swap3A_348, %swap3A_349], %swap3A_352 {strides = array<i32>} : memref<128x128xf32, #tpu.memory_space<vmem>>, vector<1x16xf32>,
        %get3A_353 = arith.index_cast %add3A_270 : i32 to index
        %get3A_354 = arith.constant 112 : index
        %get3A_355 = tpu.vector_load %arg8[%get3A_353, %get3A_354] {strides = array<i32>} : memref<128x128xf32, #tpu.memory_space<vmem>>, vector<1x16xf32>,
        %get3A_356 = vector.shape_cast %get3A_355 : vector<1x16xf32> to vector<16xf32>
        %mul3A_357 = arith.constant 11.3137083 : f32
        %mul3A_358 = vector.broadcast %mul3A_357 : f32 to vector<16xf32>
        %mul3A_359 = arith.mulf %get3A_356, %mul3A_358 : vector<16xf32>
        %swap3A_360 = arith.index_cast %add3A_270 : i32 to index
        %swap3A_361 = arith.constant 112 : index
        %swap3A_362 = tpu.vector_load %arg8[%swap3A_360, %swap3A_361] {strides = array<i32>} : memref<128x128xf32, #tpu.memory_space<vmem>>, vector<1x16xf32>,
        %swap3A_363 = vector.shape_cast %swap3A_362 : vector<1x16xf32> to vector<16xf32>
        %swap3A_364 = vector.shape_cast %mul3A_359 : vector<16xf32> to vector<1x16xf32>
        tpu.vector_store %arg8[%swap3A_360, %swap3A_361], %swap3A_364 {strides = array<i32>} : memref<128x128xf32, #tpu.memory_space<vmem>>, vector<1x16xf32>,
        %mul3A_365 = arith.constant 4 : i32
        %mul3A_366 = arith.muli %mul3A_365, %scan3A_266 : i32
        %add3A_367 = arith.constant 1 : i32
        %add3A_368 = arith.addi %mul3A_366, %add3A_367 : i32
        %get3A_369 = arith.index_cast %add3A_368 : i32 to index
        %get3A_370 = arith.constant 0 : index
        %get3A_371 = tpu.vector_load %arg8[%get3A_369, %get3A_370] {strides = array<i32>} : memref<128x128xf32, #tpu.memory_space<vmem>>, vector<1x16xf32>,
        %get3A_372 = vector.shape_cast %get3A_371 : vector<1x16xf32> to vector<16xf32>
        %mul3A_373 = arith.constant 11.3137083 : f32
        %mul3A_374 = vector.broadcast %mul3A_373 : f32 to vector<16xf32>
        %mul3A_375 = arith.mulf %get3A_372, %mul3A_374 : vector<16xf32>
        %swap3A_376 = arith.index_cast %add3A_368 : i32 to index
        %swap3A_377 = arith.constant 0 : index
        %swap3A_378 = tpu.vector_load %arg8[%swap3A_376, %swap3A_377] {strides = array<i32>} : memref<128x128xf32, #tpu.memory_space<vmem>>, vector<1x16xf32>,
        %swap3A_379 = vector.shape_cast %swap3A_378 : vector<1x16xf32> to vector<16xf32>
        %swap3A_380 = vector.shape_cast %mul3A_375 : vector<16xf32> to vector<1x16xf32>
        tpu.vector_store %arg8[%swap3A_376, %swap3A_377], %swap3A_380 {strides = array<i32>} : memref<128x128xf32, #tpu.memory_space<vmem>>, vector<1x16xf32>,
        %get3A_381 = arith.index_cast %add3A_368 : i32 to index
        %get3A_382 = arith.constant 16 : index
        %get3A_383 = tpu.vector_load %arg8[%get3A_381, %get3A_382] {strides = array<i32>} : memref<128x128xf32, #tpu.memory_space<vmem>>, vector<1x16xf32>,
        %get3A_384 = vector.shape_cast %get3A_383 : vector<1x16xf32> to vector<16xf32>
        %mul3A_385 = arith.constant 11.3137083 : f32
        %mul3A_386 = vector.broadcast %mul3A_385 : f32 to vector<16xf32>
        %mul3A_387 = arith.mulf %get3A_384, %mul3A_386 : vector<16xf32>
        %swap3A_388 = arith.index_cast %add3A_368 : i32 to index
        %swap3A_389 = arith.constant 16 : index
        %swap3A_390 = tpu.vector_load %arg8[%swap3A_388, %swap3A_389] {strides = array<i32>} : memref<128x128xf32, #tpu.memory_space<vmem>>, vector<1x16xf32>,
        %swap3A_391 = vector.shape_cast %swap3A_390 : vector<1x16xf32> to vector<16xf32>
        %swap3A_392 = vector.shape_cast %mul3A_387 : vector<16xf32> to vector<1x16xf32>
        tpu.vector_store %arg8[%swap3A_388, %swap3A_389], %swap3A_392 {strides = array<i32>} : memref<128x128xf32, #tpu.memory_space<vmem>>, vector<1x16xf32>,
        %get3A_393 = arith.index_cast %add3A_368 : i32 to index
        %get3A_394 = arith.constant 32 : index
        %get3A_395 = tpu.vector_load %arg8[%get3A_393, %get3A_394] {strides = array<i32>} : memref<128x128xf32, #tpu.memory_space<vmem>>, vector<1x16xf32>,
        %get3A_396 = vector.shape_cast %get3A_395 : vector<1x16xf32> to vector<16xf32>
        %mul3A_397 = arith.constant 11.3137083 : f32
        %mul3A_398 = vector.broadcast %mul3A_397 : f32 to vector<16xf32>
        %mul3A_399 = arith.mulf %get3A_396, %mul3A_398 : vector<16xf32>
        %swap3A_400 = arith.index_cast %add3A_368 : i32 to index
        %swap3A_401 = arith.constant 32 : index
        %swap3A_402 = tpu.vector_load %arg8[%swap3A_400, %swap3A_401] {strides = array<i32>} : memref<128x128xf32, #tpu.memory_space<vmem>>, vector<1x16xf32>,
        %swap3A_403 = vector.shape_cast %swap3A_402 : vector<1x16xf32> to vector<16xf32>
        %swap3A_404 = vector.shape_cast %mul3A_399 : vector<16xf32> to vector<1x16xf32>
        tpu.vector_store %arg8[%swap3A_400, %swap3A_401], %swap3A_404 {strides = array<i32>} : memref<128x128xf32, #tpu.memory_space<vmem>>, vector<1x16xf32>,
        %get3A_405 = arith.index_cast %add3A_368 : i32 to index
        %get3A_406 = arith.constant 48 : index
        %get3A_407 = tpu.vector_load %arg8[%get3A_405, %get3A_406] {strides = array<i32>} : memref<128x128xf32, #tpu.memory_space<vmem>>, vector<1x16xf32>,
        %get3A_408 = vector.shape_cast %get3A_407 : vector<1x16xf32> to vector<16xf32>
        %mul3A_409 = arith.constant 11.3137083 : f32
        %mul3A_410 = vector.broadcast %mul3A_409 : f32 to vector<16xf32>
        %mul3A_411 = arith.mulf %get3A_408, %mul3A_410 : vector<16xf32>
        %swap3A_412 = arith.index_cast %add3A_368 : i32 to index
        %swap3A_413 = arith.constant 48 : index
        %swap3A_414 = tpu.vector_load %arg8[%swap3A_412, %swap3A_413] {strides = array<i32>} : memref<128x128xf32, #tpu.memory_space<vmem>>, vector<1x16xf32>,
        %swap3A_415 = vector.shape_cast %swap3A_414 : vector<1x16xf32> to vector<16xf32>
        %swap3A_416 = vector.shape_cast %mul3A_411 : vector<16xf32> to vector<1x16xf32>
        tpu.vector_store %arg8[%swap3A_412, %swap3A_413], %swap3A_416 {strides = array<i32>} : memref<128x128xf32, #tpu.memory_space<vmem>>, vector<1x16xf32>,
        %get3A_417 = arith.index_cast %add3A_368 : i32 to index
        %get3A_418 = arith.constant 64 : index
        %get3A_419 = tpu.vector_load %arg8[%get3A_417, %get3A_418] {strides = array<i32>} : memref<128x128xf32, #tpu.memory_space<vmem>>, vector<1x16xf32>,
        %get3A_420 = vector.shape_cast %get3A_419 : vector<1x16xf32> to vector<16xf32>
        %mul3A_421 = arith.constant 11.3137083 : f32
        %mul3A_422 = vector.broadcast %mul3A_421 : f32 to vector<16xf32>
        %mul3A_423 = arith.mulf %get3A_420, %mul3A_422 : vector<16xf32>
        %swap3A_424 = arith.index_cast %add3A_368 : i32 to index
        %swap3A_425 = arith.constant 64 : index
        %swap3A_426 = tpu.vector_load %arg8[%swap3A_424, %swap3A_425] {strides = array<i32>} : memref<128x128xf32, #tpu.memory_space<vmem>>, vector<1x16xf32>,
        %swap3A_427 = vector.shape_cast %swap3A_426 : vector<1x16xf32> to vector<16xf32>
        %swap3A_428 = vector.shape_cast %mul3A_423 : vector<16xf32> to vector<1x16xf32>
        tpu.vector_store %arg8[%swap3A_424, %swap3A_425], %swap3A_428 {strides = array<i32>} : memref<128x128xf32, #tpu.memory_space<vmem>>, vector<1x16xf32>,
        %get3A_429 = arith.index_cast %add3A_368 : i32 to index
        %get3A_430 = arith.constant 80 : index
        %get3A_431 = tpu.vector_load %arg8[%get3A_429, %get3A_430] {strides = array<i32>} : memref<128x128xf32, #tpu.memory_space<vmem>>, vector<1x16xf32>,
        %get3A_432 = vector.shape_cast %get3A_431 : vector<1x16xf32> to vector<16xf32>
        %mul3A_433 = arith.constant 11.3137083 : f32
        %mul3A_434 = vector.broadcast %mul3A_433 : f32 to vector<16xf32>
        %mul3A_435 = arith.mulf %get3A_432, %mul3A_434 : vector<16xf32>
        %swap3A_436 = arith.index_cast %add3A_368 : i32 to index
        %swap3A_437 = arith.constant 80 : index
        %swap3A_438 = tpu.vector_load %arg8[%swap3A_436, %swap3A_437] {strides = array<i32>} : memref<128x128xf32, #tpu.memory_space<vmem>>, vector<1x16xf32>,
        %swap3A_439 = vector.shape_cast %swap3A_438 : vector<1x16xf32> to vector<16xf32>
        %swap3A_440 = vector.shape_cast %mul3A_435 : vector<16xf32> to vector<1x16xf32>
        tpu.vector_store %arg8[%swap3A_436, %swap3A_437], %swap3A_440 {strides = array<i32>} : memref<128x128xf32, #tpu.memory_space<vmem>>, vector<1x16xf32>,
        %get3A_441 = arith.index_cast %add3A_368 : i32 to index
        %get3A_442 = arith.constant 96 : index
        %get3A_443 = tpu.vector_load %arg8[%get3A_441, %get3A_442] {strides = array<i32>} : memref<128x128xf32, #tpu.memory_space<vmem>>, vector<1x16xf32>,
        %get3A_444 = vector.shape_cast %get3A_443 : vector<1x16xf32> to vector<16xf32>
        %mul3A_445 = arith.constant 11.3137083 : f32
        %mul3A_446 = vector.broadcast %mul3A_445 : f32 to vector<16xf32>
        %mul3A_447 = arith.mulf %get3A_444, %mul3A_446 : vector<16xf32>
        %swap3A_448 = arith.index_cast %add3A_368 : i32 to index
        %swap3A_449 = arith.constant 96 : index
        %swap3A_450 = tpu.vector_load %arg8[%swap3A_448, %swap3A_449] {strides = array<i32>} : memref<128x128xf32, #tpu.memory_space<vmem>>, vector<1x16xf32>,
        %swap3A_451 = vector.shape_cast %swap3A_450 : vector<1x16xf32> to vector<16xf32>
        %swap3A_452 = vector.shape_cast %mul3A_447 : vector<16xf32> to vector<1x16xf32>
        tpu.vector_store %arg8[%swap3A_448, %swap3A_449], %swap3A_452 {strides = array<i32>} : memref<128x128xf32, #tpu.memory_space<vmem>>, vector<1x16xf32>,
        %get3A_453 = arith.index_cast %add3A_368 : i32 to index
        %get3A_454 = arith.constant 112 : index
        %get3A_455 = tpu.vector_load %arg8[%get3A_453, %get3A_454] {strides = array<i32>} : memref<128x128xf32, #tpu.memory_space<vmem>>, vector<1x16xf32>,
        %get3A_456 = vector.shape_cast %get3A_455 : vector<1x16xf32> to vector<16xf32>
        %mul3A_457 = arith.constant 11.3137083 : f32
        %mul3A_458 = vector.broadcast %mul3A_457 : f32 to vector<16xf32>
        %mul3A_459 = arith.mulf %get3A_456, %mul3A_458 : vector<16xf32>
        %swap3A_460 = arith.index_cast %add3A_368 : i32 to index
        %swap3A_461 = arith.constant 112 : index
        %swap3A_462 = tpu.vector_load %arg8[%swap3A_460, %swap3A_461] {strides = array<i32>} : memref<128x128xf32, #tpu.memory_space<vmem>>, vector<1x16xf32>,
        %swap3A_463 = vector.shape_cast %swap3A_462 : vector<1x16xf32> to vector<16xf32>
        %swap3A_464 = vector.shape_cast %mul3A_459 : vector<16xf32> to vector<1x16xf32>
        tpu.vector_store %arg8[%swap3A_460, %swap3A_461], %swap3A_464 {strides = array<i32>} : memref<128x128xf32, #tpu.memory_space<vmem>>, vector<1x16xf32>,
        %mul3A_465 = arith.constant 4 : i32
        %mul3A_466 = arith.muli %mul3A_465, %scan3A_266 : i32
        %add3A_467 = arith.constant 2 : i32
        %add3A_468 = arith.addi %mul3A_466, %add3A_467 : i32
        %get3A_469 = arith.index_cast %add3A_468 : i32 to index
        %get3A_470 = arith.constant 0 : index
        %get3A_471 = tpu.vector_load %arg8[%get3A_469, %get3A_470] {strides = array<i32>} : memref<128x128xf32, #tpu.memory_space<vmem>>, vector<1x16xf32>,
        %get3A_472 = vector.shape_cast %get3A_471 : vector<1x16xf32> to vector<16xf32>
        %mul3A_473 = arith.constant 11.3137083 : f32
        %mul3A_474 = vector.broadcast %mul3A_473 : f32 to vector<16xf32>
        %mul3A_475 = arith.mulf %get3A_472, %mul3A_474 : vector<16xf32>
        %swap3A_476 = arith.index_cast %add3A_468 : i32 to index
        %swap3A_477 = arith.constant 0 : index
        %swap3A_478 = tpu.vector_load %arg8[%swap3A_476, %swap3A_477] {strides = array<i32>} : memref<128x128xf32, #tpu.memory_space<vmem>>, vector<1x16xf32>,
        %swap3A_479 = vector.shape_cast %swap3A_478 : vector<1x16xf32> to vector<16xf32>
        %swap3A_480 = vector.shape_cast %mul3A_475 : vector<16xf32> to vector<1x16xf32>
        tpu.vector_store %arg8[%swap3A_476, %swap3A_477], %swap3A_480 {strides = array<i32>} : memref<128x128xf32, #tpu.memory_space<vmem>>, vector<1x16xf32>,
        %get3A_481 = arith.index_cast %add3A_468 : i32 to index
        %get3A_482 = arith.constant 16 : index
        %get3A_483 = tpu.vector_load %arg8[%get3A_481, %get3A_482] {strides = array<i32>} : memref<128x128xf32, #tpu.memory_space<vmem>>, vector<1x16xf32>,
        %get3A_484 = vector.shape_cast %get3A_483 : vector<1x16xf32> to vector<16xf32>
        %mul3A_485 = arith.constant 11.3137083 : f32
        %mul3A_486 = vector.broadcast %mul3A_485 : f32 to vector<16xf32>
        %mul3A_487 = arith.mulf %get3A_484, %mul3A_486 : vector<16xf32>
        %swap3A_488 = arith.index_cast %add3A_468 : i32 to index
        %swap3A_489 = arith.constant 16 : index
        %swap3A_490 = tpu.vector_load %arg8[%swap3A_488, %swap3A_489] {strides = array<i32>} : memref<128x128xf32, #tpu.memory_space<vmem>>, vector<1x16xf32>,
        %swap3A_491 = vector.shape_cast %swap3A_490 : vector<1x16xf32> to vector<16xf32>
        %swap3A_492 = vector.shape_cast %mul3A_487 : vector<16xf32> to vector<1x16xf32>
        tpu.vector_store %arg8[%swap3A_488, %swap3A_489], %swap3A_492 {strides = array<i32>} : memref<128x128xf32, #tpu.memory_space<vmem>>, vector<1x16xf32>,
        %get3A_493 = arith.index_cast %add3A_468 : i32 to index
        %get3A_494 = arith.constant 32 : index
        %get3A_495 = tpu.vector_load %arg8[%get3A_493, %get3A_494] {strides = array<i32>} : memref<128x128xf32, #tpu.memory_space<vmem>>, vector<1x16xf32>,
        %get3A_496 = vector.shape_cast %get3A_495 : vector<1x16xf32> to vector<16xf32>
        %mul3A_497 = arith.constant 11.3137083 : f32
        %mul3A_498 = vector.broadcast %mul3A_497 : f32 to vector<16xf32>
        %mul3A_499 = arith.mulf %get3A_496, %mul3A_498 : vector<16xf32>
        %swap3A_500 = arith.index_cast %add3A_468 : i32 to index
        %swap3A_501 = arith.constant 32 : index
        %swap3A_502 = tpu.vector_load %arg8[%swap3A_500, %swap3A_501] {strides = array<i32>} : memref<128x128xf32, #tpu.memory_space<vmem>>, vector<1x16xf32>,
        %swap3A_503 = vector.shape_cast %swap3A_502 : vector<1x16xf32> to vector<16xf32>
        %swap3A_504 = vector.shape_cast %mul3A_499 : vector<16xf32> to vector<1x16xf32>
        tpu.vector_store %arg8[%swap3A_500, %swap3A_501], %swap3A_504 {strides = array<i32>} : memref<128x128xf32, #tpu.memory_space<vmem>>, vector<1x16xf32>,
        %get3A_505 = arith.index_cast %add3A_468 : i32 to index
        %get3A_506 = arith.constant 48 : index
        %get3A_507 = tpu.vector_load %arg8[%get3A_505, %get3A_506] {strides = array<i32>} : memref<128x128xf32, #tpu.memory_space<vmem>>, vector<1x16xf32>,
        %get3A_508 = vector.shape_cast %get3A_507 : vector<1x16xf32> to vector<16xf32>
        %mul3A_509 = arith.constant 11.3137083 : f32
        %mul3A_510 = vector.broadcast %mul3A_509 : f32 to vector<16xf32>
        %mul3A_511 = arith.mulf %get3A_508, %mul3A_510 : vector<16xf32>
        %swap3A_512 = arith.index_cast %add3A_468 : i32 to index
        %swap3A_513 = arith.constant 48 : index
        %swap3A_514 = tpu.vector_load %arg8[%swap3A_512, %swap3A_513] {strides = array<i32>} : memref<128x128xf32, #tpu.memory_space<vmem>>, vector<1x16xf32>,
        %swap3A_515 = vector.shape_cast %swap3A_514 : vector<1x16xf32> to vector<16xf32>
        %swap3A_516 = vector.shape_cast %mul3A_511 : vector<16xf32> to vector<1x16xf32>
        tpu.vector_store %arg8[%swap3A_512, %swap3A_513], %swap3A_516 {strides = array<i32>} : memref<128x128xf32, #tpu.memory_space<vmem>>, vector<1x16xf32>,
        %get3A_517 = arith.index_cast %add3A_468 : i32 to index
        %get3A_518 = arith.constant 64 : index
        %get3A_519 = tpu.vector_load %arg8[%get3A_517, %get3A_518] {strides = array<i32>} : memref<128x128xf32, #tpu.memory_space<vmem>>, vector<1x16xf32>,
        %get3A_520 = vector.shape_cast %get3A_519 : vector<1x16xf32> to vector<16xf32>
        %mul3A_521 = arith.constant 11.3137083 : f32
        %mul3A_522 = vector.broadcast %mul3A_521 : f32 to vector<16xf32>
        %mul3A_523 = arith.mulf %get3A_520, %mul3A_522 : vector<16xf32>
        %swap3A_524 = arith.index_cast %add3A_468 : i32 to index
        %swap3A_525 = arith.constant 64 : index
        %swap3A_526 = tpu.vector_load %arg8[%swap3A_524, %swap3A_525] {strides = array<i32>} : memref<128x128xf32, #tpu.memory_space<vmem>>, vector<1x16xf32>,
        %swap3A_527 = vector.shape_cast %swap3A_526 : vector<1x16xf32> to vector<16xf32>
        %swap3A_528 = vector.shape_cast %mul3A_523 : vector<16xf32> to vector<1x16xf32>
        tpu.vector_store %arg8[%swap3A_524, %swap3A_525], %swap3A_528 {strides = array<i32>} : memref<128x128xf32, #tpu.memory_space<vmem>>, vector<1x16xf32>,
        %get3A_529 = arith.index_cast %add3A_468 : i32 to index
        %get3A_530 = arith.constant 80 : index
        %get3A_531 = tpu.vector_load %arg8[%get3A_529, %get3A_530] {strides = array<i32>} : memref<128x128xf32, #tpu.memory_space<vmem>>, vector<1x16xf32>,
        %get3A_532 = vector.shape_cast %get3A_531 : vector<1x16xf32> to vector<16xf32>
        %mul3A_533 = arith.constant 11.3137083 : f32
        %mul3A_534 = vector.broadcast %mul3A_533 : f32 to vector<16xf32>
        %mul3A_535 = arith.mulf %get3A_532, %mul3A_534 : vector<16xf32>
        %swap3A_536 = arith.index_cast %add3A_468 : i32 to index
        %swap3A_537 = arith.constant 80 : index
        %swap3A_538 = tpu.vector_load %arg8[%swap3A_536, %swap3A_537] {strides = array<i32>} : memref<128x128xf32, #tpu.memory_space<vmem>>, vector<1x16xf32>,
        %swap3A_539 = vector.shape_cast %swap3A_538 : vector<1x16xf32> to vector<16xf32>
        %swap3A_540 = vector.shape_cast %mul3A_535 : vector<16xf32> to vector<1x16xf32>
        tpu.vector_store %arg8[%swap3A_536, %swap3A_537], %swap3A_540 {strides = array<i32>} : memref<128x128xf32, #tpu.memory_space<vmem>>, vector<1x16xf32>,
        %get3A_541 = arith.index_cast %add3A_468 : i32 to index
        %get3A_542 = arith.constant 96 : index
        %get3A_543 = tpu.vector_load %arg8[%get3A_541, %get3A_542] {strides = array<i32>} : memref<128x128xf32, #tpu.memory_space<vmem>>, vector<1x16xf32>,
        %get3A_544 = vector.shape_cast %get3A_543 : vector<1x16xf32> to vector<16xf32>
        %mul3A_545 = arith.constant 11.3137083 : f32
        %mul3A_546 = vector.broadcast %mul3A_545 : f32 to vector<16xf32>
        %mul3A_547 = arith.mulf %get3A_544, %mul3A_546 : vector<16xf32>
        %swap3A_548 = arith.index_cast %add3A_468 : i32 to index
        %swap3A_549 = arith.constant 96 : index
        %swap3A_550 = tpu.vector_load %arg8[%swap3A_548, %swap3A_549] {strides = array<i32>} : memref<128x128xf32, #tpu.memory_space<vmem>>, vector<1x16xf32>,
        %swap3A_551 = vector.shape_cast %swap3A_550 : vector<1x16xf32> to vector<16xf32>
        %swap3A_552 = vector.shape_cast %mul3A_547 : vector<16xf32> to vector<1x16xf32>
        tpu.vector_store %arg8[%swap3A_548, %swap3A_549], %swap3A_552 {strides = array<i32>} : memref<128x128xf32, #tpu.memory_space<vmem>>, vector<1x16xf32>,
        %get3A_553 = arith.index_cast %add3A_468 : i32 to index
        %get3A_554 = arith.constant 112 : index
        %get3A_555 = tpu.vector_load %arg8[%get3A_553, %get3A_554] {strides = array<i32>} : memref<128x128xf32, #tpu.memory_space<vmem>>, vector<1x16xf32>,
        %get3A_556 = vector.shape_cast %get3A_555 : vector<1x16xf32> to vector<16xf32>
        %mul3A_557 = arith.constant 11.3137083 : f32
        %mul3A_558 = vector.broadcast %mul3A_557 : f32 to vector<16xf32>
        %mul3A_559 = arith.mulf %get3A_556, %mul3A_558 : vector<16xf32>
        %swap3A_560 = arith.index_cast %add3A_468 : i32 to index
        %swap3A_561 = arith.constant 112 : index
        %swap3A_562 = tpu.vector_load %arg8[%swap3A_560, %swap3A_561] {strides = array<i32>} : memref<128x128xf32, #tpu.memory_space<vmem>>, vector<1x16xf32>,
        %swap3A_563 = vector.shape_cast %swap3A_562 : vector<1x16xf32> to vector<16xf32>
        %swap3A_564 = vector.shape_cast %mul3A_559 : vector<16xf32> to vector<1x16xf32>
        tpu.vector_store %arg8[%swap3A_560, %swap3A_561], %swap3A_564 {strides = array<i32>} : memref<128x128xf32, #tpu.memory_space<vmem>>, vector<1x16xf32>,
        %mul3A_565 = arith.constant 4 : i32
        %mul3A_566 = arith.muli %mul3A_565, %scan3A_266 : i32
        %add3A_567 = arith.constant 3 : i32
        %add3A_568 = arith.addi %mul3A_566, %add3A_567 : i32
        %get3A_569 = arith.index_cast %add3A_568 : i32 to index
        %get3A_570 = arith.constant 0 : index
        %get3A_571 = tpu.vector_load %arg8[%get3A_569, %get3A_570] {strides = array<i32>} : memref<128x128xf32, #tpu.memory_space<vmem>>, vector<1x16xf32>,
        %get3A_572 = vector.shape_cast %get3A_571 : vector<1x16xf32> to vector<16xf32>
        %mul3A_573 = arith.constant 11.3137083 : f32
        %mul3A_574 = vector.broadcast %mul3A_573 : f32 to vector<16xf32>
        %mul3A_575 = arith.mulf %get3A_572, %mul3A_574 : vector<16xf32>
        %swap3A_576 = arith.index_cast %add3A_568 : i32 to index
        %swap3A_577 = arith.constant 0 : index
        %swap3A_578 = tpu.vector_load %arg8[%swap3A_576, %swap3A_577] {strides = array<i32>} : memref<128x128xf32, #tpu.memory_space<vmem>>, vector<1x16xf32>,
        %swap3A_579 = vector.shape_cast %swap3A_578 : vector<1x16xf32> to vector<16xf32>
        %swap3A_580 = vector.shape_cast %mul3A_575 : vector<16xf32> to vector<1x16xf32>
        tpu.vector_store %arg8[%swap3A_576, %swap3A_577], %swap3A_580 {strides = array<i32>} : memref<128x128xf32, #tpu.memory_space<vmem>>, vector<1x16xf32>,
        %get3A_581 = arith.index_cast %add3A_568 : i32 to index
        %get3A_582 = arith.constant 16 : index
        %get3A_583 = tpu.vector_load %arg8[%get3A_581, %get3A_582] {strides = array<i32>} : memref<128x128xf32, #tpu.memory_space<vmem>>, vector<1x16xf32>,
        %get3A_584 = vector.shape_cast %get3A_583 : vector<1x16xf32> to vector<16xf32>
        %mul3A_585 = arith.constant 11.3137083 : f32
        %mul3A_586 = vector.broadcast %mul3A_585 : f32 to vector<16xf32>
        %mul3A_587 = arith.mulf %get3A_584, %mul3A_586 : vector<16xf32>
        %swap3A_588 = arith.index_cast %add3A_568 : i32 to index
        %swap3A_589 = arith.constant 16 : index
        %swap3A_590 = tpu.vector_load %arg8[%swap3A_588, %swap3A_589] {strides = array<i32>} : memref<128x128xf32, #tpu.memory_space<vmem>>, vector<1x16xf32>,
        %swap3A_591 = vector.shape_cast %swap3A_590 : vector<1x16xf32> to vector<16xf32>
        %swap3A_592 = vector.shape_cast %mul3A_587 : vector<16xf32> to vector<1x16xf32>
        tpu.vector_store %arg8[%swap3A_588, %swap3A_589], %swap3A_592 {strides = array<i32>} : memref<128x128xf32, #tpu.memory_space<vmem>>, vector<1x16xf32>,
        %get3A_593 = arith.index_cast %add3A_568 : i32 to index
        %get3A_594 = arith.constant 32 : index
        %get3A_595 = tpu.vector_load %arg8[%get3A_593, %get3A_594] {strides = array<i32>} : memref<128x128xf32, #tpu.memory_space<vmem>>, vector<1x16xf32>,
        %get3A_596 = vector.shape_cast %get3A_595 : vector<1x16xf32> to vector<16xf32>
        %mul3A_597 = arith.constant 11.3137083 : f32
        %mul3A_598 = vector.broadcast %mul3A_597 : f32 to vector<16xf32>
        %mul3A_599 = arith.mulf %get3A_596, %mul3A_598 : vector<16xf32>
        %swap3A_600 = arith.index_cast %add3A_568 : i32 to index
        %swap3A_601 = arith.constant 32 : index
        %swap3A_602 = tpu.vector_load %arg8[%swap3A_600, %swap3A_601] {strides = array<i32>} : memref<128x128xf32, #tpu.memory_space<vmem>>, vector<1x16xf32>,
        %swap3A_603 = vector.shape_cast %swap3A_602 : vector<1x16xf32> to vector<16xf32>
        %swap3A_604 = vector.shape_cast %mul3A_599 : vector<16xf32> to vector<1x16xf32>
        tpu.vector_store %arg8[%swap3A_600, %swap3A_601], %swap3A_604 {strides = array<i32>} : memref<128x128xf32, #tpu.memory_space<vmem>>, vector<1x16xf32>,
        %get3A_605 = arith.index_cast %add3A_568 : i32 to index
        %get3A_606 = arith.constant 48 : index
        %get3A_607 = tpu.vector_load %arg8[%get3A_605, %get3A_606] {strides = array<i32>} : memref<128x128xf32, #tpu.memory_space<vmem>>, vector<1x16xf32>,
        %get3A_608 = vector.shape_cast %get3A_607 : vector<1x16xf32> to vector<16xf32>
        %mul3A_609 = arith.constant 11.3137083 : f32
        %mul3A_610 = vector.broadcast %mul3A_609 : f32 to vector<16xf32>
        %mul3A_611 = arith.mulf %get3A_608, %mul3A_610 : vector<16xf32>
        %swap3A_612 = arith.index_cast %add3A_568 : i32 to index
        %swap3A_613 = arith.constant 48 : index
        %swap3A_614 = tpu.vector_load %arg8[%swap3A_612, %swap3A_613] {strides = array<i32>} : memref<128x128xf32, #tpu.memory_space<vmem>>, vector<1x16xf32>,
        %swap3A_615 = vector.shape_cast %swap3A_614 : vector<1x16xf32> to vector<16xf32>
        %swap3A_616 = vector.shape_cast %mul3A_611 : vector<16xf32> to vector<1x16xf32>
        tpu.vector_store %arg8[%swap3A_612, %swap3A_613], %swap3A_616 {strides = array<i32>} : memref<128x128xf32, #tpu.memory_space<vmem>>, vector<1x16xf32>,
        %get3A_617 = arith.index_cast %add3A_568 : i32 to index
        %get3A_618 = arith.constant 64 : index
        %get3A_619 = tpu.vector_load %arg8[%get3A_617, %get3A_618] {strides = array<i32>} : memref<128x128xf32, #tpu.memory_space<vmem>>, vector<1x16xf32>,
        %get3A_620 = vector.shape_cast %get3A_619 : vector<1x16xf32> to vector<16xf32>
        %mul3A_621 = arith.constant 11.3137083 : f32
        %mul3A_622 = vector.broadcast %mul3A_621 : f32 to vector<16xf32>
        %mul3A_623 = arith.mulf %get3A_620, %mul3A_622 : vector<16xf32>
        %swap3A_624 = arith.index_cast %add3A_568 : i32 to index
        %swap3A_625 = arith.constant 64 : index
        %swap3A_626 = tpu.vector_load %arg8[%swap3A_624, %swap3A_625] {strides = array<i32>} : memref<128x128xf32, #tpu.memory_space<vmem>>, vector<1x16xf32>,
        %swap3A_627 = vector.shape_cast %swap3A_626 : vector<1x16xf32> to vector<16xf32>
        %swap3A_628 = vector.shape_cast %mul3A_623 : vector<16xf32> to vector<1x16xf32>
        tpu.vector_store %arg8[%swap3A_624, %swap3A_625], %swap3A_628 {strides = array<i32>} : memref<128x128xf32, #tpu.memory_space<vmem>>, vector<1x16xf32>,
        %get3A_629 = arith.index_cast %add3A_568 : i32 to index
        %get3A_630 = arith.constant 80 : index
        %get3A_631 = tpu.vector_load %arg8[%get3A_629, %get3A_630] {strides = array<i32>} : memref<128x128xf32, #tpu.memory_space<vmem>>, vector<1x16xf32>,
        %get3A_632 = vector.shape_cast %get3A_631 : vector<1x16xf32> to vector<16xf32>
        %mul3A_633 = arith.constant 11.3137083 : f32
        %mul3A_634 = vector.broadcast %mul3A_633 : f32 to vector<16xf32>
        %mul3A_635 = arith.mulf %get3A_632, %mul3A_634 : vector<16xf32>
        %swap3A_636 = arith.index_cast %add3A_568 : i32 to index
        %swap3A_637 = arith.constant 80 : index
        %swap3A_638 = tpu.vector_load %arg8[%swap3A_636, %swap3A_637] {strides = array<i32>} : memref<128x128xf32, #tpu.memory_space<vmem>>, vector<1x16xf32>,
        %swap3A_639 = vector.shape_cast %swap3A_638 : vector<1x16xf32> to vector<16xf32>
        %swap3A_640 = vector.shape_cast %mul3A_635 : vector<16xf32> to vector<1x16xf32>
        tpu.vector_store %arg8[%swap3A_636, %swap3A_637], %swap3A_640 {strides = array<i32>} : memref<128x128xf32, #tpu.memory_space<vmem>>, vector<1x16xf32>,
        %get3A_641 = arith.index_cast %add3A_568 : i32 to index
        %get3A_642 = arith.constant 96 : index
        %get3A_643 = tpu.vector_load %arg8[%get3A_641, %get3A_642] {strides = array<i32>} : memref<128x128xf32, #tpu.memory_space<vmem>>, vector<1x16xf32>,
        %get3A_644 = vector.shape_cast %get3A_643 : vector<1x16xf32> to vector<16xf32>
        %mul3A_645 = arith.constant 11.3137083 : f32
        %mul3A_646 = vector.broadcast %mul3A_645 : f32 to vector<16xf32>
        %mul3A_647 = arith.mulf %get3A_644, %mul3A_646 : vector<16xf32>
        %swap3A_648 = arith.index_cast %add3A_568 : i32 to index
        %swap3A_649 = arith.constant 96 : index
        %swap3A_650 = tpu.vector_load %arg8[%swap3A_648, %swap3A_649] {strides = array<i32>} : memref<128x128xf32, #tpu.memory_space<vmem>>, vector<1x16xf32>,
        %swap3A_651 = vector.shape_cast %swap3A_650 : vector<1x16xf32> to vector<16xf32>
        %swap3A_652 = vector.shape_cast %mul3A_647 : vector<16xf32> to vector<1x16xf32>
        tpu.vector_store %arg8[%swap3A_648, %swap3A_649], %swap3A_652 {strides = array<i32>} : memref<128x128xf32, #tpu.memory_space<vmem>>, vector<1x16xf32>,
        %get3A_653 = arith.index_cast %add3A_568 : i32 to index
        %get3A_654 = arith.constant 112 : index
        %get3A_655 = tpu.vector_load %arg8[%get3A_653, %get3A_654] {strides = array<i32>} : memref<128x128xf32, #tpu.memory_space<vmem>>, vector<1x16xf32>,
        %get3A_656 = vector.shape_cast %get3A_655 : vector<1x16xf32> to vector<16xf32>
        %mul3A_657 = arith.constant 11.3137083 : f32
        %mul3A_658 = vector.broadcast %mul3A_657 : f32 to vector<16xf32>
        %mul3A_659 = arith.mulf %get3A_656, %mul3A_658 : vector<16xf32>
        %swap3A_660 = arith.index_cast %add3A_568 : i32 to index
        %swap3A_661 = arith.constant 112 : index
        %swap3A_662 = tpu.vector_load %arg8[%swap3A_660, %swap3A_661] {strides = array<i32>} : memref<128x128xf32, #tpu.memory_space<vmem>>, vector<1x16xf32>,
        %swap3A_663 = vector.shape_cast %swap3A_662 : vector<1x16xf32> to vector<16xf32>
        %swap3A_664 = vector.shape_cast %mul3A_659 : vector<16xf32> to vector<1x16xf32>
        tpu.vector_store %arg8[%swap3A_660, %swap3A_661], %swap3A_664 {strides = array<i32>} : memref<128x128xf32, #tpu.memory_space<vmem>>, vector<1x16xf32>,
      }
      %scan3A_155 = arith.constant 32 : i32
      %sub3A = arith.constant 2 : i32
      %sub3A_156 = arith.subi %add3A_132, %sub3A : i32
      %mul3A_157 = arith.constant 128 : i32
      %mul3A_158 = arith.muli %sub3A_156, %mul3A_157 : i32
      %add3A_159 = arith.addi %mul3A_4, %mul3A_158 : i32
      %dma_start3A_160 = arith.constant 0 : i32
      %dma_start3A_161 = tpu.memref_slice %arg4[%add3A_159, %dma_start3A_160] : memref<819200x128xf32, #tpu.memory_space<hbm>> -> memref<128x128xf32, #tpu.memory_space<hbm>>
      %dma_start3A_162 = arith.constant 0 : i32
      %dma_start3A_163 = tpu.memref_slice %arg4[%add3A_159, %dma_start3A_162] : memref<819200x128xf32, #tpu.memory_space<hbm>> -> memref<128x128xf32, #tpu.memory_space<hbm>>
      tpu.enqueue_dma source(%arg8 : memref<128x128xf32, #tpu.memory_space<vmem>>) target(%dma_start3A_163 : memref<128x128xf32, #tpu.memory_space<hbm>>) target_semaphore(%arg16 : memref<!tpu.dma_semaphore, #tpu.memory_space<semaphore_mem>>)
      %add3A_164 = arith.constant 1 : i32
      %add3A_165 = arith.addi %mul3A_130, %add3A_164 : i32
      %dma_wait3A_166 = arith.constant 0 : i32
      %dma_wait3A_167 = tpu.memref_slice %arg4[%mul3A_4, %dma_wait3A_166] : memref<819200x128xf32, #tpu.memory_space<hbm>> -> memref<128x128xf32, #tpu.memory_space<hbm>>
      %dma_wait3A_168 = arith.constant 0 : i32
      %dma_wait3A_169 = tpu.memref_slice %arg4[%mul3A_4, %dma_wait3A_168] : memref<819200x128xf32, #tpu.memory_space<hbm>> -> memref<128x128xf32, #tpu.memory_space<hbm>>
      tpu.wait_dma2 semaphore(%arg15 : memref<!tpu.dma_semaphore, #tpu.memory_space<semaphore_mem>>) src(%arg7 : memref<128x128xf32, #tpu.memory_space<vmem>>) dst(%dma_wait3A_169 : memref<128x128xf32, #tpu.memory_space<hbm>>)
      %dma_start3A_170 = arith.constant 0 : i32
      %dma_start3A_171 = tpu.memref_slice %arg5[%add3A_165, %dma_start3A_170] : memref<200x128xi32, #tpu.memory_space<vmem>> -> memref<1x128xi32, #tpu.memory_space<vmem>>
      %dma_start3A_172 = tpu.memref_squeeze %dma_start3A_171 : memref<1x128xi32, #tpu.memory_space<vmem>> -> memref<128xi32, #tpu.memory_space<vmem>>
      %dma_start3A_173 = arith.constant 0 : i32
      %dma_start3A_174 = arith.constant 0 : i32
      %dma_start3A_175 = tpu.memref_slice %arg2[%dma_start3A_173, %dma_start3A_174] : memref<100000x128xf32, #tpu.memory_space<hbm>> -> memref<100000x128xf32, #tpu.memory_space<hbm>>
      tpu.enqueue_indirect_dma source(%dma_start3A_175 : memref<100000x128xf32, #tpu.memory_space<hbm>>) target(%arg7 : memref<128x128xf32, #tpu.memory_space<vmem>>) offsets(%dma_start3A_172 : memref<128xi32, #tpu.memory_space<vmem>>) semaphore(%arg11 : memref<!tpu.dma_semaphore, #tpu.memory_space<semaphore_mem>>)
      %dma_wait3A_176 = arith.constant 0 : i32
      %dma_wait3A_177 = arith.constant 0 : i32
      %dma_wait3A_178 = tpu.memref_slice %arg5[%dma_wait3A_176, %dma_wait3A_177] : memref<200x128xi32, #tpu.memory_space<vmem>> -> memref<1x128xi32, #tpu.memory_space<vmem>>
      %dma_wait3A_179 = tpu.memref_squeeze %dma_wait3A_178 : memref<1x128xi32, #tpu.memory_space<vmem>> -> memref<128xi32, #tpu.memory_space<vmem>>
      %dma_wait3A_180 = arith.constant 0 : i32
      %dma_wait3A_181 = arith.constant 0 : i32
      %dma_wait3A_182 = tpu.memref_slice %arg2[%dma_wait3A_180, %dma_wait3A_181] : memref<100000x128xf32, #tpu.memory_space<hbm>> -> memref<100000x128xf32, #tpu.memory_space<hbm>>
      tpu.wait_indirect_dma semaphore(%arg13 : memref<!tpu.dma_semaphore, #tpu.memory_space<semaphore_mem>>) src(%dma_wait3A_182 : memref<100000x128xf32, #tpu.memory_space<hbm>>) dst(%arg9 : memref<128x128xf32, #tpu.memory_space<vmem>>)
      %scan3A_183 = arith.constant 0 : i32
      %scan3A_184 = arith.constant 0 : i32
      %scan3A_185 = arith.constant 32 : i32
      %scan3A_186 = arith.addi %scan3A_184, %scan3A_185 : i32
      %scan3A_187 = arith.constant 1 : i32
      scf.for %scan3A_266 = %scan3A_184 to %scan3A_186 step %scan3A_187  : i32 {
        %mul3A_267 = arith.constant 4 : i32
        %mul3A_268 = arith.muli %mul3A_267, %scan3A_266 : i32
        %add3A_269 = arith.constant 0 : i32
        %add3A_270 = arith.addi %mul3A_268, %add3A_269 : i32
        %get3A = arith.index_cast %add3A_270 : i32 to index
        %get3A_271 = arith.constant 0 : index
        %get3A_272 = tpu.vector_load %arg9[%get3A, %get3A_271] {strides = array<i32>} : memref<128x128xf32, #tpu.memory_space<vmem>>, vector<1x16xf32>,
        %get3A_273 = vector.shape_cast %get3A_272 : vector<1x16xf32> to vector<16xf32>
        %mul3A_274 = arith.constant 11.3137083 : f32
        %mul3A_275 = vector.broadcast %mul3A_274 : f32 to vector<16xf32>
        %mul3A_276 = arith.mulf %get3A_273, %mul3A_275 : vector<16xf32>
        %swap3A = arith.index_cast %add3A_270 : i32 to index
        %swap3A_277 = arith.constant 0 : index
        %swap3A_278 = tpu.vector_load %arg9[%swap3A, %swap3A_277] {strides = array<i32>} : memref<128x128xf32, #tpu.memory_space<vmem>>, vector<1x16xf32>,
        %swap3A_279 = vector.shape_cast %swap3A_278 : vector<1x16xf32> to vector<16xf32>
        %swap3A_280 = vector.shape_cast %mul3A_276 : vector<16xf32> to vector<1x16xf32>
        tpu.vector_store %arg9[%swap3A, %swap3A_277], %swap3A_280 {strides = array<i32>} : memref<128x128xf32, #tpu.memory_space<vmem>>, vector<1x16xf32>,
        %get3A_281 = arith.index_cast %add3A_270 : i32 to index
        %get3A_282 = arith.constant 16 : index
        %get3A_283 = tpu.vector_load %arg9[%get3A_281, %get3A_282] {strides = array<i32>} : memref<128x128xf32, #tpu.memory_space<vmem>>, vector<1x16xf32>,
        %get3A_284 = vector.shape_cast %get3A_283 : vector<1x16xf32> to vector<16xf32>
        %mul3A_285 = arith.constant 11.3137083 : f32
        %mul3A_286 = vector.broadcast %mul3A_285 : f32 to vector<16xf32>
        %mul3A_287 = arith.mulf %get3A_284, %mul3A_286 : vector<16xf32>
        %swap3A_288 = arith.index_cast %add3A_270 : i32 to index
        %swap3A_289 = arith.constant 16 : index
        %swap3A_290 = tpu.vector_load %arg9[%swap3A_288, %swap3A_289] {strides = array<i32>} : memref<128x128xf32, #tpu.memory_space<vmem>>, vector<1x16xf32>,
        %swap3A_291 = vector.shape_cast %swap3A_290 : vector<1x16xf32> to vector<16xf32>
        %swap3A_292 = vector.shape_cast %mul3A_287 : vector<16xf32> to vector<1x16xf32>
        tpu.vector_store %arg9[%swap3A_288, %swap3A_289], %swap3A_292 {strides = array<i32>} : memref<128x128xf32, #tpu.memory_space<vmem>>, vector<1x16xf32>,
        %get3A_293 = arith.index_cast %add3A_270 : i32 to index
        %get3A_294 = arith.constant 32 : index
        %get3A_295 = tpu.vector_load %arg9[%get3A_293, %get3A_294] {strides = array<i32>} : memref<128x128xf32, #tpu.memory_space<vmem>>, vector<1x16xf32>,
        %get3A_296 = vector.shape_cast %get3A_295 : vector<1x16xf32> to vector<16xf32>
        %mul3A_297 = arith.constant 11.3137083 : f32
        %mul3A_298 = vector.broadcast %mul3A_297 : f32 to vector<16xf32>
        %mul3A_299 = arith.mulf %get3A_296, %mul3A_298 : vector<16xf32>
        %swap3A_300 = arith.index_cast %add3A_270 : i32 to index
        %swap3A_301 = arith.constant 32 : index
        %swap3A_302 = tpu.vector_load %arg9[%swap3A_300, %swap3A_301] {strides = array<i32>} : memref<128x128xf32, #tpu.memory_space<vmem>>, vector<1x16xf32>,
        %swap3A_303 = vector.shape_cast %swap3A_302 : vector<1x16xf32> to vector<16xf32>
        %swap3A_304 = vector.shape_cast %mul3A_299 : vector<16xf32> to vector<1x16xf32>
        tpu.vector_store %arg9[%swap3A_300, %swap3A_301], %swap3A_304 {strides = array<i32>} : memref<128x128xf32, #tpu.memory_space<vmem>>, vector<1x16xf32>,
        %get3A_305 = arith.index_cast %add3A_270 : i32 to index
        %get3A_306 = arith.constant 48 : index
        %get3A_307 = tpu.vector_load %arg9[%get3A_305, %get3A_306] {strides = array<i32>} : memref<128x128xf32, #tpu.memory_space<vmem>>, vector<1x16xf32>,
        %get3A_308 = vector.shape_cast %get3A_307 : vector<1x16xf32> to vector<16xf32>
        %mul3A_309 = arith.constant 11.3137083 : f32
        %mul3A_310 = vector.broadcast %mul3A_309 : f32 to vector<16xf32>
        %mul3A_311 = arith.mulf %get3A_308, %mul3A_310 : vector<16xf32>
        %swap3A_312 = arith.index_cast %add3A_270 : i32 to index
        %swap3A_313 = arith.constant 48 : index
        %swap3A_314 = tpu.vector_load %arg9[%swap3A_312, %swap3A_313] {strides = array<i32>} : memref<128x128xf32, #tpu.memory_space<vmem>>, vector<1x16xf32>,
        %swap3A_315 = vector.shape_cast %swap3A_314 : vector<1x16xf32> to vector<16xf32>
        %swap3A_316 = vector.shape_cast %mul3A_311 : vector<16xf32> to vector<1x16xf32>
        tpu.vector_store %arg9[%swap3A_312, %swap3A_313], %swap3A_316 {strides = array<i32>} : memref<128x128xf32, #tpu.memory_space<vmem>>, vector<1x16xf32>,
        %get3A_317 = arith.index_cast %add3A_270 : i32 to index
        %get3A_318 = arith.constant 64 : index
        %get3A_319 = tpu.vector_load %arg9[%get3A_317, %get3A_318] {strides = array<i32>} : memref<128x128xf32, #tpu.memory_space<vmem>>, vector<1x16xf32>,
        %get3A_320 = vector.shape_cast %get3A_319 : vector<1x16xf32> to vector<16xf32>
        %mul3A_321 = arith.constant 11.3137083 : f32
        %mul3A_322 = vector.broadcast %mul3A_321 : f32 to vector<16xf32>
        %mul3A_323 = arith.mulf %get3A_320, %mul3A_322 : vector<16xf32>
        %swap3A_324 = arith.index_cast %add3A_270 : i32 to index
        %swap3A_325 = arith.constant 64 : index
        %swap3A_326 = tpu.vector_load %arg9[%swap3A_324, %swap3A_325] {strides = array<i32>} : memref<128x128xf32, #tpu.memory_space<vmem>>, vector<1x16xf32>,
        %swap3A_327 = vector.shape_cast %swap3A_326 : vector<1x16xf32> to vector<16xf32>
        %swap3A_328 = vector.shape_cast %mul3A_323 : vector<16xf32> to vector<1x16xf32>
        tpu.vector_store %arg9[%swap3A_324, %swap3A_325], %swap3A_328 {strides = array<i32>} : memref<128x128xf32, #tpu.memory_space<vmem>>, vector<1x16xf32>,
        %get3A_329 = arith.index_cast %add3A_270 : i32 to index
        %get3A_330 = arith.constant 80 : index
        %get3A_331 = tpu.vector_load %arg9[%get3A_329, %get3A_330] {strides = array<i32>} : memref<128x128xf32, #tpu.memory_space<vmem>>, vector<1x16xf32>,
        %get3A_332 = vector.shape_cast %get3A_331 : vector<1x16xf32> to vector<16xf32>
        %mul3A_333 = arith.constant 11.3137083 : f32
        %mul3A_334 = vector.broadcast %mul3A_333 : f32 to vector<16xf32>
        %mul3A_335 = arith.mulf %get3A_332, %mul3A_334 : vector<16xf32>
        %swap3A_336 = arith.index_cast %add3A_270 : i32 to index
        %swap3A_337 = arith.constant 80 : index
        %swap3A_338 = tpu.vector_load %arg9[%swap3A_336, %swap3A_337] {strides = array<i32>} : memref<128x128xf32, #tpu.memory_space<vmem>>, vector<1x16xf32>,
        %swap3A_339 = vector.shape_cast %swap3A_338 : vector<1x16xf32> to vector<16xf32>
        %swap3A_340 = vector.shape_cast %mul3A_335 : vector<16xf32> to vector<1x16xf32>
        tpu.vector_store %arg9[%swap3A_336, %swap3A_337], %swap3A_340 {strides = array<i32>} : memref<128x128xf32, #tpu.memory_space<vmem>>, vector<1x16xf32>,
        %get3A_341 = arith.index_cast %add3A_270 : i32 to index
        %get3A_342 = arith.constant 96 : index
        %get3A_343 = tpu.vector_load %arg9[%get3A_341, %get3A_342] {strides = array<i32>} : memref<128x128xf32, #tpu.memory_space<vmem>>, vector<1x16xf32>,
        %get3A_344 = vector.shape_cast %get3A_343 : vector<1x16xf32> to vector<16xf32>
        %mul3A_345 = arith.constant 11.3137083 : f32
        %mul3A_346 = vector.broadcast %mul3A_345 : f32 to vector<16xf32>
        %mul3A_347 = arith.mulf %get3A_344, %mul3A_346 : vector<16xf32>
        %swap3A_348 = arith.index_cast %add3A_270 : i32 to index
        %swap3A_349 = arith.constant 96 : index
        %swap3A_350 = tpu.vector_load %arg9[%swap3A_348, %swap3A_349] {strides = array<i32>} : memref<128x128xf32, #tpu.memory_space<vmem>>, vector<1x16xf32>,
        %swap3A_351 = vector.shape_cast %swap3A_350 : vector<1x16xf32> to vector<16xf32>
        %swap3A_352 = vector.shape_cast %mul3A_347 : vector<16xf32> to vector<1x16xf32>
        tpu.vector_store %arg9[%swap3A_348, %swap3A_349], %swap3A_352 {strides = array<i32>} : memref<128x128xf32, #tpu.memory_space<vmem>>, vector<1x16xf32>,
        %get3A_353 = arith.index_cast %add3A_270 : i32 to index
        %get3A_354 = arith.constant 112 : index
        %get3A_355 = tpu.vector_load %arg9[%get3A_353, %get3A_354] {strides = array<i32>} : memref<128x128xf32, #tpu.memory_space<vmem>>, vector<1x16xf32>,
        %get3A_356 = vector.shape_cast %get3A_355 : vector<1x16xf32> to vector<16xf32>
        %mul3A_357 = arith.constant 11.3137083 : f32
        %mul3A_358 = vector.broadcast %mul3A_357 : f32 to vector<16xf32>
        %mul3A_359 = arith.mulf %get3A_356, %mul3A_358 : vector<16xf32>
        %swap3A_360 = arith.index_cast %add3A_270 : i32 to index
        %swap3A_361 = arith.constant 112 : index
        %swap3A_362 = tpu.vector_load %arg9[%swap3A_360, %swap3A_361] {strides = array<i32>} : memref<128x128xf32, #tpu.memory_space<vmem>>, vector<1x16xf32>,
        %swap3A_363 = vector.shape_cast %swap3A_362 : vector<1x16xf32> to vector<16xf32>
        %swap3A_364 = vector.shape_cast %mul3A_359 : vector<16xf32> to vector<1x16xf32>
        tpu.vector_store %arg9[%swap3A_360, %swap3A_361], %swap3A_364 {strides = array<i32>} : memref<128x128xf32, #tpu.memory_space<vmem>>, vector<1x16xf32>,
        %mul3A_365 = arith.constant 4 : i32
        %mul3A_366 = arith.muli %mul3A_365, %scan3A_266 : i32
        %add3A_367 = arith.constant 1 : i32
        %add3A_368 = arith.addi %mul3A_366, %add3A_367 : i32
        %get3A_369 = arith.index_cast %add3A_368 : i32 to index
        %get3A_370 = arith.constant 0 : index
        %get3A_371 = tpu.vector_load %arg9[%get3A_369, %get3A_370] {strides = array<i32>} : memref<128x128xf32, #tpu.memory_space<vmem>>, vector<1x16xf32>,
        %get3A_372 = vector.shape_cast %get3A_371 : vector<1x16xf32> to vector<16xf32>
        %mul3A_373 = arith.constant 11.3137083 : f32
        %mul3A_374 = vector.broadcast %mul3A_373 : f32 to vector<16xf32>
        %mul3A_375 = arith.mulf %get3A_372, %mul3A_374 : vector<16xf32>
        %swap3A_376 = arith.index_cast %add3A_368 : i32 to index
        %swap3A_377 = arith.constant 0 : index
        %swap3A_378 = tpu.vector_load %arg9[%swap3A_376, %swap3A_377] {strides = array<i32>} : memref<128x128xf32, #tpu.memory_space<vmem>>, vector<1x16xf32>,
        %swap3A_379 = vector.shape_cast %swap3A_378 : vector<1x16xf32> to vector<16xf32>
        %swap3A_380 = vector.shape_cast %mul3A_375 : vector<16xf32> to vector<1x16xf32>
        tpu.vector_store %arg9[%swap3A_376, %swap3A_377], %swap3A_380 {strides = array<i32>} : memref<128x128xf32, #tpu.memory_space<vmem>>, vector<1x16xf32>,
        %get3A_381 = arith.index_cast %add3A_368 : i32 to index
        %get3A_382 = arith.constant 16 : index
        %get3A_383 = tpu.vector_load %arg9[%get3A_381, %get3A_382] {strides = array<i32>} : memref<128x128xf32, #tpu.memory_space<vmem>>, vector<1x16xf32>,
        %get3A_384 = vector.shape_cast %get3A_383 : vector<1x16xf32> to vector<16xf32>
        %mul3A_385 = arith.constant 11.3137083 : f32
        %mul3A_386 = vector.broadcast %mul3A_385 : f32 to vector<16xf32>
        %mul3A_387 = arith.mulf %get3A_384, %mul3A_386 : vector<16xf32>
        %swap3A_388 = arith.index_cast %add3A_368 : i32 to index
        %swap3A_389 = arith.constant 16 : index
        %swap3A_390 = tpu.vector_load %arg9[%swap3A_388, %swap3A_389] {strides = array<i32>} : memref<128x128xf32, #tpu.memory_space<vmem>>, vector<1x16xf32>,
        %swap3A_391 = vector.shape_cast %swap3A_390 : vector<1x16xf32> to vector<16xf32>
        %swap3A_392 = vector.shape_cast %mul3A_387 : vector<16xf32> to vector<1x16xf32>
        tpu.vector_store %arg9[%swap3A_388, %swap3A_389], %swap3A_392 {strides = array<i32>} : memref<128x128xf32, #tpu.memory_space<vmem>>, vector<1x16xf32>,
        %get3A_393 = arith.index_cast %add3A_368 : i32 to index
        %get3A_394 = arith.constant 32 : index
        %get3A_395 = tpu.vector_load %arg9[%get3A_393, %get3A_394] {strides = array<i32>} : memref<128x128xf32, #tpu.memory_space<vmem>>, vector<1x16xf32>,
        %get3A_396 = vector.shape_cast %get3A_395 : vector<1x16xf32> to vector<16xf32>
        %mul3A_397 = arith.constant 11.3137083 : f32
        %mul3A_398 = vector.broadcast %mul3A_397 : f32 to vector<16xf32>
        %mul3A_399 = arith.mulf %get3A_396, %mul3A_398 : vector<16xf32>
        %swap3A_400 = arith.index_cast %add3A_368 : i32 to index
        %swap3A_401 = arith.constant 32 : index
        %swap3A_402 = tpu.vector_load %arg9[%swap3A_400, %swap3A_401] {strides = array<i32>} : memref<128x128xf32, #tpu.memory_space<vmem>>, vector<1x16xf32>,
        %swap3A_403 = vector.shape_cast %swap3A_402 : vector<1x16xf32> to vector<16xf32>
        %swap3A_404 = vector.shape_cast %mul3A_399 : vector<16xf32> to vector<1x16xf32>
        tpu.vector_store %arg9[%swap3A_400, %swap3A_401], %swap3A_404 {strides = array<i32>} : memref<128x128xf32, #tpu.memory_space<vmem>>, vector<1x16xf32>,
        %get3A_405 = arith.index_cast %add3A_368 : i32 to index
        %get3A_406 = arith.constant 48 : index
        %get3A_407 = tpu.vector_load %arg9[%get3A_405, %get3A_406] {strides = array<i32>} : memref<128x128xf32, #tpu.memory_space<vmem>>, vector<1x16xf32>,
        %get3A_408 = vector.shape_cast %get3A_407 : vector<1x16xf32> to vector<16xf32>
        %mul3A_409 = arith.constant 11.3137083 : f32
        %mul3A_410 = vector.broadcast %mul3A_409 : f32 to vector<16xf32>
        %mul3A_411 = arith.mulf %get3A_408, %mul3A_410 : vector<16xf32>
        %swap3A_412 = arith.index_cast %add3A_368 : i32 to index
        %swap3A_413 = arith.constant 48 : index
        %swap3A_414 = tpu.vector_load %arg9[%swap3A_412, %swap3A_413] {strides = array<i32>} : memref<128x128xf32, #tpu.memory_space<vmem>>, vector<1x16xf32>,
        %swap3A_415 = vector.shape_cast %swap3A_414 : vector<1x16xf32> to vector<16xf32>
        %swap3A_416 = vector.shape_cast %mul3A_411 : vector<16xf32> to vector<1x16xf32>
        tpu.vector_store %arg9[%swap3A_412, %swap3A_413], %swap3A_416 {strides = array<i32>} : memref<128x128xf32, #tpu.memory_space<vmem>>, vector<1x16xf32>,
        %get3A_417 = arith.index_cast %add3A_368 : i32 to index
        %get3A_418 = arith.constant 64 : index
        %get3A_419 = tpu.vector_load %arg9[%get3A_417, %get3A_418] {strides = array<i32>} : memref<128x128xf32, #tpu.memory_space<vmem>>, vector<1x16xf32>,
        %get3A_420 = vector.shape_cast %get3A_419 : vector<1x16xf32> to vector<16xf32>
        %mul3A_421 = arith.constant 11.3137083 : f32
        %mul3A_422 = vector.broadcast %mul3A_421 : f32 to vector<16xf32>
        %mul3A_423 = arith.mulf %get3A_420, %mul3A_422 : vector<16xf32>
        %swap3A_424 = arith.index_cast %add3A_368 : i32 to index
        %swap3A_425 = arith.constant 64 : index
        %swap3A_426 = tpu.vector_load %arg9[%swap3A_424, %swap3A_425] {strides = array<i32>} : memref<128x128xf32, #tpu.memory_space<vmem>>, vector<1x16xf32>,
        %swap3A_427 = vector.shape_cast %swap3A_426 : vector<1x16xf32> to vector<16xf32>
        %swap3A_428 = vector.shape_cast %mul3A_423 : vector<16xf32> to vector<1x16xf32>
        tpu.vector_store %arg9[%swap3A_424, %swap3A_425], %swap3A_428 {strides = array<i32>} : memref<128x128xf32, #tpu.memory_space<vmem>>, vector<1x16xf32>,
        %get3A_429 = arith.index_cast %add3A_368 : i32 to index
        %get3A_430 = arith.constant 80 : index
        %get3A_431 = tpu.vector_load %arg9[%get3A_429, %get3A_430] {strides = array<i32>} : memref<128x128xf32, #tpu.memory_space<vmem>>, vector<1x16xf32>,
        %get3A_432 = vector.shape_cast %get3A_431 : vector<1x16xf32> to vector<16xf32>
        %mul3A_433 = arith.constant 11.3137083 : f32
        %mul3A_434 = vector.broadcast %mul3A_433 : f32 to vector<16xf32>
        %mul3A_435 = arith.mulf %get3A_432, %mul3A_434 : vector<16xf32>
        %swap3A_436 = arith.index_cast %add3A_368 : i32 to index
        %swap3A_437 = arith.constant 80 : index
        %swap3A_438 = tpu.vector_load %arg9[%swap3A_436, %swap3A_437] {strides = array<i32>} : memref<128x128xf32, #tpu.memory_space<vmem>>, vector<1x16xf32>,
        %swap3A_439 = vector.shape_cast %swap3A_438 : vector<1x16xf32> to vector<16xf32>
        %swap3A_440 = vector.shape_cast %mul3A_435 : vector<16xf32> to vector<1x16xf32>
        tpu.vector_store %arg9[%swap3A_436, %swap3A_437], %swap3A_440 {strides = array<i32>} : memref<128x128xf32, #tpu.memory_space<vmem>>, vector<1x16xf32>,
        %get3A_441 = arith.index_cast %add3A_368 : i32 to index
        %get3A_442 = arith.constant 96 : index
        %get3A_443 = tpu.vector_load %arg9[%get3A_441, %get3A_442] {strides = array<i32>} : memref<128x128xf32, #tpu.memory_space<vmem>>, vector<1x16xf32>,
        %get3A_444 = vector.shape_cast %get3A_443 : vector<1x16xf32> to vector<16xf32>
        %mul3A_445 = arith.constant 11.3137083 : f32
        %mul3A_446 = vector.broadcast %mul3A_445 : f32 to vector<16xf32>
        %mul3A_447 = arith.mulf %get3A_444, %mul3A_446 : vector<16xf32>
        %swap3A_448 = arith.index_cast %add3A_368 : i32 to index
        %swap3A_449 = arith.constant 96 : index
        %swap3A_450 = tpu.vector_load %arg9[%swap3A_448, %swap3A_449] {strides = array<i32>} : memref<128x128xf32, #tpu.memory_space<vmem>>, vector<1x16xf32>,
        %swap3A_451 = vector.shape_cast %swap3A_450 : vector<1x16xf32> to vector<16xf32>
        %swap3A_452 = vector.shape_cast %mul3A_447 : vector<16xf32> to vector<1x16xf32>
        tpu.vector_store %arg9[%swap3A_448, %swap3A_449], %swap3A_452 {strides = array<i32>} : memref<128x128xf32, #tpu.memory_space<vmem>>, vector<1x16xf32>,
        %get3A_453 = arith.index_cast %add3A_368 : i32 to index
        %get3A_454 = arith.constant 112 : index
        %get3A_455 = tpu.vector_load %arg9[%get3A_453, %get3A_454] {strides = array<i32>} : memref<128x128xf32, #tpu.memory_space<vmem>>, vector<1x16xf32>,
        %get3A_456 = vector.shape_cast %get3A_455 : vector<1x16xf32> to vector<16xf32>
        %mul3A_457 = arith.constant 11.3137083 : f32
        %mul3A_458 = vector.broadcast %mul3A_457 : f32 to vector<16xf32>
        %mul3A_459 = arith.mulf %get3A_456, %mul3A_458 : vector<16xf32>
        %swap3A_460 = arith.index_cast %add3A_368 : i32 to index
        %swap3A_461 = arith.constant 112 : index
        %swap3A_462 = tpu.vector_load %arg9[%swap3A_460, %swap3A_461] {strides = array<i32>} : memref<128x128xf32, #tpu.memory_space<vmem>>, vector<1x16xf32>,
        %swap3A_463 = vector.shape_cast %swap3A_462 : vector<1x16xf32> to vector<16xf32>
        %swap3A_464 = vector.shape_cast %mul3A_459 : vector<16xf32> to vector<1x16xf32>
        tpu.vector_store %arg9[%swap3A_460, %swap3A_461], %swap3A_464 {strides = array<i32>} : memref<128x128xf32, #tpu.memory_space<vmem>>, vector<1x16xf32>,
        %mul3A_465 = arith.constant 4 : i32
        %mul3A_466 = arith.muli %mul3A_465, %scan3A_266 : i32
        %add3A_467 = arith.constant 2 : i32
        %add3A_468 = arith.addi %mul3A_466, %add3A_467 : i32
        %get3A_469 = arith.index_cast %add3A_468 : i32 to index
        %get3A_470 = arith.constant 0 : index
        %get3A_471 = tpu.vector_load %arg9[%get3A_469, %get3A_470] {strides = array<i32>} : memref<128x128xf32, #tpu.memory_space<vmem>>, vector<1x16xf32>,
        %get3A_472 = vector.shape_cast %get3A_471 : vector<1x16xf32> to vector<16xf32>
        %mul3A_473 = arith.constant 11.3137083 : f32
        %mul3A_474 = vector.broadcast %mul3A_473 : f32 to vector<16xf32>
        %mul3A_475 = arith.mulf %get3A_472, %mul3A_474 : vector<16xf32>
        %swap3A_476 = arith.index_cast %add3A_468 : i32 to index
        %swap3A_477 = arith.constant 0 : index
        %swap3A_478 = tpu.vector_load %arg9[%swap3A_476, %swap3A_477] {strides = array<i32>} : memref<128x128xf32, #tpu.memory_space<vmem>>, vector<1x16xf32>,
        %swap3A_479 = vector.shape_cast %swap3A_478 : vector<1x16xf32> to vector<16xf32>
        %swap3A_480 = vector.shape_cast %mul3A_475 : vector<16xf32> to vector<1x16xf32>
        tpu.vector_store %arg9[%swap3A_476, %swap3A_477], %swap3A_480 {strides = array<i32>} : memref<128x128xf32, #tpu.memory_space<vmem>>, vector<1x16xf32>,
        %get3A_481 = arith.index_cast %add3A_468 : i32 to index
        %get3A_482 = arith.constant 16 : index
        %get3A_483 = tpu.vector_load %arg9[%get3A_481, %get3A_482] {strides = array<i32>} : memref<128x128xf32, #tpu.memory_space<vmem>>, vector<1x16xf32>,
        %get3A_484 = vector.shape_cast %get3A_483 : vector<1x16xf32> to vector<16xf32>
        %mul3A_485 = arith.constant 11.3137083 : f32
        %mul3A_486 = vector.broadcast %mul3A_485 : f32 to vector<16xf32>
        %mul3A_487 = arith.mulf %get3A_484, %mul3A_486 : vector<16xf32>
        %swap3A_488 = arith.index_cast %add3A_468 : i32 to index
        %swap3A_489 = arith.constant 16 : index
        %swap3A_490 = tpu.vector_load %arg9[%swap3A_488, %swap3A_489] {strides = array<i32>} : memref<128x128xf32, #tpu.memory_space<vmem>>, vector<1x16xf32>,
        %swap3A_491 = vector.shape_cast %swap3A_490 : vector<1x16xf32> to vector<16xf32>
        %swap3A_492 = vector.shape_cast %mul3A_487 : vector<16xf32> to vector<1x16xf32>
        tpu.vector_store %arg9[%swap3A_488, %swap3A_489], %swap3A_492 {strides = array<i32>} : memref<128x128xf32, #tpu.memory_space<vmem>>, vector<1x16xf32>,
        %get3A_493 = arith.index_cast %add3A_468 : i32 to index
        %get3A_494 = arith.constant 32 : index
        %get3A_495 = tpu.vector_load %arg9[%get3A_493, %get3A_494] {strides = array<i32>} : memref<128x128xf32, #tpu.memory_space<vmem>>, vector<1x16xf32>,
        %get3A_496 = vector.shape_cast %get3A_495 : vector<1x16xf32> to vector<16xf32>
        %mul3A_497 = arith.constant 11.3137083 : f32
        %mul3A_498 = vector.broadcast %mul3A_497 : f32 to vector<16xf32>
        %mul3A_499 = arith.mulf %get3A_496, %mul3A_498 : vector<16xf32>
        %swap3A_500 = arith.index_cast %add3A_468 : i32 to index
        %swap3A_501 = arith.constant 32 : index
        %swap3A_502 = tpu.vector_load %arg9[%swap3A_500, %swap3A_501] {strides = array<i32>} : memref<128x128xf32, #tpu.memory_space<vmem>>, vector<1x16xf32>,
        %swap3A_503 = vector.shape_cast %swap3A_502 : vector<1x16xf32> to vector<16xf32>
        %swap3A_504 = vector.shape_cast %mul3A_499 : vector<16xf32> to vector<1x16xf32>
        tpu.vector_store %arg9[%swap3A_500, %swap3A_501], %swap3A_504 {strides = array<i32>} : memref<128x128xf32, #tpu.memory_space<vmem>>, vector<1x16xf32>,
        %get3A_505 = arith.index_cast %add3A_468 : i32 to index
        %get3A_506 = arith.constant 48 : index
        %get3A_507 = tpu.vector_load %arg9[%get3A_505, %get3A_506] {strides = array<i32>} : memref<128x128xf32, #tpu.memory_space<vmem>>, vector<1x16xf32>,
        %get3A_508 = vector.shape_cast %get3A_507 : vector<1x16xf32> to vector<16xf32>
        %mul3A_509 = arith.constant 11.3137083 : f32
        %mul3A_510 = vector.broadcast %mul3A_509 : f32 to vector<16xf32>
        %mul3A_511 = arith.mulf %get3A_508, %mul3A_510 : vector<16xf32>
        %swap3A_512 = arith.index_cast %add3A_468 : i32 to index
        %swap3A_513 = arith.constant 48 : index
        %swap3A_514 = tpu.vector_load %arg9[%swap3A_512, %swap3A_513] {strides = array<i32>} : memref<128x128xf32, #tpu.memory_space<vmem>>, vector<1x16xf32>,
        %swap3A_515 = vector.shape_cast %swap3A_514 : vector<1x16xf32> to vector<16xf32>
        %swap3A_516 = vector.shape_cast %mul3A_511 : vector<16xf32> to vector<1x16xf32>
        tpu.vector_store %arg9[%swap3A_512, %swap3A_513], %swap3A_516 {strides = array<i32>} : memref<128x128xf32, #tpu.memory_space<vmem>>, vector<1x16xf32>,
        %get3A_517 = arith.index_cast %add3A_468 : i32 to index
        %get3A_518 = arith.constant 64 : index
        %get3A_519 = tpu.vector_load %arg9[%get3A_517, %get3A_518] {strides = array<i32>} : memref<128x128xf32, #tpu.memory_space<vmem>>, vector<1x16xf32>,
        %get3A_520 = vector.shape_cast %get3A_519 : vector<1x16xf32> to vector<16xf32>
        %mul3A_521 = arith.constant 11.3137083 : f32
        %mul3A_522 = vector.broadcast %mul3A_521 : f32 to vector<16xf32>
        %mul3A_523 = arith.mulf %get3A_520, %mul3A_522 : vector<16xf32>
        %swap3A_524 = arith.index_cast %add3A_468 : i32 to index
        %swap3A_525 = arith.constant 64 : index
        %swap3A_526 = tpu.vector_load %arg9[%swap3A_524, %swap3A_525] {strides = array<i32>} : memref<128x128xf32, #tpu.memory_space<vmem>>, vector<1x16xf32>,
        %swap3A_527 = vector.shape_cast %swap3A_526 : vector<1x16xf32> to vector<16xf32>
        %swap3A_528 = vector.shape_cast %mul3A_523 : vector<16xf32> to vector<1x16xf32>
        tpu.vector_store %arg9[%swap3A_524, %swap3A_525], %swap3A_528 {strides = array<i32>} : memref<128x128xf32, #tpu.memory_space<vmem>>, vector<1x16xf32>,
        %get3A_529 = arith.index_cast %add3A_468 : i32 to index
        %get3A_530 = arith.constant 80 : index
        %get3A_531 = tpu.vector_load %arg9[%get3A_529, %get3A_530] {strides = array<i32>} : memref<128x128xf32, #tpu.memory_space<vmem>>, vector<1x16xf32>,
        %get3A_532 = vector.shape_cast %get3A_531 : vector<1x16xf32> to vector<16xf32>
        %mul3A_533 = arith.constant 11.3137083 : f32
        %mul3A_534 = vector.broadcast %mul3A_533 : f32 to vector<16xf32>
        %mul3A_535 = arith.mulf %get3A_532, %mul3A_534 : vector<16xf32>
        %swap3A_536 = arith.index_cast %add3A_468 : i32 to index
        %swap3A_537 = arith.constant 80 : index
        %swap3A_538 = tpu.vector_load %arg9[%swap3A_536, %swap3A_537] {strides = array<i32>} : memref<128x128xf32, #tpu.memory_space<vmem>>, vector<1x16xf32>,
        %swap3A_539 = vector.shape_cast %swap3A_538 : vector<1x16xf32> to vector<16xf32>
        %swap3A_540 = vector.shape_cast %mul3A_535 : vector<16xf32> to vector<1x16xf32>
        tpu.vector_store %arg9[%swap3A_536, %swap3A_537], %swap3A_540 {strides = array<i32>} : memref<128x128xf32, #tpu.memory_space<vmem>>, vector<1x16xf32>,
        %get3A_541 = arith.index_cast %add3A_468 : i32 to index
        %get3A_542 = arith.constant 96 : index
        %get3A_543 = tpu.vector_load %arg9[%get3A_541, %get3A_542] {strides = array<i32>} : memref<128x128xf32, #tpu.memory_space<vmem>>, vector<1x16xf32>,
        %get3A_544 = vector.shape_cast %get3A_543 : vector<1x16xf32> to vector<16xf32>
        %mul3A_545 = arith.constant 11.3137083 : f32
        %mul3A_546 = vector.broadcast %mul3A_545 : f32 to vector<16xf32>
        %mul3A_547 = arith.mulf %get3A_544, %mul3A_546 : vector<16xf32>
        %swap3A_548 = arith.index_cast %add3A_468 : i32 to index
        %swap3A_549 = arith.constant 96 : index
        %swap3A_550 = tpu.vector_load %arg9[%swap3A_548, %swap3A_549] {strides = array<i32>} : memref<128x128xf32, #tpu.memory_space<vmem>>, vector<1x16xf32>,
        %swap3A_551 = vector.shape_cast %swap3A_550 : vector<1x16xf32> to vector<16xf32>
        %swap3A_552 = vector.shape_cast %mul3A_547 : vector<16xf32> to vector<1x16xf32>
        tpu.vector_store %arg9[%swap3A_548, %swap3A_549], %swap3A_552 {strides = array<i32>} : memref<128x128xf32, #tpu.memory_space<vmem>>, vector<1x16xf32>,
        %get3A_553 = arith.index_cast %add3A_468 : i32 to index
        %get3A_554 = arith.constant 112 : index
        %get3A_555 = tpu.vector_load %arg9[%get3A_553, %get3A_554] {strides = array<i32>} : memref<128x128xf32, #tpu.memory_space<vmem>>, vector<1x16xf32>,
        %get3A_556 = vector.shape_cast %get3A_555 : vector<1x16xf32> to vector<16xf32>
        %mul3A_557 = arith.constant 11.3137083 : f32
        %mul3A_558 = vector.broadcast %mul3A_557 : f32 to vector<16xf32>
        %mul3A_559 = arith.mulf %get3A_556, %mul3A_558 : vector<16xf32>
        %swap3A_560 = arith.index_cast %add3A_468 : i32 to index
        %swap3A_561 = arith.constant 112 : index
        %swap3A_562 = tpu.vector_load %arg9[%swap3A_560, %swap3A_561] {strides = array<i32>} : memref<128x128xf32, #tpu.memory_space<vmem>>, vector<1x16xf32>,
        %swap3A_563 = vector.shape_cast %swap3A_562 : vector<1x16xf32> to vector<16xf32>
        %swap3A_564 = vector.shape_cast %mul3A_559 : vector<16xf32> to vector<1x16xf32>
        tpu.vector_store %arg9[%swap3A_560, %swap3A_561], %swap3A_564 {strides = array<i32>} : memref<128x128xf32, #tpu.memory_space<vmem>>, vector<1x16xf32>,
        %mul3A_565 = arith.constant 4 : i32
        %mul3A_566 = arith.muli %mul3A_565, %scan3A_266 : i32
        %add3A_567 = arith.constant 3 : i32
        %add3A_568 = arith.addi %mul3A_566, %add3A_567 : i32
        %get3A_569 = arith.index_cast %add3A_568 : i32 to index
        %get3A_570 = arith.constant 0 : index
        %get3A_571 = tpu.vector_load %arg9[%get3A_569, %get3A_570] {strides = array<i32>} : memref<128x128xf32, #tpu.memory_space<vmem>>, vector<1x16xf32>,
        %get3A_572 = vector.shape_cast %get3A_571 : vector<1x16xf32> to vector<16xf32>
        %mul3A_573 = arith.constant 11.3137083 : f32
        %mul3A_574 = vector.broadcast %mul3A_573 : f32 to vector<16xf32>
        %mul3A_575 = arith.mulf %get3A_572, %mul3A_574 : vector<16xf32>
        %swap3A_576 = arith.index_cast %add3A_568 : i32 to index
        %swap3A_577 = arith.constant 0 : index
        %swap3A_578 = tpu.vector_load %arg9[%swap3A_576, %swap3A_577] {strides = array<i32>} : memref<128x128xf32, #tpu.memory_space<vmem>>, vector<1x16xf32>,
        %swap3A_579 = vector.shape_cast %swap3A_578 : vector<1x16xf32> to vector<16xf32>
        %swap3A_580 = vector.shape_cast %mul3A_575 : vector<16xf32> to vector<1x16xf32>
        tpu.vector_store %arg9[%swap3A_576, %swap3A_577], %swap3A_580 {strides = array<i32>} : memref<128x128xf32, #tpu.memory_space<vmem>>, vector<1x16xf32>,
        %get3A_581 = arith.index_cast %add3A_568 : i32 to index
        %get3A_582 = arith.constant 16 : index
        %get3A_583 = tpu.vector_load %arg9[%get3A_581, %get3A_582] {strides = array<i32>} : memref<128x128xf32, #tpu.memory_space<vmem>>, vector<1x16xf32>,
        %get3A_584 = vector.shape_cast %get3A_583 : vector<1x16xf32> to vector<16xf32>
        %mul3A_585 = arith.constant 11.3137083 : f32
        %mul3A_586 = vector.broadcast %mul3A_585 : f32 to vector<16xf32>
        %mul3A_587 = arith.mulf %get3A_584, %mul3A_586 : vector<16xf32>
        %swap3A_588 = arith.index_cast %add3A_568 : i32 to index
        %swap3A_589 = arith.constant 16 : index
        %swap3A_590 = tpu.vector_load %arg9[%swap3A_588, %swap3A_589] {strides = array<i32>} : memref<128x128xf32, #tpu.memory_space<vmem>>, vector<1x16xf32>,
        %swap3A_591 = vector.shape_cast %swap3A_590 : vector<1x16xf32> to vector<16xf32>
        %swap3A_592 = vector.shape_cast %mul3A_587 : vector<16xf32> to vector<1x16xf32>
        tpu.vector_store %arg9[%swap3A_588, %swap3A_589], %swap3A_592 {strides = array<i32>} : memref<128x128xf32, #tpu.memory_space<vmem>>, vector<1x16xf32>,
        %get3A_593 = arith.index_cast %add3A_568 : i32 to index
        %get3A_594 = arith.constant 32 : index
        %get3A_595 = tpu.vector_load %arg9[%get3A_593, %get3A_594] {strides = array<i32>} : memref<128x128xf32, #tpu.memory_space<vmem>>, vector<1x16xf32>,
        %get3A_596 = vector.shape_cast %get3A_595 : vector<1x16xf32> to vector<16xf32>
        %mul3A_597 = arith.constant 11.3137083 : f32
        %mul3A_598 = vector.broadcast %mul3A_597 : f32 to vector<16xf32>
        %mul3A_599 = arith.mulf %get3A_596, %mul3A_598 : vector<16xf32>
        %swap3A_600 = arith.index_cast %add3A_568 : i32 to index
        %swap3A_601 = arith.constant 32 : index
        %swap3A_602 = tpu.vector_load %arg9[%swap3A_600, %swap3A_601] {strides = array<i32>} : memref<128x128xf32, #tpu.memory_space<vmem>>, vector<1x16xf32>,
        %swap3A_603 = vector.shape_cast %swap3A_602 : vector<1x16xf32> to vector<16xf32>
        %swap3A_604 = vector.shape_cast %mul3A_599 : vector<16xf32> to vector<1x16xf32>
        tpu.vector_store %arg9[%swap3A_600, %swap3A_601], %swap3A_604 {strides = array<i32>} : memref<128x128xf32, #tpu.memory_space<vmem>>, vector<1x16xf32>,
        %get3A_605 = arith.index_cast %add3A_568 : i32 to index
        %get3A_606 = arith.constant 48 : index
        %get3A_607 = tpu.vector_load %arg9[%get3A_605, %get3A_606] {strides = array<i32>} : memref<128x128xf32, #tpu.memory_space<vmem>>, vector<1x16xf32>,
        %get3A_608 = vector.shape_cast %get3A_607 : vector<1x16xf32> to vector<16xf32>
        %mul3A_609 = arith.constant 11.3137083 : f32
        %mul3A_610 = vector.broadcast %mul3A_609 : f32 to vector<16xf32>
        %mul3A_611 = arith.mulf %get3A_608, %mul3A_610 : vector<16xf32>
        %swap3A_612 = arith.index_cast %add3A_568 : i32 to index
        %swap3A_613 = arith.constant 48 : index
        %swap3A_614 = tpu.vector_load %arg9[%swap3A_612, %swap3A_613] {strides = array<i32>} : memref<128x128xf32, #tpu.memory_space<vmem>>, vector<1x16xf32>,
        %swap3A_615 = vector.shape_cast %swap3A_614 : vector<1x16xf32> to vector<16xf32>
        %swap3A_616 = vector.shape_cast %mul3A_611 : vector<16xf32> to vector<1x16xf32>
        tpu.vector_store %arg9[%swap3A_612, %swap3A_613], %swap3A_616 {strides = array<i32>} : memref<128x128xf32, #tpu.memory_space<vmem>>, vector<1x16xf32>,
        %get3A_617 = arith.index_cast %add3A_568 : i32 to index
        %get3A_618 = arith.constant 64 : index
        %get3A_619 = tpu.vector_load %arg9[%get3A_617, %get3A_618] {strides = array<i32>} : memref<128x128xf32, #tpu.memory_space<vmem>>, vector<1x16xf32>,
        %get3A_620 = vector.shape_cast %get3A_619 : vector<1x16xf32> to vector<16xf32>
        %mul3A_621 = arith.constant 11.3137083 : f32
        %mul3A_622 = vector.broadcast %mul3A_621 : f32 to vector<16xf32>
        %mul3A_623 = arith.mulf %get3A_620, %mul3A_622 : vector<16xf32>
        %swap3A_624 = arith.index_cast %add3A_568 : i32 to index
        %swap3A_625 = arith.constant 64 : index
        %swap3A_626 = tpu.vector_load %arg9[%swap3A_624, %swap3A_625] {strides = array<i32>} : memref<128x128xf32, #tpu.memory_space<vmem>>, vector<1x16xf32>,
        %swap3A_627 = vector.shape_cast %swap3A_626 : vector<1x16xf32> to vector<16xf32>
        %swap3A_628 = vector.shape_cast %mul3A_623 : vector<16xf32> to vector<1x16xf32>
        tpu.vector_store %arg9[%swap3A_624, %swap3A_625], %swap3A_628 {strides = array<i32>} : memref<128x128xf32, #tpu.memory_space<vmem>>, vector<1x16xf32>,
        %get3A_629 = arith.index_cast %add3A_568 : i32 to index
        %get3A_630 = arith.constant 80 : index
        %get3A_631 = tpu.vector_load %arg9[%get3A_629, %get3A_630] {strides = array<i32>} : memref<128x128xf32, #tpu.memory_space<vmem>>, vector<1x16xf32>,
        %get3A_632 = vector.shape_cast %get3A_631 : vector<1x16xf32> to vector<16xf32>
        %mul3A_633 = arith.constant 11.3137083 : f32
        %mul3A_634 = vector.broadcast %mul3A_633 : f32 to vector<16xf32>
        %mul3A_635 = arith.mulf %get3A_632, %mul3A_634 : vector<16xf32>
        %swap3A_636 = arith.index_cast %add3A_568 : i32 to index
        %swap3A_637 = arith.constant 80 : index
        %swap3A_638 = tpu.vector_load %arg9[%swap3A_636, %swap3A_637] {strides = array<i32>} : memref<128x128xf32, #tpu.memory_space<vmem>>, vector<1x16xf32>,
        %swap3A_639 = vector.shape_cast %swap3A_638 : vector<1x16xf32> to vector<16xf32>
        %swap3A_640 = vector.shape_cast %mul3A_635 : vector<16xf32> to vector<1x16xf32>
        tpu.vector_store %arg9[%swap3A_636, %swap3A_637], %swap3A_640 {strides = array<i32>} : memref<128x128xf32, #tpu.memory_space<vmem>>, vector<1x16xf32>,
        %get3A_641 = arith.index_cast %add3A_568 : i32 to index
        %get3A_642 = arith.constant 96 : index
        %get3A_643 = tpu.vector_load %arg9[%get3A_641, %get3A_642] {strides = array<i32>} : memref<128x128xf32, #tpu.memory_space<vmem>>, vector<1x16xf32>,
        %get3A_644 = vector.shape_cast %get3A_643 : vector<1x16xf32> to vector<16xf32>
        %mul3A_645 = arith.constant 11.3137083 : f32
        %mul3A_646 = vector.broadcast %mul3A_645 : f32 to vector<16xf32>
        %mul3A_647 = arith.mulf %get3A_644, %mul3A_646 : vector<16xf32>
        %swap3A_648 = arith.index_cast %add3A_568 : i32 to index
        %swap3A_649 = arith.constant 96 : index
        %swap3A_650 = tpu.vector_load %arg9[%swap3A_648, %swap3A_649] {strides = array<i32>} : memref<128x128xf32, #tpu.memory_space<vmem>>, vector<1x16xf32>,
        %swap3A_651 = vector.shape_cast %swap3A_650 : vector<1x16xf32> to vector<16xf32>
        %swap3A_652 = vector.shape_cast %mul3A_647 : vector<16xf32> to vector<1x16xf32>
        tpu.vector_store %arg9[%swap3A_648, %swap3A_649], %swap3A_652 {strides = array<i32>} : memref<128x128xf32, #tpu.memory_space<vmem>>, vector<1x16xf32>,
        %get3A_653 = arith.index_cast %add3A_568 : i32 to index
        %get3A_654 = arith.constant 112 : index
        %get3A_655 = tpu.vector_load %arg9[%get3A_653, %get3A_654] {strides = array<i32>} : memref<128x128xf32, #tpu.memory_space<vmem>>, vector<1x16xf32>,
        %get3A_656 = vector.shape_cast %get3A_655 : vector<1x16xf32> to vector<16xf32>
        %mul3A_657 = arith.constant 11.3137083 : f32
        %mul3A_658 = vector.broadcast %mul3A_657 : f32 to vector<16xf32>
        %mul3A_659 = arith.mulf %get3A_656, %mul3A_658 : vector<16xf32>
        %swap3A_660 = arith.index_cast %add3A_568 : i32 to index
        %swap3A_661 = arith.constant 112 : index
        %swap3A_662 = tpu.vector_load %arg9[%swap3A_660, %swap3A_661] {strides = array<i32>} : memref<128x128xf32, #tpu.memory_space<vmem>>, vector<1x16xf32>,
        %swap3A_663 = vector.shape_cast %swap3A_662 : vector<1x16xf32> to vector<16xf32>
        %swap3A_664 = vector.shape_cast %mul3A_659 : vector<16xf32> to vector<1x16xf32>
        tpu.vector_store %arg9[%swap3A_660, %swap3A_661], %swap3A_664 {strides = array<i32>} : memref<128x128xf32, #tpu.memory_space<vmem>>, vector<1x16xf32>,
      }
      %scan3A_188 = arith.constant 32 : i32
      %sub3A_189 = arith.constant 2 : i32
      %sub3A_190 = arith.subi %add3A_165, %sub3A_189 : i32
      %mul3A_191 = arith.constant 128 : i32
      %mul3A_192 = arith.muli %sub3A_190, %mul3A_191 : i32
      %add3A_193 = arith.addi %mul3A_4, %mul3A_192 : i32
      %dma_start3A_194 = arith.constant 0 : i32
      %dma_start3A_195 = tpu.memref_slice %arg4[%add3A_193, %dma_start3A_194] : memref<819200x128xf32, #tpu.memory_space<hbm>> -> memref<128x128xf32, #tpu.memory_space<hbm>>
      %dma_start3A_196 = arith.constant 0 : i32
      %dma_start3A_197 = tpu.memref_slice %arg4[%add3A_193, %dma_start3A_196] : memref<819200x128xf32, #tpu.memory_space<hbm>> -> memref<128x128xf32, #tpu.memory_space<hbm>>
      tpu.enqueue_dma source(%arg9 : memref<128x128xf32, #tpu.memory_space<vmem>>) target(%dma_start3A_197 : memref<128x128xf32, #tpu.memory_space<hbm>>) target_semaphore(%arg17 : memref<!tpu.dma_semaphore, #tpu.memory_space<semaphore_mem>>)
      %add3A_198 = arith.constant 2 : i32
      %add3A_199 = arith.addi %mul3A_130, %add3A_198 : i32
      %dma_wait3A_200 = arith.constant 0 : i32
      %dma_wait3A_201 = tpu.memref_slice %arg4[%mul3A_4, %dma_wait3A_200] : memref<819200x128xf32, #tpu.memory_space<hbm>> -> memref<128x128xf32, #tpu.memory_space<hbm>>
      %dma_wait3A_202 = arith.constant 0 : i32
      %dma_wait3A_203 = tpu.memref_slice %arg4[%mul3A_4, %dma_wait3A_202] : memref<819200x128xf32, #tpu.memory_space<hbm>> -> memref<128x128xf32, #tpu.memory_space<hbm>>
      tpu.wait_dma2 semaphore(%arg16 : memref<!tpu.dma_semaphore, #tpu.memory_space<semaphore_mem>>) src(%arg8 : memref<128x128xf32, #tpu.memory_space<vmem>>) dst(%dma_wait3A_203 : memref<128x128xf32, #tpu.memory_space<hbm>>)
      %dma_start3A_204 = arith.constant 0 : i32
      %dma_start3A_205 = tpu.memref_slice %arg5[%add3A_199, %dma_start3A_204] : memref<200x128xi32, #tpu.memory_space<vmem>> -> memref<1x128xi32, #tpu.memory_space<vmem>>
      %dma_start3A_206 = tpu.memref_squeeze %dma_start3A_205 : memref<1x128xi32, #tpu.memory_space<vmem>> -> memref<128xi32, #tpu.memory_space<vmem>>
      %dma_start3A_207 = arith.constant 0 : i32
      %dma_start3A_208 = arith.constant 0 : i32
      %dma_start3A_209 = tpu.memref_slice %arg2[%dma_start3A_207, %dma_start3A_208] : memref<100000x128xf32, #tpu.memory_space<hbm>> -> memref<100000x128xf32, #tpu.memory_space<hbm>>
      tpu.enqueue_indirect_dma source(%dma_start3A_209 : memref<100000x128xf32, #tpu.memory_space<hbm>>) target(%arg8 : memref<128x128xf32, #tpu.memory_space<vmem>>) offsets(%dma_start3A_206 : memref<128xi32, #tpu.memory_space<vmem>>) semaphore(%arg12 : memref<!tpu.dma_semaphore, #tpu.memory_space<semaphore_mem>>)
      %dma_wait3A_210 = arith.constant 0 : i32
      %dma_wait3A_211 = arith.constant 0 : i32
      %dma_wait3A_212 = tpu.memref_slice %arg5[%dma_wait3A_210, %dma_wait3A_211] : memref<200x128xi32, #tpu.memory_space<vmem>> -> memref<1x128xi32, #tpu.memory_space<vmem>>
      %dma_wait3A_213 = tpu.memref_squeeze %dma_wait3A_212 : memref<1x128xi32, #tpu.memory_space<vmem>> -> memref<128xi32, #tpu.memory_space<vmem>>
      %dma_wait3A_214 = arith.constant 0 : i32
      %dma_wait3A_215 = arith.constant 0 : i32
      %dma_wait3A_216 = tpu.memref_slice %arg2[%dma_wait3A_214, %dma_wait3A_215] : memref<100000x128xf32, #tpu.memory_space<hbm>> -> memref<100000x128xf32, #tpu.memory_space<hbm>>
      tpu.wait_indirect_dma semaphore(%arg10 : memref<!tpu.dma_semaphore, #tpu.memory_space<semaphore_mem>>) src(%dma_wait3A_216 : memref<100000x128xf32, #tpu.memory_space<hbm>>) dst(%arg6 : memref<128x128xf32, #tpu.memory_space<vmem>>)
      %scan3A_217 = arith.constant 0 : i32
      %scan3A_218 = arith.constant 0 : i32
      %scan3A_219 = arith.constant 32 : i32
      %scan3A_220 = arith.addi %scan3A_218, %scan3A_219 : i32
      %scan3A_221 = arith.constant 1 : i32
      scf.for %scan3A_266 = %scan3A_218 to %scan3A_220 step %scan3A_221  : i32 {
        %mul3A_267 = arith.constant 4 : i32
        %mul3A_268 = arith.muli %mul3A_267, %scan3A_266 : i32
        %add3A_269 = arith.constant 0 : i32
        %add3A_270 = arith.addi %mul3A_268, %add3A_269 : i32
        %get3A = arith.index_cast %add3A_270 : i32 to index
        %get3A_271 = arith.constant 0 : index
        %get3A_272 = tpu.vector_load %arg6[%get3A, %get3A_271] {strides = array<i32>} : memref<128x128xf32, #tpu.memory_space<vmem>>, vector<1x16xf32>,
        %get3A_273 = vector.shape_cast %get3A_272 : vector<1x16xf32> to vector<16xf32>
        %mul3A_274 = arith.constant 11.3137083 : f32
        %mul3A_275 = vector.broadcast %mul3A_274 : f32 to vector<16xf32>
        %mul3A_276 = arith.mulf %get3A_273, %mul3A_275 : vector<16xf32>
        %swap3A = arith.index_cast %add3A_270 : i32 to index
        %swap3A_277 = arith.constant 0 : index
        %swap3A_278 = tpu.vector_load %arg6[%swap3A, %swap3A_277] {strides = array<i32>} : memref<128x128xf32, #tpu.memory_space<vmem>>, vector<1x16xf32>,
        %swap3A_279 = vector.shape_cast %swap3A_278 : vector<1x16xf32> to vector<16xf32>
        %swap3A_280 = vector.shape_cast %mul3A_276 : vector<16xf32> to vector<1x16xf32>
        tpu.vector_store %arg6[%swap3A, %swap3A_277], %swap3A_280 {strides = array<i32>} : memref<128x128xf32, #tpu.memory_space<vmem>>, vector<1x16xf32>,
        %get3A_281 = arith.index_cast %add3A_270 : i32 to index
        %get3A_282 = arith.constant 16 : index
        %get3A_283 = tpu.vector_load %arg6[%get3A_281, %get3A_282] {strides = array<i32>} : memref<128x128xf32, #tpu.memory_space<vmem>>, vector<1x16xf32>,
        %get3A_284 = vector.shape_cast %get3A_283 : vector<1x16xf32> to vector<16xf32>
        %mul3A_285 = arith.constant 11.3137083 : f32
        %mul3A_286 = vector.broadcast %mul3A_285 : f32 to vector<16xf32>
        %mul3A_287 = arith.mulf %get3A_284, %mul3A_286 : vector<16xf32>
        %swap3A_288 = arith.index_cast %add3A_270 : i32 to index
        %swap3A_289 = arith.constant 16 : index
        %swap3A_290 = tpu.vector_load %arg6[%swap3A_288, %swap3A_289] {strides = array<i32>} : memref<128x128xf32, #tpu.memory_space<vmem>>, vector<1x16xf32>,
        %swap3A_291 = vector.shape_cast %swap3A_290 : vector<1x16xf32> to vector<16xf32>
        %swap3A_292 = vector.shape_cast %mul3A_287 : vector<16xf32> to vector<1x16xf32>
        tpu.vector_store %arg6[%swap3A_288, %swap3A_289], %swap3A_292 {strides = array<i32>} : memref<128x128xf32, #tpu.memory_space<vmem>>, vector<1x16xf32>,
        %get3A_293 = arith.index_cast %add3A_270 : i32 to index
        %get3A_294 = arith.constant 32 : index
        %get3A_295 = tpu.vector_load %arg6[%get3A_293, %get3A_294] {strides = array<i32>} : memref<128x128xf32, #tpu.memory_space<vmem>>, vector<1x16xf32>,
        %get3A_296 = vector.shape_cast %get3A_295 : vector<1x16xf32> to vector<16xf32>
        %mul3A_297 = arith.constant 11.3137083 : f32
        %mul3A_298 = vector.broadcast %mul3A_297 : f32 to vector<16xf32>
        %mul3A_299 = arith.mulf %get3A_296, %mul3A_298 : vector<16xf32>
        %swap3A_300 = arith.index_cast %add3A_270 : i32 to index
        %swap3A_301 = arith.constant 32 : index
        %swap3A_302 = tpu.vector_load %arg6[%swap3A_300, %swap3A_301] {strides = array<i32>} : memref<128x128xf32, #tpu.memory_space<vmem>>, vector<1x16xf32>,
        %swap3A_303 = vector.shape_cast %swap3A_302 : vector<1x16xf32> to vector<16xf32>
        %swap3A_304 = vector.shape_cast %mul3A_299 : vector<16xf32> to vector<1x16xf32>
        tpu.vector_store %arg6[%swap3A_300, %swap3A_301], %swap3A_304 {strides = array<i32>} : memref<128x128xf32, #tpu.memory_space<vmem>>, vector<1x16xf32>,
        %get3A_305 = arith.index_cast %add3A_270 : i32 to index
        %get3A_306 = arith.constant 48 : index
        %get3A_307 = tpu.vector_load %arg6[%get3A_305, %get3A_306] {strides = array<i32>} : memref<128x128xf32, #tpu.memory_space<vmem>>, vector<1x16xf32>,
        %get3A_308 = vector.shape_cast %get3A_307 : vector<1x16xf32> to vector<16xf32>
        %mul3A_309 = arith.constant 11.3137083 : f32
        %mul3A_310 = vector.broadcast %mul3A_309 : f32 to vector<16xf32>
        %mul3A_311 = arith.mulf %get3A_308, %mul3A_310 : vector<16xf32>
        %swap3A_312 = arith.index_cast %add3A_270 : i32 to index
        %swap3A_313 = arith.constant 48 : index
        %swap3A_314 = tpu.vector_load %arg6[%swap3A_312, %swap3A_313] {strides = array<i32>} : memref<128x128xf32, #tpu.memory_space<vmem>>, vector<1x16xf32>,
        %swap3A_315 = vector.shape_cast %swap3A_314 : vector<1x16xf32> to vector<16xf32>
        %swap3A_316 = vector.shape_cast %mul3A_311 : vector<16xf32> to vector<1x16xf32>
        tpu.vector_store %arg6[%swap3A_312, %swap3A_313], %swap3A_316 {strides = array<i32>} : memref<128x128xf32, #tpu.memory_space<vmem>>, vector<1x16xf32>,
        %get3A_317 = arith.index_cast %add3A_270 : i32 to index
        %get3A_318 = arith.constant 64 : index
        %get3A_319 = tpu.vector_load %arg6[%get3A_317, %get3A_318] {strides = array<i32>} : memref<128x128xf32, #tpu.memory_space<vmem>>, vector<1x16xf32>,
        %get3A_320 = vector.shape_cast %get3A_319 : vector<1x16xf32> to vector<16xf32>
        %mul3A_321 = arith.constant 11.3137083 : f32
        %mul3A_322 = vector.broadcast %mul3A_321 : f32 to vector<16xf32>
        %mul3A_323 = arith.mulf %get3A_320, %mul3A_322 : vector<16xf32>
        %swap3A_324 = arith.index_cast %add3A_270 : i32 to index
        %swap3A_325 = arith.constant 64 : index
        %swap3A_326 = tpu.vector_load %arg6[%swap3A_324, %swap3A_325] {strides = array<i32>} : memref<128x128xf32, #tpu.memory_space<vmem>>, vector<1x16xf32>,
        %swap3A_327 = vector.shape_cast %swap3A_326 : vector<1x16xf32> to vector<16xf32>
        %swap3A_328 = vector.shape_cast %mul3A_323 : vector<16xf32> to vector<1x16xf32>
        tpu.vector_store %arg6[%swap3A_324, %swap3A_325], %swap3A_328 {strides = array<i32>} : memref<128x128xf32, #tpu.memory_space<vmem>>, vector<1x16xf32>,
        %get3A_329 = arith.index_cast %add3A_270 : i32 to index
        %get3A_330 = arith.constant 80 : index
        %get3A_331 = tpu.vector_load %arg6[%get3A_329, %get3A_330] {strides = array<i32>} : memref<128x128xf32, #tpu.memory_space<vmem>>, vector<1x16xf32>,
        %get3A_332 = vector.shape_cast %get3A_331 : vector<1x16xf32> to vector<16xf32>
        %mul3A_333 = arith.constant 11.3137083 : f32
        %mul3A_334 = vector.broadcast %mul3A_333 : f32 to vector<16xf32>
        %mul3A_335 = arith.mulf %get3A_332, %mul3A_334 : vector<16xf32>
        %swap3A_336 = arith.index_cast %add3A_270 : i32 to index
        %swap3A_337 = arith.constant 80 : index
        %swap3A_338 = tpu.vector_load %arg6[%swap3A_336, %swap3A_337] {strides = array<i32>} : memref<128x128xf32, #tpu.memory_space<vmem>>, vector<1x16xf32>,
        %swap3A_339 = vector.shape_cast %swap3A_338 : vector<1x16xf32> to vector<16xf32>
        %swap3A_340 = vector.shape_cast %mul3A_335 : vector<16xf32> to vector<1x16xf32>
        tpu.vector_store %arg6[%swap3A_336, %swap3A_337], %swap3A_340 {strides = array<i32>} : memref<128x128xf32, #tpu.memory_space<vmem>>, vector<1x16xf32>,
        %get3A_341 = arith.index_cast %add3A_270 : i32 to index
        %get3A_342 = arith.constant 96 : index
        %get3A_343 = tpu.vector_load %arg6[%get3A_341, %get3A_342] {strides = array<i32>} : memref<128x128xf32, #tpu.memory_space<vmem>>, vector<1x16xf32>,
        %get3A_344 = vector.shape_cast %get3A_343 : vector<1x16xf32> to vector<16xf32>
        %mul3A_345 = arith.constant 11.3137083 : f32
        %mul3A_346 = vector.broadcast %mul3A_345 : f32 to vector<16xf32>
        %mul3A_347 = arith.mulf %get3A_344, %mul3A_346 : vector<16xf32>
        %swap3A_348 = arith.index_cast %add3A_270 : i32 to index
        %swap3A_349 = arith.constant 96 : index
        %swap3A_350 = tpu.vector_load %arg6[%swap3A_348, %swap3A_349] {strides = array<i32>} : memref<128x128xf32, #tpu.memory_space<vmem>>, vector<1x16xf32>,
        %swap3A_351 = vector.shape_cast %swap3A_350 : vector<1x16xf32> to vector<16xf32>
        %swap3A_352 = vector.shape_cast %mul3A_347 : vector<16xf32> to vector<1x16xf32>
        tpu.vector_store %arg6[%swap3A_348, %swap3A_349], %swap3A_352 {strides = array<i32>} : memref<128x128xf32, #tpu.memory_space<vmem>>, vector<1x16xf32>,
        %get3A_353 = arith.index_cast %add3A_270 : i32 to index
        %get3A_354 = arith.constant 112 : index
        %get3A_355 = tpu.vector_load %arg6[%get3A_353, %get3A_354] {strides = array<i32>} : memref<128x128xf32, #tpu.memory_space<vmem>>, vector<1x16xf32>,
        %get3A_356 = vector.shape_cast %get3A_355 : vector<1x16xf32> to vector<16xf32>
        %mul3A_357 = arith.constant 11.3137083 : f32
        %mul3A_358 = vector.broadcast %mul3A_357 : f32 to vector<16xf32>
        %mul3A_359 = arith.mulf %get3A_356, %mul3A_358 : vector<16xf32>
        %swap3A_360 = arith.index_cast %add3A_270 : i32 to index
        %swap3A_361 = arith.constant 112 : index
        %swap3A_362 = tpu.vector_load %arg6[%swap3A_360, %swap3A_361] {strides = array<i32>} : memref<128x128xf32, #tpu.memory_space<vmem>>, vector<1x16xf32>,
        %swap3A_363 = vector.shape_cast %swap3A_362 : vector<1x16xf32> to vector<16xf32>
        %swap3A_364 = vector.shape_cast %mul3A_359 : vector<16xf32> to vector<1x16xf32>
        tpu.vector_store %arg6[%swap3A_360, %swap3A_361], %swap3A_364 {strides = array<i32>} : memref<128x128xf32, #tpu.memory_space<vmem>>, vector<1x16xf32>,
        %mul3A_365 = arith.constant 4 : i32
        %mul3A_366 = arith.muli %mul3A_365, %scan3A_266 : i32
        %add3A_367 = arith.constant 1 : i32
        %add3A_368 = arith.addi %mul3A_366, %add3A_367 : i32
        %get3A_369 = arith.index_cast %add3A_368 : i32 to index
        %get3A_370 = arith.constant 0 : index
        %get3A_371 = tpu.vector_load %arg6[%get3A_369, %get3A_370] {strides = array<i32>} : memref<128x128xf32, #tpu.memory_space<vmem>>, vector<1x16xf32>,
        %get3A_372 = vector.shape_cast %get3A_371 : vector<1x16xf32> to vector<16xf32>
        %mul3A_373 = arith.constant 11.3137083 : f32
        %mul3A_374 = vector.broadcast %mul3A_373 : f32 to vector<16xf32>
        %mul3A_375 = arith.mulf %get3A_372, %mul3A_374 : vector<16xf32>
        %swap3A_376 = arith.index_cast %add3A_368 : i32 to index
        %swap3A_377 = arith.constant 0 : index
        %swap3A_378 = tpu.vector_load %arg6[%swap3A_376, %swap3A_377] {strides = array<i32>} : memref<128x128xf32, #tpu.memory_space<vmem>>, vector<1x16xf32>,
        %swap3A_379 = vector.shape_cast %swap3A_378 : vector<1x16xf32> to vector<16xf32>
        %swap3A_380 = vector.shape_cast %mul3A_375 : vector<16xf32> to vector<1x16xf32>
        tpu.vector_store %arg6[%swap3A_376, %swap3A_377], %swap3A_380 {strides = array<i32>} : memref<128x128xf32, #tpu.memory_space<vmem>>, vector<1x16xf32>,
        %get3A_381 = arith.index_cast %add3A_368 : i32 to index
        %get3A_382 = arith.constant 16 : index
        %get3A_383 = tpu.vector_load %arg6[%get3A_381, %get3A_382] {strides = array<i32>} : memref<128x128xf32, #tpu.memory_space<vmem>>, vector<1x16xf32>,
        %get3A_384 = vector.shape_cast %get3A_383 : vector<1x16xf32> to vector<16xf32>
        %mul3A_385 = arith.constant 11.3137083 : f32
        %mul3A_386 = vector.broadcast %mul3A_385 : f32 to vector<16xf32>
        %mul3A_387 = arith.mulf %get3A_384, %mul3A_386 : vector<16xf32>
        %swap3A_388 = arith.index_cast %add3A_368 : i32 to index
        %swap3A_389 = arith.constant 16 : index
        %swap3A_390 = tpu.vector_load %arg6[%swap3A_388, %swap3A_389] {strides = array<i32>} : memref<128x128xf32, #tpu.memory_space<vmem>>, vector<1x16xf32>,
        %swap3A_391 = vector.shape_cast %swap3A_390 : vector<1x16xf32> to vector<16xf32>
        %swap3A_392 = vector.shape_cast %mul3A_387 : vector<16xf32> to vector<1x16xf32>
        tpu.vector_store %arg6[%swap3A_388, %swap3A_389], %swap3A_392 {strides = array<i32>} : memref<128x128xf32, #tpu.memory_space<vmem>>, vector<1x16xf32>,
        %get3A_393 = arith.index_cast %add3A_368 : i32 to index
        %get3A_394 = arith.constant 32 : index
        %get3A_395 = tpu.vector_load %arg6[%get3A_393, %get3A_394] {strides = array<i32>} : memref<128x128xf32, #tpu.memory_space<vmem>>, vector<1x16xf32>,
        %get3A_396 = vector.shape_cast %get3A_395 : vector<1x16xf32> to vector<16xf32>
        %mul3A_397 = arith.constant 11.3137083 : f32
        %mul3A_398 = vector.broadcast %mul3A_397 : f32 to vector<16xf32>
        %mul3A_399 = arith.mulf %get3A_396, %mul3A_398 : vector<16xf32>
        %swap3A_400 = arith.index_cast %add3A_368 : i32 to index
        %swap3A_401 = arith.constant 32 : index
        %swap3A_402 = tpu.vector_load %arg6[%swap3A_400, %swap3A_401] {strides = array<i32>} : memref<128x128xf32, #tpu.memory_space<vmem>>, vector<1x16xf32>,
        %swap3A_403 = vector.shape_cast %swap3A_402 : vector<1x16xf32> to vector<16xf32>
        %swap3A_404 = vector.shape_cast %mul3A_399 : vector<16xf32> to vector<1x16xf32>
        tpu.vector_store %arg6[%swap3A_400, %swap3A_401], %swap3A_404 {strides = array<i32>} : memref<128x128xf32, #tpu.memory_space<vmem>>, vector<1x16xf32>,
        %get3A_405 = arith.index_cast %add3A_368 : i32 to index
        %get3A_406 = arith.constant 48 : index
        %get3A_407 = tpu.vector_load %arg6[%get3A_405, %get3A_406] {strides = array<i32>} : memref<128x128xf32, #tpu.memory_space<vmem>>, vector<1x16xf32>,
        %get3A_408 = vector.shape_cast %get3A_407 : vector<1x16xf32> to vector<16xf32>
        %mul3A_409 = arith.constant 11.3137083 : f32
        %mul3A_410 = vector.broadcast %mul3A_409 : f32 to vector<16xf32>
        %mul3A_411 = arith.mulf %get3A_408, %mul3A_410 : vector<16xf32>
        %swap3A_412 = arith.index_cast %add3A_368 : i32 to index
        %swap3A_413 = arith.constant 48 : index
        %swap3A_414 = tpu.vector_load %arg6[%swap3A_412, %swap3A_413] {strides = array<i32>} : memref<128x128xf32, #tpu.memory_space<vmem>>, vector<1x16xf32>,
        %swap3A_415 = vector.shape_cast %swap3A_414 : vector<1x16xf32> to vector<16xf32>
        %swap3A_416 = vector.shape_cast %mul3A_411 : vector<16xf32> to vector<1x16xf32>
        tpu.vector_store %arg6[%swap3A_412, %swap3A_413], %swap3A_416 {strides = array<i32>} : memref<128x128xf32, #tpu.memory_space<vmem>>, vector<1x16xf32>,
        %get3A_417 = arith.index_cast %add3A_368 : i32 to index
        %get3A_418 = arith.constant 64 : index
        %get3A_419 = tpu.vector_load %arg6[%get3A_417, %get3A_418] {strides = array<i32>} : memref<128x128xf32, #tpu.memory_space<vmem>>, vector<1x16xf32>,
        %get3A_420 = vector.shape_cast %get3A_419 : vector<1x16xf32> to vector<16xf32>
        %mul3A_421 = arith.constant 11.3137083 : f32
        %mul3A_422 = vector.broadcast %mul3A_421 : f32 to vector<16xf32>
        %mul3A_423 = arith.mulf %get3A_420, %mul3A_422 : vector<16xf32>
        %swap3A_424 = arith.index_cast %add3A_368 : i32 to index
        %swap3A_425 = arith.constant 64 : index
        %swap3A_426 = tpu.vector_load %arg6[%swap3A_424, %swap3A_425] {strides = array<i32>} : memref<128x128xf32, #tpu.memory_space<vmem>>, vector<1x16xf32>,
        %swap3A_427 = vector.shape_cast %swap3A_426 : vector<1x16xf32> to vector<16xf32>
        %swap3A_428 = vector.shape_cast %mul3A_423 : vector<16xf32> to vector<1x16xf32>
        tpu.vector_store %arg6[%swap3A_424, %swap3A_425], %swap3A_428 {strides = array<i32>} : memref<128x128xf32, #tpu.memory_space<vmem>>, vector<1x16xf32>,
        %get3A_429 = arith.index_cast %add3A_368 : i32 to index
        %get3A_430 = arith.constant 80 : index
        %get3A_431 = tpu.vector_load %arg6[%get3A_429, %get3A_430] {strides = array<i32>} : memref<128x128xf32, #tpu.memory_space<vmem>>, vector<1x16xf32>,
        %get3A_432 = vector.shape_cast %get3A_431 : vector<1x16xf32> to vector<16xf32>
        %mul3A_433 = arith.constant 11.3137083 : f32
        %mul3A_434 = vector.broadcast %mul3A_433 : f32 to vector<16xf32>
        %mul3A_435 = arith.mulf %get3A_432, %mul3A_434 : vector<16xf32>
        %swap3A_436 = arith.index_cast %add3A_368 : i32 to index
        %swap3A_437 = arith.constant 80 : index
        %swap3A_438 = tpu.vector_load %arg6[%swap3A_436, %swap3A_437] {strides = array<i32>} : memref<128x128xf32, #tpu.memory_space<vmem>>, vector<1x16xf32>,
        %swap3A_439 = vector.shape_cast %swap3A_438 : vector<1x16xf32> to vector<16xf32>
        %swap3A_440 = vector.shape_cast %mul3A_435 : vector<16xf32> to vector<1x16xf32>
        tpu.vector_store %arg6[%swap3A_436, %swap3A_437], %swap3A_440 {strides = array<i32>} : memref<128x128xf32, #tpu.memory_space<vmem>>, vector<1x16xf32>,
        %get3A_441 = arith.index_cast %add3A_368 : i32 to index
        %get3A_442 = arith.constant 96 : index
        %get3A_443 = tpu.vector_load %arg6[%get3A_441, %get3A_442] {strides = array<i32>} : memref<128x128xf32, #tpu.memory_space<vmem>>, vector<1x16xf32>,
        %get3A_444 = vector.shape_cast %get3A_443 : vector<1x16xf32> to vector<16xf32>
        %mul3A_445 = arith.constant 11.3137083 : f32
        %mul3A_446 = vector.broadcast %mul3A_445 : f32 to vector<16xf32>
        %mul3A_447 = arith.mulf %get3A_444, %mul3A_446 : vector<16xf32>
        %swap3A_448 = arith.index_cast %add3A_368 : i32 to index
        %swap3A_449 = arith.constant 96 : index
        %swap3A_450 = tpu.vector_load %arg6[%swap3A_448, %swap3A_449] {strides = array<i32>} : memref<128x128xf32, #tpu.memory_space<vmem>>, vector<1x16xf32>,
        %swap3A_451 = vector.shape_cast %swap3A_450 : vector<1x16xf32> to vector<16xf32>
        %swap3A_452 = vector.shape_cast %mul3A_447 : vector<16xf32> to vector<1x16xf32>
        tpu.vector_store %arg6[%swap3A_448, %swap3A_449], %swap3A_452 {strides = array<i32>} : memref<128x128xf32, #tpu.memory_space<vmem>>, vector<1x16xf32>,
        %get3A_453 = arith.index_cast %add3A_368 : i32 to index
        %get3A_454 = arith.constant 112 : index
        %get3A_455 = tpu.vector_load %arg6[%get3A_453, %get3A_454] {strides = array<i32>} : memref<128x128xf32, #tpu.memory_space<vmem>>, vector<1x16xf32>,
        %get3A_456 = vector.shape_cast %get3A_455 : vector<1x16xf32> to vector<16xf32>
        %mul3A_457 = arith.constant 11.3137083 : f32
        %mul3A_458 = vector.broadcast %mul3A_457 : f32 to vector<16xf32>
        %mul3A_459 = arith.mulf %get3A_456, %mul3A_458 : vector<16xf32>
        %swap3A_460 = arith.index_cast %add3A_368 : i32 to index
        %swap3A_461 = arith.constant 112 : index
        %swap3A_462 = tpu.vector_load %arg6[%swap3A_460, %swap3A_461] {strides = array<i32>} : memref<128x128xf32, #tpu.memory_space<vmem>>, vector<1x16xf32>,
        %swap3A_463 = vector.shape_cast %swap3A_462 : vector<1x16xf32> to vector<16xf32>
        %swap3A_464 = vector.shape_cast %mul3A_459 : vector<16xf32> to vector<1x16xf32>
        tpu.vector_store %arg6[%swap3A_460, %swap3A_461], %swap3A_464 {strides = array<i32>} : memref<128x128xf32, #tpu.memory_space<vmem>>, vector<1x16xf32>,
        %mul3A_465 = arith.constant 4 : i32
        %mul3A_466 = arith.muli %mul3A_465, %scan3A_266 : i32
        %add3A_467 = arith.constant 2 : i32
        %add3A_468 = arith.addi %mul3A_466, %add3A_467 : i32
        %get3A_469 = arith.index_cast %add3A_468 : i32 to index
        %get3A_470 = arith.constant 0 : index
        %get3A_471 = tpu.vector_load %arg6[%get3A_469, %get3A_470] {strides = array<i32>} : memref<128x128xf32, #tpu.memory_space<vmem>>, vector<1x16xf32>,
        %get3A_472 = vector.shape_cast %get3A_471 : vector<1x16xf32> to vector<16xf32>
        %mul3A_473 = arith.constant 11.3137083 : f32
        %mul3A_474 = vector.broadcast %mul3A_473 : f32 to vector<16xf32>
        %mul3A_475 = arith.mulf %get3A_472, %mul3A_474 : vector<16xf32>
        %swap3A_476 = arith.index_cast %add3A_468 : i32 to index
        %swap3A_477 = arith.constant 0 : index
        %swap3A_478 = tpu.vector_load %arg6[%swap3A_476, %swap3A_477] {strides = array<i32>} : memref<128x128xf32, #tpu.memory_space<vmem>>, vector<1x16xf32>,
        %swap3A_479 = vector.shape_cast %swap3A_478 : vector<1x16xf32> to vector<16xf32>
        %swap3A_480 = vector.shape_cast %mul3A_475 : vector<16xf32> to vector<1x16xf32>
        tpu.vector_store %arg6[%swap3A_476, %swap3A_477], %swap3A_480 {strides = array<i32>} : memref<128x128xf32, #tpu.memory_space<vmem>>, vector<1x16xf32>,
        %get3A_481 = arith.index_cast %add3A_468 : i32 to index
        %get3A_482 = arith.constant 16 : index
        %get3A_483 = tpu.vector_load %arg6[%get3A_481, %get3A_482] {strides = array<i32>} : memref<128x128xf32, #tpu.memory_space<vmem>>, vector<1x16xf32>,
        %get3A_484 = vector.shape_cast %get3A_483 : vector<1x16xf32> to vector<16xf32>
        %mul3A_485 = arith.constant 11.3137083 : f32
        %mul3A_486 = vector.broadcast %mul3A_485 : f32 to vector<16xf32>
        %mul3A_487 = arith.mulf %get3A_484, %mul3A_486 : vector<16xf32>
        %swap3A_488 = arith.index_cast %add3A_468 : i32 to index
        %swap3A_489 = arith.constant 16 : index
        %swap3A_490 = tpu.vector_load %arg6[%swap3A_488, %swap3A_489] {strides = array<i32>} : memref<128x128xf32, #tpu.memory_space<vmem>>, vector<1x16xf32>,
        %swap3A_491 = vector.shape_cast %swap3A_490 : vector<1x16xf32> to vector<16xf32>
        %swap3A_492 = vector.shape_cast %mul3A_487 : vector<16xf32> to vector<1x16xf32>
        tpu.vector_store %arg6[%swap3A_488, %swap3A_489], %swap3A_492 {strides = array<i32>} : memref<128x128xf32, #tpu.memory_space<vmem>>, vector<1x16xf32>,
        %get3A_493 = arith.index_cast %add3A_468 : i32 to index
        %get3A_494 = arith.constant 32 : index
        %get3A_495 = tpu.vector_load %arg6[%get3A_493, %get3A_494] {strides = array<i32>} : memref<128x128xf32, #tpu.memory_space<vmem>>, vector<1x16xf32>,
        %get3A_496 = vector.shape_cast %get3A_495 : vector<1x16xf32> to vector<16xf32>
        %mul3A_497 = arith.constant 11.3137083 : f32
        %mul3A_498 = vector.broadcast %mul3A_497 : f32 to vector<16xf32>
        %mul3A_499 = arith.mulf %get3A_496, %mul3A_498 : vector<16xf32>
        %swap3A_500 = arith.index_cast %add3A_468 : i32 to index
        %swap3A_501 = arith.constant 32 : index
        %swap3A_502 = tpu.vector_load %arg6[%swap3A_500, %swap3A_501] {strides = array<i32>} : memref<128x128xf32, #tpu.memory_space<vmem>>, vector<1x16xf32>,
        %swap3A_503 = vector.shape_cast %swap3A_502 : vector<1x16xf32> to vector<16xf32>
        %swap3A_504 = vector.shape_cast %mul3A_499 : vector<16xf32> to vector<1x16xf32>
        tpu.vector_store %arg6[%swap3A_500, %swap3A_501], %swap3A_504 {strides = array<i32>} : memref<128x128xf32, #tpu.memory_space<vmem>>, vector<1x16xf32>,
        %get3A_505 = arith.index_cast %add3A_468 : i32 to index
        %get3A_506 = arith.constant 48 : index
        %get3A_507 = tpu.vector_load %arg6[%get3A_505, %get3A_506] {strides = array<i32>} : memref<128x128xf32, #tpu.memory_space<vmem>>, vector<1x16xf32>,
        %get3A_508 = vector.shape_cast %get3A_507 : vector<1x16xf32> to vector<16xf32>
        %mul3A_509 = arith.constant 11.3137083 : f32
        %mul3A_510 = vector.broadcast %mul3A_509 : f32 to vector<16xf32>
        %mul3A_511 = arith.mulf %get3A_508, %mul3A_510 : vector<16xf32>
        %swap3A_512 = arith.index_cast %add3A_468 : i32 to index
        %swap3A_513 = arith.constant 48 : index
        %swap3A_514 = tpu.vector_load %arg6[%swap3A_512, %swap3A_513] {strides = array<i32>} : memref<128x128xf32, #tpu.memory_space<vmem>>, vector<1x16xf32>,
        %swap3A_515 = vector.shape_cast %swap3A_514 : vector<1x16xf32> to vector<16xf32>
        %swap3A_516 = vector.shape_cast %mul3A_511 : vector<16xf32> to vector<1x16xf32>
        tpu.vector_store %arg6[%swap3A_512, %swap3A_513], %swap3A_516 {strides = array<i32>} : memref<128x128xf32, #tpu.memory_space<vmem>>, vector<1x16xf32>,
        %get3A_517 = arith.index_cast %add3A_468 : i32 to index
        %get3A_518 = arith.constant 64 : index
        %get3A_519 = tpu.vector_load %arg6[%get3A_517, %get3A_518] {strides = array<i32>} : memref<128x128xf32, #tpu.memory_space<vmem>>, vector<1x16xf32>,
        %get3A_520 = vector.shape_cast %get3A_519 : vector<1x16xf32> to vector<16xf32>
        %mul3A_521 = arith.constant 11.3137083 : f32
        %mul3A_522 = vector.broadcast %mul3A_521 : f32 to vector<16xf32>
        %mul3A_523 = arith.mulf %get3A_520, %mul3A_522 : vector<16xf32>
        %swap3A_524 = arith.index_cast %add3A_468 : i32 to index
        %swap3A_525 = arith.constant 64 : index
        %swap3A_526 = tpu.vector_load %arg6[%swap3A_524, %swap3A_525] {strides = array<i32>} : memref<128x128xf32, #tpu.memory_space<vmem>>, vector<1x16xf32>,
        %swap3A_527 = vector.shape_cast %swap3A_526 : vector<1x16xf32> to vector<16xf32>
        %swap3A_528 = vector.shape_cast %mul3A_523 : vector<16xf32> to vector<1x16xf32>
        tpu.vector_store %arg6[%swap3A_524, %swap3A_525], %swap3A_528 {strides = array<i32>} : memref<128x128xf32, #tpu.memory_space<vmem>>, vector<1x16xf32>,
        %get3A_529 = arith.index_cast %add3A_468 : i32 to index
        %get3A_530 = arith.constant 80 : index
        %get3A_531 = tpu.vector_load %arg6[%get3A_529, %get3A_530] {strides = array<i32>} : memref<128x128xf32, #tpu.memory_space<vmem>>, vector<1x16xf32>,
        %get3A_532 = vector.shape_cast %get3A_531 : vector<1x16xf32> to vector<16xf32>
        %mul3A_533 = arith.constant 11.3137083 : f32
        %mul3A_534 = vector.broadcast %mul3A_533 : f32 to vector<16xf32>
        %mul3A_535 = arith.mulf %get3A_532, %mul3A_534 : vector<16xf32>
        %swap3A_536 = arith.index_cast %add3A_468 : i32 to index
        %swap3A_537 = arith.constant 80 : index
        %swap3A_538 = tpu.vector_load %arg6[%swap3A_536, %swap3A_537] {strides = array<i32>} : memref<128x128xf32, #tpu.memory_space<vmem>>, vector<1x16xf32>,
        %swap3A_539 = vector.shape_cast %swap3A_538 : vector<1x16xf32> to vector<16xf32>
        %swap3A_540 = vector.shape_cast %mul3A_535 : vector<16xf32> to vector<1x16xf32>
        tpu.vector_store %arg6[%swap3A_536, %swap3A_537], %swap3A_540 {strides = array<i32>} : memref<128x128xf32, #tpu.memory_space<vmem>>, vector<1x16xf32>,
        %get3A_541 = arith.index_cast %add3A_468 : i32 to index
        %get3A_542 = arith.constant 96 : index
        %get3A_543 = tpu.vector_load %arg6[%get3A_541, %get3A_542] {strides = array<i32>} : memref<128x128xf32, #tpu.memory_space<vmem>>, vector<1x16xf32>,
        %get3A_544 = vector.shape_cast %get3A_543 : vector<1x16xf32> to vector<16xf32>
        %mul3A_545 = arith.constant 11.3137083 : f32
        %mul3A_546 = vector.broadcast %mul3A_545 : f32 to vector<16xf32>
        %mul3A_547 = arith.mulf %get3A_544, %mul3A_546 : vector<16xf32>
        %swap3A_548 = arith.index_cast %add3A_468 : i32 to index
        %swap3A_549 = arith.constant 96 : index
        %swap3A_550 = tpu.vector_load %arg6[%swap3A_548, %swap3A_549] {strides = array<i32>} : memref<128x128xf32, #tpu.memory_space<vmem>>, vector<1x16xf32>,
        %swap3A_551 = vector.shape_cast %swap3A_550 : vector<1x16xf32> to vector<16xf32>
        %swap3A_552 = vector.shape_cast %mul3A_547 : vector<16xf32> to vector<1x16xf32>
        tpu.vector_store %arg6[%swap3A_548, %swap3A_549], %swap3A_552 {strides = array<i32>} : memref<128x128xf32, #tpu.memory_space<vmem>>, vector<1x16xf32>,
        %get3A_553 = arith.index_cast %add3A_468 : i32 to index
        %get3A_554 = arith.constant 112 : index
        %get3A_555 = tpu.vector_load %arg6[%get3A_553, %get3A_554] {strides = array<i32>} : memref<128x128xf32, #tpu.memory_space<vmem>>, vector<1x16xf32>,
        %get3A_556 = vector.shape_cast %get3A_555 : vector<1x16xf32> to vector<16xf32>
        %mul3A_557 = arith.constant 11.3137083 : f32
        %mul3A_558 = vector.broadcast %mul3A_557 : f32 to vector<16xf32>
        %mul3A_559 = arith.mulf %get3A_556, %mul3A_558 : vector<16xf32>
        %swap3A_560 = arith.index_cast %add3A_468 : i32 to index
        %swap3A_561 = arith.constant 112 : index
        %swap3A_562 = tpu.vector_load %arg6[%swap3A_560, %swap3A_561] {strides = array<i32>} : memref<128x128xf32, #tpu.memory_space<vmem>>, vector<1x16xf32>,
        %swap3A_563 = vector.shape_cast %swap3A_562 : vector<1x16xf32> to vector<16xf32>
        %swap3A_564 = vector.shape_cast %mul3A_559 : vector<16xf32> to vector<1x16xf32>
        tpu.vector_store %arg6[%swap3A_560, %swap3A_561], %swap3A_564 {strides = array<i32>} : memref<128x128xf32, #tpu.memory_space<vmem>>, vector<1x16xf32>,
        %mul3A_565 = arith.constant 4 : i32
        %mul3A_566 = arith.muli %mul3A_565, %scan3A_266 : i32
        %add3A_567 = arith.constant 3 : i32
        %add3A_568 = arith.addi %mul3A_566, %add3A_567 : i32
        %get3A_569 = arith.index_cast %add3A_568 : i32 to index
        %get3A_570 = arith.constant 0 : index
        %get3A_571 = tpu.vector_load %arg6[%get3A_569, %get3A_570] {strides = array<i32>} : memref<128x128xf32, #tpu.memory_space<vmem>>, vector<1x16xf32>,
        %get3A_572 = vector.shape_cast %get3A_571 : vector<1x16xf32> to vector<16xf32>
        %mul3A_573 = arith.constant 11.3137083 : f32
        %mul3A_574 = vector.broadcast %mul3A_573 : f32 to vector<16xf32>
        %mul3A_575 = arith.mulf %get3A_572, %mul3A_574 : vector<16xf32>
        %swap3A_576 = arith.index_cast %add3A_568 : i32 to index
        %swap3A_577 = arith.constant 0 : index
        %swap3A_578 = tpu.vector_load %arg6[%swap3A_576, %swap3A_577] {strides = array<i32>} : memref<128x128xf32, #tpu.memory_space<vmem>>, vector<1x16xf32>,
        %swap3A_579 = vector.shape_cast %swap3A_578 : vector<1x16xf32> to vector<16xf32>
        %swap3A_580 = vector.shape_cast %mul3A_575 : vector<16xf32> to vector<1x16xf32>
        tpu.vector_store %arg6[%swap3A_576, %swap3A_577], %swap3A_580 {strides = array<i32>} : memref<128x128xf32, #tpu.memory_space<vmem>>, vector<1x16xf32>,
        %get3A_581 = arith.index_cast %add3A_568 : i32 to index
        %get3A_582 = arith.constant 16 : index
        %get3A_583 = tpu.vector_load %arg6[%get3A_581, %get3A_582] {strides = array<i32>} : memref<128x128xf32, #tpu.memory_space<vmem>>, vector<1x16xf32>,
        %get3A_584 = vector.shape_cast %get3A_583 : vector<1x16xf32> to vector<16xf32>
        %mul3A_585 = arith.constant 11.3137083 : f32
        %mul3A_586 = vector.broadcast %mul3A_585 : f32 to vector<16xf32>
        %mul3A_587 = arith.mulf %get3A_584, %mul3A_586 : vector<16xf32>
        %swap3A_588 = arith.index_cast %add3A_568 : i32 to index
        %swap3A_589 = arith.constant 16 : index
        %swap3A_590 = tpu.vector_load %arg6[%swap3A_588, %swap3A_589] {strides = array<i32>} : memref<128x128xf32, #tpu.memory_space<vmem>>, vector<1x16xf32>,
        %swap3A_591 = vector.shape_cast %swap3A_590 : vector<1x16xf32> to vector<16xf32>
        %swap3A_592 = vector.shape_cast %mul3A_587 : vector<16xf32> to vector<1x16xf32>
        tpu.vector_store %arg6[%swap3A_588, %swap3A_589], %swap3A_592 {strides = array<i32>} : memref<128x128xf32, #tpu.memory_space<vmem>>, vector<1x16xf32>,
        %get3A_593 = arith.index_cast %add3A_568 : i32 to index
        %get3A_594 = arith.constant 32 : index
        %get3A_595 = tpu.vector_load %arg6[%get3A_593, %get3A_594] {strides = array<i32>} : memref<128x128xf32, #tpu.memory_space<vmem>>, vector<1x16xf32>,
        %get3A_596 = vector.shape_cast %get3A_595 : vector<1x16xf32> to vector<16xf32>
        %mul3A_597 = arith.constant 11.3137083 : f32
        %mul3A_598 = vector.broadcast %mul3A_597 : f32 to vector<16xf32>
        %mul3A_599 = arith.mulf %get3A_596, %mul3A_598 : vector<16xf32>
        %swap3A_600 = arith.index_cast %add3A_568 : i32 to index
        %swap3A_601 = arith.constant 32 : index
        %swap3A_602 = tpu.vector_load %arg6[%swap3A_600, %swap3A_601] {strides = array<i32>} : memref<128x128xf32, #tpu.memory_space<vmem>>, vector<1x16xf32>,
        %swap3A_603 = vector.shape_cast %swap3A_602 : vector<1x16xf32> to vector<16xf32>
        %swap3A_604 = vector.shape_cast %mul3A_599 : vector<16xf32> to vector<1x16xf32>
        tpu.vector_store %arg6[%swap3A_600, %swap3A_601], %swap3A_604 {strides = array<i32>} : memref<128x128xf32, #tpu.memory_space<vmem>>, vector<1x16xf32>,
        %get3A_605 = arith.index_cast %add3A_568 : i32 to index
        %get3A_606 = arith.constant 48 : index
        %get3A_607 = tpu.vector_load %arg6[%get3A_605, %get3A_606] {strides = array<i32>} : memref<128x128xf32, #tpu.memory_space<vmem>>, vector<1x16xf32>,
        %get3A_608 = vector.shape_cast %get3A_607 : vector<1x16xf32> to vector<16xf32>
        %mul3A_609 = arith.constant 11.3137083 : f32
        %mul3A_610 = vector.broadcast %mul3A_609 : f32 to vector<16xf32>
        %mul3A_611 = arith.mulf %get3A_608, %mul3A_610 : vector<16xf32>
        %swap3A_612 = arith.index_cast %add3A_568 : i32 to index
        %swap3A_613 = arith.constant 48 : index
        %swap3A_614 = tpu.vector_load %arg6[%swap3A_612, %swap3A_613] {strides = array<i32>} : memref<128x128xf32, #tpu.memory_space<vmem>>, vector<1x16xf32>,
        %swap3A_615 = vector.shape_cast %swap3A_614 : vector<1x16xf32> to vector<16xf32>
        %swap3A_616 = vector.shape_cast %mul3A_611 : vector<16xf32> to vector<1x16xf32>
        tpu.vector_store %arg6[%swap3A_612, %swap3A_613], %swap3A_616 {strides = array<i32>} : memref<128x128xf32, #tpu.memory_space<vmem>>, vector<1x16xf32>,
        %get3A_617 = arith.index_cast %add3A_568 : i32 to index
        %get3A_618 = arith.constant 64 : index
        %get3A_619 = tpu.vector_load %arg6[%get3A_617, %get3A_618] {strides = array<i32>} : memref<128x128xf32, #tpu.memory_space<vmem>>, vector<1x16xf32>,
        %get3A_620 = vector.shape_cast %get3A_619 : vector<1x16xf32> to vector<16xf32>
        %mul3A_621 = arith.constant 11.3137083 : f32
        %mul3A_622 = vector.broadcast %mul3A_621 : f32 to vector<16xf32>
        %mul3A_623 = arith.mulf %get3A_620, %mul3A_622 : vector<16xf32>
        %swap3A_624 = arith.index_cast %add3A_568 : i32 to index
        %swap3A_625 = arith.constant 64 : index
        %swap3A_626 = tpu.vector_load %arg6[%swap3A_624, %swap3A_625] {strides = array<i32>} : memref<128x128xf32, #tpu.memory_space<vmem>>, vector<1x16xf32>,
        %swap3A_627 = vector.shape_cast %swap3A_626 : vector<1x16xf32> to vector<16xf32>
        %swap3A_628 = vector.shape_cast %mul3A_623 : vector<16xf32> to vector<1x16xf32>
        tpu.vector_store %arg6[%swap3A_624, %swap3A_625], %swap3A_628 {strides = array<i32>} : memref<128x128xf32, #tpu.memory_space<vmem>>, vector<1x16xf32>,
        %get3A_629 = arith.index_cast %add3A_568 : i32 to index
        %get3A_630 = arith.constant 80 : index
        %get3A_631 = tpu.vector_load %arg6[%get3A_629, %get3A_630] {strides = array<i32>} : memref<128x128xf32, #tpu.memory_space<vmem>>, vector<1x16xf32>,
        %get3A_632 = vector.shape_cast %get3A_631 : vector<1x16xf32> to vector<16xf32>
        %mul3A_633 = arith.constant 11.3137083 : f32
        %mul3A_634 = vector.broadcast %mul3A_633 : f32 to vector<16xf32>
        %mul3A_635 = arith.mulf %get3A_632, %mul3A_634 : vector<16xf32>
        %swap3A_636 = arith.index_cast %add3A_568 : i32 to index
        %swap3A_637 = arith.constant 80 : index
        %swap3A_638 = tpu.vector_load %arg6[%swap3A_636, %swap3A_637] {strides = array<i32>} : memref<128x128xf32, #tpu.memory_space<vmem>>, vector<1x16xf32>,
        %swap3A_639 = vector.shape_cast %swap3A_638 : vector<1x16xf32> to vector<16xf32>
        %swap3A_640 = vector.shape_cast %mul3A_635 : vector<16xf32> to vector<1x16xf32>
        tpu.vector_store %arg6[%swap3A_636, %swap3A_637], %swap3A_640 {strides = array<i32>} : memref<128x128xf32, #tpu.memory_space<vmem>>, vector<1x16xf32>,
        %get3A_641 = arith.index_cast %add3A_568 : i32 to index
        %get3A_642 = arith.constant 96 : index
        %get3A_643 = tpu.vector_load %arg6[%get3A_641, %get3A_642] {strides = array<i32>} : memref<128x128xf32, #tpu.memory_space<vmem>>, vector<1x16xf32>,
        %get3A_644 = vector.shape_cast %get3A_643 : vector<1x16xf32> to vector<16xf32>
        %mul3A_645 = arith.constant 11.3137083 : f32
        %mul3A_646 = vector.broadcast %mul3A_645 : f32 to vector<16xf32>
        %mul3A_647 = arith.mulf %get3A_644, %mul3A_646 : vector<16xf32>
        %swap3A_648 = arith.index_cast %add3A_568 : i32 to index
        %swap3A_649 = arith.constant 96 : index
        %swap3A_650 = tpu.vector_load %arg6[%swap3A_648, %swap3A_649] {strides = array<i32>} : memref<128x128xf32, #tpu.memory_space<vmem>>, vector<1x16xf32>,
        %swap3A_651 = vector.shape_cast %swap3A_650 : vector<1x16xf32> to vector<16xf32>
        %swap3A_652 = vector.shape_cast %mul3A_647 : vector<16xf32> to vector<1x16xf32>
        tpu.vector_store %arg6[%swap3A_648, %swap3A_649], %swap3A_652 {strides = array<i32>} : memref<128x128xf32, #tpu.memory_space<vmem>>, vector<1x16xf32>,
        %get3A_653 = arith.index_cast %add3A_568 : i32 to index
        %get3A_654 = arith.constant 112 : index
        %get3A_655 = tpu.vector_load %arg6[%get3A_653, %get3A_654] {strides = array<i32>} : memref<128x128xf32, #tpu.memory_space<vmem>>, vector<1x16xf32>,
        %get3A_656 = vector.shape_cast %get3A_655 : vector<1x16xf32> to vector<16xf32>
        %mul3A_657 = arith.constant 11.3137083 : f32
        %mul3A_658 = vector.broadcast %mul3A_657 : f32 to vector<16xf32>
        %mul3A_659 = arith.mulf %get3A_656, %mul3A_658 : vector<16xf32>
        %swap3A_660 = arith.index_cast %add3A_568 : i32 to index
        %swap3A_661 = arith.constant 112 : index
        %swap3A_662 = tpu.vector_load %arg6[%swap3A_660, %swap3A_661] {strides = array<i32>} : memref<128x128xf32, #tpu.memory_space<vmem>>, vector<1x16xf32>,
        %swap3A_663 = vector.shape_cast %swap3A_662 : vector<1x16xf32> to vector<16xf32>
        %swap3A_664 = vector.shape_cast %mul3A_659 : vector<16xf32> to vector<1x16xf32>
        tpu.vector_store %arg6[%swap3A_660, %swap3A_661], %swap3A_664 {strides = array<i32>} : memref<128x128xf32, #tpu.memory_space<vmem>>, vector<1x16xf32>,
      }
      %scan3A_222 = arith.constant 32 : i32
      %sub3A_223 = arith.constant 2 : i32
      %sub3A_224 = arith.subi %add3A_199, %sub3A_223 : i32
      %mul3A_225 = arith.constant 128 : i32
      %mul3A_226 = arith.muli %sub3A_224, %mul3A_225 : i32
      %add3A_227 = arith.addi %mul3A_4, %mul3A_226 : i32
      %dma_start3A_228 = arith.constant 0 : i32
      %dma_start3A_229 = tpu.memref_slice %arg4[%add3A_227, %dma_start3A_228] : memref<819200x128xf32, #tpu.memory_space<hbm>> -> memref<128x128xf32, #tpu.memory_space<hbm>>
      %dma_start3A_230 = arith.constant 0 : i32
      %dma_start3A_231 = tpu.memref_slice %arg4[%add3A_227, %dma_start3A_230] : memref<819200x128xf32, #tpu.memory_space<hbm>> -> memref<128x128xf32, #tpu.memory_space<hbm>>
      tpu.enqueue_dma source(%arg6 : memref<128x128xf32, #tpu.memory_space<vmem>>) target(%dma_start3A_231 : memref<128x128xf32, #tpu.memory_space<hbm>>) target_semaphore(%arg14 : memref<!tpu.dma_semaphore, #tpu.memory_space<semaphore_mem>>)
      %add3A_232 = arith.constant 3 : i32
      %add3A_233 = arith.addi %mul3A_130, %add3A_232 : i32
      %dma_wait3A_234 = arith.constant 0 : i32
      %dma_wait3A_235 = tpu.memref_slice %arg4[%mul3A_4, %dma_wait3A_234] : memref<819200x128xf32, #tpu.memory_space<hbm>> -> memref<128x128xf32, #tpu.memory_space<hbm>>
      %dma_wait3A_236 = arith.constant 0 : i32
      %dma_wait3A_237 = tpu.memref_slice %arg4[%mul3A_4, %dma_wait3A_236] : memref<819200x128xf32, #tpu.memory_space<hbm>> -> memref<128x128xf32, #tpu.memory_space<hbm>>
      tpu.wait_dma2 semaphore(%arg17 : memref<!tpu.dma_semaphore, #tpu.memory_space<semaphore_mem>>) src(%arg9 : memref<128x128xf32, #tpu.memory_space<vmem>>) dst(%dma_wait3A_237 : memref<128x128xf32, #tpu.memory_space<hbm>>)
      %dma_start3A_238 = arith.constant 0 : i32
      %dma_start3A_239 = tpu.memref_slice %arg5[%add3A_233, %dma_start3A_238] : memref<200x128xi32, #tpu.memory_space<vmem>> -> memref<1x128xi32, #tpu.memory_space<vmem>>
      %dma_start3A_240 = tpu.memref_squeeze %dma_start3A_239 : memref<1x128xi32, #tpu.memory_space<vmem>> -> memref<128xi32, #tpu.memory_space<vmem>>
      %dma_start3A_241 = arith.constant 0 : i32
      %dma_start3A_242 = arith.constant 0 : i32
      %dma_start3A_243 = tpu.memref_slice %arg2[%dma_start3A_241, %dma_start3A_242] : memref<100000x128xf32, #tpu.memory_space<hbm>> -> memref<100000x128xf32, #tpu.memory_space<hbm>>
      tpu.enqueue_indirect_dma source(%dma_start3A_243 : memref<100000x128xf32, #tpu.memory_space<hbm>>) target(%arg9 : memref<128x128xf32, #tpu.memory_space<vmem>>) offsets(%dma_start3A_240 : memref<128xi32, #tpu.memory_space<vmem>>) semaphore(%arg13 : memref<!tpu.dma_semaphore, #tpu.memory_space<semaphore_mem>>)
      %dma_wait3A_244 = arith.constant 0 : i32
      %dma_wait3A_245 = arith.constant 0 : i32
      %dma_wait3A_246 = tpu.memref_slice %arg5[%dma_wait3A_244, %dma_wait3A_245] : memref<200x128xi32, #tpu.memory_space<vmem>> -> memref<1x128xi32, #tpu.memory_space<vmem>>
      %dma_wait3A_247 = tpu.memref_squeeze %dma_wait3A_246 : memref<1x128xi32, #tpu.memory_space<vmem>> -> memref<128xi32, #tpu.memory_space<vmem>>
      %dma_wait3A_248 = arith.constant 0 : i32
      %dma_wait3A_249 = arith.constant 0 : i32
      %dma_wait3A_250 = tpu.memref_slice %arg2[%dma_wait3A_248, %dma_wait3A_249] : memref<100000x128xf32, #tpu.memory_space<hbm>> -> memref<100000x128xf32, #tpu.memory_space<hbm>>
      tpu.wait_indirect_dma semaphore(%arg11 : memref<!tpu.dma_semaphore, #tpu.memory_space<semaphore_mem>>) src(%dma_wait3A_250 : memref<100000x128xf32, #tpu.memory_space<hbm>>) dst(%arg7 : memref<128x128xf32, #tpu.memory_space<vmem>>)
      %scan3A_251 = arith.constant 0 : i32
      %scan3A_252 = arith.constant 0 : i32
      %scan3A_253 = arith.constant 32 : i32
      %scan3A_254 = arith.addi %scan3A_252, %scan3A_253 : i32
      %scan3A_255 = arith.constant 1 : i32
      scf.for %scan3A_266 = %scan3A_252 to %scan3A_254 step %scan3A_255  : i32 {
        %mul3A_267 = arith.constant 4 : i32
        %mul3A_268 = arith.muli %mul3A_267, %scan3A_266 : i32
        %add3A_269 = arith.constant 0 : i32
        %add3A_270 = arith.addi %mul3A_268, %add3A_269 : i32
        %get3A = arith.index_cast %add3A_270 : i32 to index
        %get3A_271 = arith.constant 0 : index
        %get3A_272 = tpu.vector_load %arg7[%get3A, %get3A_271] {strides = array<i32>} : memref<128x128xf32, #tpu.memory_space<vmem>>, vector<1x16xf32>,
        %get3A_273 = vector.shape_cast %get3A_272 : vector<1x16xf32> to vector<16xf32>
        %mul3A_274 = arith.constant 11.3137083 : f32
        %mul3A_275 = vector.broadcast %mul3A_274 : f32 to vector<16xf32>
        %mul3A_276 = arith.mulf %get3A_273, %mul3A_275 : vector<16xf32>
        %swap3A = arith.index_cast %add3A_270 : i32 to index
        %swap3A_277 = arith.constant 0 : index
        %swap3A_278 = tpu.vector_load %arg7[%swap3A, %swap3A_277] {strides = array<i32>} : memref<128x128xf32, #tpu.memory_space<vmem>>, vector<1x16xf32>,
        %swap3A_279 = vector.shape_cast %swap3A_278 : vector<1x16xf32> to vector<16xf32>
        %swap3A_280 = vector.shape_cast %mul3A_276 : vector<16xf32> to vector<1x16xf32>
        tpu.vector_store %arg7[%swap3A, %swap3A_277], %swap3A_280 {strides = array<i32>} : memref<128x128xf32, #tpu.memory_space<vmem>>, vector<1x16xf32>,
        %get3A_281 = arith.index_cast %add3A_270 : i32 to index
        %get3A_282 = arith.constant 16 : index
        %get3A_283 = tpu.vector_load %arg7[%get3A_281, %get3A_282] {strides = array<i32>} : memref<128x128xf32, #tpu.memory_space<vmem>>, vector<1x16xf32>,
        %get3A_284 = vector.shape_cast %get3A_283 : vector<1x16xf32> to vector<16xf32>
        %mul3A_285 = arith.constant 11.3137083 : f32
        %mul3A_286 = vector.broadcast %mul3A_285 : f32 to vector<16xf32>
        %mul3A_287 = arith.mulf %get3A_284, %mul3A_286 : vector<16xf32>
        %swap3A_288 = arith.index_cast %add3A_270 : i32 to index
        %swap3A_289 = arith.constant 16 : index
        %swap3A_290 = tpu.vector_load %arg7[%swap3A_288, %swap3A_289] {strides = array<i32>} : memref<128x128xf32, #tpu.memory_space<vmem>>, vector<1x16xf32>,
        %swap3A_291 = vector.shape_cast %swap3A_290 : vector<1x16xf32> to vector<16xf32>
        %swap3A_292 = vector.shape_cast %mul3A_287 : vector<16xf32> to vector<1x16xf32>
        tpu.vector_store %arg7[%swap3A_288, %swap3A_289], %swap3A_292 {strides = array<i32>} : memref<128x128xf32, #tpu.memory_space<vmem>>, vector<1x16xf32>,
        %get3A_293 = arith.index_cast %add3A_270 : i32 to index
        %get3A_294 = arith.constant 32 : index
        %get3A_295 = tpu.vector_load %arg7[%get3A_293, %get3A_294] {strides = array<i32>} : memref<128x128xf32, #tpu.memory_space<vmem>>, vector<1x16xf32>,
        %get3A_296 = vector.shape_cast %get3A_295 : vector<1x16xf32> to vector<16xf32>
        %mul3A_297 = arith.constant 11.3137083 : f32
        %mul3A_298 = vector.broadcast %mul3A_297 : f32 to vector<16xf32>
        %mul3A_299 = arith.mulf %get3A_296, %mul3A_298 : vector<16xf32>
        %swap3A_300 = arith.index_cast %add3A_270 : i32 to index
        %swap3A_301 = arith.constant 32 : index
        %swap3A_302 = tpu.vector_load %arg7[%swap3A_300, %swap3A_301] {strides = array<i32>} : memref<128x128xf32, #tpu.memory_space<vmem>>, vector<1x16xf32>,
        %swap3A_303 = vector.shape_cast %swap3A_302 : vector<1x16xf32> to vector<16xf32>
        %swap3A_304 = vector.shape_cast %mul3A_299 : vector<16xf32> to vector<1x16xf32>
        tpu.vector_store %arg7[%swap3A_300, %swap3A_301], %swap3A_304 {strides = array<i32>} : memref<128x128xf32, #tpu.memory_space<vmem>>, vector<1x16xf32>,
        %get3A_305 = arith.index_cast %add3A_270 : i32 to index
        %get3A_306 = arith.constant 48 : index
        %get3A_307 = tpu.vector_load %arg7[%get3A_305, %get3A_306] {strides = array<i32>} : memref<128x128xf32, #tpu.memory_space<vmem>>, vector<1x16xf32>,
        %get3A_308 = vector.shape_cast %get3A_307 : vector<1x16xf32> to vector<16xf32>
        %mul3A_309 = arith.constant 11.3137083 : f32
        %mul3A_310 = vector.broadcast %mul3A_309 : f32 to vector<16xf32>
        %mul3A_311 = arith.mulf %get3A_308, %mul3A_310 : vector<16xf32>
        %swap3A_312 = arith.index_cast %add3A_270 : i32 to index
        %swap3A_313 = arith.constant 48 : index
        %swap3A_314 = tpu.vector_load %arg7[%swap3A_312, %swap3A_313] {strides = array<i32>} : memref<128x128xf32, #tpu.memory_space<vmem>>, vector<1x16xf32>,
        %swap3A_315 = vector.shape_cast %swap3A_314 : vector<1x16xf32> to vector<16xf32>
        %swap3A_316 = vector.shape_cast %mul3A_311 : vector<16xf32> to vector<1x16xf32>
        tpu.vector_store %arg7[%swap3A_312, %swap3A_313], %swap3A_316 {strides = array<i32>} : memref<128x128xf32, #tpu.memory_space<vmem>>, vector<1x16xf32>,
        %get3A_317 = arith.index_cast %add3A_270 : i32 to index
        %get3A_318 = arith.constant 64 : index
        %get3A_319 = tpu.vector_load %arg7[%get3A_317, %get3A_318] {strides = array<i32>} : memref<128x128xf32, #tpu.memory_space<vmem>>, vector<1x16xf32>,
        %get3A_320 = vector.shape_cast %get3A_319 : vector<1x16xf32> to vector<16xf32>
        %mul3A_321 = arith.constant 11.3137083 : f32
        %mul3A_322 = vector.broadcast %mul3A_321 : f32 to vector<16xf32>
        %mul3A_323 = arith.mulf %get3A_320, %mul3A_322 : vector<16xf32>
        %swap3A_324 = arith.index_cast %add3A_270 : i32 to index
        %swap3A_325 = arith.constant 64 : index
        %swap3A_326 = tpu.vector_load %arg7[%swap3A_324, %swap3A_325] {strides = array<i32>} : memref<128x128xf32, #tpu.memory_space<vmem>>, vector<1x16xf32>,
        %swap3A_327 = vector.shape_cast %swap3A_326 : vector<1x16xf32> to vector<16xf32>
        %swap3A_328 = vector.shape_cast %mul3A_323 : vector<16xf32> to vector<1x16xf32>
        tpu.vector_store %arg7[%swap3A_324, %swap3A_325], %swap3A_328 {strides = array<i32>} : memref<128x128xf32, #tpu.memory_space<vmem>>, vector<1x16xf32>,
        %get3A_329 = arith.index_cast %add3A_270 : i32 to index
        %get3A_330 = arith.constant 80 : index
        %get3A_331 = tpu.vector_load %arg7[%get3A_329, %get3A_330] {strides = array<i32>} : memref<128x128xf32, #tpu.memory_space<vmem>>, vector<1x16xf32>,
        %get3A_332 = vector.shape_cast %get3A_331 : vector<1x16xf32> to vector<16xf32>
        %mul3A_333 = arith.constant 11.3137083 : f32
        %mul3A_334 = vector.broadcast %mul3A_333 : f32 to vector<16xf32>
        %mul3A_335 = arith.mulf %get3A_332, %mul3A_334 : vector<16xf32>
        %swap3A_336 = arith.index_cast %add3A_270 : i32 to index
        %swap3A_337 = arith.constant 80 : index
        %swap3A_338 = tpu.vector_load %arg7[%swap3A_336, %swap3A_337] {strides = array<i32>} : memref<128x128xf32, #tpu.memory_space<vmem>>, vector<1x16xf32>,
        %swap3A_339 = vector.shape_cast %swap3A_338 : vector<1x16xf32> to vector<16xf32>
        %swap3A_340 = vector.shape_cast %mul3A_335 : vector<16xf32> to vector<1x16xf32>
        tpu.vector_store %arg7[%swap3A_336, %swap3A_337], %swap3A_340 {strides = array<i32>} : memref<128x128xf32, #tpu.memory_space<vmem>>, vector<1x16xf32>,
        %get3A_341 = arith.index_cast %add3A_270 : i32 to index
        %get3A_342 = arith.constant 96 : index
        %get3A_343 = tpu.vector_load %arg7[%get3A_341, %get3A_342] {strides = array<i32>} : memref<128x128xf32, #tpu.memory_space<vmem>>, vector<1x16xf32>,
        %get3A_344 = vector.shape_cast %get3A_343 : vector<1x16xf32> to vector<16xf32>
        %mul3A_345 = arith.constant 11.3137083 : f32
        %mul3A_346 = vector.broadcast %mul3A_345 : f32 to vector<16xf32>
        %mul3A_347 = arith.mulf %get3A_344, %mul3A_346 : vector<16xf32>
        %swap3A_348 = arith.index_cast %add3A_270 : i32 to index
        %swap3A_349 = arith.constant 96 : index
        %swap3A_350 = tpu.vector_load %arg7[%swap3A_348, %swap3A_349] {strides = array<i32>} : memref<128x128xf32, #tpu.memory_space<vmem>>, vector<1x16xf32>,
        %swap3A_351 = vector.shape_cast %swap3A_350 : vector<1x16xf32> to vector<16xf32>
        %swap3A_352 = vector.shape_cast %mul3A_347 : vector<16xf32> to vector<1x16xf32>
        tpu.vector_store %arg7[%swap3A_348, %swap3A_349], %swap3A_352 {strides = array<i32>} : memref<128x128xf32, #tpu.memory_space<vmem>>, vector<1x16xf32>,
        %get3A_353 = arith.index_cast %add3A_270 : i32 to index
        %get3A_354 = arith.constant 112 : index
        %get3A_355 = tpu.vector_load %arg7[%get3A_353, %get3A_354] {strides = array<i32>} : memref<128x128xf32, #tpu.memory_space<vmem>>, vector<1x16xf32>,
        %get3A_356 = vector.shape_cast %get3A_355 : vector<1x16xf32> to vector<16xf32>
        %mul3A_357 = arith.constant 11.3137083 : f32
        %mul3A_358 = vector.broadcast %mul3A_357 : f32 to vector<16xf32>
        %mul3A_359 = arith.mulf %get3A_356, %mul3A_358 : vector<16xf32>
        %swap3A_360 = arith.index_cast %add3A_270 : i32 to index
        %swap3A_361 = arith.constant 112 : index
        %swap3A_362 = tpu.vector_load %arg7[%swap3A_360, %swap3A_361] {strides = array<i32>} : memref<128x128xf32, #tpu.memory_space<vmem>>, vector<1x16xf32>,
        %swap3A_363 = vector.shape_cast %swap3A_362 : vector<1x16xf32> to vector<16xf32>
        %swap3A_364 = vector.shape_cast %mul3A_359 : vector<16xf32> to vector<1x16xf32>
        tpu.vector_store %arg7[%swap3A_360, %swap3A_361], %swap3A_364 {strides = array<i32>} : memref<128x128xf32, #tpu.memory_space<vmem>>, vector<1x16xf32>,
        %mul3A_365 = arith.constant 4 : i32
        %mul3A_366 = arith.muli %mul3A_365, %scan3A_266 : i32
        %add3A_367 = arith.constant 1 : i32
        %add3A_368 = arith.addi %mul3A_366, %add3A_367 : i32
        %get3A_369 = arith.index_cast %add3A_368 : i32 to index
        %get3A_370 = arith.constant 0 : index
        %get3A_371 = tpu.vector_load %arg7[%get3A_369, %get3A_370] {strides = array<i32>} : memref<128x128xf32, #tpu.memory_space<vmem>>, vector<1x16xf32>,
        %get3A_372 = vector.shape_cast %get3A_371 : vector<1x16xf32> to vector<16xf32>
        %mul3A_373 = arith.constant 11.3137083 : f32
        %mul3A_374 = vector.broadcast %mul3A_373 : f32 to vector<16xf32>
        %mul3A_375 = arith.mulf %get3A_372, %mul3A_374 : vector<16xf32>
        %swap3A_376 = arith.index_cast %add3A_368 : i32 to index
        %swap3A_377 = arith.constant 0 : index
        %swap3A_378 = tpu.vector_load %arg7[%swap3A_376, %swap3A_377] {strides = array<i32>} : memref<128x128xf32, #tpu.memory_space<vmem>>, vector<1x16xf32>,
        %swap3A_379 = vector.shape_cast %swap3A_378 : vector<1x16xf32> to vector<16xf32>
        %swap3A_380 = vector.shape_cast %mul3A_375 : vector<16xf32> to vector<1x16xf32>
        tpu.vector_store %arg7[%swap3A_376, %swap3A_377], %swap3A_380 {strides = array<i32>} : memref<128x128xf32, #tpu.memory_space<vmem>>, vector<1x16xf32>,
        %get3A_381 = arith.index_cast %add3A_368 : i32 to index
        %get3A_382 = arith.constant 16 : index
        %get3A_383 = tpu.vector_load %arg7[%get3A_381, %get3A_382] {strides = array<i32>} : memref<128x128xf32, #tpu.memory_space<vmem>>, vector<1x16xf32>,
        %get3A_384 = vector.shape_cast %get3A_383 : vector<1x16xf32> to vector<16xf32>
        %mul3A_385 = arith.constant 11.3137083 : f32
        %mul3A_386 = vector.broadcast %mul3A_385 : f32 to vector<16xf32>
        %mul3A_387 = arith.mulf %get3A_384, %mul3A_386 : vector<16xf32>
        %swap3A_388 = arith.index_cast %add3A_368 : i32 to index
        %swap3A_389 = arith.constant 16 : index
        %swap3A_390 = tpu.vector_load %arg7[%swap3A_388, %swap3A_389] {strides = array<i32>} : memref<128x128xf32, #tpu.memory_space<vmem>>, vector<1x16xf32>,
        %swap3A_391 = vector.shape_cast %swap3A_390 : vector<1x16xf32> to vector<16xf32>
        %swap3A_392 = vector.shape_cast %mul3A_387 : vector<16xf32> to vector<1x16xf32>
        tpu.vector_store %arg7[%swap3A_388, %swap3A_389], %swap3A_392 {strides = array<i32>} : memref<128x128xf32, #tpu.memory_space<vmem>>, vector<1x16xf32>,
        %get3A_393 = arith.index_cast %add3A_368 : i32 to index
        %get3A_394 = arith.constant 32 : index
        %get3A_395 = tpu.vector_load %arg7[%get3A_393, %get3A_394] {strides = array<i32>} : memref<128x128xf32, #tpu.memory_space<vmem>>, vector<1x16xf32>,
        %get3A_396 = vector.shape_cast %get3A_395 : vector<1x16xf32> to vector<16xf32>
        %mul3A_397 = arith.constant 11.3137083 : f32
        %mul3A_398 = vector.broadcast %mul3A_397 : f32 to vector<16xf32>
        %mul3A_399 = arith.mulf %get3A_396, %mul3A_398 : vector<16xf32>
        %swap3A_400 = arith.index_cast %add3A_368 : i32 to index
        %swap3A_401 = arith.constant 32 : index
        %swap3A_402 = tpu.vector_load %arg7[%swap3A_400, %swap3A_401] {strides = array<i32>} : memref<128x128xf32, #tpu.memory_space<vmem>>, vector<1x16xf32>,
        %swap3A_403 = vector.shape_cast %swap3A_402 : vector<1x16xf32> to vector<16xf32>
        %swap3A_404 = vector.shape_cast %mul3A_399 : vector<16xf32> to vector<1x16xf32>
        tpu.vector_store %arg7[%swap3A_400, %swap3A_401], %swap3A_404 {strides = array<i32>} : memref<128x128xf32, #tpu.memory_space<vmem>>, vector<1x16xf32>,
        %get3A_405 = arith.index_cast %add3A_368 : i32 to index
        %get3A_406 = arith.constant 48 : index
        %get3A_407 = tpu.vector_load %arg7[%get3A_405, %get3A_406] {strides = array<i32>} : memref<128x128xf32, #tpu.memory_space<vmem>>, vector<1x16xf32>,
        %get3A_408 = vector.shape_cast %get3A_407 : vector<1x16xf32> to vector<16xf32>
        %mul3A_409 = arith.constant 11.3137083 : f32
        %mul3A_410 = vector.broadcast %mul3A_409 : f32 to vector<16xf32>
        %mul3A_411 = arith.mulf %get3A_408, %mul3A_410 : vector<16xf32>
        %swap3A_412 = arith.index_cast %add3A_368 : i32 to index
        %swap3A_413 = arith.constant 48 : index
        %swap3A_414 = tpu.vector_load %arg7[%swap3A_412, %swap3A_413] {strides = array<i32>} : memref<128x128xf32, #tpu.memory_space<vmem>>, vector<1x16xf32>,
        %swap3A_415 = vector.shape_cast %swap3A_414 : vector<1x16xf32> to vector<16xf32>
        %swap3A_416 = vector.shape_cast %mul3A_411 : vector<16xf32> to vector<1x16xf32>
        tpu.vector_store %arg7[%swap3A_412, %swap3A_413], %swap3A_416 {strides = array<i32>} : memref<128x128xf32, #tpu.memory_space<vmem>>, vector<1x16xf32>,
        %get3A_417 = arith.index_cast %add3A_368 : i32 to index
        %get3A_418 = arith.constant 64 : index
        %get3A_419 = tpu.vector_load %arg7[%get3A_417, %get3A_418] {strides = array<i32>} : memref<128x128xf32, #tpu.memory_space<vmem>>, vector<1x16xf32>,
        %get3A_420 = vector.shape_cast %get3A_419 : vector<1x16xf32> to vector<16xf32>
        %mul3A_421 = arith.constant 11.3137083 : f32
        %mul3A_422 = vector.broadcast %mul3A_421 : f32 to vector<16xf32>
        %mul3A_423 = arith.mulf %get3A_420, %mul3A_422 : vector<16xf32>
        %swap3A_424 = arith.index_cast %add3A_368 : i32 to index
        %swap3A_425 = arith.constant 64 : index
        %swap3A_426 = tpu.vector_load %arg7[%swap3A_424, %swap3A_425] {strides = array<i32>} : memref<128x128xf32, #tpu.memory_space<vmem>>, vector<1x16xf32>,
        %swap3A_427 = vector.shape_cast %swap3A_426 : vector<1x16xf32> to vector<16xf32>
        %swap3A_428 = vector.shape_cast %mul3A_423 : vector<16xf32> to vector<1x16xf32>
        tpu.vector_store %arg7[%swap3A_424, %swap3A_425], %swap3A_428 {strides = array<i32>} : memref<128x128xf32, #tpu.memory_space<vmem>>, vector<1x16xf32>,
        %get3A_429 = arith.index_cast %add3A_368 : i32 to index
        %get3A_430 = arith.constant 80 : index
        %get3A_431 = tpu.vector_load %arg7[%get3A_429, %get3A_430] {strides = array<i32>} : memref<128x128xf32, #tpu.memory_space<vmem>>, vector<1x16xf32>,
        %get3A_432 = vector.shape_cast %get3A_431 : vector<1x16xf32> to vector<16xf32>
        %mul3A_433 = arith.constant 11.3137083 : f32
        %mul3A_434 = vector.broadcast %mul3A_433 : f32 to vector<16xf32>
        %mul3A_435 = arith.mulf %get3A_432, %mul3A_434 : vector<16xf32>
        %swap3A_436 = arith.index_cast %add3A_368 : i32 to index
        %swap3A_437 = arith.constant 80 : index
        %swap3A_438 = tpu.vector_load %arg7[%swap3A_436, %swap3A_437] {strides = array<i32>} : memref<128x128xf32, #tpu.memory_space<vmem>>, vector<1x16xf32>,
        %swap3A_439 = vector.shape_cast %swap3A_438 : vector<1x16xf32> to vector<16xf32>
        %swap3A_440 = vector.shape_cast %mul3A_435 : vector<16xf32> to vector<1x16xf32>
        tpu.vector_store %arg7[%swap3A_436, %swap3A_437], %swap3A_440 {strides = array<i32>} : memref<128x128xf32, #tpu.memory_space<vmem>>, vector<1x16xf32>,
        %get3A_441 = arith.index_cast %add3A_368 : i32 to index
        %get3A_442 = arith.constant 96 : index
        %get3A_443 = tpu.vector_load %arg7[%get3A_441, %get3A_442] {strides = array<i32>} : memref<128x128xf32, #tpu.memory_space<vmem>>, vector<1x16xf32>,
        %get3A_444 = vector.shape_cast %get3A_443 : vector<1x16xf32> to vector<16xf32>
        %mul3A_445 = arith.constant 11.3137083 : f32
        %mul3A_446 = vector.broadcast %mul3A_445 : f32 to vector<16xf32>
        %mul3A_447 = arith.mulf %get3A_444, %mul3A_446 : vector<16xf32>
        %swap3A_448 = arith.index_cast %add3A_368 : i32 to index
        %swap3A_449 = arith.constant 96 : index
        %swap3A_450 = tpu.vector_load %arg7[%swap3A_448, %swap3A_449] {strides = array<i32>} : memref<128x128xf32, #tpu.memory_space<vmem>>, vector<1x16xf32>,
        %swap3A_451 = vector.shape_cast %swap3A_450 : vector<1x16xf32> to vector<16xf32>
        %swap3A_452 = vector.shape_cast %mul3A_447 : vector<16xf32> to vector<1x16xf32>
        tpu.vector_store %arg7[%swap3A_448, %swap3A_449], %swap3A_452 {strides = array<i32>} : memref<128x128xf32, #tpu.memory_space<vmem>>, vector<1x16xf32>,
        %get3A_453 = arith.index_cast %add3A_368 : i32 to index
        %get3A_454 = arith.constant 112 : index
        %get3A_455 = tpu.vector_load %arg7[%get3A_453, %get3A_454] {strides = array<i32>} : memref<128x128xf32, #tpu.memory_space<vmem>>, vector<1x16xf32>,
        %get3A_456 = vector.shape_cast %get3A_455 : vector<1x16xf32> to vector<16xf32>
        %mul3A_457 = arith.constant 11.3137083 : f32
        %mul3A_458 = vector.broadcast %mul3A_457 : f32 to vector<16xf32>
        %mul3A_459 = arith.mulf %get3A_456, %mul3A_458 : vector<16xf32>
        %swap3A_460 = arith.index_cast %add3A_368 : i32 to index
        %swap3A_461 = arith.constant 112 : index
        %swap3A_462 = tpu.vector_load %arg7[%swap3A_460, %swap3A_461] {strides = array<i32>} : memref<128x128xf32, #tpu.memory_space<vmem>>, vector<1x16xf32>,
        %swap3A_463 = vector.shape_cast %swap3A_462 : vector<1x16xf32> to vector<16xf32>
        %swap3A_464 = vector.shape_cast %mul3A_459 : vector<16xf32> to vector<1x16xf32>
        tpu.vector_store %arg7[%swap3A_460, %swap3A_461], %swap3A_464 {strides = array<i32>} : memref<128x128xf32, #tpu.memory_space<vmem>>, vector<1x16xf32>,
        %mul3A_465 = arith.constant 4 : i32
        %mul3A_466 = arith.muli %mul3A_465, %scan3A_266 : i32
        %add3A_467 = arith.constant 2 : i32
        %add3A_468 = arith.addi %mul3A_466, %add3A_467 : i32
        %get3A_469 = arith.index_cast %add3A_468 : i32 to index
        %get3A_470 = arith.constant 0 : index
        %get3A_471 = tpu.vector_load %arg7[%get3A_469, %get3A_470] {strides = array<i32>} : memref<128x128xf32, #tpu.memory_space<vmem>>, vector<1x16xf32>,
        %get3A_472 = vector.shape_cast %get3A_471 : vector<1x16xf32> to vector<16xf32>
        %mul3A_473 = arith.constant 11.3137083 : f32
        %mul3A_474 = vector.broadcast %mul3A_473 : f32 to vector<16xf32>
        %mul3A_475 = arith.mulf %get3A_472, %mul3A_474 : vector<16xf32>
        %swap3A_476 = arith.index_cast %add3A_468 : i32 to index
        %swap3A_477 = arith.constant 0 : index
        %swap3A_478 = tpu.vector_load %arg7[%swap3A_476, %swap3A_477] {strides = array<i32>} : memref<128x128xf32, #tpu.memory_space<vmem>>, vector<1x16xf32>,
        %swap3A_479 = vector.shape_cast %swap3A_478 : vector<1x16xf32> to vector<16xf32>
        %swap3A_480 = vector.shape_cast %mul3A_475 : vector<16xf32> to vector<1x16xf32>
        tpu.vector_store %arg7[%swap3A_476, %swap3A_477], %swap3A_480 {strides = array<i32>} : memref<128x128xf32, #tpu.memory_space<vmem>>, vector<1x16xf32>,
        %get3A_481 = arith.index_cast %add3A_468 : i32 to index
        %get3A_482 = arith.constant 16 : index
        %get3A_483 = tpu.vector_load %arg7[%get3A_481, %get3A_482] {strides = array<i32>} : memref<128x128xf32, #tpu.memory_space<vmem>>, vector<1x16xf32>,
        %get3A_484 = vector.shape_cast %get3A_483 : vector<1x16xf32> to vector<16xf32>
        %mul3A_485 = arith.constant 11.3137083 : f32
        %mul3A_486 = vector.broadcast %mul3A_485 : f32 to vector<16xf32>
        %mul3A_487 = arith.mulf %get3A_484, %mul3A_486 : vector<16xf32>
        %swap3A_488 = arith.index_cast %add3A_468 : i32 to index
        %swap3A_489 = arith.constant 16 : index
        %swap3A_490 = tpu.vector_load %arg7[%swap3A_488, %swap3A_489] {strides = array<i32>} : memref<128x128xf32, #tpu.memory_space<vmem>>, vector<1x16xf32>,
        %swap3A_491 = vector.shape_cast %swap3A_490 : vector<1x16xf32> to vector<16xf32>
        %swap3A_492 = vector.shape_cast %mul3A_487 : vector<16xf32> to vector<1x16xf32>
        tpu.vector_store %arg7[%swap3A_488, %swap3A_489], %swap3A_492 {strides = array<i32>} : memref<128x128xf32, #tpu.memory_space<vmem>>, vector<1x16xf32>,
        %get3A_493 = arith.index_cast %add3A_468 : i32 to index
        %get3A_494 = arith.constant 32 : index
        %get3A_495 = tpu.vector_load %arg7[%get3A_493, %get3A_494] {strides = array<i32>} : memref<128x128xf32, #tpu.memory_space<vmem>>, vector<1x16xf32>,
        %get3A_496 = vector.shape_cast %get3A_495 : vector<1x16xf32> to vector<16xf32>
        %mul3A_497 = arith.constant 11.3137083 : f32
        %mul3A_498 = vector.broadcast %mul3A_497 : f32 to vector<16xf32>
        %mul3A_499 = arith.mulf %get3A_496, %mul3A_498 : vector<16xf32>
        %swap3A_500 = arith.index_cast %add3A_468 : i32 to index
        %swap3A_501 = arith.constant 32 : index
        %swap3A_502 = tpu.vector_load %arg7[%swap3A_500, %swap3A_501] {strides = array<i32>} : memref<128x128xf32, #tpu.memory_space<vmem>>, vector<1x16xf32>,
        %swap3A_503 = vector.shape_cast %swap3A_502 : vector<1x16xf32> to vector<16xf32>
        %swap3A_504 = vector.shape_cast %mul3A_499 : vector<16xf32> to vector<1x16xf32>
        tpu.vector_store %arg7[%swap3A_500, %swap3A_501], %swap3A_504 {strides = array<i32>} : memref<128x128xf32, #tpu.memory_space<vmem>>, vector<1x16xf32>,
        %get3A_505 = arith.index_cast %add3A_468 : i32 to index
        %get3A_506 = arith.constant 48 : index
        %get3A_507 = tpu.vector_load %arg7[%get3A_505, %get3A_506] {strides = array<i32>} : memref<128x128xf32, #tpu.memory_space<vmem>>, vector<1x16xf32>,
        %get3A_508 = vector.shape_cast %get3A_507 : vector<1x16xf32> to vector<16xf32>
        %mul3A_509 = arith.constant 11.3137083 : f32
        %mul3A_510 = vector.broadcast %mul3A_509 : f32 to vector<16xf32>
        %mul3A_511 = arith.mulf %get3A_508, %mul3A_510 : vector<16xf32>
        %swap3A_512 = arith.index_cast %add3A_468 : i32 to index
        %swap3A_513 = arith.constant 48 : index
        %swap3A_514 = tpu.vector_load %arg7[%swap3A_512, %swap3A_513] {strides = array<i32>} : memref<128x128xf32, #tpu.memory_space<vmem>>, vector<1x16xf32>,
        %swap3A_515 = vector.shape_cast %swap3A_514 : vector<1x16xf32> to vector<16xf32>
        %swap3A_516 = vector.shape_cast %mul3A_511 : vector<16xf32> to vector<1x16xf32>
        tpu.vector_store %arg7[%swap3A_512, %swap3A_513], %swap3A_516 {strides = array<i32>} : memref<128x128xf32, #tpu.memory_space<vmem>>, vector<1x16xf32>,
        %get3A_517 = arith.index_cast %add3A_468 : i32 to index
        %get3A_518 = arith.constant 64 : index
        %get3A_519 = tpu.vector_load %arg7[%get3A_517, %get3A_518] {strides = array<i32>} : memref<128x128xf32, #tpu.memory_space<vmem>>, vector<1x16xf32>,
        %get3A_520 = vector.shape_cast %get3A_519 : vector<1x16xf32> to vector<16xf32>
        %mul3A_521 = arith.constant 11.3137083 : f32
        %mul3A_522 = vector.broadcast %mul3A_521 : f32 to vector<16xf32>
        %mul3A_523 = arith.mulf %get3A_520, %mul3A_522 : vector<16xf32>
        %swap3A_524 = arith.index_cast %add3A_468 : i32 to index
        %swap3A_525 = arith.constant 64 : index
        %swap3A_526 = tpu.vector_load %arg7[%swap3A_524, %swap3A_525] {strides = array<i32>} : memref<128x128xf32, #tpu.memory_space<vmem>>, vector<1x16xf32>,
        %swap3A_527 = vector.shape_cast %swap3A_526 : vector<1x16xf32> to vector<16xf32>
        %swap3A_528 = vector.shape_cast %mul3A_523 : vector<16xf32> to vector<1x16xf32>
        tpu.vector_store %arg7[%swap3A_524, %swap3A_525], %swap3A_528 {strides = array<i32>} : memref<128x128xf32, #tpu.memory_space<vmem>>, vector<1x16xf32>,
        %get3A_529 = arith.index_cast %add3A_468 : i32 to index
        %get3A_530 = arith.constant 80 : index
        %get3A_531 = tpu.vector_load %arg7[%get3A_529, %get3A_530] {strides = array<i32>} : memref<128x128xf32, #tpu.memory_space<vmem>>, vector<1x16xf32>,
        %get3A_532 = vector.shape_cast %get3A_531 : vector<1x16xf32> to vector<16xf32>
        %mul3A_533 = arith.constant 11.3137083 : f32
        %mul3A_534 = vector.broadcast %mul3A_533 : f32 to vector<16xf32>
        %mul3A_535 = arith.mulf %get3A_532, %mul3A_534 : vector<16xf32>
        %swap3A_536 = arith.index_cast %add3A_468 : i32 to index
        %swap3A_537 = arith.constant 80 : index
        %swap3A_538 = tpu.vector_load %arg7[%swap3A_536, %swap3A_537] {strides = array<i32>} : memref<128x128xf32, #tpu.memory_space<vmem>>, vector<1x16xf32>,
        %swap3A_539 = vector.shape_cast %swap3A_538 : vector<1x16xf32> to vector<16xf32>
        %swap3A_540 = vector.shape_cast %mul3A_535 : vector<16xf32> to vector<1x16xf32>
        tpu.vector_store %arg7[%swap3A_536, %swap3A_537], %swap3A_540 {strides = array<i32>} : memref<128x128xf32, #tpu.memory_space<vmem>>, vector<1x16xf32>,
        %get3A_541 = arith.index_cast %add3A_468 : i32 to index
        %get3A_542 = arith.constant 96 : index
        %get3A_543 = tpu.vector_load %arg7[%get3A_541, %get3A_542] {strides = array<i32>} : memref<128x128xf32, #tpu.memory_space<vmem>>, vector<1x16xf32>,
        %get3A_544 = vector.shape_cast %get3A_543 : vector<1x16xf32> to vector<16xf32>
        %mul3A_545 = arith.constant 11.3137083 : f32
        %mul3A_546 = vector.broadcast %mul3A_545 : f32 to vector<16xf32>
        %mul3A_547 = arith.mulf %get3A_544, %mul3A_546 : vector<16xf32>
        %swap3A_548 = arith.index_cast %add3A_468 : i32 to index
        %swap3A_549 = arith.constant 96 : index
        %swap3A_550 = tpu.vector_load %arg7[%swap3A_548, %swap3A_549] {strides = array<i32>} : memref<128x128xf32, #tpu.memory_space<vmem>>, vector<1x16xf32>,
        %swap3A_551 = vector.shape_cast %swap3A_550 : vector<1x16xf32> to vector<16xf32>
        %swap3A_552 = vector.shape_cast %mul3A_547 : vector<16xf32> to vector<1x16xf32>
        tpu.vector_store %arg7[%swap3A_548, %swap3A_549], %swap3A_552 {strides = array<i32>} : memref<128x128xf32, #tpu.memory_space<vmem>>, vector<1x16xf32>,
        %get3A_553 = arith.index_cast %add3A_468 : i32 to index
        %get3A_554 = arith.constant 112 : index
        %get3A_555 = tpu.vector_load %arg7[%get3A_553, %get3A_554] {strides = array<i32>} : memref<128x128xf32, #tpu.memory_space<vmem>>, vector<1x16xf32>,
        %get3A_556 = vector.shape_cast %get3A_555 : vector<1x16xf32> to vector<16xf32>
        %mul3A_557 = arith.constant 11.3137083 : f32
        %mul3A_558 = vector.broadcast %mul3A_557 : f32 to vector<16xf32>
        %mul3A_559 = arith.mulf %get3A_556, %mul3A_558 : vector<16xf32>
        %swap3A_560 = arith.index_cast %add3A_468 : i32 to index
        %swap3A_561 = arith.constant 112 : index
        %swap3A_562 = tpu.vector_load %arg7[%swap3A_560, %swap3A_561] {strides = array<i32>} : memref<128x128xf32, #tpu.memory_space<vmem>>, vector<1x16xf32>,
        %swap3A_563 = vector.shape_cast %swap3A_562 : vector<1x16xf32> to vector<16xf32>
        %swap3A_564 = vector.shape_cast %mul3A_559 : vector<16xf32> to vector<1x16xf32>
        tpu.vector_store %arg7[%swap3A_560, %swap3A_561], %swap3A_564 {strides = array<i32>} : memref<128x128xf32, #tpu.memory_space<vmem>>, vector<1x16xf32>,
        %mul3A_565 = arith.constant 4 : i32
        %mul3A_566 = arith.muli %mul3A_565, %scan3A_266 : i32
        %add3A_567 = arith.constant 3 : i32
        %add3A_568 = arith.addi %mul3A_566, %add3A_567 : i32
        %get3A_569 = arith.index_cast %add3A_568 : i32 to index
        %get3A_570 = arith.constant 0 : index
        %get3A_571 = tpu.vector_load %arg7[%get3A_569, %get3A_570] {strides = array<i32>} : memref<128x128xf32, #tpu.memory_space<vmem>>, vector<1x16xf32>,
        %get3A_572 = vector.shape_cast %get3A_571 : vector<1x16xf32> to vector<16xf32>
        %mul3A_573 = arith.constant 11.3137083 : f32
        %mul3A_574 = vector.broadcast %mul3A_573 : f32 to vector<16xf32>
        %mul3A_575 = arith.mulf %get3A_572, %mul3A_574 : vector<16xf32>
        %swap3A_576 = arith.index_cast %add3A_568 : i32 to index
        %swap3A_577 = arith.constant 0 : index
        %swap3A_578 = tpu.vector_load %arg7[%swap3A_576, %swap3A_577] {strides = array<i32>} : memref<128x128xf32, #tpu.memory_space<vmem>>, vector<1x16xf32>,
        %swap3A_579 = vector.shape_cast %swap3A_578 : vector<1x16xf32> to vector<16xf32>
        %swap3A_580 = vector.shape_cast %mul3A_575 : vector<16xf32> to vector<1x16xf32>
        tpu.vector_store %arg7[%swap3A_576, %swap3A_577], %swap3A_580 {strides = array<i32>} : memref<128x128xf32, #tpu.memory_space<vmem>>, vector<1x16xf32>,
        %get3A_581 = arith.index_cast %add3A_568 : i32 to index
        %get3A_582 = arith.constant 16 : index
        %get3A_583 = tpu.vector_load %arg7[%get3A_581, %get3A_582] {strides = array<i32>} : memref<128x128xf32, #tpu.memory_space<vmem>>, vector<1x16xf32>,
        %get3A_584 = vector.shape_cast %get3A_583 : vector<1x16xf32> to vector<16xf32>
        %mul3A_585 = arith.constant 11.3137083 : f32
        %mul3A_586 = vector.broadcast %mul3A_585 : f32 to vector<16xf32>
        %mul3A_587 = arith.mulf %get3A_584, %mul3A_586 : vector<16xf32>
        %swap3A_588 = arith.index_cast %add3A_568 : i32 to index
        %swap3A_589 = arith.constant 16 : index
        %swap3A_590 = tpu.vector_load %arg7[%swap3A_588, %swap3A_589] {strides = array<i32>} : memref<128x128xf32, #tpu.memory_space<vmem>>, vector<1x16xf32>,
        %swap3A_591 = vector.shape_cast %swap3A_590 : vector<1x16xf32> to vector<16xf32>
        %swap3A_592 = vector.shape_cast %mul3A_587 : vector<16xf32> to vector<1x16xf32>
        tpu.vector_store %arg7[%swap3A_588, %swap3A_589], %swap3A_592 {strides = array<i32>} : memref<128x128xf32, #tpu.memory_space<vmem>>, vector<1x16xf32>,
        %get3A_593 = arith.index_cast %add3A_568 : i32 to index
        %get3A_594 = arith.constant 32 : index
        %get3A_595 = tpu.vector_load %arg7[%get3A_593, %get3A_594] {strides = array<i32>} : memref<128x128xf32, #tpu.memory_space<vmem>>, vector<1x16xf32>,
        %get3A_596 = vector.shape_cast %get3A_595 : vector<1x16xf32> to vector<16xf32>
        %mul3A_597 = arith.constant 11.3137083 : f32
        %mul3A_598 = vector.broadcast %mul3A_597 : f32 to vector<16xf32>
        %mul3A_599 = arith.mulf %get3A_596, %mul3A_598 : vector<16xf32>
        %swap3A_600 = arith.index_cast %add3A_568 : i32 to index
        %swap3A_601 = arith.constant 32 : index
        %swap3A_602 = tpu.vector_load %arg7[%swap3A_600, %swap3A_601] {strides = array<i32>} : memref<128x128xf32, #tpu.memory_space<vmem>>, vector<1x16xf32>,
        %swap3A_603 = vector.shape_cast %swap3A_602 : vector<1x16xf32> to vector<16xf32>
        %swap3A_604 = vector.shape_cast %mul3A_599 : vector<16xf32> to vector<1x16xf32>
        tpu.vector_store %arg7[%swap3A_600, %swap3A_601], %swap3A_604 {strides = array<i32>} : memref<128x128xf32, #tpu.memory_space<vmem>>, vector<1x16xf32>,
        %get3A_605 = arith.index_cast %add3A_568 : i32 to index
        %get3A_606 = arith.constant 48 : index
        %get3A_607 = tpu.vector_load %arg7[%get3A_605, %get3A_606] {strides = array<i32>} : memref<128x128xf32, #tpu.memory_space<vmem>>, vector<1x16xf32>,
        %get3A_608 = vector.shape_cast %get3A_607 : vector<1x16xf32> to vector<16xf32>
        %mul3A_609 = arith.constant 11.3137083 : f32
        %mul3A_610 = vector.broadcast %mul3A_609 : f32 to vector<16xf32>
        %mul3A_611 = arith.mulf %get3A_608, %mul3A_610 : vector<16xf32>
        %swap3A_612 = arith.index_cast %add3A_568 : i32 to index
        %swap3A_613 = arith.constant 48 : index
        %swap3A_614 = tpu.vector_load %arg7[%swap3A_612, %swap3A_613] {strides = array<i32>} : memref<128x128xf32, #tpu.memory_space<vmem>>, vector<1x16xf32>,
        %swap3A_615 = vector.shape_cast %swap3A_614 : vector<1x16xf32> to vector<16xf32>
        %swap3A_616 = vector.shape_cast %mul3A_611 : vector<16xf32> to vector<1x16xf32>
        tpu.vector_store %arg7[%swap3A_612, %swap3A_613], %swap3A_616 {strides = array<i32>} : memref<128x128xf32, #tpu.memory_space<vmem>>, vector<1x16xf32>,
        %get3A_617 = arith.index_cast %add3A_568 : i32 to index
        %get3A_618 = arith.constant 64 : index
        %get3A_619 = tpu.vector_load %arg7[%get3A_617, %get3A_618] {strides = array<i32>} : memref<128x128xf32, #tpu.memory_space<vmem>>, vector<1x16xf32>,
        %get3A_620 = vector.shape_cast %get3A_619 : vector<1x16xf32> to vector<16xf32>
        %mul3A_621 = arith.constant 11.3137083 : f32
        %mul3A_622 = vector.broadcast %mul3A_621 : f32 to vector<16xf32>
        %mul3A_623 = arith.mulf %get3A_620, %mul3A_622 : vector<16xf32>
        %swap3A_624 = arith.index_cast %add3A_568 : i32 to index
        %swap3A_625 = arith.constant 64 : index
        %swap3A_626 = tpu.vector_load %arg7[%swap3A_624, %swap3A_625] {strides = array<i32>} : memref<128x128xf32, #tpu.memory_space<vmem>>, vector<1x16xf32>,
        %swap3A_627 = vector.shape_cast %swap3A_626 : vector<1x16xf32> to vector<16xf32>
        %swap3A_628 = vector.shape_cast %mul3A_623 : vector<16xf32> to vector<1x16xf32>
        tpu.vector_store %arg7[%swap3A_624, %swap3A_625], %swap3A_628 {strides = array<i32>} : memref<128x128xf32, #tpu.memory_space<vmem>>, vector<1x16xf32>,
        %get3A_629 = arith.index_cast %add3A_568 : i32 to index
        %get3A_630 = arith.constant 80 : index
        %get3A_631 = tpu.vector_load %arg7[%get3A_629, %get3A_630] {strides = array<i32>} : memref<128x128xf32, #tpu.memory_space<vmem>>, vector<1x16xf32>,
        %get3A_632 = vector.shape_cast %get3A_631 : vector<1x16xf32> to vector<16xf32>
        %mul3A_633 = arith.constant 11.3137083 : f32
        %mul3A_634 = vector.broadcast %mul3A_633 : f32 to vector<16xf32>
        %mul3A_635 = arith.mulf %get3A_632, %mul3A_634 : vector<16xf32>
        %swap3A_636 = arith.index_cast %add3A_568 : i32 to index
        %swap3A_637 = arith.constant 80 : index
        %swap3A_638 = tpu.vector_load %arg7[%swap3A_636, %swap3A_637] {strides = array<i32>} : memref<128x128xf32, #tpu.memory_space<vmem>>, vector<1x16xf32>,
        %swap3A_639 = vector.shape_cast %swap3A_638 : vector<1x16xf32> to vector<16xf32>
        %swap3A_640 = vector.shape_cast %mul3A_635 : vector<16xf32> to vector<1x16xf32>
        tpu.vector_store %arg7[%swap3A_636, %swap3A_637], %swap3A_640 {strides = array<i32>} : memref<128x128xf32, #tpu.memory_space<vmem>>, vector<1x16xf32>,
        %get3A_641 = arith.index_cast %add3A_568 : i32 to index
        %get3A_642 = arith.constant 96 : index
        %get3A_643 = tpu.vector_load %arg7[%get3A_641, %get3A_642] {strides = array<i32>} : memref<128x128xf32, #tpu.memory_space<vmem>>, vector<1x16xf32>,
        %get3A_644 = vector.shape_cast %get3A_643 : vector<1x16xf32> to vector<16xf32>
        %mul3A_645 = arith.constant 11.3137083 : f32
        %mul3A_646 = vector.broadcast %mul3A_645 : f32 to vector<16xf32>
        %mul3A_647 = arith.mulf %get3A_644, %mul3A_646 : vector<16xf32>
        %swap3A_648 = arith.index_cast %add3A_568 : i32 to index
        %swap3A_649 = arith.constant 96 : index
        %swap3A_650 = tpu.vector_load %arg7[%swap3A_648, %swap3A_649] {strides = array<i32>} : memref<128x128xf32, #tpu.memory_space<vmem>>, vector<1x16xf32>,
        %swap3A_651 = vector.shape_cast %swap3A_650 : vector<1x16xf32> to vector<16xf32>
        %swap3A_652 = vector.shape_cast %mul3A_647 : vector<16xf32> to vector<1x16xf32>
        tpu.vector_store %arg7[%swap3A_648, %swap3A_649], %swap3A_652 {strides = array<i32>} : memref<128x128xf32, #tpu.memory_space<vmem>>, vector<1x16xf32>,
        %get3A_653 = arith.index_cast %add3A_568 : i32 to index
        %get3A_654 = arith.constant 112 : index
        %get3A_655 = tpu.vector_load %arg7[%get3A_653, %get3A_654] {strides = array<i32>} : memref<128x128xf32, #tpu.memory_space<vmem>>, vector<1x16xf32>,
        %get3A_656 = vector.shape_cast %get3A_655 : vector<1x16xf32> to vector<16xf32>
        %mul3A_657 = arith.constant 11.3137083 : f32
        %mul3A_658 = vector.broadcast %mul3A_657 : f32 to vector<16xf32>
        %mul3A_659 = arith.mulf %get3A_656, %mul3A_658 : vector<16xf32>
        %swap3A_660 = arith.index_cast %add3A_568 : i32 to index
        %swap3A_661 = arith.constant 112 : index
        %swap3A_662 = tpu.vector_load %arg7[%swap3A_660, %swap3A_661] {strides = array<i32>} : memref<128x128xf32, #tpu.memory_space<vmem>>, vector<1x16xf32>,
        %swap3A_663 = vector.shape_cast %swap3A_662 : vector<1x16xf32> to vector<16xf32>
        %swap3A_664 = vector.shape_cast %mul3A_659 : vector<16xf32> to vector<1x16xf32>
        tpu.vector_store %arg7[%swap3A_660, %swap3A_661], %swap3A_664 {strides = array<i32>} : memref<128x128xf32, #tpu.memory_space<vmem>>, vector<1x16xf32>,
      }
      %scan3A_256 = arith.constant 32 : i32
      %sub3A_257 = arith.constant 2 : i32
      %sub3A_258 = arith.subi %add3A_233, %sub3A_257 : i32
      %mul3A_259 = arith.constant 128 : i32
      %mul3A_260 = arith.muli %sub3A_258, %mul3A_259 : i32
      %add3A_261 = arith.addi %mul3A_4, %mul3A_260 : i32
      %dma_start3A_262 = arith.constant 0 : i32
      %dma_start3A_263 = tpu.memref_slice %arg4[%add3A_261, %dma_start3A_262] : memref<819200x128xf32, #tpu.memory_space<hbm>> -> memref<128x128xf32, #tpu.memory_space<hbm>>
      %dma_start3A_264 = arith.constant 0 : i32
      %dma_start3A_265 = tpu.memref_slice %arg4[%add3A_261, %dma_start3A_264] : memref<819200x128xf32, #tpu.memory_space<hbm>> -> memref<128x128xf32, #tpu.memory_space<hbm>>
      tpu.enqueue_dma source(%arg7 : memref<128x128xf32, #tpu.memory_space<vmem>>) target(%dma_start3A_265 : memref<128x128xf32, #tpu.memory_space<hbm>>) target_semaphore(%arg15 : memref<!tpu.dma_semaphore, #tpu.memory_space<semaphore_mem>>)
    }
    %scan3A_73 = arith.constant 49 : i32
    %dma_wait3A_74 = arith.constant 0 : i32
    %dma_wait3A_75 = arith.constant 0 : i32
    %dma_wait3A_76 = tpu.memref_slice %arg5[%dma_wait3A_74, %dma_wait3A_75] : memref<200x128xi32, #tpu.memory_space<vmem>> -> memref<1x128xi32, #tpu.memory_space<vmem>>
    %dma_wait3A_77 = tpu.memref_squeeze %dma_wait3A_76 : memref<1x128xi32, #tpu.memory_space<vmem>> -> memref<128xi32, #tpu.memory_space<vmem>>
    %dma_wait3A_78 = arith.constant 0 : i32
    %dma_wait3A_79 = arith.constant 0 : i32
    %dma_wait3A_80 = tpu.memref_slice %arg2[%dma_wait3A_78, %dma_wait3A_79] : memref<100000x128xf32, #tpu.memory_space<hbm>> -> memref<100000x128xf32, #tpu.memory_space<hbm>>
    tpu.wait_indirect_dma semaphore(%arg12 : memref<!tpu.dma_semaphore, #tpu.memory_space<semaphore_mem>>) src(%dma_wait3A_80 : memref<100000x128xf32, #tpu.memory_space<hbm>>) dst(%arg8 : memref<128x128xf32, #tpu.memory_space<vmem>>)
    %scan3A_81 = arith.constant 0 : i32
    %scan3A_82 = arith.constant 0 : i32
    %scan3A_83 = arith.constant 32 : i32
    %scan3A_84 = arith.addi %scan3A_82, %scan3A_83 : i32
    %scan3A_85 = arith.constant 1 : i32
    scf.for %scan3A_128 = %scan3A_82 to %scan3A_84 step %scan3A_85  : i32 {
      %mul3A_129 = arith.constant 4 : i32
      %mul3A_130 = arith.muli %mul3A_129, %scan3A_128 : i32
      %add3A_131 = arith.constant 0 : i32
      %add3A_132 = arith.addi %mul3A_130, %add3A_131 : i32
      %get3A = arith.index_cast %add3A_132 : i32 to index
      %get3A_133 = arith.constant 0 : index
      %get3A_134 = tpu.vector_load %arg8[%get3A, %get3A_133] {strides = array<i32>} : memref<128x128xf32, #tpu.memory_space<vmem>>, vector<1x16xf32>,
      %get3A_135 = vector.shape_cast %get3A_134 : vector<1x16xf32> to vector<16xf32>
      %mul3A_136 = arith.constant 11.3137083 : f32
      %mul3A_137 = vector.broadcast %mul3A_136 : f32 to vector<16xf32>
      %mul3A_138 = arith.mulf %get3A_135, %mul3A_137 : vector<16xf32>
      %swap3A = arith.index_cast %add3A_132 : i32 to index
      %swap3A_139 = arith.constant 0 : index
      %swap3A_140 = tpu.vector_load %arg8[%swap3A, %swap3A_139] {strides = array<i32>} : memref<128x128xf32, #tpu.memory_space<vmem>>, vector<1x16xf32>,
      %swap3A_141 = vector.shape_cast %swap3A_140 : vector<1x16xf32> to vector<16xf32>
      %swap3A_142 = vector.shape_cast %mul3A_138 : vector<16xf32> to vector<1x16xf32>
      tpu.vector_store %arg8[%swap3A, %swap3A_139], %swap3A_142 {strides = array<i32>} : memref<128x128xf32, #tpu.memory_space<vmem>>, vector<1x16xf32>,
      %get3A_143 = arith.index_cast %add3A_132 : i32 to index
      %get3A_144 = arith.constant 16 : index
      %get3A_145 = tpu.vector_load %arg8[%get3A_143, %get3A_144] {strides = array<i32>} : memref<128x128xf32, #tpu.memory_space<vmem>>, vector<1x16xf32>,
      %get3A_146 = vector.shape_cast %get3A_145 : vector<1x16xf32> to vector<16xf32>
      %mul3A_147 = arith.constant 11.3137083 : f32
      %mul3A_148 = vector.broadcast %mul3A_147 : f32 to vector<16xf32>
      %mul3A_149 = arith.mulf %get3A_146, %mul3A_148 : vector<16xf32>
      %swap3A_150 = arith.index_cast %add3A_132 : i32 to index
      %swap3A_151 = arith.constant 16 : index
      %swap3A_152 = tpu.vector_load %arg8[%swap3A_150, %swap3A_151] {strides = array<i32>} : memref<128x128xf32, #tpu.memory_space<vmem>>, vector<1x16xf32>,
      %swap3A_153 = vector.shape_cast %swap3A_152 : vector<1x16xf32> to vector<16xf32>
      %swap3A_154 = vector.shape_cast %mul3A_149 : vector<16xf32> to vector<1x16xf32>
      tpu.vector_store %arg8[%swap3A_150, %swap3A_151], %swap3A_154 {strides = array<i32>} : memref<128x128xf32, #tpu.memory_space<vmem>>, vector<1x16xf32>,
      %get3A_155 = arith.index_cast %add3A_132 : i32 to index
      %get3A_156 = arith.constant 32 : index
      %get3A_157 = tpu.vector_load %arg8[%get3A_155, %get3A_156] {strides = array<i32>} : memref<128x128xf32, #tpu.memory_space<vmem>>, vector<1x16xf32>,
      %get3A_158 = vector.shape_cast %get3A_157 : vector<1x16xf32> to vector<16xf32>
      %mul3A_159 = arith.constant 11.3137083 : f32
      %mul3A_160 = vector.broadcast %mul3A_159 : f32 to vector<16xf32>
      %mul3A_161 = arith.mulf %get3A_158, %mul3A_160 : vector<16xf32>
      %swap3A_162 = arith.index_cast %add3A_132 : i32 to index
      %swap3A_163 = arith.constant 32 : index
      %swap3A_164 = tpu.vector_load %arg8[%swap3A_162, %swap3A_163] {strides = array<i32>} : memref<128x128xf32, #tpu.memory_space<vmem>>, vector<1x16xf32>,
      %swap3A_165 = vector.shape_cast %swap3A_164 : vector<1x16xf32> to vector<16xf32>
      %swap3A_166 = vector.shape_cast %mul3A_161 : vector<16xf32> to vector<1x16xf32>
      tpu.vector_store %arg8[%swap3A_162, %swap3A_163], %swap3A_166 {strides = array<i32>} : memref<128x128xf32, #tpu.memory_space<vmem>>, vector<1x16xf32>,
      %get3A_167 = arith.index_cast %add3A_132 : i32 to index
      %get3A_168 = arith.constant 48 : index
      %get3A_169 = tpu.vector_load %arg8[%get3A_167, %get3A_168] {strides = array<i32>} : memref<128x128xf32, #tpu.memory_space<vmem>>, vector<1x16xf32>,
      %get3A_170 = vector.shape_cast %get3A_169 : vector<1x16xf32> to vector<16xf32>
      %mul3A_171 = arith.constant 11.3137083 : f32
      %mul3A_172 = vector.broadcast %mul3A_171 : f32 to vector<16xf32>
      %mul3A_173 = arith.mulf %get3A_170, %mul3A_172 : vector<16xf32>
      %swap3A_174 = arith.index_cast %add3A_132 : i32 to index
      %swap3A_175 = arith.constant 48 : index
      %swap3A_176 = tpu.vector_load %arg8[%swap3A_174, %swap3A_175] {strides = array<i32>} : memref<128x128xf32, #tpu.memory_space<vmem>>, vector<1x16xf32>,
      %swap3A_177 = vector.shape_cast %swap3A_176 : vector<1x16xf32> to vector<16xf32>
      %swap3A_178 = vector.shape_cast %mul3A_173 : vector<16xf32> to vector<1x16xf32>
      tpu.vector_store %arg8[%swap3A_174, %swap3A_175], %swap3A_178 {strides = array<i32>} : memref<128x128xf32, #tpu.memory_space<vmem>>, vector<1x16xf32>,
      %get3A_179 = arith.index_cast %add3A_132 : i32 to index
      %get3A_180 = arith.constant 64 : index
      %get3A_181 = tpu.vector_load %arg8[%get3A_179, %get3A_180] {strides = array<i32>} : memref<128x128xf32, #tpu.memory_space<vmem>>, vector<1x16xf32>,
      %get3A_182 = vector.shape_cast %get3A_181 : vector<1x16xf32> to vector<16xf32>
      %mul3A_183 = arith.constant 11.3137083 : f32
      %mul3A_184 = vector.broadcast %mul3A_183 : f32 to vector<16xf32>
      %mul3A_185 = arith.mulf %get3A_182, %mul3A_184 : vector<16xf32>
      %swap3A_186 = arith.index_cast %add3A_132 : i32 to index
      %swap3A_187 = arith.constant 64 : index
      %swap3A_188 = tpu.vector_load %arg8[%swap3A_186, %swap3A_187] {strides = array<i32>} : memref<128x128xf32, #tpu.memory_space<vmem>>, vector<1x16xf32>,
      %swap3A_189 = vector.shape_cast %swap3A_188 : vector<1x16xf32> to vector<16xf32>
      %swap3A_190 = vector.shape_cast %mul3A_185 : vector<16xf32> to vector<1x16xf32>
      tpu.vector_store %arg8[%swap3A_186, %swap3A_187], %swap3A_190 {strides = array<i32>} : memref<128x128xf32, #tpu.memory_space<vmem>>, vector<1x16xf32>,
      %get3A_191 = arith.index_cast %add3A_132 : i32 to index
      %get3A_192 = arith.constant 80 : index
      %get3A_193 = tpu.vector_load %arg8[%get3A_191, %get3A_192] {strides = array<i32>} : memref<128x128xf32, #tpu.memory_space<vmem>>, vector<1x16xf32>,
      %get3A_194 = vector.shape_cast %get3A_193 : vector<1x16xf32> to vector<16xf32>
      %mul3A_195 = arith.constant 11.3137083 : f32
      %mul3A_196 = vector.broadcast %mul3A_195 : f32 to vector<16xf32>
      %mul3A_197 = arith.mulf %get3A_194, %mul3A_196 : vector<16xf32>
      %swap3A_198 = arith.index_cast %add3A_132 : i32 to index
      %swap3A_199 = arith.constant 80 : index
      %swap3A_200 = tpu.vector_load %arg8[%swap3A_198, %swap3A_199] {strides = array<i32>} : memref<128x128xf32, #tpu.memory_space<vmem>>, vector<1x16xf32>,
      %swap3A_201 = vector.shape_cast %swap3A_200 : vector<1x16xf32> to vector<16xf32>
      %swap3A_202 = vector.shape_cast %mul3A_197 : vector<16xf32> to vector<1x16xf32>
      tpu.vector_store %arg8[%swap3A_198, %swap3A_199], %swap3A_202 {strides = array<i32>} : memref<128x128xf32, #tpu.memory_space<vmem>>, vector<1x16xf32>,
      %get3A_203 = arith.index_cast %add3A_132 : i32 to index
      %get3A_204 = arith.constant 96 : index
      %get3A_205 = tpu.vector_load %arg8[%get3A_203, %get3A_204] {strides = array<i32>} : memref<128x128xf32, #tpu.memory_space<vmem>>, vector<1x16xf32>,
      %get3A_206 = vector.shape_cast %get3A_205 : vector<1x16xf32> to vector<16xf32>
      %mul3A_207 = arith.constant 11.3137083 : f32
      %mul3A_208 = vector.broadcast %mul3A_207 : f32 to vector<16xf32>
      %mul3A_209 = arith.mulf %get3A_206, %mul3A_208 : vector<16xf32>
      %swap3A_210 = arith.index_cast %add3A_132 : i32 to index
      %swap3A_211 = arith.constant 96 : index
      %swap3A_212 = tpu.vector_load %arg8[%swap3A_210, %swap3A_211] {strides = array<i32>} : memref<128x128xf32, #tpu.memory_space<vmem>>, vector<1x16xf32>,
      %swap3A_213 = vector.shape_cast %swap3A_212 : vector<1x16xf32> to vector<16xf32>
      %swap3A_214 = vector.shape_cast %mul3A_209 : vector<16xf32> to vector<1x16xf32>
      tpu.vector_store %arg8[%swap3A_210, %swap3A_211], %swap3A_214 {strides = array<i32>} : memref<128x128xf32, #tpu.memory_space<vmem>>, vector<1x16xf32>,
      %get3A_215 = arith.index_cast %add3A_132 : i32 to index
      %get3A_216 = arith.constant 112 : index
      %get3A_217 = tpu.vector_load %arg8[%get3A_215, %get3A_216] {strides = array<i32>} : memref<128x128xf32, #tpu.memory_space<vmem>>, vector<1x16xf32>,
      %get3A_218 = vector.shape_cast %get3A_217 : vector<1x16xf32> to vector<16xf32>
      %mul3A_219 = arith.constant 11.3137083 : f32
      %mul3A_220 = vector.broadcast %mul3A_219 : f32 to vector<16xf32>
      %mul3A_221 = arith.mulf %get3A_218, %mul3A_220 : vector<16xf32>
      %swap3A_222 = arith.index_cast %add3A_132 : i32 to index
      %swap3A_223 = arith.constant 112 : index
      %swap3A_224 = tpu.vector_load %arg8[%swap3A_222, %swap3A_223] {strides = array<i32>} : memref<128x128xf32, #tpu.memory_space<vmem>>, vector<1x16xf32>,
      %swap3A_225 = vector.shape_cast %swap3A_224 : vector<1x16xf32> to vector<16xf32>
      %swap3A_226 = vector.shape_cast %mul3A_221 : vector<16xf32> to vector<1x16xf32>
      tpu.vector_store %arg8[%swap3A_222, %swap3A_223], %swap3A_226 {strides = array<i32>} : memref<128x128xf32, #tpu.memory_space<vmem>>, vector<1x16xf32>,
      %mul3A_227 = arith.constant 4 : i32
      %mul3A_228 = arith.muli %mul3A_227, %scan3A_128 : i32
      %add3A_229 = arith.constant 1 : i32
      %add3A_230 = arith.addi %mul3A_228, %add3A_229 : i32
      %get3A_231 = arith.index_cast %add3A_230 : i32 to index
      %get3A_232 = arith.constant 0 : index
      %get3A_233 = tpu.vector_load %arg8[%get3A_231, %get3A_232] {strides = array<i32>} : memref<128x128xf32, #tpu.memory_space<vmem>>, vector<1x16xf32>,
      %get3A_234 = vector.shape_cast %get3A_233 : vector<1x16xf32> to vector<16xf32>
      %mul3A_235 = arith.constant 11.3137083 : f32
      %mul3A_236 = vector.broadcast %mul3A_235 : f32 to vector<16xf32>
      %mul3A_237 = arith.mulf %get3A_234, %mul3A_236 : vector<16xf32>
      %swap3A_238 = arith.index_cast %add3A_230 : i32 to index
      %swap3A_239 = arith.constant 0 : index
      %swap3A_240 = tpu.vector_load %arg8[%swap3A_238, %swap3A_239] {strides = array<i32>} : memref<128x128xf32, #tpu.memory_space<vmem>>, vector<1x16xf32>,
      %swap3A_241 = vector.shape_cast %swap3A_240 : vector<1x16xf32> to vector<16xf32>
      %swap3A_242 = vector.shape_cast %mul3A_237 : vector<16xf32> to vector<1x16xf32>
      tpu.vector_store %arg8[%swap3A_238, %swap3A_239], %swap3A_242 {strides = array<i32>} : memref<128x128xf32, #tpu.memory_space<vmem>>, vector<1x16xf32>,
      %get3A_243 = arith.index_cast %add3A_230 : i32 to index
      %get3A_244 = arith.constant 16 : index
      %get3A_245 = tpu.vector_load %arg8[%get3A_243, %get3A_244] {strides = array<i32>} : memref<128x128xf32, #tpu.memory_space<vmem>>, vector<1x16xf32>,
      %get3A_246 = vector.shape_cast %get3A_245 : vector<1x16xf32> to vector<16xf32>
      %mul3A_247 = arith.constant 11.3137083 : f32
      %mul3A_248 = vector.broadcast %mul3A_247 : f32 to vector<16xf32>
      %mul3A_249 = arith.mulf %get3A_246, %mul3A_248 : vector<16xf32>
      %swap3A_250 = arith.index_cast %add3A_230 : i32 to index
      %swap3A_251 = arith.constant 16 : index
      %swap3A_252 = tpu.vector_load %arg8[%swap3A_250, %swap3A_251] {strides = array<i32>} : memref<128x128xf32, #tpu.memory_space<vmem>>, vector<1x16xf32>,
      %swap3A_253 = vector.shape_cast %swap3A_252 : vector<1x16xf32> to vector<16xf32>
      %swap3A_254 = vector.shape_cast %mul3A_249 : vector<16xf32> to vector<1x16xf32>
      tpu.vector_store %arg8[%swap3A_250, %swap3A_251], %swap3A_254 {strides = array<i32>} : memref<128x128xf32, #tpu.memory_space<vmem>>, vector<1x16xf32>,
      %get3A_255 = arith.index_cast %add3A_230 : i32 to index
      %get3A_256 = arith.constant 32 : index
      %get3A_257 = tpu.vector_load %arg8[%get3A_255, %get3A_256] {strides = array<i32>} : memref<128x128xf32, #tpu.memory_space<vmem>>, vector<1x16xf32>,
      %get3A_258 = vector.shape_cast %get3A_257 : vector<1x16xf32> to vector<16xf32>
      %mul3A_259 = arith.constant 11.3137083 : f32
      %mul3A_260 = vector.broadcast %mul3A_259 : f32 to vector<16xf32>
      %mul3A_261 = arith.mulf %get3A_258, %mul3A_260 : vector<16xf32>
      %swap3A_262 = arith.index_cast %add3A_230 : i32 to index
      %swap3A_263 = arith.constant 32 : index
      %swap3A_264 = tpu.vector_load %arg8[%swap3A_262, %swap3A_263] {strides = array<i32>} : memref<128x128xf32, #tpu.memory_space<vmem>>, vector<1x16xf32>,
      %swap3A_265 = vector.shape_cast %swap3A_264 : vector<1x16xf32> to vector<16xf32>
      %swap3A_266 = vector.shape_cast %mul3A_261 : vector<16xf32> to vector<1x16xf32>
      tpu.vector_store %arg8[%swap3A_262, %swap3A_263], %swap3A_266 {strides = array<i32>} : memref<128x128xf32, #tpu.memory_space<vmem>>, vector<1x16xf32>,
      %get3A_267 = arith.index_cast %add3A_230 : i32 to index
      %get3A_268 = arith.constant 48 : index
      %get3A_269 = tpu.vector_load %arg8[%get3A_267, %get3A_268] {strides = array<i32>} : memref<128x128xf32, #tpu.memory_space<vmem>>, vector<1x16xf32>,
      %get3A_270 = vector.shape_cast %get3A_269 : vector<1x16xf32> to vector<16xf32>
      %mul3A_271 = arith.constant 11.3137083 : f32
      %mul3A_272 = vector.broadcast %mul3A_271 : f32 to vector<16xf32>
      %mul3A_273 = arith.mulf %get3A_270, %mul3A_272 : vector<16xf32>
      %swap3A_274 = arith.index_cast %add3A_230 : i32 to index
      %swap3A_275 = arith.constant 48 : index
      %swap3A_276 = tpu.vector_load %arg8[%swap3A_274, %swap3A_275] {strides = array<i32>} : memref<128x128xf32, #tpu.memory_space<vmem>>, vector<1x16xf32>,
      %swap3A_277 = vector.shape_cast %swap3A_276 : vector<1x16xf32> to vector<16xf32>
      %swap3A_278 = vector.shape_cast %mul3A_273 : vector<16xf32> to vector<1x16xf32>
      tpu.vector_store %arg8[%swap3A_274, %swap3A_275], %swap3A_278 {strides = array<i32>} : memref<128x128xf32, #tpu.memory_space<vmem>>, vector<1x16xf32>,
      %get3A_279 = arith.index_cast %add3A_230 : i32 to index
      %get3A_280 = arith.constant 64 : index
      %get3A_281 = tpu.vector_load %arg8[%get3A_279, %get3A_280] {strides = array<i32>} : memref<128x128xf32, #tpu.memory_space<vmem>>, vector<1x16xf32>,
      %get3A_282 = vector.shape_cast %get3A_281 : vector<1x16xf32> to vector<16xf32>
      %mul3A_283 = arith.constant 11.3137083 : f32
      %mul3A_284 = vector.broadcast %mul3A_283 : f32 to vector<16xf32>
      %mul3A_285 = arith.mulf %get3A_282, %mul3A_284 : vector<16xf32>
      %swap3A_286 = arith.index_cast %add3A_230 : i32 to index
      %swap3A_287 = arith.constant 64 : index
      %swap3A_288 = tpu.vector_load %arg8[%swap3A_286, %swap3A_287] {strides = array<i32>} : memref<128x128xf32, #tpu.memory_space<vmem>>, vector<1x16xf32>,
      %swap3A_289 = vector.shape_cast %swap3A_288 : vector<1x16xf32> to vector<16xf32>
      %swap3A_290 = vector.shape_cast %mul3A_285 : vector<16xf32> to vector<1x16xf32>
      tpu.vector_store %arg8[%swap3A_286, %swap3A_287], %swap3A_290 {strides = array<i32>} : memref<128x128xf32, #tpu.memory_space<vmem>>, vector<1x16xf32>,
      %get3A_291 = arith.index_cast %add3A_230 : i32 to index
      %get3A_292 = arith.constant 80 : index
      %get3A_293 = tpu.vector_load %arg8[%get3A_291, %get3A_292] {strides = array<i32>} : memref<128x128xf32, #tpu.memory_space<vmem>>, vector<1x16xf32>,
      %get3A_294 = vector.shape_cast %get3A_293 : vector<1x16xf32> to vector<16xf32>
      %mul3A_295 = arith.constant 11.3137083 : f32
      %mul3A_296 = vector.broadcast %mul3A_295 : f32 to vector<16xf32>
      %mul3A_297 = arith.mulf %get3A_294, %mul3A_296 : vector<16xf32>
      %swap3A_298 = arith.index_cast %add3A_230 : i32 to index
      %swap3A_299 = arith.constant 80 : index
      %swap3A_300 = tpu.vector_load %arg8[%swap3A_298, %swap3A_299] {strides = array<i32>} : memref<128x128xf32, #tpu.memory_space<vmem>>, vector<1x16xf32>,
      %swap3A_301 = vector.shape_cast %swap3A_300 : vector<1x16xf32> to vector<16xf32>
      %swap3A_302 = vector.shape_cast %mul3A_297 : vector<16xf32> to vector<1x16xf32>
      tpu.vector_store %arg8[%swap3A_298, %swap3A_299], %swap3A_302 {strides = array<i32>} : memref<128x128xf32, #tpu.memory_space<vmem>>, vector<1x16xf32>,
      %get3A_303 = arith.index_cast %add3A_230 : i32 to index
      %get3A_304 = arith.constant 96 : index
      %get3A_305 = tpu.vector_load %arg8[%get3A_303, %get3A_304] {strides = array<i32>} : memref<128x128xf32, #tpu.memory_space<vmem>>, vector<1x16xf32>,
      %get3A_306 = vector.shape_cast %get3A_305 : vector<1x16xf32> to vector<16xf32>
      %mul3A_307 = arith.constant 11.3137083 : f32
      %mul3A_308 = vector.broadcast %mul3A_307 : f32 to vector<16xf32>
      %mul3A_309 = arith.mulf %get3A_306, %mul3A_308 : vector<16xf32>
      %swap3A_310 = arith.index_cast %add3A_230 : i32 to index
      %swap3A_311 = arith.constant 96 : index
      %swap3A_312 = tpu.vector_load %arg8[%swap3A_310, %swap3A_311] {strides = array<i32>} : memref<128x128xf32, #tpu.memory_space<vmem>>, vector<1x16xf32>,
      %swap3A_313 = vector.shape_cast %swap3A_312 : vector<1x16xf32> to vector<16xf32>
      %swap3A_314 = vector.shape_cast %mul3A_309 : vector<16xf32> to vector<1x16xf32>
      tpu.vector_store %arg8[%swap3A_310, %swap3A_311], %swap3A_314 {strides = array<i32>} : memref<128x128xf32, #tpu.memory_space<vmem>>, vector<1x16xf32>,
      %get3A_315 = arith.index_cast %add3A_230 : i32 to index
      %get3A_316 = arith.constant 112 : index
      %get3A_317 = tpu.vector_load %arg8[%get3A_315, %get3A_316] {strides = array<i32>} : memref<128x128xf32, #tpu.memory_space<vmem>>, vector<1x16xf32>,
      %get3A_318 = vector.shape_cast %get3A_317 : vector<1x16xf32> to vector<16xf32>
      %mul3A_319 = arith.constant 11.3137083 : f32
      %mul3A_320 = vector.broadcast %mul3A_319 : f32 to vector<16xf32>
      %mul3A_321 = arith.mulf %get3A_318, %mul3A_320 : vector<16xf32>
      %swap3A_322 = arith.index_cast %add3A_230 : i32 to index
      %swap3A_323 = arith.constant 112 : index
      %swap3A_324 = tpu.vector_load %arg8[%swap3A_322, %swap3A_323] {strides = array<i32>} : memref<128x128xf32, #tpu.memory_space<vmem>>, vector<1x16xf32>,
      %swap3A_325 = vector.shape_cast %swap3A_324 : vector<1x16xf32> to vector<16xf32>
      %swap3A_326 = vector.shape_cast %mul3A_321 : vector<16xf32> to vector<1x16xf32>
      tpu.vector_store %arg8[%swap3A_322, %swap3A_323], %swap3A_326 {strides = array<i32>} : memref<128x128xf32, #tpu.memory_space<vmem>>, vector<1x16xf32>,
      %mul3A_327 = arith.constant 4 : i32
      %mul3A_328 = arith.muli %mul3A_327, %scan3A_128 : i32
      %add3A_329 = arith.constant 2 : i32
      %add3A_330 = arith.addi %mul3A_328, %add3A_329 : i32
      %get3A_331 = arith.index_cast %add3A_330 : i32 to index
      %get3A_332 = arith.constant 0 : index
      %get3A_333 = tpu.vector_load %arg8[%get3A_331, %get3A_332] {strides = array<i32>} : memref<128x128xf32, #tpu.memory_space<vmem>>, vector<1x16xf32>,
      %get3A_334 = vector.shape_cast %get3A_333 : vector<1x16xf32> to vector<16xf32>
      %mul3A_335 = arith.constant 11.3137083 : f32
      %mul3A_336 = vector.broadcast %mul3A_335 : f32 to vector<16xf32>
      %mul3A_337 = arith.mulf %get3A_334, %mul3A_336 : vector<16xf32>
      %swap3A_338 = arith.index_cast %add3A_330 : i32 to index
      %swap3A_339 = arith.constant 0 : index
      %swap3A_340 = tpu.vector_load %arg8[%swap3A_338, %swap3A_339] {strides = array<i32>} : memref<128x128xf32, #tpu.memory_space<vmem>>, vector<1x16xf32>,
      %swap3A_341 = vector.shape_cast %swap3A_340 : vector<1x16xf32> to vector<16xf32>
      %swap3A_342 = vector.shape_cast %mul3A_337 : vector<16xf32> to vector<1x16xf32>
      tpu.vector_store %arg8[%swap3A_338, %swap3A_339], %swap3A_342 {strides = array<i32>} : memref<128x128xf32, #tpu.memory_space<vmem>>, vector<1x16xf32>,
      %get3A_343 = arith.index_cast %add3A_330 : i32 to index
      %get3A_344 = arith.constant 16 : index
      %get3A_345 = tpu.vector_load %arg8[%get3A_343, %get3A_344] {strides = array<i32>} : memref<128x128xf32, #tpu.memory_space<vmem>>, vector<1x16xf32>,
      %get3A_346 = vector.shape_cast %get3A_345 : vector<1x16xf32> to vector<16xf32>
      %mul3A_347 = arith.constant 11.3137083 : f32
      %mul3A_348 = vector.broadcast %mul3A_347 : f32 to vector<16xf32>
      %mul3A_349 = arith.mulf %get3A_346, %mul3A_348 : vector<16xf32>
      %swap3A_350 = arith.index_cast %add3A_330 : i32 to index
      %swap3A_351 = arith.constant 16 : index
      %swap3A_352 = tpu.vector_load %arg8[%swap3A_350, %swap3A_351] {strides = array<i32>} : memref<128x128xf32, #tpu.memory_space<vmem>>, vector<1x16xf32>,
      %swap3A_353 = vector.shape_cast %swap3A_352 : vector<1x16xf32> to vector<16xf32>
      %swap3A_354 = vector.shape_cast %mul3A_349 : vector<16xf32> to vector<1x16xf32>
      tpu.vector_store %arg8[%swap3A_350, %swap3A_351], %swap3A_354 {strides = array<i32>} : memref<128x128xf32, #tpu.memory_space<vmem>>, vector<1x16xf32>,
      %get3A_355 = arith.index_cast %add3A_330 : i32 to index
      %get3A_356 = arith.constant 32 : index
      %get3A_357 = tpu.vector_load %arg8[%get3A_355, %get3A_356] {strides = array<i32>} : memref<128x128xf32, #tpu.memory_space<vmem>>, vector<1x16xf32>,
      %get3A_358 = vector.shape_cast %get3A_357 : vector<1x16xf32> to vector<16xf32>
      %mul3A_359 = arith.constant 11.3137083 : f32
      %mul3A_360 = vector.broadcast %mul3A_359 : f32 to vector<16xf32>
      %mul3A_361 = arith.mulf %get3A_358, %mul3A_360 : vector<16xf32>
      %swap3A_362 = arith.index_cast %add3A_330 : i32 to index
      %swap3A_363 = arith.constant 32 : index
      %swap3A_364 = tpu.vector_load %arg8[%swap3A_362, %swap3A_363] {strides = array<i32>} : memref<128x128xf32, #tpu.memory_space<vmem>>, vector<1x16xf32>,
      %swap3A_365 = vector.shape_cast %swap3A_364 : vector<1x16xf32> to vector<16xf32>
      %swap3A_366 = vector.shape_cast %mul3A_361 : vector<16xf32> to vector<1x16xf32>
      tpu.vector_store %arg8[%swap3A_362, %swap3A_363], %swap3A_366 {strides = array<i32>} : memref<128x128xf32, #tpu.memory_space<vmem>>, vector<1x16xf32>,
      %get3A_367 = arith.index_cast %add3A_330 : i32 to index
      %get3A_368 = arith.constant 48 : index
      %get3A_369 = tpu.vector_load %arg8[%get3A_367, %get3A_368] {strides = array<i32>} : memref<128x128xf32, #tpu.memory_space<vmem>>, vector<1x16xf32>,
      %get3A_370 = vector.shape_cast %get3A_369 : vector<1x16xf32> to vector<16xf32>
      %mul3A_371 = arith.constant 11.3137083 : f32
      %mul3A_372 = vector.broadcast %mul3A_371 : f32 to vector<16xf32>
      %mul3A_373 = arith.mulf %get3A_370, %mul3A_372 : vector<16xf32>
      %swap3A_374 = arith.index_cast %add3A_330 : i32 to index
      %swap3A_375 = arith.constant 48 : index
      %swap3A_376 = tpu.vector_load %arg8[%swap3A_374, %swap3A_375] {strides = array<i32>} : memref<128x128xf32, #tpu.memory_space<vmem>>, vector<1x16xf32>,
      %swap3A_377 = vector.shape_cast %swap3A_376 : vector<1x16xf32> to vector<16xf32>
      %swap3A_378 = vector.shape_cast %mul3A_373 : vector<16xf32> to vector<1x16xf32>
      tpu.vector_store %arg8[%swap3A_374, %swap3A_375], %swap3A_378 {strides = array<i32>} : memref<128x128xf32, #tpu.memory_space<vmem>>, vector<1x16xf32>,
      %get3A_379 = arith.index_cast %add3A_330 : i32 to index
      %get3A_380 = arith.constant 64 : index
      %get3A_381 = tpu.vector_load %arg8[%get3A_379, %get3A_380] {strides = array<i32>} : memref<128x128xf32, #tpu.memory_space<vmem>>, vector<1x16xf32>,
      %get3A_382 = vector.shape_cast %get3A_381 : vector<1x16xf32> to vector<16xf32>
      %mul3A_383 = arith.constant 11.3137083 : f32
      %mul3A_384 = vector.broadcast %mul3A_383 : f32 to vector<16xf32>
      %mul3A_385 = arith.mulf %get3A_382, %mul3A_384 : vector<16xf32>
      %swap3A_386 = arith.index_cast %add3A_330 : i32 to index
      %swap3A_387 = arith.constant 64 : index
      %swap3A_388 = tpu.vector_load %arg8[%swap3A_386, %swap3A_387] {strides = array<i32>} : memref<128x128xf32, #tpu.memory_space<vmem>>, vector<1x16xf32>,
      %swap3A_389 = vector.shape_cast %swap3A_388 : vector<1x16xf32> to vector<16xf32>
      %swap3A_390 = vector.shape_cast %mul3A_385 : vector<16xf32> to vector<1x16xf32>
      tpu.vector_store %arg8[%swap3A_386, %swap3A_387], %swap3A_390 {strides = array<i32>} : memref<128x128xf32, #tpu.memory_space<vmem>>, vector<1x16xf32>,
      %get3A_391 = arith.index_cast %add3A_330 : i32 to index
      %get3A_392 = arith.constant 80 : index
      %get3A_393 = tpu.vector_load %arg8[%get3A_391, %get3A_392] {strides = array<i32>} : memref<128x128xf32, #tpu.memory_space<vmem>>, vector<1x16xf32>,
      %get3A_394 = vector.shape_cast %get3A_393 : vector<1x16xf32> to vector<16xf32>
      %mul3A_395 = arith.constant 11.3137083 : f32
      %mul3A_396 = vector.broadcast %mul3A_395 : f32 to vector<16xf32>
      %mul3A_397 = arith.mulf %get3A_394, %mul3A_396 : vector<16xf32>
      %swap3A_398 = arith.index_cast %add3A_330 : i32 to index
      %swap3A_399 = arith.constant 80 : index
      %swap3A_400 = tpu.vector_load %arg8[%swap3A_398, %swap3A_399] {strides = array<i32>} : memref<128x128xf32, #tpu.memory_space<vmem>>, vector<1x16xf32>,
      %swap3A_401 = vector.shape_cast %swap3A_400 : vector<1x16xf32> to vector<16xf32>
      %swap3A_402 = vector.shape_cast %mul3A_397 : vector<16xf32> to vector<1x16xf32>
      tpu.vector_store %arg8[%swap3A_398, %swap3A_399], %swap3A_402 {strides = array<i32>} : memref<128x128xf32, #tpu.memory_space<vmem>>, vector<1x16xf32>,
      %get3A_403 = arith.index_cast %add3A_330 : i32 to index
      %get3A_404 = arith.constant 96 : index
      %get3A_405 = tpu.vector_load %arg8[%get3A_403, %get3A_404] {strides = array<i32>} : memref<128x128xf32, #tpu.memory_space<vmem>>, vector<1x16xf32>,
      %get3A_406 = vector.shape_cast %get3A_405 : vector<1x16xf32> to vector<16xf32>
      %mul3A_407 = arith.constant 11.3137083 : f32
      %mul3A_408 = vector.broadcast %mul3A_407 : f32 to vector<16xf32>
      %mul3A_409 = arith.mulf %get3A_406, %mul3A_408 : vector<16xf32>
      %swap3A_410 = arith.index_cast %add3A_330 : i32 to index
      %swap3A_411 = arith.constant 96 : index
      %swap3A_412 = tpu.vector_load %arg8[%swap3A_410, %swap3A_411] {strides = array<i32>} : memref<128x128xf32, #tpu.memory_space<vmem>>, vector<1x16xf32>,
      %swap3A_413 = vector.shape_cast %swap3A_412 : vector<1x16xf32> to vector<16xf32>
      %swap3A_414 = vector.shape_cast %mul3A_409 : vector<16xf32> to vector<1x16xf32>
      tpu.vector_store %arg8[%swap3A_410, %swap3A_411], %swap3A_414 {strides = array<i32>} : memref<128x128xf32, #tpu.memory_space<vmem>>, vector<1x16xf32>,
      %get3A_415 = arith.index_cast %add3A_330 : i32 to index
      %get3A_416 = arith.constant 112 : index
      %get3A_417 = tpu.vector_load %arg8[%get3A_415, %get3A_416] {strides = array<i32>} : memref<128x128xf32, #tpu.memory_space<vmem>>, vector<1x16xf32>,
      %get3A_418 = vector.shape_cast %get3A_417 : vector<1x16xf32> to vector<16xf32>
      %mul3A_419 = arith.constant 11.3137083 : f32
      %mul3A_420 = vector.broadcast %mul3A_419 : f32 to vector<16xf32>
      %mul3A_421 = arith.mulf %get3A_418, %mul3A_420 : vector<16xf32>
      %swap3A_422 = arith.index_cast %add3A_330 : i32 to index
      %swap3A_423 = arith.constant 112 : index
      %swap3A_424 = tpu.vector_load %arg8[%swap3A_422, %swap3A_423] {strides = array<i32>} : memref<128x128xf32, #tpu.memory_space<vmem>>, vector<1x16xf32>,
      %swap3A_425 = vector.shape_cast %swap3A_424 : vector<1x16xf32> to vector<16xf32>
      %swap3A_426 = vector.shape_cast %mul3A_421 : vector<16xf32> to vector<1x16xf32>
      tpu.vector_store %arg8[%swap3A_422, %swap3A_423], %swap3A_426 {strides = array<i32>} : memref<128x128xf32, #tpu.memory_space<vmem>>, vector<1x16xf32>,
      %mul3A_427 = arith.constant 4 : i32
      %mul3A_428 = arith.muli %mul3A_427, %scan3A_128 : i32
      %add3A_429 = arith.constant 3 : i32
      %add3A_430 = arith.addi %mul3A_428, %add3A_429 : i32
      %get3A_431 = arith.index_cast %add3A_430 : i32 to index
      %get3A_432 = arith.constant 0 : index
      %get3A_433 = tpu.vector_load %arg8[%get3A_431, %get3A_432] {strides = array<i32>} : memref<128x128xf32, #tpu.memory_space<vmem>>, vector<1x16xf32>,
      %get3A_434 = vector.shape_cast %get3A_433 : vector<1x16xf32> to vector<16xf32>
      %mul3A_435 = arith.constant 11.3137083 : f32
      %mul3A_436 = vector.broadcast %mul3A_435 : f32 to vector<16xf32>
      %mul3A_437 = arith.mulf %get3A_434, %mul3A_436 : vector<16xf32>
      %swap3A_438 = arith.index_cast %add3A_430 : i32 to index
      %swap3A_439 = arith.constant 0 : index
      %swap3A_440 = tpu.vector_load %arg8[%swap3A_438, %swap3A_439] {strides = array<i32>} : memref<128x128xf32, #tpu.memory_space<vmem>>, vector<1x16xf32>,
      %swap3A_441 = vector.shape_cast %swap3A_440 : vector<1x16xf32> to vector<16xf32>
      %swap3A_442 = vector.shape_cast %mul3A_437 : vector<16xf32> to vector<1x16xf32>
      tpu.vector_store %arg8[%swap3A_438, %swap3A_439], %swap3A_442 {strides = array<i32>} : memref<128x128xf32, #tpu.memory_space<vmem>>, vector<1x16xf32>,
      %get3A_443 = arith.index_cast %add3A_430 : i32 to index
      %get3A_444 = arith.constant 16 : index
      %get3A_445 = tpu.vector_load %arg8[%get3A_443, %get3A_444] {strides = array<i32>} : memref<128x128xf32, #tpu.memory_space<vmem>>, vector<1x16xf32>,
      %get3A_446 = vector.shape_cast %get3A_445 : vector<1x16xf32> to vector<16xf32>
      %mul3A_447 = arith.constant 11.3137083 : f32
      %mul3A_448 = vector.broadcast %mul3A_447 : f32 to vector<16xf32>
      %mul3A_449 = arith.mulf %get3A_446, %mul3A_448 : vector<16xf32>
      %swap3A_450 = arith.index_cast %add3A_430 : i32 to index
      %swap3A_451 = arith.constant 16 : index
      %swap3A_452 = tpu.vector_load %arg8[%swap3A_450, %swap3A_451] {strides = array<i32>} : memref<128x128xf32, #tpu.memory_space<vmem>>, vector<1x16xf32>,
      %swap3A_453 = vector.shape_cast %swap3A_452 : vector<1x16xf32> to vector<16xf32>
      %swap3A_454 = vector.shape_cast %mul3A_449 : vector<16xf32> to vector<1x16xf32>
      tpu.vector_store %arg8[%swap3A_450, %swap3A_451], %swap3A_454 {strides = array<i32>} : memref<128x128xf32, #tpu.memory_space<vmem>>, vector<1x16xf32>,
      %get3A_455 = arith.index_cast %add3A_430 : i32 to index
      %get3A_456 = arith.constant 32 : index
      %get3A_457 = tpu.vector_load %arg8[%get3A_455, %get3A_456] {strides = array<i32>} : memref<128x128xf32, #tpu.memory_space<vmem>>, vector<1x16xf32>,
      %get3A_458 = vector.shape_cast %get3A_457 : vector<1x16xf32> to vector<16xf32>
      %mul3A_459 = arith.constant 11.3137083 : f32
      %mul3A_460 = vector.broadcast %mul3A_459 : f32 to vector<16xf32>
      %mul3A_461 = arith.mulf %get3A_458, %mul3A_460 : vector<16xf32>
      %swap3A_462 = arith.index_cast %add3A_430 : i32 to index
      %swap3A_463 = arith.constant 32 : index
      %swap3A_464 = tpu.vector_load %arg8[%swap3A_462, %swap3A_463] {strides = array<i32>} : memref<128x128xf32, #tpu.memory_space<vmem>>, vector<1x16xf32>,
      %swap3A_465 = vector.shape_cast %swap3A_464 : vector<1x16xf32> to vector<16xf32>
      %swap3A_466 = vector.shape_cast %mul3A_461 : vector<16xf32> to vector<1x16xf32>
      tpu.vector_store %arg8[%swap3A_462, %swap3A_463], %swap3A_466 {strides = array<i32>} : memref<128x128xf32, #tpu.memory_space<vmem>>, vector<1x16xf32>,
      %get3A_467 = arith.index_cast %add3A_430 : i32 to index
      %get3A_468 = arith.constant 48 : index
      %get3A_469 = tpu.vector_load %arg8[%get3A_467, %get3A_468] {strides = array<i32>} : memref<128x128xf32, #tpu.memory_space<vmem>>, vector<1x16xf32>,
      %get3A_470 = vector.shape_cast %get3A_469 : vector<1x16xf32> to vector<16xf32>
      %mul3A_471 = arith.constant 11.3137083 : f32
      %mul3A_472 = vector.broadcast %mul3A_471 : f32 to vector<16xf32>
      %mul3A_473 = arith.mulf %get3A_470, %mul3A_472 : vector<16xf32>
      %swap3A_474 = arith.index_cast %add3A_430 : i32 to index
      %swap3A_475 = arith.constant 48 : index
      %swap3A_476 = tpu.vector_load %arg8[%swap3A_474, %swap3A_475] {strides = array<i32>} : memref<128x128xf32, #tpu.memory_space<vmem>>, vector<1x16xf32>,
      %swap3A_477 = vector.shape_cast %swap3A_476 : vector<1x16xf32> to vector<16xf32>
      %swap3A_478 = vector.shape_cast %mul3A_473 : vector<16xf32> to vector<1x16xf32>
      tpu.vector_store %arg8[%swap3A_474, %swap3A_475], %swap3A_478 {strides = array<i32>} : memref<128x128xf32, #tpu.memory_space<vmem>>, vector<1x16xf32>,
      %get3A_479 = arith.index_cast %add3A_430 : i32 to index
      %get3A_480 = arith.constant 64 : index
      %get3A_481 = tpu.vector_load %arg8[%get3A_479, %get3A_480] {strides = array<i32>} : memref<128x128xf32, #tpu.memory_space<vmem>>, vector<1x16xf32>,
      %get3A_482 = vector.shape_cast %get3A_481 : vector<1x16xf32> to vector<16xf32>
      %mul3A_483 = arith.constant 11.3137083 : f32
      %mul3A_484 = vector.broadcast %mul3A_483 : f32 to vector<16xf32>
      %mul3A_485 = arith.mulf %get3A_482, %mul3A_484 : vector<16xf32>
      %swap3A_486 = arith.index_cast %add3A_430 : i32 to index
      %swap3A_487 = arith.constant 64 : index
      %swap3A_488 = tpu.vector_load %arg8[%swap3A_486, %swap3A_487] {strides = array<i32>} : memref<128x128xf32, #tpu.memory_space<vmem>>, vector<1x16xf32>,
      %swap3A_489 = vector.shape_cast %swap3A_488 : vector<1x16xf32> to vector<16xf32>
      %swap3A_490 = vector.shape_cast %mul3A_485 : vector<16xf32> to vector<1x16xf32>
      tpu.vector_store %arg8[%swap3A_486, %swap3A_487], %swap3A_490 {strides = array<i32>} : memref<128x128xf32, #tpu.memory_space<vmem>>, vector<1x16xf32>,
      %get3A_491 = arith.index_cast %add3A_430 : i32 to index
      %get3A_492 = arith.constant 80 : index
      %get3A_493 = tpu.vector_load %arg8[%get3A_491, %get3A_492] {strides = array<i32>} : memref<128x128xf32, #tpu.memory_space<vmem>>, vector<1x16xf32>,
      %get3A_494 = vector.shape_cast %get3A_493 : vector<1x16xf32> to vector<16xf32>
      %mul3A_495 = arith.constant 11.3137083 : f32
      %mul3A_496 = vector.broadcast %mul3A_495 : f32 to vector<16xf32>
      %mul3A_497 = arith.mulf %get3A_494, %mul3A_496 : vector<16xf32>
      %swap3A_498 = arith.index_cast %add3A_430 : i32 to index
      %swap3A_499 = arith.constant 80 : index
      %swap3A_500 = tpu.vector_load %arg8[%swap3A_498, %swap3A_499] {strides = array<i32>} : memref<128x128xf32, #tpu.memory_space<vmem>>, vector<1x16xf32>,
      %swap3A_501 = vector.shape_cast %swap3A_500 : vector<1x16xf32> to vector<16xf32>
      %swap3A_502 = vector.shape_cast %mul3A_497 : vector<16xf32> to vector<1x16xf32>
      tpu.vector_store %arg8[%swap3A_498, %swap3A_499], %swap3A_502 {strides = array<i32>} : memref<128x128xf32, #tpu.memory_space<vmem>>, vector<1x16xf32>,
      %get3A_503 = arith.index_cast %add3A_430 : i32 to index
      %get3A_504 = arith.constant 96 : index
      %get3A_505 = tpu.vector_load %arg8[%get3A_503, %get3A_504] {strides = array<i32>} : memref<128x128xf32, #tpu.memory_space<vmem>>, vector<1x16xf32>,
      %get3A_506 = vector.shape_cast %get3A_505 : vector<1x16xf32> to vector<16xf32>
      %mul3A_507 = arith.constant 11.3137083 : f32
      %mul3A_508 = vector.broadcast %mul3A_507 : f32 to vector<16xf32>
      %mul3A_509 = arith.mulf %get3A_506, %mul3A_508 : vector<16xf32>
      %swap3A_510 = arith.index_cast %add3A_430 : i32 to index
      %swap3A_511 = arith.constant 96 : index
      %swap3A_512 = tpu.vector_load %arg8[%swap3A_510, %swap3A_511] {strides = array<i32>} : memref<128x128xf32, #tpu.memory_space<vmem>>, vector<1x16xf32>,
      %swap3A_513 = vector.shape_cast %swap3A_512 : vector<1x16xf32> to vector<16xf32>
      %swap3A_514 = vector.shape_cast %mul3A_509 : vector<16xf32> to vector<1x16xf32>
      tpu.vector_store %arg8[%swap3A_510, %swap3A_511], %swap3A_514 {strides = array<i32>} : memref<128x128xf32, #tpu.memory_space<vmem>>, vector<1x16xf32>,
      %get3A_515 = arith.index_cast %add3A_430 : i32 to index
      %get3A_516 = arith.constant 112 : index
      %get3A_517 = tpu.vector_load %arg8[%get3A_515, %get3A_516] {strides = array<i32>} : memref<128x128xf32, #tpu.memory_space<vmem>>, vector<1x16xf32>,
      %get3A_518 = vector.shape_cast %get3A_517 : vector<1x16xf32> to vector<16xf32>
      %mul3A_519 = arith.constant 11.3137083 : f32
      %mul3A_520 = vector.broadcast %mul3A_519 : f32 to vector<16xf32>
      %mul3A_521 = arith.mulf %get3A_518, %mul3A_520 : vector<16xf32>
      %swap3A_522 = arith.index_cast %add3A_430 : i32 to index
      %swap3A_523 = arith.constant 112 : index
      %swap3A_524 = tpu.vector_load %arg8[%swap3A_522, %swap3A_523] {strides = array<i32>} : memref<128x128xf32, #tpu.memory_space<vmem>>, vector<1x16xf32>,
      %swap3A_525 = vector.shape_cast %swap3A_524 : vector<1x16xf32> to vector<16xf32>
      %swap3A_526 = vector.shape_cast %mul3A_521 : vector<16xf32> to vector<1x16xf32>
      tpu.vector_store %arg8[%swap3A_522, %swap3A_523], %swap3A_526 {strides = array<i32>} : memref<128x128xf32, #tpu.memory_space<vmem>>, vector<1x16xf32>,
    }
    %scan3A_86 = arith.constant 32 : i32
    %add3A_87 = arith.constant 25344 : i32
    %add3A_88 = arith.addi %mul3A_4, %add3A_87 : i32
    %dma_start3A_89 = arith.constant 0 : i32
    %dma_start3A_90 = tpu.memref_slice %arg4[%add3A_88, %dma_start3A_89] : memref<819200x128xf32, #tpu.memory_space<hbm>> -> memref<128x128xf32, #tpu.memory_space<hbm>>
    %dma_start3A_91 = arith.constant 0 : i32
    %dma_start3A_92 = tpu.memref_slice %arg4[%add3A_88, %dma_start3A_91] : memref<819200x128xf32, #tpu.memory_space<hbm>> -> memref<128x128xf32, #tpu.memory_space<hbm>>
    tpu.enqueue_dma source(%arg8 : memref<128x128xf32, #tpu.memory_space<vmem>>) target(%dma_start3A_92 : memref<128x128xf32, #tpu.memory_space<hbm>>) target_semaphore(%arg16 : memref<!tpu.dma_semaphore, #tpu.memory_space<semaphore_mem>>)
    %dma_wait3A_93 = arith.constant 0 : i32
    %dma_wait3A_94 = arith.constant 0 : i32
    %dma_wait3A_95 = tpu.memref_slice %arg5[%dma_wait3A_93, %dma_wait3A_94] : memref<200x128xi32, #tpu.memory_space<vmem>> -> memref<1x128xi32, #tpu.memory_space<vmem>>
    %dma_wait3A_96 = tpu.memref_squeeze %dma_wait3A_95 : memref<1x128xi32, #tpu.memory_space<vmem>> -> memref<128xi32, #tpu.memory_space<vmem>>
    %dma_wait3A_97 = arith.constant 0 : i32
    %dma_wait3A_98 = arith.constant 0 : i32
    %dma_wait3A_99 = tpu.memref_slice %arg2[%dma_wait3A_97, %dma_wait3A_98] : memref<100000x128xf32, #tpu.memory_space<hbm>> -> memref<100000x128xf32, #tpu.memory_space<hbm>>
    tpu.wait_indirect_dma semaphore(%arg13 : memref<!tpu.dma_semaphore, #tpu.memory_space<semaphore_mem>>) src(%dma_wait3A_99 : memref<100000x128xf32, #tpu.memory_space<hbm>>) dst(%arg9 : memref<128x128xf32, #tpu.memory_space<vmem>>)
    %scan3A_100 = arith.constant 0 : i32
    %scan3A_101 = arith.constant 0 : i32
    %scan3A_102 = arith.constant 32 : i32
    %scan3A_103 = arith.addi %scan3A_101, %scan3A_102 : i32
    %scan3A_104 = arith.constant 1 : i32
    scf.for %scan3A_128 = %scan3A_101 to %scan3A_103 step %scan3A_104  : i32 {
      %mul3A_129 = arith.constant 4 : i32
      %mul3A_130 = arith.muli %mul3A_129, %scan3A_128 : i32
      %add3A_131 = arith.constant 0 : i32
      %add3A_132 = arith.addi %mul3A_130, %add3A_131 : i32
      %get3A = arith.index_cast %add3A_132 : i32 to index
      %get3A_133 = arith.constant 0 : index
      %get3A_134 = tpu.vector_load %arg9[%get3A, %get3A_133] {strides = array<i32>} : memref<128x128xf32, #tpu.memory_space<vmem>>, vector<1x16xf32>,
      %get3A_135 = vector.shape_cast %get3A_134 : vector<1x16xf32> to vector<16xf32>
      %mul3A_136 = arith.constant 11.3137083 : f32
      %mul3A_137 = vector.broadcast %mul3A_136 : f32 to vector<16xf32>
      %mul3A_138 = arith.mulf %get3A_135, %mul3A_137 : vector<16xf32>
      %swap3A = arith.index_cast %add3A_132 : i32 to index
      %swap3A_139 = arith.constant 0 : index
      %swap3A_140 = tpu.vector_load %arg9[%swap3A, %swap3A_139] {strides = array<i32>} : memref<128x128xf32, #tpu.memory_space<vmem>>, vector<1x16xf32>,
      %swap3A_141 = vector.shape_cast %swap3A_140 : vector<1x16xf32> to vector<16xf32>
      %swap3A_142 = vector.shape_cast %mul3A_138 : vector<16xf32> to vector<1x16xf32>
      tpu.vector_store %arg9[%swap3A, %swap3A_139], %swap3A_142 {strides = array<i32>} : memref<128x128xf32, #tpu.memory_space<vmem>>, vector<1x16xf32>,
      %get3A_143 = arith.index_cast %add3A_132 : i32 to index
      %get3A_144 = arith.constant 16 : index
      %get3A_145 = tpu.vector_load %arg9[%get3A_143, %get3A_144] {strides = array<i32>} : memref<128x128xf32, #tpu.memory_space<vmem>>, vector<1x16xf32>,
      %get3A_146 = vector.shape_cast %get3A_145 : vector<1x16xf32> to vector<16xf32>
      %mul3A_147 = arith.constant 11.3137083 : f32
      %mul3A_148 = vector.broadcast %mul3A_147 : f32 to vector<16xf32>
      %mul3A_149 = arith.mulf %get3A_146, %mul3A_148 : vector<16xf32>
      %swap3A_150 = arith.index_cast %add3A_132 : i32 to index
      %swap3A_151 = arith.constant 16 : index
      %swap3A_152 = tpu.vector_load %arg9[%swap3A_150, %swap3A_151] {strides = array<i32>} : memref<128x128xf32, #tpu.memory_space<vmem>>, vector<1x16xf32>,
      %swap3A_153 = vector.shape_cast %swap3A_152 : vector<1x16xf32> to vector<16xf32>
      %swap3A_154 = vector.shape_cast %mul3A_149 : vector<16xf32> to vector<1x16xf32>
      tpu.vector_store %arg9[%swap3A_150, %swap3A_151], %swap3A_154 {strides = array<i32>} : memref<128x128xf32, #tpu.memory_space<vmem>>, vector<1x16xf32>,
      %get3A_155 = arith.index_cast %add3A_132 : i32 to index
      %get3A_156 = arith.constant 32 : index
      %get3A_157 = tpu.vector_load %arg9[%get3A_155, %get3A_156] {strides = array<i32>} : memref<128x128xf32, #tpu.memory_space<vmem>>, vector<1x16xf32>,
      %get3A_158 = vector.shape_cast %get3A_157 : vector<1x16xf32> to vector<16xf32>
      %mul3A_159 = arith.constant 11.3137083 : f32
      %mul3A_160 = vector.broadcast %mul3A_159 : f32 to vector<16xf32>
      %mul3A_161 = arith.mulf %get3A_158, %mul3A_160 : vector<16xf32>
      %swap3A_162 = arith.index_cast %add3A_132 : i32 to index
      %swap3A_163 = arith.constant 32 : index
      %swap3A_164 = tpu.vector_load %arg9[%swap3A_162, %swap3A_163] {strides = array<i32>} : memref<128x128xf32, #tpu.memory_space<vmem>>, vector<1x16xf32>,
      %swap3A_165 = vector.shape_cast %swap3A_164 : vector<1x16xf32> to vector<16xf32>
      %swap3A_166 = vector.shape_cast %mul3A_161 : vector<16xf32> to vector<1x16xf32>
      tpu.vector_store %arg9[%swap3A_162, %swap3A_163], %swap3A_166 {strides = array<i32>} : memref<128x128xf32, #tpu.memory_space<vmem>>, vector<1x16xf32>,
      %get3A_167 = arith.index_cast %add3A_132 : i32 to index
      %get3A_168 = arith.constant 48 : index
      %get3A_169 = tpu.vector_load %arg9[%get3A_167, %get3A_168] {strides = array<i32>} : memref<128x128xf32, #tpu.memory_space<vmem>>, vector<1x16xf32>,
      %get3A_170 = vector.shape_cast %get3A_169 : vector<1x16xf32> to vector<16xf32>
      %mul3A_171 = arith.constant 11.3137083 : f32
      %mul3A_172 = vector.broadcast %mul3A_171 : f32 to vector<16xf32>
      %mul3A_173 = arith.mulf %get3A_170, %mul3A_172 : vector<16xf32>
      %swap3A_174 = arith.index_cast %add3A_132 : i32 to index
      %swap3A_175 = arith.constant 48 : index
      %swap3A_176 = tpu.vector_load %arg9[%swap3A_174, %swap3A_175] {strides = array<i32>} : memref<128x128xf32, #tpu.memory_space<vmem>>, vector<1x16xf32>,
      %swap3A_177 = vector.shape_cast %swap3A_176 : vector<1x16xf32> to vector<16xf32>
      %swap3A_178 = vector.shape_cast %mul3A_173 : vector<16xf32> to vector<1x16xf32>
      tpu.vector_store %arg9[%swap3A_174, %swap3A_175], %swap3A_178 {strides = array<i32>} : memref<128x128xf32, #tpu.memory_space<vmem>>, vector<1x16xf32>,
      %get3A_179 = arith.index_cast %add3A_132 : i32 to index
      %get3A_180 = arith.constant 64 : index
      %get3A_181 = tpu.vector_load %arg9[%get3A_179, %get3A_180] {strides = array<i32>} : memref<128x128xf32, #tpu.memory_space<vmem>>, vector<1x16xf32>,
      %get3A_182 = vector.shape_cast %get3A_181 : vector<1x16xf32> to vector<16xf32>
      %mul3A_183 = arith.constant 11.3137083 : f32
      %mul3A_184 = vector.broadcast %mul3A_183 : f32 to vector<16xf32>
      %mul3A_185 = arith.mulf %get3A_182, %mul3A_184 : vector<16xf32>
      %swap3A_186 = arith.index_cast %add3A_132 : i32 to index
      %swap3A_187 = arith.constant 64 : index
      %swap3A_188 = tpu.vector_load %arg9[%swap3A_186, %swap3A_187] {strides = array<i32>} : memref<128x128xf32, #tpu.memory_space<vmem>>, vector<1x16xf32>,
      %swap3A_189 = vector.shape_cast %swap3A_188 : vector<1x16xf32> to vector<16xf32>
      %swap3A_190 = vector.shape_cast %mul3A_185 : vector<16xf32> to vector<1x16xf32>
      tpu.vector_store %arg9[%swap3A_186, %swap3A_187], %swap3A_190 {strides = array<i32>} : memref<128x128xf32, #tpu.memory_space<vmem>>, vector<1x16xf32>,
      %get3A_191 = arith.index_cast %add3A_132 : i32 to index
      %get3A_192 = arith.constant 80 : index
      %get3A_193 = tpu.vector_load %arg9[%get3A_191, %get3A_192] {strides = array<i32>} : memref<128x128xf32, #tpu.memory_space<vmem>>, vector<1x16xf32>,
      %get3A_194 = vector.shape_cast %get3A_193 : vector<1x16xf32> to vector<16xf32>
      %mul3A_195 = arith.constant 11.3137083 : f32
      %mul3A_196 = vector.broadcast %mul3A_195 : f32 to vector<16xf32>
      %mul3A_197 = arith.mulf %get3A_194, %mul3A_196 : vector<16xf32>
      %swap3A_198 = arith.index_cast %add3A_132 : i32 to index
      %swap3A_199 = arith.constant 80 : index
      %swap3A_200 = tpu.vector_load %arg9[%swap3A_198, %swap3A_199] {strides = array<i32>} : memref<128x128xf32, #tpu.memory_space<vmem>>, vector<1x16xf32>,
      %swap3A_201 = vector.shape_cast %swap3A_200 : vector<1x16xf32> to vector<16xf32>
      %swap3A_202 = vector.shape_cast %mul3A_197 : vector<16xf32> to vector<1x16xf32>
      tpu.vector_store %arg9[%swap3A_198, %swap3A_199], %swap3A_202 {strides = array<i32>} : memref<128x128xf32, #tpu.memory_space<vmem>>, vector<1x16xf32>,
      %get3A_203 = arith.index_cast %add3A_132 : i32 to index
      %get3A_204 = arith.constant 96 : index
      %get3A_205 = tpu.vector_load %arg9[%get3A_203, %get3A_204] {strides = array<i32>} : memref<128x128xf32, #tpu.memory_space<vmem>>, vector<1x16xf32>,
      %get3A_206 = vector.shape_cast %get3A_205 : vector<1x16xf32> to vector<16xf32>
      %mul3A_207 = arith.constant 11.3137083 : f32
      %mul3A_208 = vector.broadcast %mul3A_207 : f32 to vector<16xf32>
      %mul3A_209 = arith.mulf %get3A_206, %mul3A_208 : vector<16xf32>
      %swap3A_210 = arith.index_cast %add3A_132 : i32 to index
      %swap3A_211 = arith.constant 96 : index
      %swap3A_212 = tpu.vector_load %arg9[%swap3A_210, %swap3A_211] {strides = array<i32>} : memref<128x128xf32, #tpu.memory_space<vmem>>, vector<1x16xf32>,
      %swap3A_213 = vector.shape_cast %swap3A_212 : vector<1x16xf32> to vector<16xf32>
      %swap3A_214 = vector.shape_cast %mul3A_209 : vector<16xf32> to vector<1x16xf32>
      tpu.vector_store %arg9[%swap3A_210, %swap3A_211], %swap3A_214 {strides = array<i32>} : memref<128x128xf32, #tpu.memory_space<vmem>>, vector<1x16xf32>,
      %get3A_215 = arith.index_cast %add3A_132 : i32 to index
      %get3A_216 = arith.constant 112 : index
      %get3A_217 = tpu.vector_load %arg9[%get3A_215, %get3A_216] {strides = array<i32>} : memref<128x128xf32, #tpu.memory_space<vmem>>, vector<1x16xf32>,
      %get3A_218 = vector.shape_cast %get3A_217 : vector<1x16xf32> to vector<16xf32>
      %mul3A_219 = arith.constant 11.3137083 : f32
      %mul3A_220 = vector.broadcast %mul3A_219 : f32 to vector<16xf32>
      %mul3A_221 = arith.mulf %get3A_218, %mul3A_220 : vector<16xf32>
      %swap3A_222 = arith.index_cast %add3A_132 : i32 to index
      %swap3A_223 = arith.constant 112 : index
      %swap3A_224 = tpu.vector_load %arg9[%swap3A_222, %swap3A_223] {strides = array<i32>} : memref<128x128xf32, #tpu.memory_space<vmem>>, vector<1x16xf32>,
      %swap3A_225 = vector.shape_cast %swap3A_224 : vector<1x16xf32> to vector<16xf32>
      %swap3A_226 = vector.shape_cast %mul3A_221 : vector<16xf32> to vector<1x16xf32>
      tpu.vector_store %arg9[%swap3A_222, %swap3A_223], %swap3A_226 {strides = array<i32>} : memref<128x128xf32, #tpu.memory_space<vmem>>, vector<1x16xf32>,
      %mul3A_227 = arith.constant 4 : i32
      %mul3A_228 = arith.muli %mul3A_227, %scan3A_128 : i32
      %add3A_229 = arith.constant 1 : i32
      %add3A_230 = arith.addi %mul3A_228, %add3A_229 : i32
      %get3A_231 = arith.index_cast %add3A_230 : i32 to index
      %get3A_232 = arith.constant 0 : index
      %get3A_233 = tpu.vector_load %arg9[%get3A_231, %get3A_232] {strides = array<i32>} : memref<128x128xf32, #tpu.memory_space<vmem>>, vector<1x16xf32>,
      %get3A_234 = vector.shape_cast %get3A_233 : vector<1x16xf32> to vector<16xf32>
      %mul3A_235 = arith.constant 11.3137083 : f32
      %mul3A_236 = vector.broadcast %mul3A_235 : f32 to vector<16xf32>
      %mul3A_237 = arith.mulf %get3A_234, %mul3A_236 : vector<16xf32>
      %swap3A_238 = arith.index_cast %add3A_230 : i32 to index
      %swap3A_239 = arith.constant 0 : index
      %swap3A_240 = tpu.vector_load %arg9[%swap3A_238, %swap3A_239] {strides = array<i32>} : memref<128x128xf32, #tpu.memory_space<vmem>>, vector<1x16xf32>,
      %swap3A_241 = vector.shape_cast %swap3A_240 : vector<1x16xf32> to vector<16xf32>
      %swap3A_242 = vector.shape_cast %mul3A_237 : vector<16xf32> to vector<1x16xf32>
      tpu.vector_store %arg9[%swap3A_238, %swap3A_239], %swap3A_242 {strides = array<i32>} : memref<128x128xf32, #tpu.memory_space<vmem>>, vector<1x16xf32>,
      %get3A_243 = arith.index_cast %add3A_230 : i32 to index
      %get3A_244 = arith.constant 16 : index
      %get3A_245 = tpu.vector_load %arg9[%get3A_243, %get3A_244] {strides = array<i32>} : memref<128x128xf32, #tpu.memory_space<vmem>>, vector<1x16xf32>,
      %get3A_246 = vector.shape_cast %get3A_245 : vector<1x16xf32> to vector<16xf32>
      %mul3A_247 = arith.constant 11.3137083 : f32
      %mul3A_248 = vector.broadcast %mul3A_247 : f32 to vector<16xf32>
      %mul3A_249 = arith.mulf %get3A_246, %mul3A_248 : vector<16xf32>
      %swap3A_250 = arith.index_cast %add3A_230 : i32 to index
      %swap3A_251 = arith.constant 16 : index
      %swap3A_252 = tpu.vector_load %arg9[%swap3A_250, %swap3A_251] {strides = array<i32>} : memref<128x128xf32, #tpu.memory_space<vmem>>, vector<1x16xf32>,
      %swap3A_253 = vector.shape_cast %swap3A_252 : vector<1x16xf32> to vector<16xf32>
      %swap3A_254 = vector.shape_cast %mul3A_249 : vector<16xf32> to vector<1x16xf32>
      tpu.vector_store %arg9[%swap3A_250, %swap3A_251], %swap3A_254 {strides = array<i32>} : memref<128x128xf32, #tpu.memory_space<vmem>>, vector<1x16xf32>,
      %get3A_255 = arith.index_cast %add3A_230 : i32 to index
      %get3A_256 = arith.constant 32 : index
      %get3A_257 = tpu.vector_load %arg9[%get3A_255, %get3A_256] {strides = array<i32>} : memref<128x128xf32, #tpu.memory_space<vmem>>, vector<1x16xf32>,
      %get3A_258 = vector.shape_cast %get3A_257 : vector<1x16xf32> to vector<16xf32>
      %mul3A_259 = arith.constant 11.3137083 : f32
      %mul3A_260 = vector.broadcast %mul3A_259 : f32 to vector<16xf32>
      %mul3A_261 = arith.mulf %get3A_258, %mul3A_260 : vector<16xf32>
      %swap3A_262 = arith.index_cast %add3A_230 : i32 to index
      %swap3A_263 = arith.constant 32 : index
      %swap3A_264 = tpu.vector_load %arg9[%swap3A_262, %swap3A_263] {strides = array<i32>} : memref<128x128xf32, #tpu.memory_space<vmem>>, vector<1x16xf32>,
      %swap3A_265 = vector.shape_cast %swap3A_264 : vector<1x16xf32> to vector<16xf32>
      %swap3A_266 = vector.shape_cast %mul3A_261 : vector<16xf32> to vector<1x16xf32>
      tpu.vector_store %arg9[%swap3A_262, %swap3A_263], %swap3A_266 {strides = array<i32>} : memref<128x128xf32, #tpu.memory_space<vmem>>, vector<1x16xf32>,
      %get3A_267 = arith.index_cast %add3A_230 : i32 to index
      %get3A_268 = arith.constant 48 : index
      %get3A_269 = tpu.vector_load %arg9[%get3A_267, %get3A_268] {strides = array<i32>} : memref<128x128xf32, #tpu.memory_space<vmem>>, vector<1x16xf32>,
      %get3A_270 = vector.shape_cast %get3A_269 : vector<1x16xf32> to vector<16xf32>
      %mul3A_271 = arith.constant 11.3137083 : f32
      %mul3A_272 = vector.broadcast %mul3A_271 : f32 to vector<16xf32>
      %mul3A_273 = arith.mulf %get3A_270, %mul3A_272 : vector<16xf32>
      %swap3A_274 = arith.index_cast %add3A_230 : i32 to index
      %swap3A_275 = arith.constant 48 : index
      %swap3A_276 = tpu.vector_load %arg9[%swap3A_274, %swap3A_275] {strides = array<i32>} : memref<128x128xf32, #tpu.memory_space<vmem>>, vector<1x16xf32>,
      %swap3A_277 = vector.shape_cast %swap3A_276 : vector<1x16xf32> to vector<16xf32>
      %swap3A_278 = vector.shape_cast %mul3A_273 : vector<16xf32> to vector<1x16xf32>
      tpu.vector_store %arg9[%swap3A_274, %swap3A_275], %swap3A_278 {strides = array<i32>} : memref<128x128xf32, #tpu.memory_space<vmem>>, vector<1x16xf32>,
      %get3A_279 = arith.index_cast %add3A_230 : i32 to index
      %get3A_280 = arith.constant 64 : index
      %get3A_281 = tpu.vector_load %arg9[%get3A_279, %get3A_280] {strides = array<i32>} : memref<128x128xf32, #tpu.memory_space<vmem>>, vector<1x16xf32>,
      %get3A_282 = vector.shape_cast %get3A_281 : vector<1x16xf32> to vector<16xf32>
      %mul3A_283 = arith.constant 11.3137083 : f32
      %mul3A_284 = vector.broadcast %mul3A_283 : f32 to vector<16xf32>
      %mul3A_285 = arith.mulf %get3A_282, %mul3A_284 : vector<16xf32>
      %swap3A_286 = arith.index_cast %add3A_230 : i32 to index
      %swap3A_287 = arith.constant 64 : index
      %swap3A_288 = tpu.vector_load %arg9[%swap3A_286, %swap3A_287] {strides = array<i32>} : memref<128x128xf32, #tpu.memory_space<vmem>>, vector<1x16xf32>,
      %swap3A_289 = vector.shape_cast %swap3A_288 : vector<1x16xf32> to vector<16xf32>
      %swap3A_290 = vector.shape_cast %mul3A_285 : vector<16xf32> to vector<1x16xf32>
      tpu.vector_store %arg9[%swap3A_286, %swap3A_287], %swap3A_290 {strides = array<i32>} : memref<128x128xf32, #tpu.memory_space<vmem>>, vector<1x16xf32>,
      %get3A_291 = arith.index_cast %add3A_230 : i32 to index
      %get3A_292 = arith.constant 80 : index
      %get3A_293 = tpu.vector_load %arg9[%get3A_291, %get3A_292] {strides = array<i32>} : memref<128x128xf32, #tpu.memory_space<vmem>>, vector<1x16xf32>,
      %get3A_294 = vector.shape_cast %get3A_293 : vector<1x16xf32> to vector<16xf32>
      %mul3A_295 = arith.constant 11.3137083 : f32
      %mul3A_296 = vector.broadcast %mul3A_295 : f32 to vector<16xf32>
      %mul3A_297 = arith.mulf %get3A_294, %mul3A_296 : vector<16xf32>
      %swap3A_298 = arith.index_cast %add3A_230 : i32 to index
      %swap3A_299 = arith.constant 80 : index
      %swap3A_300 = tpu.vector_load %arg9[%swap3A_298, %swap3A_299] {strides = array<i32>} : memref<128x128xf32, #tpu.memory_space<vmem>>, vector<1x16xf32>,
      %swap3A_301 = vector.shape_cast %swap3A_300 : vector<1x16xf32> to vector<16xf32>
      %swap3A_302 = vector.shape_cast %mul3A_297 : vector<16xf32> to vector<1x16xf32>
      tpu.vector_store %arg9[%swap3A_298, %swap3A_299], %swap3A_302 {strides = array<i32>} : memref<128x128xf32, #tpu.memory_space<vmem>>, vector<1x16xf32>,
      %get3A_303 = arith.index_cast %add3A_230 : i32 to index
      %get3A_304 = arith.constant 96 : index
      %get3A_305 = tpu.vector_load %arg9[%get3A_303, %get3A_304] {strides = array<i32>} : memref<128x128xf32, #tpu.memory_space<vmem>>, vector<1x16xf32>,
      %get3A_306 = vector.shape_cast %get3A_305 : vector<1x16xf32> to vector<16xf32>
      %mul3A_307 = arith.constant 11.3137083 : f32
      %mul3A_308 = vector.broadcast %mul3A_307 : f32 to vector<16xf32>
      %mul3A_309 = arith.mulf %get3A_306, %mul3A_308 : vector<16xf32>
      %swap3A_310 = arith.index_cast %add3A_230 : i32 to index
      %swap3A_311 = arith.constant 96 : index
      %swap3A_312 = tpu.vector_load %arg9[%swap3A_310, %swap3A_311] {strides = array<i32>} : memref<128x128xf32, #tpu.memory_space<vmem>>, vector<1x16xf32>,
      %swap3A_313 = vector.shape_cast %swap3A_312 : vector<1x16xf32> to vector<16xf32>
      %swap3A_314 = vector.shape_cast %mul3A_309 : vector<16xf32> to vector<1x16xf32>
      tpu.vector_store %arg9[%swap3A_310, %swap3A_311], %swap3A_314 {strides = array<i32>} : memref<128x128xf32, #tpu.memory_space<vmem>>, vector<1x16xf32>,
      %get3A_315 = arith.index_cast %add3A_230 : i32 to index
      %get3A_316 = arith.constant 112 : index
      %get3A_317 = tpu.vector_load %arg9[%get3A_315, %get3A_316] {strides = array<i32>} : memref<128x128xf32, #tpu.memory_space<vmem>>, vector<1x16xf32>,
      %get3A_318 = vector.shape_cast %get3A_317 : vector<1x16xf32> to vector<16xf32>
      %mul3A_319 = arith.constant 11.3137083 : f32
      %mul3A_320 = vector.broadcast %mul3A_319 : f32 to vector<16xf32>
      %mul3A_321 = arith.mulf %get3A_318, %mul3A_320 : vector<16xf32>
      %swap3A_322 = arith.index_cast %add3A_230 : i32 to index
      %swap3A_323 = arith.constant 112 : index
      %swap3A_324 = tpu.vector_load %arg9[%swap3A_322, %swap3A_323] {strides = array<i32>} : memref<128x128xf32, #tpu.memory_space<vmem>>, vector<1x16xf32>,
      %swap3A_325 = vector.shape_cast %swap3A_324 : vector<1x16xf32> to vector<16xf32>
      %swap3A_326 = vector.shape_cast %mul3A_321 : vector<16xf32> to vector<1x16xf32>
      tpu.vector_store %arg9[%swap3A_322, %swap3A_323], %swap3A_326 {strides = array<i32>} : memref<128x128xf32, #tpu.memory_space<vmem>>, vector<1x16xf32>,
      %mul3A_327 = arith.constant 4 : i32
      %mul3A_328 = arith.muli %mul3A_327, %scan3A_128 : i32
      %add3A_329 = arith.constant 2 : i32
      %add3A_330 = arith.addi %mul3A_328, %add3A_329 : i32
      %get3A_331 = arith.index_cast %add3A_330 : i32 to index
      %get3A_332 = arith.constant 0 : index
      %get3A_333 = tpu.vector_load %arg9[%get3A_331, %get3A_332] {strides = array<i32>} : memref<128x128xf32, #tpu.memory_space<vmem>>, vector<1x16xf32>,
      %get3A_334 = vector.shape_cast %get3A_333 : vector<1x16xf32> to vector<16xf32>
      %mul3A_335 = arith.constant 11.3137083 : f32
      %mul3A_336 = vector.broadcast %mul3A_335 : f32 to vector<16xf32>
      %mul3A_337 = arith.mulf %get3A_334, %mul3A_336 : vector<16xf32>
      %swap3A_338 = arith.index_cast %add3A_330 : i32 to index
      %swap3A_339 = arith.constant 0 : index
      %swap3A_340 = tpu.vector_load %arg9[%swap3A_338, %swap3A_339] {strides = array<i32>} : memref<128x128xf32, #tpu.memory_space<vmem>>, vector<1x16xf32>,
      %swap3A_341 = vector.shape_cast %swap3A_340 : vector<1x16xf32> to vector<16xf32>
      %swap3A_342 = vector.shape_cast %mul3A_337 : vector<16xf32> to vector<1x16xf32>
      tpu.vector_store %arg9[%swap3A_338, %swap3A_339], %swap3A_342 {strides = array<i32>} : memref<128x128xf32, #tpu.memory_space<vmem>>, vector<1x16xf32>,
      %get3A_343 = arith.index_cast %add3A_330 : i32 to index
      %get3A_344 = arith.constant 16 : index
      %get3A_345 = tpu.vector_load %arg9[%get3A_343, %get3A_344] {strides = array<i32>} : memref<128x128xf32, #tpu.memory_space<vmem>>, vector<1x16xf32>,
      %get3A_346 = vector.shape_cast %get3A_345 : vector<1x16xf32> to vector<16xf32>
      %mul3A_347 = arith.constant 11.3137083 : f32
      %mul3A_348 = vector.broadcast %mul3A_347 : f32 to vector<16xf32>
      %mul3A_349 = arith.mulf %get3A_346, %mul3A_348 : vector<16xf32>
      %swap3A_350 = arith.index_cast %add3A_330 : i32 to index
      %swap3A_351 = arith.constant 16 : index
      %swap3A_352 = tpu.vector_load %arg9[%swap3A_350, %swap3A_351] {strides = array<i32>} : memref<128x128xf32, #tpu.memory_space<vmem>>, vector<1x16xf32>,
      %swap3A_353 = vector.shape_cast %swap3A_352 : vector<1x16xf32> to vector<16xf32>
      %swap3A_354 = vector.shape_cast %mul3A_349 : vector<16xf32> to vector<1x16xf32>
      tpu.vector_store %arg9[%swap3A_350, %swap3A_351], %swap3A_354 {strides = array<i32>} : memref<128x128xf32, #tpu.memory_space<vmem>>, vector<1x16xf32>,
      %get3A_355 = arith.index_cast %add3A_330 : i32 to index
      %get3A_356 = arith.constant 32 : index
      %get3A_357 = tpu.vector_load %arg9[%get3A_355, %get3A_356] {strides = array<i32>} : memref<128x128xf32, #tpu.memory_space<vmem>>, vector<1x16xf32>,
      %get3A_358 = vector.shape_cast %get3A_357 : vector<1x16xf32> to vector<16xf32>
      %mul3A_359 = arith.constant 11.3137083 : f32
      %mul3A_360 = vector.broadcast %mul3A_359 : f32 to vector<16xf32>
      %mul3A_361 = arith.mulf %get3A_358, %mul3A_360 : vector<16xf32>
      %swap3A_362 = arith.index_cast %add3A_330 : i32 to index
      %swap3A_363 = arith.constant 32 : index
      %swap3A_364 = tpu.vector_load %arg9[%swap3A_362, %swap3A_363] {strides = array<i32>} : memref<128x128xf32, #tpu.memory_space<vmem>>, vector<1x16xf32>,
      %swap3A_365 = vector.shape_cast %swap3A_364 : vector<1x16xf32> to vector<16xf32>
      %swap3A_366 = vector.shape_cast %mul3A_361 : vector<16xf32> to vector<1x16xf32>
      tpu.vector_store %arg9[%swap3A_362, %swap3A_363], %swap3A_366 {strides = array<i32>} : memref<128x128xf32, #tpu.memory_space<vmem>>, vector<1x16xf32>,
      %get3A_367 = arith.index_cast %add3A_330 : i32 to index
      %get3A_368 = arith.constant 48 : index
      %get3A_369 = tpu.vector_load %arg9[%get3A_367, %get3A_368] {strides = array<i32>} : memref<128x128xf32, #tpu.memory_space<vmem>>, vector<1x16xf32>,
      %get3A_370 = vector.shape_cast %get3A_369 : vector<1x16xf32> to vector<16xf32>
      %mul3A_371 = arith.constant 11.3137083 : f32
      %mul3A_372 = vector.broadcast %mul3A_371 : f32 to vector<16xf32>
      %mul3A_373 = arith.mulf %get3A_370, %mul3A_372 : vector<16xf32>
      %swap3A_374 = arith.index_cast %add3A_330 : i32 to index
      %swap3A_375 = arith.constant 48 : index
      %swap3A_376 = tpu.vector_load %arg9[%swap3A_374, %swap3A_375] {strides = array<i32>} : memref<128x128xf32, #tpu.memory_space<vmem>>, vector<1x16xf32>,
      %swap3A_377 = vector.shape_cast %swap3A_376 : vector<1x16xf32> to vector<16xf32>
      %swap3A_378 = vector.shape_cast %mul3A_373 : vector<16xf32> to vector<1x16xf32>
      tpu.vector_store %arg9[%swap3A_374, %swap3A_375], %swap3A_378 {strides = array<i32>} : memref<128x128xf32, #tpu.memory_space<vmem>>, vector<1x16xf32>,
      %get3A_379 = arith.index_cast %add3A_330 : i32 to index
      %get3A_380 = arith.constant 64 : index
      %get3A_381 = tpu.vector_load %arg9[%get3A_379, %get3A_380] {strides = array<i32>} : memref<128x128xf32, #tpu.memory_space<vmem>>, vector<1x16xf32>,
      %get3A_382 = vector.shape_cast %get3A_381 : vector<1x16xf32> to vector<16xf32>
      %mul3A_383 = arith.constant 11.3137083 : f32
      %mul3A_384 = vector.broadcast %mul3A_383 : f32 to vector<16xf32>
      %mul3A_385 = arith.mulf %get3A_382, %mul3A_384 : vector<16xf32>
      %swap3A_386 = arith.index_cast %add3A_330 : i32 to index
      %swap3A_387 = arith.constant 64 : index
      %swap3A_388 = tpu.vector_load %arg9[%swap3A_386, %swap3A_387] {strides = array<i32>} : memref<128x128xf32, #tpu.memory_space<vmem>>, vector<1x16xf32>,
      %swap3A_389 = vector.shape_cast %swap3A_388 : vector<1x16xf32> to vector<16xf32>
      %swap3A_390 = vector.shape_cast %mul3A_385 : vector<16xf32> to vector<1x16xf32>
      tpu.vector_store %arg9[%swap3A_386, %swap3A_387], %swap3A_390 {strides = array<i32>} : memref<128x128xf32, #tpu.memory_space<vmem>>, vector<1x16xf32>,
      %get3A_391 = arith.index_cast %add3A_330 : i32 to index
      %get3A_392 = arith.constant 80 : index
      %get3A_393 = tpu.vector_load %arg9[%get3A_391, %get3A_392] {strides = array<i32>} : memref<128x128xf32, #tpu.memory_space<vmem>>, vector<1x16xf32>,
      %get3A_394 = vector.shape_cast %get3A_393 : vector<1x16xf32> to vector<16xf32>
      %mul3A_395 = arith.constant 11.3137083 : f32
      %mul3A_396 = vector.broadcast %mul3A_395 : f32 to vector<16xf32>
      %mul3A_397 = arith.mulf %get3A_394, %mul3A_396 : vector<16xf32>
      %swap3A_398 = arith.index_cast %add3A_330 : i32 to index
      %swap3A_399 = arith.constant 80 : index
      %swap3A_400 = tpu.vector_load %arg9[%swap3A_398, %swap3A_399] {strides = array<i32>} : memref<128x128xf32, #tpu.memory_space<vmem>>, vector<1x16xf32>,
      %swap3A_401 = vector.shape_cast %swap3A_400 : vector<1x16xf32> to vector<16xf32>
      %swap3A_402 = vector.shape_cast %mul3A_397 : vector<16xf32> to vector<1x16xf32>
      tpu.vector_store %arg9[%swap3A_398, %swap3A_399], %swap3A_402 {strides = array<i32>} : memref<128x128xf32, #tpu.memory_space<vmem>>, vector<1x16xf32>,
      %get3A_403 = arith.index_cast %add3A_330 : i32 to index
      %get3A_404 = arith.constant 96 : index
      %get3A_405 = tpu.vector_load %arg9[%get3A_403, %get3A_404] {strides = array<i32>} : memref<128x128xf32, #tpu.memory_space<vmem>>, vector<1x16xf32>,
      %get3A_406 = vector.shape_cast %get3A_405 : vector<1x16xf32> to vector<16xf32>
      %mul3A_407 = arith.constant 11.3137083 : f32
      %mul3A_408 = vector.broadcast %mul3A_407 : f32 to vector<16xf32>
      %mul3A_409 = arith.mulf %get3A_406, %mul3A_408 : vector<16xf32>
      %swap3A_410 = arith.index_cast %add3A_330 : i32 to index
      %swap3A_411 = arith.constant 96 : index
      %swap3A_412 = tpu.vector_load %arg9[%swap3A_410, %swap3A_411] {strides = array<i32>} : memref<128x128xf32, #tpu.memory_space<vmem>>, vector<1x16xf32>,
      %swap3A_413 = vector.shape_cast %swap3A_412 : vector<1x16xf32> to vector<16xf32>
      %swap3A_414 = vector.shape_cast %mul3A_409 : vector<16xf32> to vector<1x16xf32>
      tpu.vector_store %arg9[%swap3A_410, %swap3A_411], %swap3A_414 {strides = array<i32>} : memref<128x128xf32, #tpu.memory_space<vmem>>, vector<1x16xf32>,
      %get3A_415 = arith.index_cast %add3A_330 : i32 to index
      %get3A_416 = arith.constant 112 : index
      %get3A_417 = tpu.vector_load %arg9[%get3A_415, %get3A_416] {strides = array<i32>} : memref<128x128xf32, #tpu.memory_space<vmem>>, vector<1x16xf32>,
      %get3A_418 = vector.shape_cast %get3A_417 : vector<1x16xf32> to vector<16xf32>
      %mul3A_419 = arith.constant 11.3137083 : f32
      %mul3A_420 = vector.broadcast %mul3A_419 : f32 to vector<16xf32>
      %mul3A_421 = arith.mulf %get3A_418, %mul3A_420 : vector<16xf32>
      %swap3A_422 = arith.index_cast %add3A_330 : i32 to index
      %swap3A_423 = arith.constant 112 : index
      %swap3A_424 = tpu.vector_load %arg9[%swap3A_422, %swap3A_423] {strides = array<i32>} : memref<128x128xf32, #tpu.memory_space<vmem>>, vector<1x16xf32>,
      %swap3A_425 = vector.shape_cast %swap3A_424 : vector<1x16xf32> to vector<16xf32>
      %swap3A_426 = vector.shape_cast %mul3A_421 : vector<16xf32> to vector<1x16xf32>
      tpu.vector_store %arg9[%swap3A_422, %swap3A_423], %swap3A_426 {strides = array<i32>} : memref<128x128xf32, #tpu.memory_space<vmem>>, vector<1x16xf32>,
      %mul3A_427 = arith.constant 4 : i32
      %mul3A_428 = arith.muli %mul3A_427, %scan3A_128 : i32
      %add3A_429 = arith.constant 3 : i32
      %add3A_430 = arith.addi %mul3A_428, %add3A_429 : i32
      %get3A_431 = arith.index_cast %add3A_430 : i32 to index
      %get3A_432 = arith.constant 0 : index
      %get3A_433 = tpu.vector_load %arg9[%get3A_431, %get3A_432] {strides = array<i32>} : memref<128x128xf32, #tpu.memory_space<vmem>>, vector<1x16xf32>,
      %get3A_434 = vector.shape_cast %get3A_433 : vector<1x16xf32> to vector<16xf32>
      %mul3A_435 = arith.constant 11.3137083 : f32
      %mul3A_436 = vector.broadcast %mul3A_435 : f32 to vector<16xf32>
      %mul3A_437 = arith.mulf %get3A_434, %mul3A_436 : vector<16xf32>
      %swap3A_438 = arith.index_cast %add3A_430 : i32 to index
      %swap3A_439 = arith.constant 0 : index
      %swap3A_440 = tpu.vector_load %arg9[%swap3A_438, %swap3A_439] {strides = array<i32>} : memref<128x128xf32, #tpu.memory_space<vmem>>, vector<1x16xf32>,
      %swap3A_441 = vector.shape_cast %swap3A_440 : vector<1x16xf32> to vector<16xf32>
      %swap3A_442 = vector.shape_cast %mul3A_437 : vector<16xf32> to vector<1x16xf32>
      tpu.vector_store %arg9[%swap3A_438, %swap3A_439], %swap3A_442 {strides = array<i32>} : memref<128x128xf32, #tpu.memory_space<vmem>>, vector<1x16xf32>,
      %get3A_443 = arith.index_cast %add3A_430 : i32 to index
      %get3A_444 = arith.constant 16 : index
      %get3A_445 = tpu.vector_load %arg9[%get3A_443, %get3A_444] {strides = array<i32>} : memref<128x128xf32, #tpu.memory_space<vmem>>, vector<1x16xf32>,
      %get3A_446 = vector.shape_cast %get3A_445 : vector<1x16xf32> to vector<16xf32>
      %mul3A_447 = arith.constant 11.3137083 : f32
      %mul3A_448 = vector.broadcast %mul3A_447 : f32 to vector<16xf32>
      %mul3A_449 = arith.mulf %get3A_446, %mul3A_448 : vector<16xf32>
      %swap3A_450 = arith.index_cast %add3A_430 : i32 to index
      %swap3A_451 = arith.constant 16 : index
      %swap3A_452 = tpu.vector_load %arg9[%swap3A_450, %swap3A_451] {strides = array<i32>} : memref<128x128xf32, #tpu.memory_space<vmem>>, vector<1x16xf32>,
      %swap3A_453 = vector.shape_cast %swap3A_452 : vector<1x16xf32> to vector<16xf32>
      %swap3A_454 = vector.shape_cast %mul3A_449 : vector<16xf32> to vector<1x16xf32>
      tpu.vector_store %arg9[%swap3A_450, %swap3A_451], %swap3A_454 {strides = array<i32>} : memref<128x128xf32, #tpu.memory_space<vmem>>, vector<1x16xf32>,
      %get3A_455 = arith.index_cast %add3A_430 : i32 to index
      %get3A_456 = arith.constant 32 : index
      %get3A_457 = tpu.vector_load %arg9[%get3A_455, %get3A_456] {strides = array<i32>} : memref<128x128xf32, #tpu.memory_space<vmem>>, vector<1x16xf32>,
      %get3A_458 = vector.shape_cast %get3A_457 : vector<1x16xf32> to vector<16xf32>
      %mul3A_459 = arith.constant 11.3137083 : f32
      %mul3A_460 = vector.broadcast %mul3A_459 : f32 to vector<16xf32>
      %mul3A_461 = arith.mulf %get3A_458, %mul3A_460 : vector<16xf32>
      %swap3A_462 = arith.index_cast %add3A_430 : i32 to index
      %swap3A_463 = arith.constant 32 : index
      %swap3A_464 = tpu.vector_load %arg9[%swap3A_462, %swap3A_463] {strides = array<i32>} : memref<128x128xf32, #tpu.memory_space<vmem>>, vector<1x16xf32>,
      %swap3A_465 = vector.shape_cast %swap3A_464 : vector<1x16xf32> to vector<16xf32>
      %swap3A_466 = vector.shape_cast %mul3A_461 : vector<16xf32> to vector<1x16xf32>
      tpu.vector_store %arg9[%swap3A_462, %swap3A_463], %swap3A_466 {strides = array<i32>} : memref<128x128xf32, #tpu.memory_space<vmem>>, vector<1x16xf32>,
      %get3A_467 = arith.index_cast %add3A_430 : i32 to index
      %get3A_468 = arith.constant 48 : index
      %get3A_469 = tpu.vector_load %arg9[%get3A_467, %get3A_468] {strides = array<i32>} : memref<128x128xf32, #tpu.memory_space<vmem>>, vector<1x16xf32>,
      %get3A_470 = vector.shape_cast %get3A_469 : vector<1x16xf32> to vector<16xf32>
      %mul3A_471 = arith.constant 11.3137083 : f32
      %mul3A_472 = vector.broadcast %mul3A_471 : f32 to vector<16xf32>
      %mul3A_473 = arith.mulf %get3A_470, %mul3A_472 : vector<16xf32>
      %swap3A_474 = arith.index_cast %add3A_430 : i32 to index
      %swap3A_475 = arith.constant 48 : index
      %swap3A_476 = tpu.vector_load %arg9[%swap3A_474, %swap3A_475] {strides = array<i32>} : memref<128x128xf32, #tpu.memory_space<vmem>>, vector<1x16xf32>,
      %swap3A_477 = vector.shape_cast %swap3A_476 : vector<1x16xf32> to vector<16xf32>
      %swap3A_478 = vector.shape_cast %mul3A_473 : vector<16xf32> to vector<1x16xf32>
      tpu.vector_store %arg9[%swap3A_474, %swap3A_475], %swap3A_478 {strides = array<i32>} : memref<128x128xf32, #tpu.memory_space<vmem>>, vector<1x16xf32>,
      %get3A_479 = arith.index_cast %add3A_430 : i32 to index
      %get3A_480 = arith.constant 64 : index
      %get3A_481 = tpu.vector_load %arg9[%get3A_479, %get3A_480] {strides = array<i32>} : memref<128x128xf32, #tpu.memory_space<vmem>>, vector<1x16xf32>,
      %get3A_482 = vector.shape_cast %get3A_481 : vector<1x16xf32> to vector<16xf32>
      %mul3A_483 = arith.constant 11.3137083 : f32
      %mul3A_484 = vector.broadcast %mul3A_483 : f32 to vector<16xf32>
      %mul3A_485 = arith.mulf %get3A_482, %mul3A_484 : vector<16xf32>
      %swap3A_486 = arith.index_cast %add3A_430 : i32 to index
      %swap3A_487 = arith.constant 64 : index
      %swap3A_488 = tpu.vector_load %arg9[%swap3A_486, %swap3A_487] {strides = array<i32>} : memref<128x128xf32, #tpu.memory_space<vmem>>, vector<1x16xf32>,
      %swap3A_489 = vector.shape_cast %swap3A_488 : vector<1x16xf32> to vector<16xf32>
      %swap3A_490 = vector.shape_cast %mul3A_485 : vector<16xf32> to vector<1x16xf32>
      tpu.vector_store %arg9[%swap3A_486, %swap3A_487], %swap3A_490 {strides = array<i32>} : memref<128x128xf32, #tpu.memory_space<vmem>>, vector<1x16xf32>,
      %get3A_491 = arith.index_cast %add3A_430 : i32 to index
      %get3A_492 = arith.constant 80 : index
      %get3A_493 = tpu.vector_load %arg9[%get3A_491, %get3A_492] {strides = array<i32>} : memref<128x128xf32, #tpu.memory_space<vmem>>, vector<1x16xf32>,
      %get3A_494 = vector.shape_cast %get3A_493 : vector<1x16xf32> to vector<16xf32>
      %mul3A_495 = arith.constant 11.3137083 : f32
      %mul3A_496 = vector.broadcast %mul3A_495 : f32 to vector<16xf32>
      %mul3A_497 = arith.mulf %get3A_494, %mul3A_496 : vector<16xf32>
      %swap3A_498 = arith.index_cast %add3A_430 : i32 to index
      %swap3A_499 = arith.constant 80 : index
      %swap3A_500 = tpu.vector_load %arg9[%swap3A_498, %swap3A_499] {strides = array<i32>} : memref<128x128xf32, #tpu.memory_space<vmem>>, vector<1x16xf32>,
      %swap3A_501 = vector.shape_cast %swap3A_500 : vector<1x16xf32> to vector<16xf32>
      %swap3A_502 = vector.shape_cast %mul3A_497 : vector<16xf32> to vector<1x16xf32>
      tpu.vector_store %arg9[%swap3A_498, %swap3A_499], %swap3A_502 {strides = array<i32>} : memref<128x128xf32, #tpu.memory_space<vmem>>, vector<1x16xf32>,
      %get3A_503 = arith.index_cast %add3A_430 : i32 to index
      %get3A_504 = arith.constant 96 : index
      %get3A_505 = tpu.vector_load %arg9[%get3A_503, %get3A_504] {strides = array<i32>} : memref<128x128xf32, #tpu.memory_space<vmem>>, vector<1x16xf32>,
      %get3A_506 = vector.shape_cast %get3A_505 : vector<1x16xf32> to vector<16xf32>
      %mul3A_507 = arith.constant 11.3137083 : f32
      %mul3A_508 = vector.broadcast %mul3A_507 : f32 to vector<16xf32>
      %mul3A_509 = arith.mulf %get3A_506, %mul3A_508 : vector<16xf32>
      %swap3A_510 = arith.index_cast %add3A_430 : i32 to index
      %swap3A_511 = arith.constant 96 : index
      %swap3A_512 = tpu.vector_load %arg9[%swap3A_510, %swap3A_511] {strides = array<i32>} : memref<128x128xf32, #tpu.memory_space<vmem>>, vector<1x16xf32>,
      %swap3A_513 = vector.shape_cast %swap3A_512 : vector<1x16xf32> to vector<16xf32>
      %swap3A_514 = vector.shape_cast %mul3A_509 : vector<16xf32> to vector<1x16xf32>
      tpu.vector_store %arg9[%swap3A_510, %swap3A_511], %swap3A_514 {strides = array<i32>} : memref<128x128xf32, #tpu.memory_space<vmem>>, vector<1x16xf32>,
      %get3A_515 = arith.index_cast %add3A_430 : i32 to index
      %get3A_516 = arith.constant 112 : index
      %get3A_517 = tpu.vector_load %arg9[%get3A_515, %get3A_516] {strides = array<i32>} : memref<128x128xf32, #tpu.memory_space<vmem>>, vector<1x16xf32>,
      %get3A_518 = vector.shape_cast %get3A_517 : vector<1x16xf32> to vector<16xf32>
      %mul3A_519 = arith.constant 11.3137083 : f32
      %mul3A_520 = vector.broadcast %mul3A_519 : f32 to vector<16xf32>
      %mul3A_521 = arith.mulf %get3A_518, %mul3A_520 : vector<16xf32>
      %swap3A_522 = arith.index_cast %add3A_430 : i32 to index
      %swap3A_523 = arith.constant 112 : index
      %swap3A_524 = tpu.vector_load %arg9[%swap3A_522, %swap3A_523] {strides = array<i32>} : memref<128x128xf32, #tpu.memory_space<vmem>>, vector<1x16xf32>,
      %swap3A_525 = vector.shape_cast %swap3A_524 : vector<1x16xf32> to vector<16xf32>
      %swap3A_526 = vector.shape_cast %mul3A_521 : vector<16xf32> to vector<1x16xf32>
      tpu.vector_store %arg9[%swap3A_522, %swap3A_523], %swap3A_526 {strides = array<i32>} : memref<128x128xf32, #tpu.memory_space<vmem>>, vector<1x16xf32>,
    }
    %scan3A_105 = arith.constant 32 : i32
    %add3A_106 = arith.constant 25472 : i32
    %add3A_107 = arith.addi %mul3A_4, %add3A_106 : i32
    %dma_start3A_108 = arith.constant 0 : i32
    %dma_start3A_109 = tpu.memref_slice %arg4[%add3A_107, %dma_start3A_108] : memref<819200x128xf32, #tpu.memory_space<hbm>> -> memref<128x128xf32, #tpu.memory_space<hbm>>
    %dma_start3A_110 = arith.constant 0 : i32
    %dma_start3A_111 = tpu.memref_slice %arg4[%add3A_107, %dma_start3A_110] : memref<819200x128xf32, #tpu.memory_space<hbm>> -> memref<128x128xf32, #tpu.memory_space<hbm>>
    tpu.enqueue_dma source(%arg9 : memref<128x128xf32, #tpu.memory_space<vmem>>) target(%dma_start3A_111 : memref<128x128xf32, #tpu.memory_space<hbm>>) target_semaphore(%arg17 : memref<!tpu.dma_semaphore, #tpu.memory_space<semaphore_mem>>)
    %dma_wait3A_112 = arith.constant 0 : i32
    %dma_wait3A_113 = tpu.memref_slice %arg4[%mul3A_4, %dma_wait3A_112] : memref<819200x128xf32, #tpu.memory_space<hbm>> -> memref<128x128xf32, #tpu.memory_space<hbm>>
    %dma_wait3A_114 = arith.constant 0 : i32
    %dma_wait3A_115 = tpu.memref_slice %arg4[%mul3A_4, %dma_wait3A_114] : memref<819200x128xf32, #tpu.memory_space<hbm>> -> memref<128x128xf32, #tpu.memory_space<hbm>>
    tpu.wait_dma2 semaphore(%arg14 : memref<!tpu.dma_semaphore, #tpu.memory_space<semaphore_mem>>) src(%arg6 : memref<128x128xf32, #tpu.memory_space<vmem>>) dst(%dma_wait3A_115 : memref<128x128xf32, #tpu.memory_space<hbm>>)
    %dma_wait3A_116 = arith.constant 0 : i32
    %dma_wait3A_117 = tpu.memref_slice %arg4[%mul3A_4, %dma_wait3A_116] : memref<819200x128xf32, #tpu.memory_space<hbm>> -> memref<128x128xf32, #tpu.memory_space<hbm>>
    %dma_wait3A_118 = arith.constant 0 : i32
    %dma_wait3A_119 = tpu.memref_slice %arg4[%mul3A_4, %dma_wait3A_118] : memref<819200x128xf32, #tpu.memory_space<hbm>> -> memref<128x128xf32, #tpu.memory_space<hbm>>
    tpu.wait_dma2 semaphore(%arg15 : memref<!tpu.dma_semaphore, #tpu.memory_space<semaphore_mem>>) src(%arg7 : memref<128x128xf32, #tpu.memory_space<vmem>>) dst(%dma_wait3A_119 : memref<128x128xf32, #tpu.memory_space<hbm>>)
    %dma_wait3A_120 = arith.constant 0 : i32
    %dma_wait3A_121 = tpu.memref_slice %arg4[%mul3A_4, %dma_wait3A_120] : memref<819200x128xf32, #tpu.memory_space<hbm>> -> memref<128x128xf32, #tpu.memory_space<hbm>>
    %dma_wait3A_122 = arith.constant 0 : i32
    %dma_wait3A_123 = tpu.memref_slice %arg4[%mul3A_4, %dma_wait3A_122] : memref<819200x128xf32, #tpu.memory_space<hbm>> -> memref<128x128xf32, #tpu.memory_space<hbm>>
    tpu.wait_dma2 semaphore(%arg16 : memref<!tpu.dma_semaphore, #tpu.memory_space<semaphore_mem>>) src(%arg8 : memref<128x128xf32, #tpu.memory_space<vmem>>) dst(%dma_wait3A_123 : memref<128x128xf32, #tpu.memory_space<hbm>>)
    %dma_wait3A_124 = arith.constant 0 : i32
    %dma_wait3A_125 = tpu.memref_slice %arg4[%mul3A_4, %dma_wait3A_124] : memref<819200x128xf32, #tpu.memory_space<hbm>> -> memref<128x128xf32, #tpu.memory_space<hbm>>
    %dma_wait3A_126 = arith.constant 0 : i32
    %dma_wait3A_127 = tpu.memref_slice %arg4[%mul3A_4, %dma_wait3A_126] : memref<819200x128xf32, #tpu.memory_space<hbm>> -> memref<128x128xf32, #tpu.memory_space<hbm>>
    tpu.wait_dma2 semaphore(%arg17 : memref<!tpu.dma_semaphore, #tpu.memory_space<semaphore_mem>>) src(%arg9 : memref<128x128xf32, #tpu.memory_space<vmem>>) dst(%dma_wait3A_127 : memref<128x128xf32, #tpu.memory_space<hbm>>)
    return
  }
}

</mosaic_0001>

<sc_bundles>
// kernel: kernel.3.cloned.1.call-start
scs
__scs_entry_jumppad:
0x0: {  	(pc) =	sbr.rel $0x88, $3  }
0x1: {  	(tag) =	ssettag $0x0;
	lr =	simm.s32 $0x1  }
0x2: {  	[smem:$0x3F9F] =	sst lr;
	_ =	strace $0xD0000000  }
0x3: {  	_ = 	snop  }
0x4: {  	_ = 	snop  }
0x5: {  	_ = 	snop  }
0x6: {  	_ = 	snop  }
0x7: {  	_ = 	snop  }
__scs_overlays_trampoline_lowered:
0x8: {  	[smem:$0x3FAE] =	sst s0  }
0x9: {  	[smem:$0x3FAF] =	sst s1  }
0xa: {  	[smem:$0x3FB0] =	sst s2  }
0xb: {  	[smem:$0x3FB1] =	sst s3  }
0xc: {  	[smem:$0x3FB2] =	sst s4  }
0xd: {  	[smem:$0x3FB3] =	sst s5  }
0xe: {  	[smem:$0x3FB4] =	sst s6  }
0xf: {  	[smem:$0x3FB5] =	sst s7  }
0x10: {  	[smem:$0x3FB6] =	sst s8  }
0x11: {  	[smem:$0x3FB7] =	sst s9;
	s0 =	simm.s32 @!p0 $0x0  }
0x12: {  	s1 =	sld [smem:$0x3F9D];
	s0 =	simm.s32 @p0 $0x1  }
0x13: {  	[smem:$0x3FB8] =	sst s0;
	s0 =	simm.s32 @!p1 $0x0  }
0x14: {  	s2 =	sld [smem:$0x3F9C];
	s0 =	simm.s32 @p1 $0x1  }
0x15: {  	[smem:$0x3FB9] =	sst s0;
	s0 =	simm.s32 @!p2 $0x0  }
0x16: {  	s3 =	sld [smem:$0x3FDB];
	s0 =	simm.s32 @p2 $0x1  }
0x17: {  	s4 =	simm.s32 $0x1BF5;
	[smem:$0x3FBB] =	sst s0  }
0x18: {  	s0 =	sld [smem:$0x3F9E];
	_ =	swait.ge [sflag:s4], $0x0  }
0x19: {  	s7 =	sld [smem:$0x3F9F]  }
0x1a: {  	s8 =	sadd.s32 $0xFFFFE003, lr  }
0x1b: {  	s9 =	sadd.s32 $0xFFFFFEF7, lr;
	s5 =	simm.s32 $0xFFFFFFFF;
	p2 =	slt.u32 s8, $0xFFFFF086  }
0x1c: {  	p1 =	slt.u32 s9, $0xF7A;
	s5 =	simm.s32 @!p2 $0x0  }
0x1d: {  	s5 =	simm.s32 @p1 $0x1;
	p0 =	seq.s32 s7, s2  }
0x1e: {  	s7 =	smul.u32 @!p0 $0xF7A, s2;
	p2 =	seq.s32 @!p0 s5, $0x0  }
0x1f: {  	s9 =	smul.u32 $0xF7A, s1;
	s8 =	simm.s32 @!p0 $0x1BF5;
	p2 =	por !p2, p0  }
0x20: {  	[sflag:s8] =	ssyncset.s32 @!p0 $0xFFFFF086;
	s6 =	sadd.s32 @!p0 s3, s7;
	s7 =	simm.s32 @!p0 $0x108  }
0x21: {  	s3 =	sadd.s32 s3, s9;
	s6 =	sadd.s32 @!p0 $0x88, s6;
	s7 =	simm.s32 @p2 $0x1082  }
0x22: {  	[simem:s7], [sflag:s8] =	dma.local @!p0 [hbm:s6], $0xF7A  }
0x23: {  	s9 =	sor.u32 $0xD0000000, s2;
	s6 =	simm.s32 $0x108;
	_ =	swait.ge @!p0 [sflag:s8], $0x0  }
0x24: {  	s3 =	sadd.s32 $0x88, s3;
	s6 =	simm.s32 @!p1 $0x1082;
	[sflag:s4] =	ssyncset.s32 $0xFFFFF086  }
0x25: {  	[simem:s6], [sflag:s4] =	dma.local [hbm:s3], $0xF7A  }
0x26: {  	[smem:$0x3F9F] =	sst s1;
	(tag) =	ssettag s2;
	_ =	strace s9  }
0x27: {  	s1 =	sld [smem:$0x3FAF]  }
0x28: {  	s2 =	sld [smem:$0x3FB0]  }
0x29: {  	s4 =	sld [smem:$0x3FB2]  }
0x2a: {  	p0 =	seq.s32 s5, $0x0;
	s5 =	sld [smem:$0x3FB3]  }
0x2b: {  	s6 =	sld [smem:$0x3FB4]  }
0x2c: {  	s7 =	sld [smem:$0x3FB5]  }
0x2d: {  	s3 =	simm.s32 $0x108;
	s8 =	sld [smem:$0x3FB6]  }
0x2e: {  	s3 =	simm.s32 @!p0 $0x1082;
	s9 =	sld [smem:$0x3FB7]  }
0x2f: {  	lr =	sadd.s32 s0, s3;
	s0 =	sld [smem:$0x3FAE]  }
0x30: {  	s3 =	sld [smem:$0x3FB1]  }
0x31: {  	[smem:$0x3FBA] =	sst s10  }
0x32: {  	s10 =	sld [smem:$0x3FB8];
	_ =	sdelay $0x3  }
0x33: {  	p0 =	seq.s32 s10, $0x1;
	s10 =	sld [smem:$0x3FBA];
	_ =	sdelay $0x3  }
0x34: {  	[smem:$0x3FBA] =	sst s10  }
0x35: {  	s10 =	sld [smem:$0x3FB9];
	_ =	sdelay $0x3  }
0x36: {  	p1 =	seq.s32 s10, $0x1;
	s10 =	sld [smem:$0x3FBA];
	_ =	sdelay $0x3  }
0x37: {  	[smem:$0x3FBA] =	sst s10  }
0x38: {  	s10 =	sld [smem:$0x3FBB]  }
0x39: {  	_ = 	snop;
	(pc) =	sbr.ind lr, $3  }
0x3a: {  	_ = 	snop  }
0x3b: {  	_ = 	snop  }
0x3c: {  	p2 =	seq.s32 s10, $0x1;
	s10 =	sld [smem:$0x3FBA]  }
0x3d: {  	_ =	shalt  }
0x3e: {  	_ =	shalt  }
0x3f: {  	_ =	shalt  }
0x40: {  	_ =	shalt  }
0x41: {  	_ =	shalt  }
0x42: {  	_ =	shalt  }
0x43: {  	_ =	shalt  }
0x44: {  	_ =	shalt  }
0x45: {  	_ =	shalt  }
0x46: {  	_ =	shalt  }
0x47: {  	_ =	shalt  }
0x48: {  	_ =	shalt  }
0x49: {  	_ =	shalt  }
0x4a: {  	_ =	shalt  }
0x4b: {  	_ =	shalt  }
0x4c: {  	_ =	shalt  }
0x4d: {  	_ =	shalt  }
0x4e: {  	_ =	shalt  }
0x4f: {  	_ =	shalt  }
0x50: {  	_ =	shalt  }
0x51: {  	_ =	shalt  }
0x52: {  	_ =	shalt  }
0x53: {  	_ =	shalt  }
0x54: {  	_ =	shalt  }
0x55: {  	_ =	shalt  }
0x56: {  	_ =	shalt  }
0x57: {  	_ =	shalt  }
0x58: {  	_ =	shalt  }
0x59: {  	_ =	shalt  }
0x5a: {  	_ =	shalt  }
0x5b: {  	_ =	shalt  }
0x5c: {  	_ =	shalt  }
0x5d: {  	_ =	shalt  }
0x5e: {  	_ =	shalt  }
0x5f: {  	_ =	shalt  }
0x60: {  	_ =	shalt  }
0x61: {  	_ =	shalt  }
0x62: {  	_ =	shalt  }
0x63: {  	_ =	shalt  }
0x64: {  	_ =	shalt  }
0x65: {  	_ =	shalt  }
0x66: {  	_ =	shalt  }
0x67: {  	_ =	shalt  }
0x68: {  	_ =	shalt  }
0x69: {  	_ =	shalt  }
0x6a: {  	_ =	shalt  }
0x6b: {  	_ =	shalt  }
0x6c: {  	_ =	shalt  }
0x6d: {  	_ =	shalt  }
0x6e: {  	_ =	shalt  }
0x6f: {  	_ =	shalt  }
0x70: {  	_ =	shalt  }
0x71: {  	_ =	shalt  }
0x72: {  	_ =	shalt  }
0x73: {  	_ =	shalt  }
0x74: {  	_ =	shalt  }
0x75: {  	_ =	shalt  }
0x76: {  	_ =	shalt  }
0x77: {  	_ =	shalt  }
0x78: {  	_ =	shalt  }
0x79: {  	_ =	shalt  }
0x7a: {  	_ =	shalt  }
0x7b: {  	_ =	shalt  }
0x7c: {  	_ =	shalt  }
0x7d: {  	_ =	shalt  }
0x7e: {  	_ =	shalt  }
0x7f: {  	_ =	shalt  }
0x80: {  	_ =	shalt  }
0x81: {  	_ =	shalt  }
0x82: {  	_ =	shalt  }
0x83: {  	_ =	shalt  }
0x84: {  	_ =	shalt  }
0x85: {  	_ =	shalt  }
0x86: {  	_ =	shalt  }
0x87: {  	_ =	shalt  }
.Lfunc_end0:
.L_simem_size_0:
called_computation_lowered:
.L_overlay_start_0:
0x88: {  	s2 =	sld [smem:$0x3FD9]  }
0x89: {  	s3 =	sld [smem:$0x3FFE];
	_ =	sdelay $0x1  }
0x8a: {  	s1 =	srdreg.scid  }
0x8b: {  	s0 =	sand.u32 $0x1, s1  }
0x8c: {  	s17 =	sshll.u32 s0, $0xA;
	s2 =	sadd.s32 s3, s2  }
0x8d: {  	s2 =	sadd.s32 s2, s17  }
0x8e: {  	[smem:$0x3FC6] =	sst s2  }
0x8f: {  	_ = 	snop  }
0x90: {  	s2 =	sld [smem:$0x3FC8]  }
0x91: {  	s18 =	sld [smem:$0x3FD0];
	(tm) =	ssettm $0x1  }
0x92: {  	s4 =	sld [smem:$0x3FFB];
	_ =	sdelay $0x3  }
0x93: {  	_ =	strace s4  }
0x94: {  	s4 =	sld [smem:$0x3FFC];
	_ =	sdelay $0x3  }
0x95: {  	_ =	strace s4  }
0x96: {  	s4 =	sld [smem:$0x3FFD];
	_ =	sdelay $0x3  }
0x97: {  	_ =	strace s4  }
0x98: {  	_ =	strace $0x8FFFFFFF  }
0x99: {  	s19 =	sld [smem:$0x3FDB];
	_ =	sdelay $0x1  }
0x9a: {  	s5 =	simm.s32 $_scs_section_size  }
0x9b: {  	s6 =	simm.s32 $_size__tile_overlayer_lowered;
	s7 =	simm.s32 $_tile_overlayer_lowered  }
0x9c: {  	s22 =	simm.s32 $0x1BFF;
	s21 =	sshll.u32 s7, $0x1;
	s4 =	sadd.s32 s5, s19  }
0x9d: {  	s8 =	simm.s32 $0x0;
	s20 =	sshll.u32 s6, $0x1;
	s6 =	sadd.s32 s21, s4  }
0x9e: {  	[timem:s8], [sflag:s22] =	dma.local [hbm:s6], s20  }
0x9f: {  	_ =	swait.ge [sflag:s22], s20  }
0xa0: {  	s5 =	ssub.s32 $0x0, s20;
	[sflag:s22] =	ssyncset.done $0x0  }
0xa1: {  	[sflag:s22] =	ssyncadd.s32 s5;
	_ =	sdelay $0x1  }
0xa2: {  	s23 =	simm.s32 $0x1B8B  }
0xa3: {  	_ =	swait.ge [sflag:s23], $0x1  }
0xa4: {  	[sflag:s23] =	ssyncset.done $0x0  }
0xa5: {  	s25 =	simm.s32 $0x1B8E;
	s24 =	sld [smem:$0x3FFE];
	[sflag:s23] =	ssyncadd.s32 $0xFFFFFFFF  }
0xa6: {  	s26 =	simm.s32 $execute0_lowered;
	[smem:$0x3FD2] =	sst s25  }
0xa7: {  	s6 =	sshll.u32 s26, $0x1;
	_ =	strace $0x80000046;
	[dreg:$0x1] =	wrdreg $0xFFFFFFFF  }
0xa8: {  	s28 =	simm.s32 $_size_execute0_lowered;
	s4 =	sadd.s32 s4, s6;
	[dreg:$0x0] =	wrdreg $0x0  }
0xa9: {  	s6 =	sshll.u32 s28, $0x1;
	[dreg:$0x2] =	wrdreg s4  }
0xaa: {  	[dreg:$0x3] =	wrdreg s6  }
0xab: {  	[dreg:$0x4] =	wrdreg $0xC0  }
0xac: {  	_ =	task [dreg:s8], $0x5FFFF  }
0xad: {  	[dreg:$0x1] =	wrdreg $0xFFFFFFFF  }
0xae: {  	[dreg:$0x0] =	wrdreg $0x60  }
0xaf: {  	[dreg:$0x2] =	wrdreg s2  }
0xb0: {  	[dreg:$0x3] =	wrdreg s24  }
0xb1: {  	[dreg:$0x4] =	wrdreg s18  }
0xb2: {  	[dreg:$0x5] =	wrdreg $0x9  }
0xb3: {  	_ =	task.clear_ibuf [dreg:s8], $0x6FFFF;
	_ =	strace $0x90000046  }
0xb4: {  	s29 =	simm.s32 $0x9;
	_ =	strace $0x80000048  }
0xb5: {  	_ =	swait.ge [sflag:s29], $0x1  }
0xb6: {  	[sflag:s29] =	ssyncadd.s32 $0xFFFFFFFF  }
0xb7: {  	_ =	strace $0x90000048  }
0xb8: {  	_ =	sfence  }
0xb9: {  	s30 =	sld [smem:$0x0];
	_ =	sdelay $0x2  }
0xba: {  	s31 =	sshll.u32 s1, $0xD;
	s1 =	sshrl.u32 s1, $0x2  }
0xbb: {  	s3 =	sand.u32 $0x4000, s31;
	s1 =	sadd.s32 s1, s30  }
0xbc: {  	s0 =	sor.u32 s3, s0;
	s1 =	sshll.u32 s1, $0x11  }
0xbd: {  	s0 =	sor.u32 s1, s0  }
0xbe: {  	s0 =	sadd.s32 $0x8F2B, s0  }
0xbf: {  	[sflag:s0] =	ssyncadd.remote.s32 $0x1  }
0xc0: {  	_ =	sfence.sel $0xFFFF  }
0xc1: {  	[dreg:$0x0] =	wrdreg $0xFFFFFFFF;
	(pc) =	sbr.abs _section_cstart, $3  }
0xc2: {  	[dreg:$0x1] =	wrdreg $0xFFFFFFFF  }
0xc3: {  	_ =	task.clear_ibuf [dreg:s8], $0x2FFFF;
	_ =	strace $0x9FFFFFFF  }
0xc4: {  	(tm) =	ssettm $0x7FFFFFFF  }
0xc5: {  	_ =	shalt  }
tec
execute0_lowered:
.L_overlay_start_1:
0x0: {  	(tag) =	ssettag $0x1  }
0x1: {  	s1 =	rddreg [dreg:$0x0]  }
0x2: {  	s0 =	srdreg.scid;
	s3 =	stileid.u32  }
0x3: {  	s2 =	rddreg [dreg:$0x1];
	s15 =	simm.s32 $0x9;
	s16 =	simm.s32 $0x80  }
0x4: {  	s17 =	simm.s32 $0x6400;
	s18 =	simm.s32 $0xA400;
	s20 =	simm.s32 $0xE400  }
0x5: {  	s21 =	simm.s32 $0x1;
	s0 =	sand.u32 $0x1, s0;
	s4 =	sshll.u32 s3, $0x1  }
0x6: {  	s23 =	simm.s32 $0x12400;
	s28 =	simm.s32 $0x6;
	s6 =	sor.u32 s0, s4  }
0x7: {  	s29 =	simm.s32 $0x4;
	s30 =	simm.s32 $0x7;
	s7 =	smul.u32 $0xC80, s6  }
0x8: {  	s31 =	simm.s32 $0x8;
	s3 =	rddreg [dreg:$0x2];
	s8 =	smul.u32 $0x64000, s6  }
0x9: {  	s4 =	simm.s32 $0x0;
	s0 =	ssub.s32 $0x2, s0;
	s5 =	smul.u32 $0x320000, s6  }
0xa: {  	[smem:$0x7FF] =	sst s4;
	s9 =	sshrl.u32 s0, $0x1;
	s6 =	smul.u32 $0x6400, s6  }
0xb: {  	_ =	strace $0x80000047;
	s0 =	ssub.s32 s0, s9;
	s2 =	sadd.s32 s7, s2  }
0xc: {  	s8 =	sadd.s32 s3, s8;
	s24 =	sshrl.u32 s5, $0x3;
	s10 =	sadd.s32 $0xFFFFFF00, s6  }
0xd: {  	s11 =	sadd.s32 $0xFFFFFF80, s6;
	s14 =	smax.u32 s0, $0x1;
	s2 =	sadd.s32 $0x400, s2  }
0xe: {  	s25 =	sadd.s32 $0x800, s8;
	[dreg:$0x4] =	wrdreg s2;
	s2 =	sadd.s32 s3, s24  }
0xf: {  	[dreg:$0x5] =	wrdreg s25;
	s24 =	simm.s32 $0x2;
	s26 =	sadd.s32 $0x63000, s2  }
0x10: {  	s25 =	simm.s32 $0x5;
	s2 =	sadd.s32 $0x63800, s2;
	[dreg:$0x6] =	wrdreg s26  }
0x11: {  	[dreg:$0x7] =	wrdreg s2;
	s26 =	simm.s32 $0x3;
	s2 =	simm.s32 $0x0  }
.LBB2_1:
0x12: {  	s0 =	rddreg [dreg:$0x4]  }
0x13: {  	[tilespmem:s4], [sflag:$0x9] =	stream.linear.gather [hbm4b:s0+s4], $0x6400, $0x38;
	[tilespmem:$0x16400] =	vst v63  }
0x14: {  	_ =	swait.ge [sflag:s15], $0x6400  }
0x15: {  	[sflag:s15] =	ssyncset.done $0x0  }
0x16: {  	[sflag:s15] =	ssyncadd.s32 $0xFFFF9C00  }
0x17: {  	[tilespmem:s17], [sflag:$0x1] =	stream.indirect.gather [hbm4b:s1+s16], $0x80, s4, s16, $0xb8;
	[tilespmem:$0x16400] =	vst v63  }
0x18: {  	_ = 	snop  }
0x19: {  	[tilespmem:s18], [sflag:$0x2] =	stream.indirect.gather [hbm4b:s1+s16], $0x80, s16, s16, $0xb8;
	[tilespmem:$0x16400] =	vst v63  }
0x1a: {  	s22 =	simm.s32 $0x100  }
0x1b: {  	[tilespmem:s20], [sflag:$0x3] =	stream.indirect.gather [hbm4b:s1+s16], $0x80, s22, s16, $0xb8;
	[tilespmem:$0x16400] =	vst v63  }
0x1c: {  	_ =	swait.ge [sflag:s21], $0x4000  }
0x1d: {  	[sflag:s21] =	ssyncset.done $0x0  }
0x1e: {  	s0 =	simm.s32 $0x0;
	[sflag:s21] =	ssyncadd.s32 $0xFFFFC000  }
0x1f: {  	v0 =	vld [tilespmem:s0+$0x6400]  }
0x20: {  	v1 =	vld [tilespmem:s0+$0x6410]  }
0x21: {  	v2 =	vld [tilespmem:s0+$0x6420]  }
0x22: {  	v3 =	vld [tilespmem:s0+$0x6430]  }
0x23: {  	v4 =	vld [tilespmem:s0+$0x6440]  }
0x24: {  	v5 =	vld [tilespmem:s0+$0x6450];
	v0 =	vmul.f32 $1.131370830e+01, v0  }
0x25: {  	v6 =	vld [tilespmem:s0+$0x6460];
	v1 =	vmul.f32 $1.131370830e+01, v1  }
0x26: {  	v2 =	vmul.f32 $1.131370830e+01, v2;
	[tilespmem:s0+$0x6400] =	vst v0;
	v0 =	vld [tilespmem:s0+$0x6470]  }
0x27: {  	v3 =	vmul.f32 $1.131370830e+01, v3;
	[tilespmem:s0+$0x6410] =	vst v1;
	v1 =	vld [tilespmem:s0+$0x6480]  }
0x28: {  	v4 =	vmul.f32 $1.131370830e+01, v4;
	[tilespmem:s0+$0x6420] =	vst v2;
	v2 =	vld [tilespmem:s0+$0x6490]  }
0x29: {  	v5 =	vmul.f32 $1.131370830e+01, v5;
	[tilespmem:s0+$0x6430] =	vst v3;
	v3 =	vld [tilespmem:s0+$0x64A0]  }
0x2a: {  	v6 =	vmul.f32 $1.131370830e+01, v6;
	[tilespmem:s0+$0x6440] =	vst v4;
	v4 =	vld [tilespmem:s0+$0x64B0]  }
0x2b: {  	[tilespmem:s0+$0x6450] =	vst v5;
	v5 =	vld [tilespmem:s0+$0x64C0];
	v0 =	vmul.f32 $1.131370830e+01, v0  }
0x2c: {  	[tilespmem:s0+$0x6460] =	vst v6;
	v6 =	vld [tilespmem:s0+$0x64D0];
	v1 =	vmul.f32 $1.131370830e+01, v1  }
0x2d: {  	v2 =	vmul.f32 $1.131370830e+01, v2;
	[tilespmem:s0+$0x6470] =	vst v0;
	v0 =	vld [tilespmem:s0+$0x64E0]  }
0x2e: {  	v3 =	vmul.f32 $1.131370830e+01, v3;
	[tilespmem:s0+$0x6480] =	vst v1;
	v1 =	vld [tilespmem:s0+$0x64F0]  }
0x2f: {  	v4 =	vmul.f32 $1.131370830e+01, v4;
	[tilespmem:s0+$0x6490] =	vst v2;
	v2 =	vld [tilespmem:s0+$0x6500]  }
0x30: {  	v5 =	vmul.f32 $1.131370830e+01, v5;
	[tilespmem:s0+$0x64A0] =	vst v3;
	v3 =	vld [tilespmem:s0+$0x6510]  }
0x31: {  	v6 =	vmul.f32 $1.131370830e+01, v6;
	[tilespmem:s0+$0x64B0] =	vst v4;
	v4 =	vld [tilespmem:s0+$0x6520]  }
0x32: {  	[tilespmem:s0+$0x64C0] =	vst v5;
	v5 =	vld [tilespmem:s0+$0x6530];
	v0 =	vmul.f32 $1.131370830e+01, v0  }
0x33: {  	[tilespmem:s0+$0x64D0] =	vst v6;
	v6 =	vld [tilespmem:s0+$0x6540]  }
0x34: {  	v1 =	vmul.f32 $1.131370830e+01, v1;
	[tilespmem:s0+$0x64E0] =	vst v0;
	v0 =	vld [tilespmem:s0+$0x6550]  }
0x35: {  	v2 =	vmul.f32 $1.131370830e+01, v2  }
0x36: {  	[tilespmem:s0+$0x64F0] =	vst v1;
	v1 =	vmul.f32 $1.131370830e+01, v3;
	v3 =	vld [tilespmem:s0+$0x6570]  }
0x37: {  	v7 =	vld [tilespmem:s0+$0x6560];
	[tilespmem:s0+$0x6500] =	vst v2;
	v2 =	vmul.f32 $1.131370830e+01, v4  }
0x38: {  	v4 =	vld [tilespmem:s0+$0x6580];
	[tilespmem:s0+$0x6510] =	vst v1;
	v1 =	vmul.f32 $1.131370830e+01, v5  }
0x39: {  	[tilespmem:s0+$0x6520] =	vst v2;
	v5 =	vld [tilespmem:s0+$0x6590];
	v2 =	vmul.f32 $1.131370830e+01, v6;
	v6 =	vmul.f32 $1.131370830e+01, v0  }
0x3a: {  	[tilespmem:s0+$0x6530] =	vst v1;
	v1 =	vld [tilespmem:s0+$0x65A0]  }
0x3b: {  	v0 =	vld [tilespmem:s0+$0x65B0];
	[tilespmem:s0+$0x6550] =	vst v6;
	v6 =	vmul.f32 $1.131370830e+01, v3  }
0x3c: {  	v7 =	vmul.f32 $1.131370830e+01, v7;
	[tilespmem:s0+$0x6540] =	vst v2;
	v2 =	vld [tilespmem:s0+$0x65C0]  }
0x3d: {  	v3 =	vld [tilespmem:s0+$0x65D0];
	[tilespmem:s0+$0x6570] =	vst v6;
	v6 =	vmul.f32 $1.131370830e+01, v4  }
0x3e: {  	s7 =	simm.s32 $0x800;
	[tilespmem:s0+$0x6560] =	vst v7;
	v5 =	vmul.f32 $1.131370830e+01, v5;
	v4 =	vld [tilespmem:s0+$0x65E0]  }
.LBB2_2:
0x3f: {  	s9 =	sshra.s32 s7, $0x2;
	p0 =	sne.s32 s7, $0xF800;
	[tilespmem:s0+$0x6580] =	vst v6;
	v1 =	vmul.f32 $1.131370830e+01, v1;
	v6 =	vld [tilespmem:s0+$0x65F0]  }
0x40: {  	v7 =	vld [tilespmem:s9+$0x6400];
	[tilespmem:s0+$0x6590] =	vst v5;
	v0 =	vmul.f32 $1.131370830e+01, v0  }
0x41: {  	v5 =	vld [tilespmem:s9+$0x6410];
	[tilespmem:s0+$0x65A0] =	vst v1;
	v1 =	vmul.f32 $1.131370830e+01, v2  }
0x42: {  	v2 =	vld [tilespmem:s9+$0x6420];
	[tilespmem:s0+$0x65B0] =	vst v0;
	v0 =	vmul.f32 $1.131370830e+01, v3  }
0x43: {  	v3 =	vld [tilespmem:s9+$0x6430];
	[tilespmem:s0+$0x65C0] =	vst v1;
	v1 =	vmul.f32 $1.131370830e+01, v4  }
0x44: {  	v4 =	vld [tilespmem:s9+$0x6440];
	[tilespmem:s0+$0x65D0] =	vst v0;
	v0 =	vmul.f32 $1.131370830e+01, v6  }
0x45: {  	v6 =	vmul.f32 $1.131370830e+01, v7;
	v7 =	vld [tilespmem:s9+$0x6450];
	[tilespmem:s0+$0x65E0] =	vst v1  }
0x46: {  	v1 =	vmul.f32 $1.131370830e+01, v5;
	v5 =	vld [tilespmem:s9+$0x6460];
	[tilespmem:s0+$0x65F0] =	vst v0;
	s0 =	smov.u32 s9  }
0x47: {  	[tilespmem:s0+$0x6400] =	vst v6;
	v0 =	vmul.f32 $1.131370830e+01, v2;
	v2 =	vld [tilespmem:s0+$0x6470]  }
0x48: {  	[tilespmem:s0+$0x6410] =	vst v1;
	v1 =	vmul.f32 $1.131370830e+01, v3;
	v3 =	vld [tilespmem:s0+$0x6480]  }
0x49: {  	[tilespmem:s0+$0x6420] =	vst v0;
	v0 =	vmul.f32 $1.131370830e+01, v4;
	v4 =	vld [tilespmem:s0+$0x6490]  }
0x4a: {  	[tilespmem:s0+$0x6430] =	vst v1;
	v1 =	vmul.f32 $1.131370830e+01, v7;
	v6 =	vld [tilespmem:s0+$0x64A0]  }
0x4b: {  	[tilespmem:s0+$0x6440] =	vst v0;
	v0 =	vmul.f32 $1.131370830e+01, v5;
	v5 =	vld [tilespmem:s0+$0x64B0]  }
0x4c: {  	[tilespmem:s0+$0x6450] =	vst v1;
	v1 =	vmul.f32 $1.131370830e+01, v2;
	v2 =	vld [tilespmem:s0+$0x64C0]  }
0x4d: {  	[tilespmem:s0+$0x6460] =	vst v0;
	v0 =	vmul.f32 $1.131370830e+01, v3;
	v3 =	vld [tilespmem:s0+$0x64D0]  }
0x4e: {  	[tilespmem:s0+$0x6470] =	vst v1;
	v1 =	vmul.f32 $1.131370830e+01, v4;
	v4 =	vld [tilespmem:s0+$0x64E0]  }
0x4f: {  	[tilespmem:s0+$0x6480] =	vst v0;
	v0 =	vmul.f32 $1.131370830e+01, v6;
	v6 =	vld [tilespmem:s0+$0x64F0]  }
0x50: {  	[tilespmem:s0+$0x6490] =	vst v1;
	v1 =	vmul.f32 $1.131370830e+01, v5;
	v5 =	vld [tilespmem:s0+$0x6500]  }
0x51: {  	[tilespmem:s0+$0x64A0] =	vst v0;
	v0 =	vmul.f32 $1.131370830e+01, v2;
	v2 =	vld [tilespmem:s0+$0x6510]  }
0x52: {  	[tilespmem:s0+$0x64B0] =	vst v1;
	v1 =	vmul.f32 $1.131370830e+01, v3;
	v3 =	vld [tilespmem:s0+$0x6520]  }
0x53: {  	[tilespmem:s0+$0x64C0] =	vst v0;
	v0 =	vmul.f32 $1.131370830e+01, v4;
	v4 =	vld [tilespmem:s0+$0x6530]  }
0x54: {  	[tilespmem:s0+$0x64D0] =	vst v1;
	v1 =	vmul.f32 $1.131370830e+01, v6;
	v6 =	vld [tilespmem:s0+$0x6540]  }
0x55: {  	[tilespmem:s0+$0x64E0] =	vst v0;
	v0 =	vmul.f32 $1.131370830e+01, v5;
	v5 =	vld [tilespmem:s0+$0x6550]  }
0x56: {  	[tilespmem:s0+$0x64F0] =	vst v1;
	v1 =	vmul.f32 $1.131370830e+01, v2;
	v2 =	vld [tilespmem:s0+$0x6560]  }
0x57: {  	[tilespmem:s0+$0x6500] =	vst v0;
	v0 =	vmul.f32 $1.131370830e+01, v3;
	v3 =	vld [tilespmem:s0+$0x6570]  }
0x58: {  	[tilespmem:s0+$0x6510] =	vst v1;
	v1 =	vmul.f32 $1.131370830e+01, v4;
	v4 =	vld [tilespmem:s0+$0x6580]  }
0x59: {  	[tilespmem:s0+$0x6520] =	vst v0;
	v0 =	vmul.f32 $1.131370830e+01, v6;
	v7 =	vld [tilespmem:s0+$0x6590]  }
.Ltmp0:
0x5a: {  	[tilespmem:s0+$0x6530] =	vst v1;
	v5 =	vmul.f32 $1.131370830e+01, v5;
	v1 =	vld [tilespmem:s0+$0x65A0];
	(pc) =	sbr.rel @p0 .LBB2_2-.Ltmp0, $4  }
0x5b: {  	[tilespmem:s0+$0x6540] =	vst v0;
	v6 =	vmul.f32 $1.131370830e+01, v2;
	v0 =	vld [tilespmem:s0+$0x65B0]  }
0x5c: {  	[tilespmem:s0+$0x6550] =	vst v5;
	v5 =	vmul.f32 $1.131370830e+01, v3;
	v2 =	vld [tilespmem:s0+$0x65C0]  }
0x5d: {  	[tilespmem:s0+$0x6560] =	vst v6;
	v6 =	vmul.f32 $1.131370830e+01, v4;
	v3 =	vld [tilespmem:s0+$0x65D0]  }
0x5e: {  	s7 =	sadd.s32 $0x800, s7;
	[tilespmem:s0+$0x6570] =	vst v5;
	v5 =	vmul.f32 $1.131370830e+01, v7;
	v4 =	vld [tilespmem:s0+$0x65E0]  }
0x5f: {  	[tilespmem:s0+$0x6580] =	vst v6;
	v1 =	vmul.f32 $1.131370830e+01, v1;
	v6 =	vld [tilespmem:s0+$0x65F0]  }
0x60: {  	[tilespmem:s0+$0x6590] =	vst v5;
	v0 =	vmul.f32 $1.131370830e+01, v0  }
0x61: {  	[tilespmem:s0+$0x65A0] =	vst v1;
	v1 =	vmul.f32 $1.131370830e+01, v2  }
0x62: {  	[tilespmem:s0+$0x65B0] =	vst v0;
	v0 =	vmul.f32 $1.131370830e+01, v3  }
0x63: {  	[tilespmem:s0+$0x65C0] =	vst v1;
	v1 =	vmul.f32 $1.131370830e+01, v4  }
0x64: {  	[tilespmem:s0+$0x65D0] =	vst v0;
	v0 =	vmul.f32 $1.131370830e+01, v6  }
0x65: {  	[tilespmem:s0+$0x65E0] =	vst v1  }
0x66: {  	s19 =	simm.s32 $0x0;
	[tilespmem:s0+$0x65F0] =	vst v0  }
0x67: {  	[hbm4b:s8+s19] =	stream.linear.scatter [tilespmem:s17], [sflag:$0x5], $0x4000, $0x38;
	[tilespmem:$0x16400] =	vst v63  }
0x68: {  	s22 =	simm.s32 $0x180  }
0x69: {  	[tilespmem:s23], [sflag:$0x4] =	stream.indirect.gather [hbm4b:s1+s16], $0x80, s22, s16, $0xb8;
	[tilespmem:$0x16400] =	vst v63  }
0x6a: {  	_ =	swait.ge [sflag:s24], $0x4000  }
0x6b: {  	[sflag:s24] =	ssyncset.done $0x0  }
0x6c: {  	s0 =	simm.s32 $0x0;
	[sflag:s24] =	ssyncadd.s32 $0xFFFFC000  }
0x6d: {  	v0 =	vld [tilespmem:s0+$0xA400]  }
0x6e: {  	v1 =	vld [tilespmem:s0+$0xA410]  }
0x6f: {  	v2 =	vld [tilespmem:s0+$0xA420]  }
0x70: {  	v3 =	vld [tilespmem:s0+$0xA430]  }
0x71: {  	v4 =	vld [tilespmem:s0+$0xA440]  }
0x72: {  	v5 =	vld [tilespmem:s0+$0xA450];
	v0 =	vmul.f32 $1.131370830e+01, v0  }
0x73: {  	v6 =	vld [tilespmem:s0+$0xA460];
	v1 =	vmul.f32 $1.131370830e+01, v1  }
0x74: {  	v2 =	vmul.f32 $1.131370830e+01, v2;
	[tilespmem:s0+$0xA400] =	vst v0;
	v0 =	vld [tilespmem:s0+$0xA470]  }
0x75: {  	v3 =	vmul.f32 $1.131370830e+01, v3;
	[tilespmem:s0+$0xA410] =	vst v1;
	v1 =	vld [tilespmem:s0+$0xA480]  }
0x76: {  	v4 =	vmul.f32 $1.131370830e+01, v4;
	[tilespmem:s0+$0xA420] =	vst v2;
	v2 =	vld [tilespmem:s0+$0xA490]  }
0x77: {  	v5 =	vmul.f32 $1.131370830e+01, v5;
	[tilespmem:s0+$0xA430] =	vst v3;
	v3 =	vld [tilespmem:s0+$0xA4A0]  }
0x78: {  	v6 =	vmul.f32 $1.131370830e+01, v6;
	[tilespmem:s0+$0xA440] =	vst v4;
	v4 =	vld [tilespmem:s0+$0xA4B0]  }
0x79: {  	[tilespmem:s0+$0xA450] =	vst v5;
	v5 =	vld [tilespmem:s0+$0xA4C0];
	v0 =	vmul.f32 $1.131370830e+01, v0  }
0x7a: {  	[tilespmem:s0+$0xA460] =	vst v6;
	v6 =	vld [tilespmem:s0+$0xA4D0];
	v1 =	vmul.f32 $1.131370830e+01, v1  }
0x7b: {  	v2 =	vmul.f32 $1.131370830e+01, v2;
	[tilespmem:s0+$0xA470] =	vst v0;
	v0 =	vld [tilespmem:s0+$0xA4E0]  }
0x7c: {  	v3 =	vmul.f32 $1.131370830e+01, v3;
	[tilespmem:s0+$0xA480] =	vst v1;
	v1 =	vld [tilespmem:s0+$0xA4F0]  }
0x7d: {  	v4 =	vmul.f32 $1.131370830e+01, v4;
	[tilespmem:s0+$0xA490] =	vst v2;
	v2 =	vld [tilespmem:s0+$0xA500]  }
0x7e: {  	v5 =	vmul.f32 $1.131370830e+01, v5;
	[tilespmem:s0+$0xA4A0] =	vst v3;
	v3 =	vld [tilespmem:s0+$0xA510]  }
0x7f: {  	v6 =	vmul.f32 $1.131370830e+01, v6;
	[tilespmem:s0+$0xA4B0] =	vst v4;
	v4 =	vld [tilespmem:s0+$0xA520]  }
0x80: {  	[tilespmem:s0+$0xA4C0] =	vst v5;
	v5 =	vld [tilespmem:s0+$0xA530];
	v0 =	vmul.f32 $1.131370830e+01, v0  }
0x81: {  	[tilespmem:s0+$0xA4D0] =	vst v6;
	v6 =	vld [tilespmem:s0+$0xA540]  }
0x82: {  	v1 =	vmul.f32 $1.131370830e+01, v1;
	[tilespmem:s0+$0xA4E0] =	vst v0;
	v0 =	vld [tilespmem:s0+$0xA550]  }
0x83: {  	v2 =	vmul.f32 $1.131370830e+01, v2  }
0x84: {  	[tilespmem:s0+$0xA4F0] =	vst v1;
	v1 =	vmul.f32 $1.131370830e+01, v3;
	v3 =	vld [tilespmem:s0+$0xA570]  }
0x85: {  	v7 =	vld [tilespmem:s0+$0xA560];
	[tilespmem:s0+$0xA500] =	vst v2;
	v2 =	vmul.f32 $1.131370830e+01, v4  }
0x86: {  	v4 =	vld [tilespmem:s0+$0xA580];
	[tilespmem:s0+$0xA510] =	vst v1;
	v1 =	vmul.f32 $1.131370830e+01, v5  }
0x87: {  	[tilespmem:s0+$0xA520] =	vst v2;
	v5 =	vld [tilespmem:s0+$0xA590];
	v2 =	vmul.f32 $1.131370830e+01, v6;
	v6 =	vmul.f32 $1.131370830e+01, v0  }
0x88: {  	[tilespmem:s0+$0xA530] =	vst v1;
	v1 =	vld [tilespmem:s0+$0xA5A0]  }
0x89: {  	v0 =	vld [tilespmem:s0+$0xA5B0];
	[tilespmem:s0+$0xA550] =	vst v6;
	v6 =	vmul.f32 $1.131370830e+01, v3  }
0x8a: {  	v7 =	vmul.f32 $1.131370830e+01, v7;
	[tilespmem:s0+$0xA540] =	vst v2;
	v2 =	vld [tilespmem:s0+$0xA5C0]  }
0x8b: {  	v3 =	vld [tilespmem:s0+$0xA5D0];
	[tilespmem:s0+$0xA570] =	vst v6;
	v6 =	vmul.f32 $1.131370830e+01, v4  }
0x8c: {  	s7 =	simm.s32 $0x800;
	[tilespmem:s0+$0xA560] =	vst v7;
	v5 =	vmul.f32 $1.131370830e+01, v5;
	v4 =	vld [tilespmem:s0+$0xA5E0]  }
.LBB2_4:
0x8d: {  	s9 =	sshra.s32 s7, $0x2;
	p0 =	sne.s32 s7, $0xF800;
	[tilespmem:s0+$0xA580] =	vst v6;
	v1 =	vmul.f32 $1.131370830e+01, v1;
	v6 =	vld [tilespmem:s0+$0xA5F0]  }
0x8e: {  	v7 =	vld [tilespmem:s9+$0xA400];
	[tilespmem:s0+$0xA590] =	vst v5;
	v0 =	vmul.f32 $1.131370830e+01, v0  }
0x8f: {  	v5 =	vld [tilespmem:s9+$0xA410];
	[tilespmem:s0+$0xA5A0] =	vst v1;
	v1 =	vmul.f32 $1.131370830e+01, v2  }
0x90: {  	v2 =	vld [tilespmem:s9+$0xA420];
	[tilespmem:s0+$0xA5B0] =	vst v0;
	v0 =	vmul.f32 $1.131370830e+01, v3  }
0x91: {  	v3 =	vld [tilespmem:s9+$0xA430];
	[tilespmem:s0+$0xA5C0] =	vst v1;
	v1 =	vmul.f32 $1.131370830e+01, v4  }
0x92: {  	v4 =	vld [tilespmem:s9+$0xA440];
	[tilespmem:s0+$0xA5D0] =	vst v0;
	v0 =	vmul.f32 $1.131370830e+01, v6  }
0x93: {  	v6 =	vmul.f32 $1.131370830e+01, v7;
	v7 =	vld [tilespmem:s9+$0xA450];
	[tilespmem:s0+$0xA5E0] =	vst v1  }
0x94: {  	v1 =	vmul.f32 $1.131370830e+01, v5;
	v5 =	vld [tilespmem:s9+$0xA460];
	[tilespmem:s0+$0xA5F0] =	vst v0;
	s0 =	smov.u32 s9  }
0x95: {  	[tilespmem:s0+$0xA400] =	vst v6;
	v0 =	vmul.f32 $1.131370830e+01, v2;
	v2 =	vld [tilespmem:s0+$0xA470]  }
0x96: {  	[tilespmem:s0+$0xA410] =	vst v1;
	v1 =	vmul.f32 $1.131370830e+01, v3;
	v3 =	vld [tilespmem:s0+$0xA480]  }
0x97: {  	[tilespmem:s0+$0xA420] =	vst v0;
	v0 =	vmul.f32 $1.131370830e+01, v4;
	v4 =	vld [tilespmem:s0+$0xA490]  }
0x98: {  	[tilespmem:s0+$0xA430] =	vst v1;
	v1 =	vmul.f32 $1.131370830e+01, v7;
	v6 =	vld [tilespmem:s0+$0xA4A0]  }
0x99: {  	[tilespmem:s0+$0xA440] =	vst v0;
	v0 =	vmul.f32 $1.131370830e+01, v5;
	v5 =	vld [tilespmem:s0+$0xA4B0]  }
0x9a: {  	[tilespmem:s0+$0xA450] =	vst v1;
	v1 =	vmul.f32 $1.131370830e+01, v2;
	v2 =	vld [tilespmem:s0+$0xA4C0]  }
0x9b: {  	[tilespmem:s0+$0xA460] =	vst v0;
	v0 =	vmul.f32 $1.131370830e+01, v3;
	v3 =	vld [tilespmem:s0+$0xA4D0]  }
0x9c: {  	[tilespmem:s0+$0xA470] =	vst v1;
	v1 =	vmul.f32 $1.131370830e+01, v4;
	v4 =	vld [tilespmem:s0+$0xA4E0]  }
0x9d: {  	[tilespmem:s0+$0xA480] =	vst v0;
	v0 =	vmul.f32 $1.131370830e+01, v6;
	v6 =	vld [tilespmem:s0+$0xA4F0]  }
0x9e: {  	[tilespmem:s0+$0xA490] =	vst v1;
	v1 =	vmul.f32 $1.131370830e+01, v5;
	v5 =	vld [tilespmem:s0+$0xA500]  }
0x9f: {  	[tilespmem:s0+$0xA4A0] =	vst v0;
	v0 =	vmul.f32 $1.131370830e+01, v2;
	v2 =	vld [tilespmem:s0+$0xA510]  }
0xa0: {  	[tilespmem:s0+$0xA4B0] =	vst v1;
	v1 =	vmul.f32 $1.131370830e+01, v3;
	v3 =	vld [tilespmem:s0+$0xA520]  }
0xa1: {  	[tilespmem:s0+$0xA4C0] =	vst v0;
	v0 =	vmul.f32 $1.131370830e+01, v4;
	v4 =	vld [tilespmem:s0+$0xA530]  }
0xa2: {  	[tilespmem:s0+$0xA4D0] =	vst v1;
	v1 =	vmul.f32 $1.131370830e+01, v6;
	v6 =	vld [tilespmem:s0+$0xA540]  }
0xa3: {  	[tilespmem:s0+$0xA4E0] =	vst v0;
	v0 =	vmul.f32 $1.131370830e+01, v5;
	v5 =	vld [tilespmem:s0+$0xA550]  }
0xa4: {  	[tilespmem:s0+$0xA4F0] =	vst v1;
	v1 =	vmul.f32 $1.131370830e+01, v2;
	v2 =	vld [tilespmem:s0+$0xA560]  }
0xa5: {  	[tilespmem:s0+$0xA500] =	vst v0;
	v0 =	vmul.f32 $1.131370830e+01, v3;
	v3 =	vld [tilespmem:s0+$0xA570]  }
0xa6: {  	[tilespmem:s0+$0xA510] =	vst v1;
	v1 =	vmul.f32 $1.131370830e+01, v4;
	v4 =	vld [tilespmem:s0+$0xA580]  }
0xa7: {  	[tilespmem:s0+$0xA520] =	vst v0;
	v0 =	vmul.f32 $1.131370830e+01, v6;
	v7 =	vld [tilespmem:s0+$0xA590]  }
.Ltmp1:
0xa8: {  	[tilespmem:s0+$0xA530] =	vst v1;
	v5 =	vmul.f32 $1.131370830e+01, v5;
	v1 =	vld [tilespmem:s0+$0xA5A0];
	(pc) =	sbr.rel @p0 .LBB2_4-.Ltmp1, $4  }
0xa9: {  	[tilespmem:s0+$0xA540] =	vst v0;
	v6 =	vmul.f32 $1.131370830e+01, v2;
	v0 =	vld [tilespmem:s0+$0xA5B0]  }
0xaa: {  	[tilespmem:s0+$0xA550] =	vst v5;
	v5 =	vmul.f32 $1.131370830e+01, v3;
	v2 =	vld [tilespmem:s0+$0xA5C0]  }
0xab: {  	[tilespmem:s0+$0xA560] =	vst v6;
	v6 =	vmul.f32 $1.131370830e+01, v4;
	v3 =	vld [tilespmem:s0+$0xA5D0]  }
0xac: {  	s7 =	sadd.s32 $0x800, s7;
	[tilespmem:s0+$0xA570] =	vst v5;
	v5 =	vmul.f32 $1.131370830e+01, v7;
	v4 =	vld [tilespmem:s0+$0xA5E0]  }
0xad: {  	[tilespmem:s0+$0xA580] =	vst v6;
	v1 =	vmul.f32 $1.131370830e+01, v1;
	v59 =	vld [tilespmem:s0+$0xA5F0]  }
0xae: {  	[tilespmem:s0+$0xA590] =	vst v5;
	v0 =	vmul.f32 $1.131370830e+01, v0  }
0xaf: {  	[tilespmem:s0+$0xA5A0] =	vst v1;
	v60 =	vmul.f32 $1.131370830e+01, v2  }
0xb0: {  	[tilespmem:s0+$0xA5B0] =	vst v0;
	v61 =	vmul.f32 $1.131370830e+01, v3  }
0xb1: {  	[tilespmem:s0+$0xA5C0] =	vst v60;
	v62 =	vmul.f32 $1.131370830e+01, v4  }
0xb2: {  	[tilespmem:s0+$0xA5D0] =	vst v61;
	v63 =	vmul.f32 $1.131370830e+01, v59  }
0xb3: {  	[tilespmem:s0+$0xA5E0] =	vst v62  }
0xb4: {  	s22 =	rddreg [dreg:$0x5];
	[tilespmem:s0+$0xA5F0] =	vst v63;
	s0 =	simm.s32 $0x1  }
0xb5: {  	[hbm4b:s22+s4] =	stream.linear.scatter [tilespmem:s18], [sflag:$0x6], $0x4000, $0x38;
	[tilespmem:$0x16400] =	vst v63  }
.LBB2_6:
0xb6: {  	_ =	swait.ge [sflag:s25], $0x4000  }
0xb7: {  	s7 =	sshll.u32 s0, $0x9;
	[sflag:s25] =	ssyncset.done $0x0  }
0xb8: {  	s19 =	sand.u32 $0x3FFFFE00, s7;
	[sflag:s25] =	ssyncadd.s32 $0xFFFFC000  }
0xb9: {  	[tilespmem:s17], [sflag:$0x1] =	stream.indirect.gather [hbm4b:s1+s16], $0x80, s19, s16, $0xb8;
	[tilespmem:$0x16400] =	vst v63  }
0xba: {  	_ =	swait.ge [sflag:s26], $0x4000  }
0xbb: {  	[sflag:s26] =	ssyncset.done $0x0  }
0xbc: {  	s22 =	simm.s32 $0x0;
	[sflag:s26] =	ssyncadd.s32 $0xFFFFC000  }
0xbd: {  	v0 =	vld [tilespmem:s22+$0xE400]  }
0xbe: {  	v1 =	vld [tilespmem:s22+$0xE410]  }
0xbf: {  	v2 =	vld [tilespmem:s22+$0xE420]  }
0xc0: {  	v3 =	vld [tilespmem:s22+$0xE430]  }
0xc1: {  	v4 =	vld [tilespmem:s22+$0xE440]  }
0xc2: {  	v5 =	vld [tilespmem:s22+$0xE450];
	v0 =	vmul.f32 $1.131370830e+01, v0  }
0xc3: {  	v6 =	vld [tilespmem:s22+$0xE460];
	v1 =	vmul.f32 $1.131370830e+01, v1  }
0xc4: {  	v2 =	vmul.f32 $1.131370830e+01, v2;
	[tilespmem:s22+$0xE400] =	vst v0;
	v0 =	vld [tilespmem:s22+$0xE470]  }
0xc5: {  	v3 =	vmul.f32 $1.131370830e+01, v3;
	[tilespmem:s22+$0xE410] =	vst v1;
	v1 =	vld [tilespmem:s22+$0xE480]  }
0xc6: {  	v4 =	vmul.f32 $1.131370830e+01, v4;
	[tilespmem:s22+$0xE420] =	vst v2;
	v2 =	vld [tilespmem:s22+$0xE490]  }
0xc7: {  	v5 =	vmul.f32 $1.131370830e+01, v5;
	[tilespmem:s22+$0xE430] =	vst v3;
	v3 =	vld [tilespmem:s22+$0xE4A0]  }
0xc8: {  	v6 =	vmul.f32 $1.131370830e+01, v6;
	[tilespmem:s22+$0xE440] =	vst v4;
	v4 =	vld [tilespmem:s22+$0xE4B0]  }
0xc9: {  	[tilespmem:s22+$0xE450] =	vst v5;
	v5 =	vld [tilespmem:s22+$0xE4C0];
	v0 =	vmul.f32 $1.131370830e+01, v0  }
0xca: {  	[tilespmem:s22+$0xE460] =	vst v6;
	v6 =	vld [tilespmem:s22+$0xE4D0];
	v1 =	vmul.f32 $1.131370830e+01, v1  }
0xcb: {  	v2 =	vmul.f32 $1.131370830e+01, v2;
	[tilespmem:s22+$0xE470] =	vst v0;
	v0 =	vld [tilespmem:s22+$0xE4E0]  }
0xcc: {  	v3 =	vmul.f32 $1.131370830e+01, v3;
	[tilespmem:s22+$0xE480] =	vst v1;
	v1 =	vld [tilespmem:s22+$0xE4F0]  }
0xcd: {  	v4 =	vmul.f32 $1.131370830e+01, v4;
	[tilespmem:s22+$0xE490] =	vst v2;
	v2 =	vld [tilespmem:s22+$0xE500]  }
0xce: {  	v5 =	vmul.f32 $1.131370830e+01, v5;
	[tilespmem:s22+$0xE4A0] =	vst v3;
	v3 =	vld [tilespmem:s22+$0xE510]  }
0xcf: {  	v6 =	vmul.f32 $1.131370830e+01, v6;
	[tilespmem:s22+$0xE4B0] =	vst v4;
	v4 =	vld [tilespmem:s22+$0xE520]  }
0xd0: {  	[tilespmem:s22+$0xE4C0] =	vst v5;
	v5 =	vld [tilespmem:s22+$0xE530];
	v0 =	vmul.f32 $1.131370830e+01, v0  }
0xd1: {  	[tilespmem:s22+$0xE4D0] =	vst v6;
	v6 =	vld [tilespmem:s22+$0xE540]  }
0xd2: {  	v1 =	vmul.f32 $1.131370830e+01, v1;
	[tilespmem:s22+$0xE4E0] =	vst v0;
	v0 =	vld [tilespmem:s22+$0xE550]  }
0xd3: {  	v2 =	vmul.f32 $1.131370830e+01, v2  }
0xd4: {  	[tilespmem:s22+$0xE4F0] =	vst v1;
	v1 =	vmul.f32 $1.131370830e+01, v3;
	v3 =	vld [tilespmem:s22+$0xE570]  }
0xd5: {  	v7 =	vld [tilespmem:s22+$0xE560];
	[tilespmem:s22+$0xE500] =	vst v2;
	v2 =	vmul.f32 $1.131370830e+01, v4  }
0xd6: {  	v4 =	vld [tilespmem:s22+$0xE580];
	[tilespmem:s22+$0xE510] =	vst v1;
	v1 =	vmul.f32 $1.131370830e+01, v5  }
0xd7: {  	[tilespmem:s22+$0xE520] =	vst v2;
	v5 =	vld [tilespmem:s22+$0xE590];
	v2 =	vmul.f32 $1.131370830e+01, v6;
	v6 =	vmul.f32 $1.131370830e+01, v0  }
0xd8: {  	[tilespmem:s22+$0xE530] =	vst v1;
	v1 =	vld [tilespmem:s22+$0xE5A0]  }
0xd9: {  	v0 =	vld [tilespmem:s22+$0xE5B0];
	[tilespmem:s22+$0xE550] =	vst v6;
	v6 =	vmul.f32 $1.131370830e+01, v3  }
0xda: {  	v7 =	vmul.f32 $1.131370830e+01, v7;
	[tilespmem:s22+$0xE540] =	vst v2;
	v2 =	vld [tilespmem:s22+$0xE5C0]  }
0xdb: {  	v3 =	vld [tilespmem:s22+$0xE5D0];
	[tilespmem:s22+$0xE570] =	vst v6;
	v6 =	vmul.f32 $1.131370830e+01, v4  }
0xdc: {  	s9 =	simm.s32 $0x800;
	[tilespmem:s22+$0xE560] =	vst v7;
	v5 =	vmul.f32 $1.131370830e+01, v5;
	v4 =	vld [tilespmem:s22+$0xE5E0]  }
.LBB2_7:
0xdd: {  	s12 =	sshra.s32 s9, $0x2;
	p0 =	sne.s32 s9, $0xF800;
	[tilespmem:s22+$0xE580] =	vst v6;
	v1 =	vmul.f32 $1.131370830e+01, v1;
	v6 =	vld [tilespmem:s22+$0xE5F0]  }
0xde: {  	v7 =	vld [tilespmem:s12+$0xE400];
	[tilespmem:s22+$0xE590] =	vst v5;
	v0 =	vmul.f32 $1.131370830e+01, v0  }
0xdf: {  	v5 =	vld [tilespmem:s12+$0xE410];
	[tilespmem:s22+$0xE5A0] =	vst v1;
	v1 =	vmul.f32 $1.131370830e+01, v2  }
0xe0: {  	v2 =	vld [tilespmem:s12+$0xE420];
	[tilespmem:s22+$0xE5B0] =	vst v0;
	v0 =	vmul.f32 $1.131370830e+01, v3  }
0xe1: {  	v3 =	vld [tilespmem:s12+$0xE430];
	[tilespmem:s22+$0xE5C0] =	vst v1;
	v1 =	vmul.f32 $1.131370830e+01, v4  }
0xe2: {  	v4 =	vld [tilespmem:s12+$0xE440];
	[tilespmem:s22+$0xE5D0] =	vst v0;
	v0 =	vmul.f32 $1.131370830e+01, v6  }
0xe3: {  	v6 =	vmul.f32 $1.131370830e+01, v7;
	v7 =	vld [tilespmem:s12+$0xE450];
	[tilespmem:s22+$0xE5E0] =	vst v1  }
0xe4: {  	v1 =	vmul.f32 $1.131370830e+01, v5;
	v5 =	vld [tilespmem:s12+$0xE460];
	[tilespmem:s22+$0xE5F0] =	vst v0;
	s22 =	smov.u32 s12  }
0xe5: {  	[tilespmem:s22+$0xE400] =	vst v6;
	v0 =	vmul.f32 $1.131370830e+01, v2;
	v2 =	vld [tilespmem:s22+$0xE470]  }
0xe6: {  	[tilespmem:s22+$0xE410] =	vst v1;
	v1 =	vmul.f32 $1.131370830e+01, v3;
	v3 =	vld [tilespmem:s22+$0xE480]  }
0xe7: {  	[tilespmem:s22+$0xE420] =	vst v0;
	v0 =	vmul.f32 $1.131370830e+01, v4;
	v4 =	vld [tilespmem:s22+$0xE490]  }
0xe8: {  	[tilespmem:s22+$0xE430] =	vst v1;
	v1 =	vmul.f32 $1.131370830e+01, v7;
	v6 =	vld [tilespmem:s22+$0xE4A0]  }
0xe9: {  	[tilespmem:s22+$0xE440] =	vst v0;
	v0 =	vmul.f32 $1.131370830e+01, v5;
	v5 =	vld [tilespmem:s22+$0xE4B0]  }
0xea: {  	[tilespmem:s22+$0xE450] =	vst v1;
	v1 =	vmul.f32 $1.131370830e+01, v2;
	v2 =	vld [tilespmem:s22+$0xE4C0]  }
0xeb: {  	[tilespmem:s22+$0xE460] =	vst v0;
	v0 =	vmul.f32 $1.131370830e+01, v3;
	v3 =	vld [tilespmem:s22+$0xE4D0]  }
0xec: {  	[tilespmem:s22+$0xE470] =	vst v1;
	v1 =	vmul.f32 $1.131370830e+01, v4;
	v4 =	vld [tilespmem:s22+$0xE4E0]  }
0xed: {  	[tilespmem:s22+$0xE480] =	vst v0;
	v0 =	vmul.f32 $1.131370830e+01, v6;
	v6 =	vld [tilespmem:s22+$0xE4F0]  }
0xee: {  	[tilespmem:s22+$0xE490] =	vst v1;
	v1 =	vmul.f32 $1.131370830e+01, v5;
	v5 =	vld [tilespmem:s22+$0xE500]  }
0xef: {  	[tilespmem:s22+$0xE4A0] =	vst v0;
	v0 =	vmul.f32 $1.131370830e+01, v2;
	v2 =	vld [tilespmem:s22+$0xE510]  }
0xf0: {  	[tilespmem:s22+$0xE4B0] =	vst v1;
	v1 =	vmul.f32 $1.131370830e+01, v3;
	v3 =	vld [tilespmem:s22+$0xE520]  }
0xf1: {  	[tilespmem:s22+$0xE4C0] =	vst v0;
	v0 =	vmul.f32 $1.131370830e+01, v4;
	v4 =	vld [tilespmem:s22+$0xE530]  }
0xf2: {  	[tilespmem:s22+$0xE4D0] =	vst v1;
	v1 =	vmul.f32 $1.131370830e+01, v6;
	v6 =	vld [tilespmem:s22+$0xE540]  }
0xf3: {  	[tilespmem:s22+$0xE4E0] =	vst v0;
	v0 =	vmul.f32 $1.131370830e+01, v5;
	v5 =	vld [tilespmem:s22+$0xE550]  }
0xf4: {  	[tilespmem:s22+$0xE4F0] =	vst v1;
	v1 =	vmul.f32 $1.131370830e+01, v2;
	v2 =	vld [tilespmem:s22+$0xE560]  }
0xf5: {  	[tilespmem:s22+$0xE500] =	vst v0;
	v0 =	vmul.f32 $1.131370830e+01, v3;
	v3 =	vld [tilespmem:s22+$0xE570]  }
0xf6: {  	[tilespmem:s22+$0xE510] =	vst v1;
	v1 =	vmul.f32 $1.131370830e+01, v4;
	v4 =	vld [tilespmem:s22+$0xE580]  }
0xf7: {  	[tilespmem:s22+$0xE520] =	vst v0;
	v0 =	vmul.f32 $1.131370830e+01, v6;
	v7 =	vld [tilespmem:s22+$0xE590]  }
.Ltmp2:
0xf8: {  	[tilespmem:s22+$0xE530] =	vst v1;
	v5 =	vmul.f32 $1.131370830e+01, v5;
	v1 =	vld [tilespmem:s22+$0xE5A0];
	(pc) =	sbr.rel @p0 .LBB2_7-.Ltmp2, $4  }
0xf9: {  	[tilespmem:s22+$0xE540] =	vst v0;
	v6 =	vmul.f32 $1.131370830e+01, v2;
	v0 =	vld [tilespmem:s22+$0xE5B0]  }
0xfa: {  	[tilespmem:s22+$0xE550] =	vst v5;
	v5 =	vmul.f32 $1.131370830e+01, v3;
	v2 =	vld [tilespmem:s22+$0xE5C0]  }
0xfb: {  	[tilespmem:s22+$0xE560] =	vst v6;
	v6 =	vmul.f32 $1.131370830e+01, v4;
	v3 =	vld [tilespmem:s22+$0xE5D0]  }
0xfc: {  	s9 =	sadd.s32 $0x800, s9;
	[tilespmem:s22+$0xE570] =	vst v5;
	v5 =	vmul.f32 $1.131370830e+01, v7;
	v4 =	vld [tilespmem:s22+$0xE5E0]  }
0xfd: {  	[tilespmem:s22+$0xE580] =	vst v6;
	v1 =	vmul.f32 $1.131370830e+01, v1;
	v6 =	vld [tilespmem:s22+$0xE5F0]  }
0xfe: {  	[tilespmem:s22+$0xE590] =	vst v5;
	v0 =	vmul.f32 $1.131370830e+01, v0  }
0xff: {  	[tilespmem:s22+$0xE5A0] =	vst v1;
	v1 =	vmul.f32 $1.131370830e+01, v2  }
0x100: {  	[tilespmem:s22+$0xE5B0] =	vst v0;
	v0 =	vmul.f32 $1.131370830e+01, v3  }
0x101: {  	[tilespmem:s22+$0xE5C0] =	vst v1;
	v1 =	vmul.f32 $1.131370830e+01, v4  }
0x102: {  	s9 =	sadd.s32 s7, s10;
	[tilespmem:s22+$0xE5D0] =	vst v0;
	v0 =	vmul.f32 $1.131370830e+01, v6  }
0x103: {  	s9 =	sshll.u32 s9, $0x4;
	[tilespmem:s22+$0xE5E0] =	vst v1  }
0x104: {  	s12 =	simm.s32 $0x0;
	s9 =	sadd.s32 s3, s9;
	[tilespmem:s22+$0xE5F0] =	vst v0  }
0x105: {  	[hbm4b:s9+s12] =	stream.linear.scatter [tilespmem:s20], [sflag:$0x7], $0x4000, $0x38;
	[tilespmem:$0x16400] =	vst v63  }
0x106: {  	_ =	swait.ge [sflag:s28], $0x4000  }
0x107: {  	[sflag:s28] =	ssyncset.done $0x0  }
0x108: {  	s22 =	sor.u32 $0x80, s7;
	[sflag:s28] =	ssyncadd.s32 $0xFFFFC000  }
0x109: {  	[tilespmem:s18], [sflag:$0x2] =	stream.indirect.gather [hbm4b:s1+s16], $0x80, s22, s16, $0xb8;
	[tilespmem:$0x16400] =	vst v63  }
0x10a: {  	_ =	swait.ge [sflag:s29], $0x4000  }
0x10b: {  	[sflag:s29] =	ssyncset.done $0x0  }
0x10c: {  	s9 =	simm.s32 $0x0;
	[sflag:s29] =	ssyncadd.s32 $0xFFFFC000  }
0x10d: {  	v0 =	vld [tilespmem:s9+$0x12400]  }
0x10e: {  	v1 =	vld [tilespmem:s9+$0x12410]  }
0x10f: {  	v2 =	vld [tilespmem:s9+$0x12420]  }
0x110: {  	v3 =	vld [tilespmem:s9+$0x12430]  }
0x111: {  	v4 =	vld [tilespmem:s9+$0x12440]  }
0x112: {  	v5 =	vld [tilespmem:s9+$0x12450];
	v0 =	vmul.f32 $1.131370830e+01, v0  }
0x113: {  	v6 =	vld [tilespmem:s9+$0x12460];
	v1 =	vmul.f32 $1.131370830e+01, v1  }
0x114: {  	v2 =	vmul.f32 $1.131370830e+01, v2;
	[tilespmem:s9+$0x12400] =	vst v0;
	v0 =	vld [tilespmem:s9+$0x12470]  }
0x115: {  	v3 =	vmul.f32 $1.131370830e+01, v3;
	[tilespmem:s9+$0x12410] =	vst v1;
	v1 =	vld [tilespmem:s9+$0x12480]  }
0x116: {  	v4 =	vmul.f32 $1.131370830e+01, v4;
	[tilespmem:s9+$0x12420] =	vst v2;
	v2 =	vld [tilespmem:s9+$0x12490]  }
0x117: {  	v5 =	vmul.f32 $1.131370830e+01, v5;
	[tilespmem:s9+$0x12430] =	vst v3;
	v3 =	vld [tilespmem:s9+$0x124A0]  }
0x118: {  	v6 =	vmul.f32 $1.131370830e+01, v6;
	[tilespmem:s9+$0x12440] =	vst v4;
	v4 =	vld [tilespmem:s9+$0x124B0]  }
0x119: {  	[tilespmem:s9+$0x12450] =	vst v5;
	v5 =	vld [tilespmem:s9+$0x124C0];
	v0 =	vmul.f32 $1.131370830e+01, v0  }
0x11a: {  	[tilespmem:s9+$0x12460] =	vst v6;
	v6 =	vld [tilespmem:s9+$0x124D0];
	v1 =	vmul.f32 $1.131370830e+01, v1  }
0x11b: {  	v2 =	vmul.f32 $1.131370830e+01, v2;
	[tilespmem:s9+$0x12470] =	vst v0;
	v0 =	vld [tilespmem:s9+$0x124E0]  }
0x11c: {  	v3 =	vmul.f32 $1.131370830e+01, v3;
	[tilespmem:s9+$0x12480] =	vst v1;
	v1 =	vld [tilespmem:s9+$0x124F0]  }
0x11d: {  	v4 =	vmul.f32 $1.131370830e+01, v4;
	[tilespmem:s9+$0x12490] =	vst v2;
	v2 =	vld [tilespmem:s9+$0x12500]  }
0x11e: {  	v5 =	vmul.f32 $1.131370830e+01, v5;
	[tilespmem:s9+$0x124A0] =	vst v3;
	v3 =	vld [tilespmem:s9+$0x12510]  }
0x11f: {  	v6 =	vmul.f32 $1.131370830e+01, v6;
	[tilespmem:s9+$0x124B0] =	vst v4;
	v4 =	vld [tilespmem:s9+$0x12520]  }
0x120: {  	[tilespmem:s9+$0x124C0] =	vst v5;
	v5 =	vld [tilespmem:s9+$0x12530];
	v0 =	vmul.f32 $1.131370830e+01, v0  }
0x121: {  	[tilespmem:s9+$0x124D0] =	vst v6;
	v6 =	vld [tilespmem:s9+$0x12540]  }
0x122: {  	v1 =	vmul.f32 $1.131370830e+01, v1;
	[tilespmem:s9+$0x124E0] =	vst v0;
	v0 =	vld [tilespmem:s9+$0x12550]  }
0x123: {  	v2 =	vmul.f32 $1.131370830e+01, v2  }
0x124: {  	[tilespmem:s9+$0x124F0] =	vst v1;
	v1 =	vmul.f32 $1.131370830e+01, v3;
	v3 =	vld [tilespmem:s9+$0x12570]  }
0x125: {  	v7 =	vld [tilespmem:s9+$0x12560];
	[tilespmem:s9+$0x12500] =	vst v2;
	v2 =	vmul.f32 $1.131370830e+01, v4  }
0x126: {  	v4 =	vld [tilespmem:s9+$0x12580];
	[tilespmem:s9+$0x12510] =	vst v1;
	v1 =	vmul.f32 $1.131370830e+01, v5  }
0x127: {  	[tilespmem:s9+$0x12520] =	vst v2;
	v5 =	vld [tilespmem:s9+$0x12590];
	v2 =	vmul.f32 $1.131370830e+01, v6;
	v6 =	vmul.f32 $1.131370830e+01, v0  }
0x128: {  	[tilespmem:s9+$0x12530] =	vst v1;
	v1 =	vld [tilespmem:s9+$0x125A0]  }
0x129: {  	v0 =	vld [tilespmem:s9+$0x125B0];
	[tilespmem:s9+$0x12550] =	vst v6;
	v6 =	vmul.f32 $1.131370830e+01, v3  }
0x12a: {  	v7 =	vmul.f32 $1.131370830e+01, v7;
	[tilespmem:s9+$0x12540] =	vst v2;
	v2 =	vld [tilespmem:s9+$0x125C0]  }
0x12b: {  	v3 =	vld [tilespmem:s9+$0x125D0];
	[tilespmem:s9+$0x12570] =	vst v6;
	v6 =	vmul.f32 $1.131370830e+01, v4  }
0x12c: {  	s12 =	simm.s32 $0x800;
	[tilespmem:s9+$0x12560] =	vst v7;
	v5 =	vmul.f32 $1.131370830e+01, v5;
	v4 =	vld [tilespmem:s9+$0x125E0]  }
.LBB2_9:
0x12d: {  	s13 =	sshra.s32 s12, $0x2;
	p0 =	sne.s32 s12, $0xF800;
	[tilespmem:s9+$0x12580] =	vst v6;
	v1 =	vmul.f32 $1.131370830e+01, v1;
	v6 =	vld [tilespmem:s9+$0x125F0]  }
0x12e: {  	v7 =	vld [tilespmem:s13+$0x12400];
	[tilespmem:s9+$0x12590] =	vst v5;
	v0 =	vmul.f32 $1.131370830e+01, v0  }
0x12f: {  	v5 =	vld [tilespmem:s13+$0x12410];
	[tilespmem:s9+$0x125A0] =	vst v1;
	v1 =	vmul.f32 $1.131370830e+01, v2  }
0x130: {  	v2 =	vld [tilespmem:s13+$0x12420];
	[tilespmem:s9+$0x125B0] =	vst v0;
	v0 =	vmul.f32 $1.131370830e+01, v3  }
0x131: {  	v3 =	vld [tilespmem:s13+$0x12430];
	[tilespmem:s9+$0x125C0] =	vst v1;
	v1 =	vmul.f32 $1.131370830e+01, v4  }
0x132: {  	v4 =	vld [tilespmem:s13+$0x12440];
	[tilespmem:s9+$0x125D0] =	vst v0;
	v0 =	vmul.f32 $1.131370830e+01, v6  }
0x133: {  	v6 =	vmul.f32 $1.131370830e+01, v7;
	v7 =	vld [tilespmem:s13+$0x12450];
	[tilespmem:s9+$0x125E0] =	vst v1  }
0x134: {  	v1 =	vmul.f32 $1.131370830e+01, v5;
	v5 =	vld [tilespmem:s13+$0x12460];
	[tilespmem:s9+$0x125F0] =	vst v0;
	s9 =	smov.u32 s13  }
0x135: {  	[tilespmem:s9+$0x12400] =	vst v6;
	v0 =	vmul.f32 $1.131370830e+01, v2;
	v2 =	vld [tilespmem:s9+$0x12470]  }
0x136: {  	[tilespmem:s9+$0x12410] =	vst v1;
	v1 =	vmul.f32 $1.131370830e+01, v3;
	v3 =	vld [tilespmem:s9+$0x12480]  }
0x137: {  	[tilespmem:s9+$0x12420] =	vst v0;
	v0 =	vmul.f32 $1.131370830e+01, v4;
	v4 =	vld [tilespmem:s9+$0x12490]  }
0x138: {  	[tilespmem:s9+$0x12430] =	vst v1;
	v1 =	vmul.f32 $1.131370830e+01, v7;
	v6 =	vld [tilespmem:s9+$0x124A0]  }
0x139: {  	[tilespmem:s9+$0x12440] =	vst v0;
	v0 =	vmul.f32 $1.131370830e+01, v5;
	v5 =	vld [tilespmem:s9+$0x124B0]  }
0x13a: {  	[tilespmem:s9+$0x12450] =	vst v1;
	v1 =	vmul.f32 $1.131370830e+01, v2;
	v2 =	vld [tilespmem:s9+$0x124C0]  }
0x13b: {  	[tilespmem:s9+$0x12460] =	vst v0;
	v0 =	vmul.f32 $1.131370830e+01, v3;
	v3 =	vld [tilespmem:s9+$0x124D0]  }
0x13c: {  	[tilespmem:s9+$0x12470] =	vst v1;
	v1 =	vmul.f32 $1.131370830e+01, v4;
	v4 =	vld [tilespmem:s9+$0x124E0]  }
0x13d: {  	[tilespmem:s9+$0x12480] =	vst v0;
	v0 =	vmul.f32 $1.131370830e+01, v6;
	v6 =	vld [tilespmem:s9+$0x124F0]  }
0x13e: {  	[tilespmem:s9+$0x12490] =	vst v1;
	v1 =	vmul.f32 $1.131370830e+01, v5;
	v5 =	vld [tilespmem:s9+$0x12500]  }
0x13f: {  	[tilespmem:s9+$0x124A0] =	vst v0;
	v0 =	vmul.f32 $1.131370830e+01, v2;
	v2 =	vld [tilespmem:s9+$0x12510]  }
0x140: {  	[tilespmem:s9+$0x124B0] =	vst v1;
	v1 =	vmul.f32 $1.131370830e+01, v3;
	v3 =	vld [tilespmem:s9+$0x12520]  }
0x141: {  	[tilespmem:s9+$0x124C0] =	vst v0;
	v0 =	vmul.f32 $1.131370830e+01, v4;
	v4 =	vld [tilespmem:s9+$0x12530]  }
0x142: {  	[tilespmem:s9+$0x124D0] =	vst v1;
	v1 =	vmul.f32 $1.131370830e+01, v6;
	v6 =	vld [tilespmem:s9+$0x12540]  }
0x143: {  	[tilespmem:s9+$0x124E0] =	vst v0;
	v0 =	vmul.f32 $1.131370830e+01, v5;
	v5 =	vld [tilespmem:s9+$0x12550]  }
0x144: {  	[tilespmem:s9+$0x124F0] =	vst v1;
	v1 =	vmul.f32 $1.131370830e+01, v2;
	v2 =	vld [tilespmem:s9+$0x12560]  }
0x145: {  	[tilespmem:s9+$0x12500] =	vst v0;
	v0 =	vmul.f32 $1.131370830e+01, v3;
	v3 =	vld [tilespmem:s9+$0x12570]  }
0x146: {  	[tilespmem:s9+$0x12510] =	vst v1;
	v1 =	vmul.f32 $1.131370830e+01, v4;
	v4 =	vld [tilespmem:s9+$0x12580]  }
0x147: {  	[tilespmem:s9+$0x12520] =	vst v0;
	v0 =	vmul.f32 $1.131370830e+01, v6;
	v7 =	vld [tilespmem:s9+$0x12590]  }
.Ltmp3:
0x148: {  	[tilespmem:s9+$0x12530] =	vst v1;
	v5 =	vmul.f32 $1.131370830e+01, v5;
	v1 =	vld [tilespmem:s9+$0x125A0];
	(pc) =	sbr.rel @p0 .LBB2_9-.Ltmp3, $4  }
0x149: {  	[tilespmem:s9+$0x12540] =	vst v0;
	v6 =	vmul.f32 $1.131370830e+01, v2;
	v0 =	vld [tilespmem:s9+$0x125B0]  }
0x14a: {  	[tilespmem:s9+$0x12550] =	vst v5;
	v5 =	vmul.f32 $1.131370830e+01, v3;
	v2 =	vld [tilespmem:s9+$0x125C0]  }
0x14b: {  	[tilespmem:s9+$0x12560] =	vst v6;
	v6 =	vmul.f32 $1.131370830e+01, v4;
	v3 =	vld [tilespmem:s9+$0x125D0]  }
0x14c: {  	s12 =	sadd.s32 $0x800, s12;
	[tilespmem:s9+$0x12570] =	vst v5;
	v5 =	vmul.f32 $1.131370830e+01, v7;
	v4 =	vld [tilespmem:s9+$0x125E0]  }
0x14d: {  	[tilespmem:s9+$0x12580] =	vst v6;
	v1 =	vmul.f32 $1.131370830e+01, v1;
	v6 =	vld [tilespmem:s9+$0x125F0]  }
0x14e: {  	[tilespmem:s9+$0x12590] =	vst v5;
	v0 =	vmul.f32 $1.131370830e+01, v0  }
0x14f: {  	[tilespmem:s9+$0x125A0] =	vst v1;
	v1 =	vmul.f32 $1.131370830e+01, v2  }
0x150: {  	[tilespmem:s9+$0x125B0] =	vst v0;
	v0 =	vmul.f32 $1.131370830e+01, v3  }
0x151: {  	[tilespmem:s9+$0x125C0] =	vst v1;
	v1 =	vmul.f32 $1.131370830e+01, v4  }
0x152: {  	s7 =	sadd.s32 s7, s11;
	[tilespmem:s9+$0x125D0] =	vst v0;
	v0 =	vmul.f32 $1.131370830e+01, v6  }
0x153: {  	s7 =	sshll.u32 s7, $0x4;
	[tilespmem:s9+$0x125E0] =	vst v1  }
0x154: {  	s12 =	simm.s32 $0x0;
	s7 =	sadd.s32 s3, s7;
	[tilespmem:s9+$0x125F0] =	vst v0  }
0x155: {  	[hbm4b:s7+s12] =	stream.linear.scatter [tilespmem:s23], [sflag:$0x8], $0x4000, $0x38;
	[tilespmem:$0x16400] =	vst v63  }
0x156: {  	_ =	swait.ge [sflag:s30], $0x4000  }
0x157: {  	[sflag:s30] =	ssyncset.done $0x0  }
0x158: {  	s13 =	sadd.s32 $0x100, s19;
	[sflag:s30] =	ssyncadd.s32 $0xFFFFC000  }
0x159: {  	[tilespmem:s20], [sflag:$0x3] =	stream.indirect.gather [hbm4b:s1+s16], $0x80, s13, s16, $0xb8;
	[tilespmem:$0x16400] =	vst v63  }
0x15a: {  	_ =	swait.ge [sflag:s21], $0x4000  }
0x15b: {  	[sflag:s21] =	ssyncset.done $0x0  }
0x15c: {  	s7 =	simm.s32 $0x0;
	[sflag:s21] =	ssyncadd.s32 $0xFFFFC000  }
0x15d: {  	v0 =	vld [tilespmem:s7+$0x6400]  }
0x15e: {  	v1 =	vld [tilespmem:s7+$0x6410]  }
0x15f: {  	v2 =	vld [tilespmem:s7+$0x6420]  }
0x160: {  	v3 =	vld [tilespmem:s7+$0x6430]  }
0x161: {  	v4 =	vld [tilespmem:s7+$0x6440]  }
0x162: {  	v5 =	vld [tilespmem:s7+$0x6450];
	v0 =	vmul.f32 $1.131370830e+01, v0  }
0x163: {  	v6 =	vld [tilespmem:s7+$0x6460];
	v1 =	vmul.f32 $1.131370830e+01, v1  }
0x164: {  	v2 =	vmul.f32 $1.131370830e+01, v2;
	[tilespmem:s7+$0x6400] =	vst v0;
	v0 =	vld [tilespmem:s7+$0x6470]  }
0x165: {  	v3 =	vmul.f32 $1.131370830e+01, v3;
	[tilespmem:s7+$0x6410] =	vst v1;
	v1 =	vld [tilespmem:s7+$0x6480]  }
0x166: {  	v4 =	vmul.f32 $1.131370830e+01, v4;
	[tilespmem:s7+$0x6420] =	vst v2;
	v2 =	vld [tilespmem:s7+$0x6490]  }
0x167: {  	v5 =	vmul.f32 $1.131370830e+01, v5;
	[tilespmem:s7+$0x6430] =	vst v3;
	v3 =	vld [tilespmem:s7+$0x64A0]  }
0x168: {  	v6 =	vmul.f32 $1.131370830e+01, v6;
	[tilespmem:s7+$0x6440] =	vst v4;
	v4 =	vld [tilespmem:s7+$0x64B0]  }
0x169: {  	[tilespmem:s7+$0x6450] =	vst v5;
	v5 =	vld [tilespmem:s7+$0x64C0];
	v0 =	vmul.f32 $1.131370830e+01, v0  }
0x16a: {  	[tilespmem:s7+$0x6460] =	vst v6;
	v6 =	vld [tilespmem:s7+$0x64D0];
	v1 =	vmul.f32 $1.131370830e+01, v1  }
0x16b: {  	v2 =	vmul.f32 $1.131370830e+01, v2;
	[tilespmem:s7+$0x6470] =	vst v0;
	v0 =	vld [tilespmem:s7+$0x64E0]  }
0x16c: {  	v3 =	vmul.f32 $1.131370830e+01, v3;
	[tilespmem:s7+$0x6480] =	vst v1;
	v1 =	vld [tilespmem:s7+$0x64F0]  }
0x16d: {  	v4 =	vmul.f32 $1.131370830e+01, v4;
	[tilespmem:s7+$0x6490] =	vst v2;
	v2 =	vld [tilespmem:s7+$0x6500]  }
0x16e: {  	v5 =	vmul.f32 $1.131370830e+01, v5;
	[tilespmem:s7+$0x64A0] =	vst v3;
	v3 =	vld [tilespmem:s7+$0x6510]  }
0x16f: {  	v6 =	vmul.f32 $1.131370830e+01, v6;
	[tilespmem:s7+$0x64B0] =	vst v4;
	v4 =	vld [tilespmem:s7+$0x6520]  }
0x170: {  	[tilespmem:s7+$0x64C0] =	vst v5;
	v5 =	vld [tilespmem:s7+$0x6530];
	v0 =	vmul.f32 $1.131370830e+01, v0  }
0x171: {  	[tilespmem:s7+$0x64D0] =	vst v6;
	v6 =	vld [tilespmem:s7+$0x6540]  }
0x172: {  	v1 =	vmul.f32 $1.131370830e+01, v1;
	[tilespmem:s7+$0x64E0] =	vst v0;
	v0 =	vld [tilespmem:s7+$0x6550]  }
0x173: {  	v2 =	vmul.f32 $1.131370830e+01, v2  }
0x174: {  	[tilespmem:s7+$0x64F0] =	vst v1;
	v1 =	vmul.f32 $1.131370830e+01, v3;
	v3 =	vld [tilespmem:s7+$0x6570]  }
0x175: {  	v7 =	vld [tilespmem:s7+$0x6560];
	[tilespmem:s7+$0x6500] =	vst v2;
	v2 =	vmul.f32 $1.131370830e+01, v4  }
0x176: {  	v4 =	vld [tilespmem:s7+$0x6580];
	[tilespmem:s7+$0x6510] =	vst v1;
	v1 =	vmul.f32 $1.131370830e+01, v5  }
0x177: {  	[tilespmem:s7+$0x6520] =	vst v2;
	v5 =	vld [tilespmem:s7+$0x6590];
	v2 =	vmul.f32 $1.131370830e+01, v6;
	v6 =	vmul.f32 $1.131370830e+01, v0  }
0x178: {  	[tilespmem:s7+$0x6530] =	vst v1;
	v1 =	vld [tilespmem:s7+$0x65A0]  }
0x179: {  	v0 =	vld [tilespmem:s7+$0x65B0];
	[tilespmem:s7+$0x6550] =	vst v6;
	v6 =	vmul.f32 $1.131370830e+01, v3  }
0x17a: {  	v7 =	vmul.f32 $1.131370830e+01, v7;
	[tilespmem:s7+$0x6540] =	vst v2;
	v2 =	vld [tilespmem:s7+$0x65C0]  }
0x17b: {  	v3 =	vld [tilespmem:s7+$0x65D0];
	[tilespmem:s7+$0x6570] =	vst v6;
	v6 =	vmul.f32 $1.131370830e+01, v4  }
0x17c: {  	s9 =	simm.s32 $0x800;
	[tilespmem:s7+$0x6560] =	vst v7;
	v5 =	vmul.f32 $1.131370830e+01, v5;
	v4 =	vld [tilespmem:s7+$0x65E0]  }
.LBB2_11:
0x17d: {  	s12 =	sshra.s32 s9, $0x2;
	p0 =	sne.s32 s9, $0xF800;
	[tilespmem:s7+$0x6580] =	vst v6;
	v1 =	vmul.f32 $1.131370830e+01, v1;
	v6 =	vld [tilespmem:s7+$0x65F0]  }
0x17e: {  	v7 =	vld [tilespmem:s12+$0x6400];
	[tilespmem:s7+$0x6590] =	vst v5;
	v0 =	vmul.f32 $1.131370830e+01, v0  }
0x17f: {  	v5 =	vld [tilespmem:s12+$0x6410];
	[tilespmem:s7+$0x65A0] =	vst v1;
	v1 =	vmul.f32 $1.131370830e+01, v2  }
0x180: {  	v2 =	vld [tilespmem:s12+$0x6420];
	[tilespmem:s7+$0x65B0] =	vst v0;
	v0 =	vmul.f32 $1.131370830e+01, v3  }
0x181: {  	v3 =	vld [tilespmem:s12+$0x6430];
	[tilespmem:s7+$0x65C0] =	vst v1;
	v1 =	vmul.f32 $1.131370830e+01, v4  }
0x182: {  	v4 =	vld [tilespmem:s12+$0x6440];
	[tilespmem:s7+$0x65D0] =	vst v0;
	v0 =	vmul.f32 $1.131370830e+01, v6  }
0x183: {  	v6 =	vmul.f32 $1.131370830e+01, v7;
	v7 =	vld [tilespmem:s12+$0x6450];
	[tilespmem:s7+$0x65E0] =	vst v1  }
0x184: {  	v1 =	vmul.f32 $1.131370830e+01, v5;
	v5 =	vld [tilespmem:s12+$0x6460];
	[tilespmem:s7+$0x65F0] =	vst v0;
	s7 =	smov.u32 s12  }
0x185: {  	[tilespmem:s7+$0x6400] =	vst v6;
	v0 =	vmul.f32 $1.131370830e+01, v2;
	v2 =	vld [tilespmem:s7+$0x6470]  }
0x186: {  	[tilespmem:s7+$0x6410] =	vst v1;
	v1 =	vmul.f32 $1.131370830e+01, v3;
	v3 =	vld [tilespmem:s7+$0x6480]  }
0x187: {  	[tilespmem:s7+$0x6420] =	vst v0;
	v0 =	vmul.f32 $1.131370830e+01, v4;
	v4 =	vld [tilespmem:s7+$0x6490]  }
0x188: {  	[tilespmem:s7+$0x6430] =	vst v1;
	v1 =	vmul.f32 $1.131370830e+01, v7;
	v6 =	vld [tilespmem:s7+$0x64A0]  }
0x189: {  	[tilespmem:s7+$0x6440] =	vst v0;
	v0 =	vmul.f32 $1.131370830e+01, v5;
	v5 =	vld [tilespmem:s7+$0x64B0]  }
0x18a: {  	[tilespmem:s7+$0x6450] =	vst v1;
	v1 =	vmul.f32 $1.131370830e+01, v2;
	v2 =	vld [tilespmem:s7+$0x64C0]  }
0x18b: {  	[tilespmem:s7+$0x6460] =	vst v0;
	v0 =	vmul.f32 $1.131370830e+01, v3;
	v3 =	vld [tilespmem:s7+$0x64D0]  }
0x18c: {  	[tilespmem:s7+$0x6470] =	vst v1;
	v1 =	vmul.f32 $1.131370830e+01, v4;
	v4 =	vld [tilespmem:s7+$0x64E0]  }
0x18d: {  	[tilespmem:s7+$0x6480] =	vst v0;
	v0 =	vmul.f32 $1.131370830e+01, v6;
	v6 =	vld [tilespmem:s7+$0x64F0]  }
0x18e: {  	[tilespmem:s7+$0x6490] =	vst v1;
	v1 =	vmul.f32 $1.131370830e+01, v5;
	v5 =	vld [tilespmem:s7+$0x6500]  }
0x18f: {  	[tilespmem:s7+$0x64A0] =	vst v0;
	v0 =	vmul.f32 $1.131370830e+01, v2;
	v2 =	vld [tilespmem:s7+$0x6510]  }
0x190: {  	[tilespmem:s7+$0x64B0] =	vst v1;
	v1 =	vmul.f32 $1.131370830e+01, v3;
	v3 =	vld [tilespmem:s7+$0x6520]  }
0x191: {  	[tilespmem:s7+$0x64C0] =	vst v0;
	v0 =	vmul.f32 $1.131370830e+01, v4;
	v4 =	vld [tilespmem:s7+$0x6530]  }
0x192: {  	[tilespmem:s7+$0x64D0] =	vst v1;
	v1 =	vmul.f32 $1.131370830e+01, v6;
	v6 =	vld [tilespmem:s7+$0x6540]  }
0x193: {  	[tilespmem:s7+$0x64E0] =	vst v0;
	v0 =	vmul.f32 $1.131370830e+01, v5;
	v5 =	vld [tilespmem:s7+$0x6550]  }
0x194: {  	[tilespmem:s7+$0x64F0] =	vst v1;
	v1 =	vmul.f32 $1.131370830e+01, v2;
	v2 =	vld [tilespmem:s7+$0x6560]  }
0x195: {  	[tilespmem:s7+$0x6500] =	vst v0;
	v0 =	vmul.f32 $1.131370830e+01, v3;
	v3 =	vld [tilespmem:s7+$0x6570]  }
0x196: {  	[tilespmem:s7+$0x6510] =	vst v1;
	v1 =	vmul.f32 $1.131370830e+01, v4;
	v4 =	vld [tilespmem:s7+$0x6580]  }
0x197: {  	[tilespmem:s7+$0x6520] =	vst v0;
	v0 =	vmul.f32 $1.131370830e+01, v6;
	v7 =	vld [tilespmem:s7+$0x6590]  }
.Ltmp4:
0x198: {  	[tilespmem:s7+$0x6530] =	vst v1;
	v5 =	vmul.f32 $1.131370830e+01, v5;
	v1 =	vld [tilespmem:s7+$0x65A0];
	(pc) =	sbr.rel @p0 .LBB2_11-.Ltmp4, $4  }
0x199: {  	[tilespmem:s7+$0x6540] =	vst v0;
	v6 =	vmul.f32 $1.131370830e+01, v2;
	v0 =	vld [tilespmem:s7+$0x65B0]  }
0x19a: {  	[tilespmem:s7+$0x6550] =	vst v5;
	v5 =	vmul.f32 $1.131370830e+01, v3;
	v2 =	vld [tilespmem:s7+$0x65C0]  }
0x19b: {  	[tilespmem:s7+$0x6560] =	vst v6;
	v6 =	vmul.f32 $1.131370830e+01, v4;
	v3 =	vld [tilespmem:s7+$0x65D0]  }
0x19c: {  	s9 =	sadd.s32 $0x800, s9;
	[tilespmem:s7+$0x6570] =	vst v5;
	v5 =	vmul.f32 $1.131370830e+01, v7;
	v4 =	vld [tilespmem:s7+$0x65E0]  }
0x19d: {  	[tilespmem:s7+$0x6580] =	vst v6;
	v1 =	vmul.f32 $1.131370830e+01, v1;
	v6 =	vld [tilespmem:s7+$0x65F0]  }
0x19e: {  	[tilespmem:s7+$0x6590] =	vst v5;
	v0 =	vmul.f32 $1.131370830e+01, v0  }
0x19f: {  	[tilespmem:s7+$0x65A0] =	vst v1;
	v1 =	vmul.f32 $1.131370830e+01, v2  }
0x1a0: {  	[tilespmem:s7+$0x65B0] =	vst v0;
	v0 =	vmul.f32 $1.131370830e+01, v3  }
0x1a1: {  	s9 =	sshll.u32 s0, $0x10;
	[tilespmem:s7+$0x65C0] =	vst v1;
	v1 =	vmul.f32 $1.131370830e+01, v4  }
0x1a2: {  	s9 =	sadd.s32 s5, s9;
	[tilespmem:s7+$0x65D0] =	vst v0;
	v0 =	vmul.f32 $1.131370830e+01, v6  }
0x1a3: {  	s9 =	sshrl.u32 s9, $0x3;
	[tilespmem:s7+$0x65E0] =	vst v1  }
0x1a4: {  	s13 =	simm.s32 $0x0;
	s12 =	sadd.s32 s3, s9;
	[tilespmem:s7+$0x65F0] =	vst v0  }
0x1a5: {  	[hbm4b:s12+s13] =	stream.linear.scatter [tilespmem:s17], [sflag:$0x5], $0x4000, $0x38;
	[tilespmem:$0x16400] =	vst v63  }
0x1a6: {  	_ =	swait.ge [sflag:s31], $0x4000  }
0x1a7: {  	[sflag:s31] =	ssyncset.done $0x0  }
0x1a8: {  	s19 =	sadd.s32 $0x180, s19;
	[sflag:s31] =	ssyncadd.s32 $0xFFFFC000  }
0x1a9: {  	[tilespmem:s23], [sflag:$0x4] =	stream.indirect.gather [hbm4b:s1+s16], $0x80, s19, s16, $0xb8;
	[tilespmem:$0x16400] =	vst v63  }
0x1aa: {  	_ =	swait.ge [sflag:s24], $0x4000  }
0x1ab: {  	[sflag:s24] =	ssyncset.done $0x0  }
0x1ac: {  	s7 =	simm.s32 $0x0;
	[sflag:s24] =	ssyncadd.s32 $0xFFFFC000  }
0x1ad: {  	v0 =	vld [tilespmem:s7+$0xA400]  }
0x1ae: {  	v1 =	vld [tilespmem:s7+$0xA410]  }
0x1af: {  	v2 =	vld [tilespmem:s7+$0xA420]  }
0x1b0: {  	v3 =	vld [tilespmem:s7+$0xA430]  }
0x1b1: {  	v4 =	vld [tilespmem:s7+$0xA440]  }
0x1b2: {  	v5 =	vld [tilespmem:s7+$0xA450];
	v0 =	vmul.f32 $1.131370830e+01, v0  }
0x1b3: {  	v6 =	vld [tilespmem:s7+$0xA460];
	v1 =	vmul.f32 $1.131370830e+01, v1  }
0x1b4: {  	v2 =	vmul.f32 $1.131370830e+01, v2;
	[tilespmem:s7+$0xA400] =	vst v0;
	v0 =	vld [tilespmem:s7+$0xA470]  }
0x1b5: {  	v3 =	vmul.f32 $1.131370830e+01, v3;
	[tilespmem:s7+$0xA410] =	vst v1;
	v1 =	vld [tilespmem:s7+$0xA480]  }
0x1b6: {  	v4 =	vmul.f32 $1.131370830e+01, v4;
	[tilespmem:s7+$0xA420] =	vst v2;
	v2 =	vld [tilespmem:s7+$0xA490]  }
0x1b7: {  	v5 =	vmul.f32 $1.131370830e+01, v5;
	[tilespmem:s7+$0xA430] =	vst v3;
	v3 =	vld [tilespmem:s7+$0xA4A0]  }
0x1b8: {  	v6 =	vmul.f32 $1.131370830e+01, v6;
	[tilespmem:s7+$0xA440] =	vst v4;
	v4 =	vld [tilespmem:s7+$0xA4B0]  }
0x1b9: {  	[tilespmem:s7+$0xA450] =	vst v5;
	v5 =	vld [tilespmem:s7+$0xA4C0];
	v0 =	vmul.f32 $1.131370830e+01, v0  }
0x1ba: {  	[tilespmem:s7+$0xA460] =	vst v6;
	v6 =	vld [tilespmem:s7+$0xA4D0];
	v1 =	vmul.f32 $1.131370830e+01, v1  }
0x1bb: {  	v2 =	vmul.f32 $1.131370830e+01, v2;
	[tilespmem:s7+$0xA470] =	vst v0;
	v0 =	vld [tilespmem:s7+$0xA4E0]  }
0x1bc: {  	v3 =	vmul.f32 $1.131370830e+01, v3;
	[tilespmem:s7+$0xA480] =	vst v1;
	v1 =	vld [tilespmem:s7+$0xA4F0]  }
0x1bd: {  	v4 =	vmul.f32 $1.131370830e+01, v4;
	[tilespmem:s7+$0xA490] =	vst v2;
	v2 =	vld [tilespmem:s7+$0xA500]  }
0x1be: {  	v5 =	vmul.f32 $1.131370830e+01, v5;
	[tilespmem:s7+$0xA4A0] =	vst v3;
	v3 =	vld [tilespmem:s7+$0xA510]  }
0x1bf: {  	v6 =	vmul.f32 $1.131370830e+01, v6;
	[tilespmem:s7+$0xA4B0] =	vst v4;
	v4 =	vld [tilespmem:s7+$0xA520]  }
0x1c0: {  	[tilespmem:s7+$0xA4C0] =	vst v5;
	v5 =	vld [tilespmem:s7+$0xA530];
	v0 =	vmul.f32 $1.131370830e+01, v0  }
0x1c1: {  	[tilespmem:s7+$0xA4D0] =	vst v6;
	v6 =	vld [tilespmem:s7+$0xA540]  }
0x1c2: {  	v1 =	vmul.f32 $1.131370830e+01, v1;
	[tilespmem:s7+$0xA4E0] =	vst v0;
	v0 =	vld [tilespmem:s7+$0xA550]  }
0x1c3: {  	v2 =	vmul.f32 $1.131370830e+01, v2  }
0x1c4: {  	[tilespmem:s7+$0xA4F0] =	vst v1;
	v1 =	vmul.f32 $1.131370830e+01, v3;
	v3 =	vld [tilespmem:s7+$0xA570]  }
0x1c5: {  	v7 =	vld [tilespmem:s7+$0xA560];
	[tilespmem:s7+$0xA500] =	vst v2;
	v2 =	vmul.f32 $1.131370830e+01, v4  }
0x1c6: {  	v4 =	vld [tilespmem:s7+$0xA580];
	[tilespmem:s7+$0xA510] =	vst v1;
	v1 =	vmul.f32 $1.131370830e+01, v5  }
0x1c7: {  	[tilespmem:s7+$0xA520] =	vst v2;
	v5 =	vld [tilespmem:s7+$0xA590];
	v2 =	vmul.f32 $1.131370830e+01, v6;
	v6 =	vmul.f32 $1.131370830e+01, v0  }
0x1c8: {  	[tilespmem:s7+$0xA530] =	vst v1;
	v1 =	vld [tilespmem:s7+$0xA5A0]  }
0x1c9: {  	v0 =	vld [tilespmem:s7+$0xA5B0];
	[tilespmem:s7+$0xA550] =	vst v6;
	v6 =	vmul.f32 $1.131370830e+01, v3  }
0x1ca: {  	v7 =	vmul.f32 $1.131370830e+01, v7;
	[tilespmem:s7+$0xA540] =	vst v2;
	v2 =	vld [tilespmem:s7+$0xA5C0]  }
0x1cb: {  	v3 =	vld [tilespmem:s7+$0xA5D0];
	[tilespmem:s7+$0xA570] =	vst v6;
	v6 =	vmul.f32 $1.131370830e+01, v4  }
0x1cc: {  	s9 =	simm.s32 $0x800;
	[tilespmem:s7+$0xA560] =	vst v7;
	v5 =	vmul.f32 $1.131370830e+01, v5;
	v4 =	vld [tilespmem:s7+$0xA5E0]  }
.LBB2_13:
0x1cd: {  	s12 =	sshra.s32 s9, $0x2;
	p0 =	sne.s32 s9, $0xF800;
	[tilespmem:s7+$0xA580] =	vst v6;
	v1 =	vmul.f32 $1.131370830e+01, v1;
	v6 =	vld [tilespmem:s7+$0xA5F0]  }
0x1ce: {  	v7 =	vld [tilespmem:s12+$0xA400];
	[tilespmem:s7+$0xA590] =	vst v5;
	v0 =	vmul.f32 $1.131370830e+01, v0  }
0x1cf: {  	v5 =	vld [tilespmem:s12+$0xA410];
	[tilespmem:s7+$0xA5A0] =	vst v1;
	v1 =	vmul.f32 $1.131370830e+01, v2  }
0x1d0: {  	v2 =	vld [tilespmem:s12+$0xA420];
	[tilespmem:s7+$0xA5B0] =	vst v0;
	v0 =	vmul.f32 $1.131370830e+01, v3  }
0x1d1: {  	v3 =	vld [tilespmem:s12+$0xA430];
	[tilespmem:s7+$0xA5C0] =	vst v1;
	v1 =	vmul.f32 $1.131370830e+01, v4  }
0x1d2: {  	v4 =	vld [tilespmem:s12+$0xA440];
	[tilespmem:s7+$0xA5D0] =	vst v0;
	v0 =	vmul.f32 $1.131370830e+01, v6  }
0x1d3: {  	v6 =	vmul.f32 $1.131370830e+01, v7;
	v7 =	vld [tilespmem:s12+$0xA450];
	[tilespmem:s7+$0xA5E0] =	vst v1  }
0x1d4: {  	v1 =	vmul.f32 $1.131370830e+01, v5;
	v5 =	vld [tilespmem:s12+$0xA460];
	[tilespmem:s7+$0xA5F0] =	vst v0;
	s7 =	smov.u32 s12  }
0x1d5: {  	[tilespmem:s7+$0xA400] =	vst v6;
	v0 =	vmul.f32 $1.131370830e+01, v2;
	v2 =	vld [tilespmem:s7+$0xA470]  }
0x1d6: {  	[tilespmem:s7+$0xA410] =	vst v1;
	v1 =	vmul.f32 $1.131370830e+01, v3;
	v3 =	vld [tilespmem:s7+$0xA480]  }
0x1d7: {  	[tilespmem:s7+$0xA420] =	vst v0;
	v0 =	vmul.f32 $1.131370830e+01, v4;
	v4 =	vld [tilespmem:s7+$0xA490]  }
0x1d8: {  	[tilespmem:s7+$0xA430] =	vst v1;
	v1 =	vmul.f32 $1.131370830e+01, v7;
	v6 =	vld [tilespmem:s7+$0xA4A0]  }
0x1d9: {  	[tilespmem:s7+$0xA440] =	vst v0;
	v0 =	vmul.f32 $1.131370830e+01, v5;
	v5 =	vld [tilespmem:s7+$0xA4B0]  }
0x1da: {  	[tilespmem:s7+$0xA450] =	vst v1;
	v1 =	vmul.f32 $1.131370830e+01, v2;
	v2 =	vld [tilespmem:s7+$0xA4C0]  }
0x1db: {  	[tilespmem:s7+$0xA460] =	vst v0;
	v0 =	vmul.f32 $1.131370830e+01, v3;
	v3 =	vld [tilespmem:s7+$0xA4D0]  }
0x1dc: {  	[tilespmem:s7+$0xA470] =	vst v1;
	v1 =	vmul.f32 $1.131370830e+01, v4;
	v4 =	vld [tilespmem:s7+$0xA4E0]  }
0x1dd: {  	[tilespmem:s7+$0xA480] =	vst v0;
	v0 =	vmul.f32 $1.131370830e+01, v6;
	v6 =	vld [tilespmem:s7+$0xA4F0]  }
0x1de: {  	[tilespmem:s7+$0xA490] =	vst v1;
	v1 =	vmul.f32 $1.131370830e+01, v5;
	v5 =	vld [tilespmem:s7+$0xA500]  }
0x1df: {  	[tilespmem:s7+$0xA4A0] =	vst v0;
	v0 =	vmul.f32 $1.131370830e+01, v2;
	v2 =	vld [tilespmem:s7+$0xA510]  }
0x1e0: {  	[tilespmem:s7+$0xA4B0] =	vst v1;
	v1 =	vmul.f32 $1.131370830e+01, v3;
	v3 =	vld [tilespmem:s7+$0xA520]  }
0x1e1: {  	[tilespmem:s7+$0xA4C0] =	vst v0;
	v0 =	vmul.f32 $1.131370830e+01, v4;
	v4 =	vld [tilespmem:s7+$0xA530]  }
0x1e2: {  	[tilespmem:s7+$0xA4D0] =	vst v1;
	v1 =	vmul.f32 $1.131370830e+01, v6;
	v6 =	vld [tilespmem:s7+$0xA540]  }
0x1e3: {  	[tilespmem:s7+$0xA4E0] =	vst v0;
	v0 =	vmul.f32 $1.131370830e+01, v5;
	v5 =	vld [tilespmem:s7+$0xA550]  }
0x1e4: {  	[tilespmem:s7+$0xA4F0] =	vst v1;
	v1 =	vmul.f32 $1.131370830e+01, v2;
	v2 =	vld [tilespmem:s7+$0xA560]  }
0x1e5: {  	[tilespmem:s7+$0xA500] =	vst v0;
	v0 =	vmul.f32 $1.131370830e+01, v3;
	v3 =	vld [tilespmem:s7+$0xA570]  }
0x1e6: {  	[tilespmem:s7+$0xA510] =	vst v1;
	v1 =	vmul.f32 $1.131370830e+01, v4;
	v4 =	vld [tilespmem:s7+$0xA580]  }
0x1e7: {  	[tilespmem:s7+$0xA520] =	vst v0;
	v0 =	vmul.f32 $1.131370830e+01, v6;
	v7 =	vld [tilespmem:s7+$0xA590]  }
.Ltmp5:
0x1e8: {  	[tilespmem:s7+$0xA530] =	vst v1;
	v5 =	vmul.f32 $1.131370830e+01, v5;
	v1 =	vld [tilespmem:s7+$0xA5A0];
	(pc) =	sbr.rel @p0 .LBB2_13-.Ltmp5, $4  }
0x1e9: {  	[tilespmem:s7+$0xA540] =	vst v0;
	v6 =	vmul.f32 $1.131370830e+01, v2;
	v0 =	vld [tilespmem:s7+$0xA5B0]  }
0x1ea: {  	[tilespmem:s7+$0xA550] =	vst v5;
	v5 =	vmul.f32 $1.131370830e+01, v3;
	v2 =	vld [tilespmem:s7+$0xA5C0]  }
0x1eb: {  	[tilespmem:s7+$0xA560] =	vst v6;
	v6 =	vmul.f32 $1.131370830e+01, v4;
	v3 =	vld [tilespmem:s7+$0xA5D0]  }
0x1ec: {  	s9 =	sadd.s32 $0x800, s9;
	[tilespmem:s7+$0xA570] =	vst v5;
	v5 =	vmul.f32 $1.131370830e+01, v7;
	v4 =	vld [tilespmem:s7+$0xA5E0]  }
0x1ed: {  	[tilespmem:s7+$0xA580] =	vst v6;
	v1 =	vmul.f32 $1.131370830e+01, v1;
	v59 =	vld [tilespmem:s7+$0xA5F0]  }
0x1ee: {  	[tilespmem:s7+$0xA590] =	vst v5;
	v0 =	vmul.f32 $1.131370830e+01, v0  }
0x1ef: {  	s0 =	sadd.s32 $0x1, s0;
	[tilespmem:s7+$0xA5A0] =	vst v1;
	v60 =	vmul.f32 $1.131370830e+01, v2  }
0x1f0: {  	p0 =	sne.s32 s0, $0x32;
	[tilespmem:s7+$0xA5B0] =	vst v0;
	v61 =	vmul.f32 $1.131370830e+01, v3  }
.Ltmp6:
0x1f1: {  	[tilespmem:s7+$0xA5C0] =	vst v60;
	v62 =	vmul.f32 $1.131370830e+01, v4;
	(pc) =	sbr.rel @p0 .LBB2_6-.Ltmp6, $4  }
0x1f2: {  	s9 =	sadd.s32 s6, s22;
	[tilespmem:s7+$0xA5D0] =	vst v61;
	v63 =	vmul.f32 $1.131370830e+01, v59  }
0x1f3: {  	s9 =	sshll.u32 s9, $0x4;
	[tilespmem:s7+$0xA5E0] =	vst v62  }
0x1f4: {  	s22 =	sadd.s32 s3, s9;
	[tilespmem:s7+$0xA5F0] =	vst v63  }
0x1f5: {  	[hbm4b:s22+s4] =	stream.linear.scatter [tilespmem:s18], [sflag:$0x6], $0x4000, $0x38;
	[tilespmem:$0x16400] =	vst v63  }
0x1f6: {  	_ =	swait.ge [sflag:s26], $0x4000  }
0x1f7: {  	[sflag:s26] =	ssyncset.done $0x0  }
0x1f8: {  	s0 =	simm.s32 $0x0;
	[sflag:s26] =	ssyncadd.s32 $0xFFFFC000  }
0x1f9: {  	v0 =	vld [tilespmem:s0+$0xE400]  }
0x1fa: {  	v1 =	vld [tilespmem:s0+$0xE410]  }
0x1fb: {  	v2 =	vld [tilespmem:s0+$0xE420]  }
0x1fc: {  	v3 =	vld [tilespmem:s0+$0xE430]  }
0x1fd: {  	v4 =	vld [tilespmem:s0+$0xE440]  }
0x1fe: {  	v5 =	vld [tilespmem:s0+$0xE450];
	v0 =	vmul.f32 $1.131370830e+01, v0  }
0x1ff: {  	v6 =	vld [tilespmem:s0+$0xE460];
	v1 =	vmul.f32 $1.131370830e+01, v1  }
0x200: {  	v2 =	vmul.f32 $1.131370830e+01, v2;
	[tilespmem:s0+$0xE400] =	vst v0;
	v0 =	vld [tilespmem:s0+$0xE470]  }
0x201: {  	v3 =	vmul.f32 $1.131370830e+01, v3;
	[tilespmem:s0+$0xE410] =	vst v1;
	v1 =	vld [tilespmem:s0+$0xE480]  }
0x202: {  	v4 =	vmul.f32 $1.131370830e+01, v4;
	[tilespmem:s0+$0xE420] =	vst v2;
	v2 =	vld [tilespmem:s0+$0xE490]  }
0x203: {  	v5 =	vmul.f32 $1.131370830e+01, v5;
	[tilespmem:s0+$0xE430] =	vst v3;
	v3 =	vld [tilespmem:s0+$0xE4A0]  }
0x204: {  	v6 =	vmul.f32 $1.131370830e+01, v6;
	[tilespmem:s0+$0xE440] =	vst v4;
	v4 =	vld [tilespmem:s0+$0xE4B0]  }
0x205: {  	[tilespmem:s0+$0xE450] =	vst v5;
	v5 =	vld [tilespmem:s0+$0xE4C0];
	v0 =	vmul.f32 $1.131370830e+01, v0  }
0x206: {  	[tilespmem:s0+$0xE460] =	vst v6;
	v6 =	vld [tilespmem:s0+$0xE4D0];
	v1 =	vmul.f32 $1.131370830e+01, v1  }
0x207: {  	v2 =	vmul.f32 $1.131370830e+01, v2;
	[tilespmem:s0+$0xE470] =	vst v0;
	v0 =	vld [tilespmem:s0+$0xE4E0]  }
0x208: {  	v3 =	vmul.f32 $1.131370830e+01, v3;
	[tilespmem:s0+$0xE480] =	vst v1;
	v1 =	vld [tilespmem:s0+$0xE4F0]  }
0x209: {  	v4 =	vmul.f32 $1.131370830e+01, v4;
	[tilespmem:s0+$0xE490] =	vst v2;
	v2 =	vld [tilespmem:s0+$0xE500]  }
0x20a: {  	v5 =	vmul.f32 $1.131370830e+01, v5;
	[tilespmem:s0+$0xE4A0] =	vst v3;
	v3 =	vld [tilespmem:s0+$0xE510]  }
0x20b: {  	v6 =	vmul.f32 $1.131370830e+01, v6;
	[tilespmem:s0+$0xE4B0] =	vst v4;
	v4 =	vld [tilespmem:s0+$0xE520]  }
0x20c: {  	[tilespmem:s0+$0xE4C0] =	vst v5;
	v5 =	vld [tilespmem:s0+$0xE530];
	v0 =	vmul.f32 $1.131370830e+01, v0  }
0x20d: {  	[tilespmem:s0+$0xE4D0] =	vst v6;
	v6 =	vld [tilespmem:s0+$0xE540]  }
0x20e: {  	v1 =	vmul.f32 $1.131370830e+01, v1;
	[tilespmem:s0+$0xE4E0] =	vst v0;
	v0 =	vld [tilespmem:s0+$0xE550]  }
0x20f: {  	v2 =	vmul.f32 $1.131370830e+01, v2  }
0x210: {  	[tilespmem:s0+$0xE4F0] =	vst v1;
	v1 =	vmul.f32 $1.131370830e+01, v3;
	v3 =	vld [tilespmem:s0+$0xE570]  }
0x211: {  	v7 =	vld [tilespmem:s0+$0xE560];
	[tilespmem:s0+$0xE500] =	vst v2;
	v2 =	vmul.f32 $1.131370830e+01, v4  }
0x212: {  	v4 =	vld [tilespmem:s0+$0xE580];
	[tilespmem:s0+$0xE510] =	vst v1;
	v1 =	vmul.f32 $1.131370830e+01, v5  }
0x213: {  	[tilespmem:s0+$0xE520] =	vst v2;
	v5 =	vld [tilespmem:s0+$0xE590];
	v2 =	vmul.f32 $1.131370830e+01, v6;
	v6 =	vmul.f32 $1.131370830e+01, v0  }
0x214: {  	[tilespmem:s0+$0xE530] =	vst v1;
	v1 =	vld [tilespmem:s0+$0xE5A0]  }
0x215: {  	v0 =	vld [tilespmem:s0+$0xE5B0];
	[tilespmem:s0+$0xE550] =	vst v6;
	v6 =	vmul.f32 $1.131370830e+01, v3  }
0x216: {  	v7 =	vmul.f32 $1.131370830e+01, v7;
	[tilespmem:s0+$0xE540] =	vst v2;
	v2 =	vld [tilespmem:s0+$0xE5C0]  }
0x217: {  	v3 =	vld [tilespmem:s0+$0xE5D0];
	[tilespmem:s0+$0xE570] =	vst v6;
	v6 =	vmul.f32 $1.131370830e+01, v4  }
0x218: {  	s7 =	simm.s32 $0x800;
	[tilespmem:s0+$0xE560] =	vst v7;
	v5 =	vmul.f32 $1.131370830e+01, v5;
	v4 =	vld [tilespmem:s0+$0xE5E0]  }
.LBB2_16:
0x219: {  	s9 =	sshra.s32 s7, $0x2;
	p0 =	sne.s32 s7, $0xF800;
	[tilespmem:s0+$0xE580] =	vst v6;
	v1 =	vmul.f32 $1.131370830e+01, v1;
	v6 =	vld [tilespmem:s0+$0xE5F0]  }
0x21a: {  	v7 =	vld [tilespmem:s9+$0xE400];
	[tilespmem:s0+$0xE590] =	vst v5;
	v0 =	vmul.f32 $1.131370830e+01, v0  }
0x21b: {  	v5 =	vld [tilespmem:s9+$0xE410];
	[tilespmem:s0+$0xE5A0] =	vst v1;
	v1 =	vmul.f32 $1.131370830e+01, v2  }
0x21c: {  	v2 =	vld [tilespmem:s9+$0xE420];
	[tilespmem:s0+$0xE5B0] =	vst v0;
	v0 =	vmul.f32 $1.131370830e+01, v3  }
0x21d: {  	v3 =	vld [tilespmem:s9+$0xE430];
	[tilespmem:s0+$0xE5C0] =	vst v1;
	v1 =	vmul.f32 $1.131370830e+01, v4  }
0x21e: {  	v4 =	vld [tilespmem:s9+$0xE440];
	[tilespmem:s0+$0xE5D0] =	vst v0;
	v0 =	vmul.f32 $1.131370830e+01, v6  }
0x21f: {  	v6 =	vmul.f32 $1.131370830e+01, v7;
	v7 =	vld [tilespmem:s9+$0xE450];
	[tilespmem:s0+$0xE5E0] =	vst v1  }
0x220: {  	v1 =	vmul.f32 $1.131370830e+01, v5;
	v5 =	vld [tilespmem:s9+$0xE460];
	[tilespmem:s0+$0xE5F0] =	vst v0;
	s0 =	smov.u32 s9  }
0x221: {  	[tilespmem:s0+$0xE400] =	vst v6;
	v0 =	vmul.f32 $1.131370830e+01, v2;
	v2 =	vld [tilespmem:s0+$0xE470]  }
0x222: {  	[tilespmem:s0+$0xE410] =	vst v1;
	v1 =	vmul.f32 $1.131370830e+01, v3;
	v3 =	vld [tilespmem:s0+$0xE480]  }
0x223: {  	[tilespmem:s0+$0xE420] =	vst v0;
	v0 =	vmul.f32 $1.131370830e+01, v4;
	v4 =	vld [tilespmem:s0+$0xE490]  }
0x224: {  	[tilespmem:s0+$0xE430] =	vst v1;
	v1 =	vmul.f32 $1.131370830e+01, v7;
	v6 =	vld [tilespmem:s0+$0xE4A0]  }
0x225: {  	[tilespmem:s0+$0xE440] =	vst v0;
	v0 =	vmul.f32 $1.131370830e+01, v5;
	v5 =	vld [tilespmem:s0+$0xE4B0]  }
0x226: {  	[tilespmem:s0+$0xE450] =	vst v1;
	v1 =	vmul.f32 $1.131370830e+01, v2;
	v2 =	vld [tilespmem:s0+$0xE4C0]  }
0x227: {  	[tilespmem:s0+$0xE460] =	vst v0;
	v0 =	vmul.f32 $1.131370830e+01, v3;
	v3 =	vld [tilespmem:s0+$0xE4D0]  }
0x228: {  	[tilespmem:s0+$0xE470] =	vst v1;
	v1 =	vmul.f32 $1.131370830e+01, v4;
	v4 =	vld [tilespmem:s0+$0xE4E0]  }
0x229: {  	[tilespmem:s0+$0xE480] =	vst v0;
	v0 =	vmul.f32 $1.131370830e+01, v6;
	v6 =	vld [tilespmem:s0+$0xE4F0]  }
0x22a: {  	[tilespmem:s0+$0xE490] =	vst v1;
	v1 =	vmul.f32 $1.131370830e+01, v5;
	v5 =	vld [tilespmem:s0+$0xE500]  }
0x22b: {  	[tilespmem:s0+$0xE4A0] =	vst v0;
	v0 =	vmul.f32 $1.131370830e+01, v2;
	v2 =	vld [tilespmem:s0+$0xE510]  }
0x22c: {  	[tilespmem:s0+$0xE4B0] =	vst v1;
	v1 =	vmul.f32 $1.131370830e+01, v3;
	v3 =	vld [tilespmem:s0+$0xE520]  }
0x22d: {  	[tilespmem:s0+$0xE4C0] =	vst v0;
	v0 =	vmul.f32 $1.131370830e+01, v4;
	v4 =	vld [tilespmem:s0+$0xE530]  }
0x22e: {  	[tilespmem:s0+$0xE4D0] =	vst v1;
	v1 =	vmul.f32 $1.131370830e+01, v6;
	v6 =	vld [tilespmem:s0+$0xE540]  }
0x22f: {  	[tilespmem:s0+$0xE4E0] =	vst v0;
	v0 =	vmul.f32 $1.131370830e+01, v5;
	v5 =	vld [tilespmem:s0+$0xE550]  }
0x230: {  	[tilespmem:s0+$0xE4F0] =	vst v1;
	v1 =	vmul.f32 $1.131370830e+01, v2;
	v2 =	vld [tilespmem:s0+$0xE560]  }
0x231: {  	[tilespmem:s0+$0xE500] =	vst v0;
	v0 =	vmul.f32 $1.131370830e+01, v3;
	v3 =	vld [tilespmem:s0+$0xE570]  }
0x232: {  	[tilespmem:s0+$0xE510] =	vst v1;
	v1 =	vmul.f32 $1.131370830e+01, v4;
	v4 =	vld [tilespmem:s0+$0xE580]  }
0x233: {  	[tilespmem:s0+$0xE520] =	vst v0;
	v0 =	vmul.f32 $1.131370830e+01, v6;
	v7 =	vld [tilespmem:s0+$0xE590]  }
.Ltmp7:
0x234: {  	[tilespmem:s0+$0xE530] =	vst v1;
	v5 =	vmul.f32 $1.131370830e+01, v5;
	v1 =	vld [tilespmem:s0+$0xE5A0];
	(pc) =	sbr.rel @p0 .LBB2_16-.Ltmp7, $4  }
0x235: {  	[tilespmem:s0+$0xE540] =	vst v0;
	v6 =	vmul.f32 $1.131370830e+01, v2;
	v0 =	vld [tilespmem:s0+$0xE5B0]  }
0x236: {  	[tilespmem:s0+$0xE550] =	vst v5;
	v5 =	vmul.f32 $1.131370830e+01, v3;
	v2 =	vld [tilespmem:s0+$0xE5C0]  }
0x237: {  	[tilespmem:s0+$0xE560] =	vst v6;
	v6 =	vmul.f32 $1.131370830e+01, v4;
	v3 =	vld [tilespmem:s0+$0xE5D0]  }
0x238: {  	s7 =	sadd.s32 $0x800, s7;
	[tilespmem:s0+$0xE570] =	vst v5;
	v5 =	vmul.f32 $1.131370830e+01, v7;
	v4 =	vld [tilespmem:s0+$0xE5E0]  }
0x239: {  	[tilespmem:s0+$0xE580] =	vst v6;
	v1 =	vmul.f32 $1.131370830e+01, v1;
	v6 =	vld [tilespmem:s0+$0xE5F0]  }
0x23a: {  	[tilespmem:s0+$0xE590] =	vst v5;
	v0 =	vmul.f32 $1.131370830e+01, v0  }
0x23b: {  	[tilespmem:s0+$0xE5A0] =	vst v1;
	v1 =	vmul.f32 $1.131370830e+01, v2  }
0x23c: {  	[tilespmem:s0+$0xE5B0] =	vst v0;
	v0 =	vmul.f32 $1.131370830e+01, v3  }
0x23d: {  	[tilespmem:s0+$0xE5C0] =	vst v1;
	v1 =	vmul.f32 $1.131370830e+01, v4  }
0x23e: {  	[tilespmem:s0+$0xE5D0] =	vst v0;
	v0 =	vmul.f32 $1.131370830e+01, v6  }
0x23f: {  	[tilespmem:s0+$0xE5E0] =	vst v1  }
0x240: {  	s22 =	simm.s32 $0x0;
	s7 =	rddreg [dreg:$0x6];
	[tilespmem:s0+$0xE5F0] =	vst v0  }
0x241: {  	[hbm4b:s7+s22] =	stream.linear.scatter [tilespmem:s20], [sflag:$0x7], $0x4000, $0x38;
	[tilespmem:$0x16400] =	vst v63  }
0x242: {  	_ =	swait.ge [sflag:s29], $0x4000  }
0x243: {  	[sflag:s29] =	ssyncset.done $0x0  }
0x244: {  	s0 =	simm.s32 $0x0;
	[sflag:s29] =	ssyncadd.s32 $0xFFFFC000  }
0x245: {  	v0 =	vld [tilespmem:s0+$0x12400]  }
0x246: {  	v1 =	vld [tilespmem:s0+$0x12410]  }
0x247: {  	v2 =	vld [tilespmem:s0+$0x12420]  }
0x248: {  	v3 =	vld [tilespmem:s0+$0x12430]  }
0x249: {  	v4 =	vld [tilespmem:s0+$0x12440]  }
0x24a: {  	v5 =	vld [tilespmem:s0+$0x12450];
	v0 =	vmul.f32 $1.131370830e+01, v0  }
0x24b: {  	v6 =	vld [tilespmem:s0+$0x12460];
	v1 =	vmul.f32 $1.131370830e+01, v1  }
0x24c: {  	v2 =	vmul.f32 $1.131370830e+01, v2;
	[tilespmem:s0+$0x12400] =	vst v0;
	v0 =	vld [tilespmem:s0+$0x12470]  }
0x24d: {  	v3 =	vmul.f32 $1.131370830e+01, v3;
	[tilespmem:s0+$0x12410] =	vst v1;
	v1 =	vld [tilespmem:s0+$0x12480]  }
0x24e: {  	v4 =	vmul.f32 $1.131370830e+01, v4;
	[tilespmem:s0+$0x12420] =	vst v2;
	v2 =	vld [tilespmem:s0+$0x12490]  }
0x24f: {  	v5 =	vmul.f32 $1.131370830e+01, v5;
	[tilespmem:s0+$0x12430] =	vst v3;
	v3 =	vld [tilespmem:s0+$0x124A0]  }
0x250: {  	v6 =	vmul.f32 $1.131370830e+01, v6;
	[tilespmem:s0+$0x12440] =	vst v4;
	v4 =	vld [tilespmem:s0+$0x124B0]  }
0x251: {  	[tilespmem:s0+$0x12450] =	vst v5;
	v5 =	vld [tilespmem:s0+$0x124C0];
	v0 =	vmul.f32 $1.131370830e+01, v0  }
0x252: {  	[tilespmem:s0+$0x12460] =	vst v6;
	v6 =	vld [tilespmem:s0+$0x124D0];
	v1 =	vmul.f32 $1.131370830e+01, v1  }
0x253: {  	v2 =	vmul.f32 $1.131370830e+01, v2;
	[tilespmem:s0+$0x12470] =	vst v0;
	v0 =	vld [tilespmem:s0+$0x124E0]  }
0x254: {  	v3 =	vmul.f32 $1.131370830e+01, v3;
	[tilespmem:s0+$0x12480] =	vst v1;
	v1 =	vld [tilespmem:s0+$0x124F0]  }
0x255: {  	v4 =	vmul.f32 $1.131370830e+01, v4;
	[tilespmem:s0+$0x12490] =	vst v2;
	v2 =	vld [tilespmem:s0+$0x12500]  }
0x256: {  	v5 =	vmul.f32 $1.131370830e+01, v5;
	[tilespmem:s0+$0x124A0] =	vst v3;
	v3 =	vld [tilespmem:s0+$0x12510]  }
0x257: {  	v6 =	vmul.f32 $1.131370830e+01, v6;
	[tilespmem:s0+$0x124B0] =	vst v4;
	v4 =	vld [tilespmem:s0+$0x12520]  }
0x258: {  	[tilespmem:s0+$0x124C0] =	vst v5;
	v5 =	vld [tilespmem:s0+$0x12530];
	v0 =	vmul.f32 $1.131370830e+01, v0  }
0x259: {  	[tilespmem:s0+$0x124D0] =	vst v6;
	v6 =	vld [tilespmem:s0+$0x12540]  }
0x25a: {  	v1 =	vmul.f32 $1.131370830e+01, v1;
	[tilespmem:s0+$0x124E0] =	vst v0;
	v0 =	vld [tilespmem:s0+$0x12550]  }
0x25b: {  	v2 =	vmul.f32 $1.131370830e+01, v2  }
0x25c: {  	[tilespmem:s0+$0x124F0] =	vst v1;
	v1 =	vmul.f32 $1.131370830e+01, v3;
	v3 =	vld [tilespmem:s0+$0x12570]  }
0x25d: {  	v7 =	vld [tilespmem:s0+$0x12560];
	[tilespmem:s0+$0x12500] =	vst v2;
	v2 =	vmul.f32 $1.131370830e+01, v4  }
0x25e: {  	v4 =	vld [tilespmem:s0+$0x12580];
	[tilespmem:s0+$0x12510] =	vst v1;
	v1 =	vmul.f32 $1.131370830e+01, v5  }
0x25f: {  	[tilespmem:s0+$0x12520] =	vst v2;
	v5 =	vld [tilespmem:s0+$0x12590];
	v2 =	vmul.f32 $1.131370830e+01, v6;
	v6 =	vmul.f32 $1.131370830e+01, v0  }
0x260: {  	[tilespmem:s0+$0x12530] =	vst v1;
	v1 =	vld [tilespmem:s0+$0x125A0]  }
0x261: {  	v0 =	vld [tilespmem:s0+$0x125B0];
	[tilespmem:s0+$0x12550] =	vst v6;
	v6 =	vmul.f32 $1.131370830e+01, v3  }
0x262: {  	v7 =	vmul.f32 $1.131370830e+01, v7;
	[tilespmem:s0+$0x12540] =	vst v2;
	v2 =	vld [tilespmem:s0+$0x125C0]  }
0x263: {  	v3 =	vld [tilespmem:s0+$0x125D0];
	[tilespmem:s0+$0x12570] =	vst v6;
	v6 =	vmul.f32 $1.131370830e+01, v4  }
0x264: {  	s7 =	simm.s32 $0x800;
	[tilespmem:s0+$0x12560] =	vst v7;
	v5 =	vmul.f32 $1.131370830e+01, v5;
	v4 =	vld [tilespmem:s0+$0x125E0]  }
.LBB2_18:
0x265: {  	s9 =	sshra.s32 s7, $0x2;
	p0 =	sne.s32 s7, $0xF800;
	[tilespmem:s0+$0x12580] =	vst v6;
	v1 =	vmul.f32 $1.131370830e+01, v1;
	v6 =	vld [tilespmem:s0+$0x125F0]  }
0x266: {  	v7 =	vld [tilespmem:s9+$0x12400];
	[tilespmem:s0+$0x12590] =	vst v5;
	v0 =	vmul.f32 $1.131370830e+01, v0  }
0x267: {  	v5 =	vld [tilespmem:s9+$0x12410];
	[tilespmem:s0+$0x125A0] =	vst v1;
	v1 =	vmul.f32 $1.131370830e+01, v2  }
0x268: {  	v2 =	vld [tilespmem:s9+$0x12420];
	[tilespmem:s0+$0x125B0] =	vst v0;
	v0 =	vmul.f32 $1.131370830e+01, v3  }
0x269: {  	v3 =	vld [tilespmem:s9+$0x12430];
	[tilespmem:s0+$0x125C0] =	vst v1;
	v1 =	vmul.f32 $1.131370830e+01, v4  }
0x26a: {  	v4 =	vld [tilespmem:s9+$0x12440];
	[tilespmem:s0+$0x125D0] =	vst v0;
	v0 =	vmul.f32 $1.131370830e+01, v6  }
0x26b: {  	v6 =	vmul.f32 $1.131370830e+01, v7;
	v7 =	vld [tilespmem:s9+$0x12450];
	[tilespmem:s0+$0x125E0] =	vst v1  }
0x26c: {  	v1 =	vmul.f32 $1.131370830e+01, v5;
	v5 =	vld [tilespmem:s9+$0x12460];
	[tilespmem:s0+$0x125F0] =	vst v0;
	s0 =	smov.u32 s9  }
0x26d: {  	[tilespmem:s0+$0x12400] =	vst v6;
	v0 =	vmul.f32 $1.131370830e+01, v2;
	v2 =	vld [tilespmem:s0+$0x12470]  }
0x26e: {  	[tilespmem:s0+$0x12410] =	vst v1;
	v1 =	vmul.f32 $1.131370830e+01, v3;
	v3 =	vld [tilespmem:s0+$0x12480]  }
0x26f: {  	[tilespmem:s0+$0x12420] =	vst v0;
	v0 =	vmul.f32 $1.131370830e+01, v4;
	v4 =	vld [tilespmem:s0+$0x12490]  }
0x270: {  	[tilespmem:s0+$0x12430] =	vst v1;
	v1 =	vmul.f32 $1.131370830e+01, v7;
	v6 =	vld [tilespmem:s0+$0x124A0]  }
0x271: {  	[tilespmem:s0+$0x12440] =	vst v0;
	v0 =	vmul.f32 $1.131370830e+01, v5;
	v5 =	vld [tilespmem:s0+$0x124B0]  }
0x272: {  	[tilespmem:s0+$0x12450] =	vst v1;
	v1 =	vmul.f32 $1.131370830e+01, v2;
	v2 =	vld [tilespmem:s0+$0x124C0]  }
0x273: {  	[tilespmem:s0+$0x12460] =	vst v0;
	v0 =	vmul.f32 $1.131370830e+01, v3;
	v3 =	vld [tilespmem:s0+$0x124D0]  }
0x274: {  	[tilespmem:s0+$0x12470] =	vst v1;
	v1 =	vmul.f32 $1.131370830e+01, v4;
	v4 =	vld [tilespmem:s0+$0x124E0]  }
0x275: {  	[tilespmem:s0+$0x12480] =	vst v0;
	v0 =	vmul.f32 $1.131370830e+01, v6;
	v6 =	vld [tilespmem:s0+$0x124F0]  }
0x276: {  	[tilespmem:s0+$0x12490] =	vst v1;
	v1 =	vmul.f32 $1.131370830e+01, v5;
	v5 =	vld [tilespmem:s0+$0x12500]  }
0x277: {  	[tilespmem:s0+$0x124A0] =	vst v0;
	v0 =	vmul.f32 $1.131370830e+01, v2;
	v2 =	vld [tilespmem:s0+$0x12510]  }
0x278: {  	[tilespmem:s0+$0x124B0] =	vst v1;
	v1 =	vmul.f32 $1.131370830e+01, v3;
	v3 =	vld [tilespmem:s0+$0x12520]  }
0x279: {  	[tilespmem:s0+$0x124C0] =	vst v0;
	v0 =	vmul.f32 $1.131370830e+01, v4;
	v4 =	vld [tilespmem:s0+$0x12530]  }
0x27a: {  	[tilespmem:s0+$0x124D0] =	vst v1;
	v1 =	vmul.f32 $1.131370830e+01, v6;
	v6 =	vld [tilespmem:s0+$0x12540]  }
0x27b: {  	[tilespmem:s0+$0x124E0] =	vst v0;
	v0 =	vmul.f32 $1.131370830e+01, v5;
	v5 =	vld [tilespmem:s0+$0x12550]  }
0x27c: {  	[tilespmem:s0+$0x124F0] =	vst v1;
	v1 =	vmul.f32 $1.131370830e+01, v2;
	v2 =	vld [tilespmem:s0+$0x12560]  }
0x27d: {  	[tilespmem:s0+$0x12500] =	vst v0;
	v0 =	vmul.f32 $1.131370830e+01, v3;
	v3 =	vld [tilespmem:s0+$0x12570]  }
0x27e: {  	[tilespmem:s0+$0x12510] =	vst v1;
	v1 =	vmul.f32 $1.131370830e+01, v4;
	v4 =	vld [tilespmem:s0+$0x12580]  }
0x27f: {  	[tilespmem:s0+$0x12520] =	vst v0;
	v0 =	vmul.f32 $1.131370830e+01, v6;
	v7 =	vld [tilespmem:s0+$0x12590]  }
.Ltmp8:
0x280: {  	[tilespmem:s0+$0x12530] =	vst v1;
	v5 =	vmul.f32 $1.131370830e+01, v5;
	v1 =	vld [tilespmem:s0+$0x125A0];
	(pc) =	sbr.rel @p0 .LBB2_18-.Ltmp8, $4  }
0x281: {  	[tilespmem:s0+$0x12540] =	vst v0;
	v6 =	vmul.f32 $1.131370830e+01, v2;
	v0 =	vld [tilespmem:s0+$0x125B0]  }
0x282: {  	[tilespmem:s0+$0x12550] =	vst v5;
	v5 =	vmul.f32 $1.131370830e+01, v3;
	v2 =	vld [tilespmem:s0+$0x125C0]  }
0x283: {  	[tilespmem:s0+$0x12560] =	vst v6;
	v6 =	vmul.f32 $1.131370830e+01, v4;
	v3 =	vld [tilespmem:s0+$0x125D0]  }
0x284: {  	s7 =	sadd.s32 $0x800, s7;
	[tilespmem:s0+$0x12570] =	vst v5;
	v5 =	vmul.f32 $1.131370830e+01, v7;
	v4 =	vld [tilespmem:s0+$0x125E0]  }
0x285: {  	[tilespmem:s0+$0x12580] =	vst v6;
	v1 =	vmul.f32 $1.131370830e+01, v1;
	v59 =	vld [tilespmem:s0+$0x125F0]  }
0x286: {  	[tilespmem:s0+$0x12590] =	vst v5;
	v0 =	vmul.f32 $1.131370830e+01, v0  }
0x287: {  	[tilespmem:s0+$0x125A0] =	vst v1;
	v60 =	vmul.f32 $1.131370830e+01, v2  }
0x288: {  	[tilespmem:s0+$0x125B0] =	vst v0;
	v61 =	vmul.f32 $1.131370830e+01, v3  }
0x289: {  	[tilespmem:s0+$0x125C0] =	vst v60;
	v62 =	vmul.f32 $1.131370830e+01, v4  }
0x28a: {  	[tilespmem:s0+$0x125D0] =	vst v61;
	v63 =	vmul.f32 $1.131370830e+01, v59  }
0x28b: {  	[tilespmem:s0+$0x125E0] =	vst v62  }
0x28c: {  	s22 =	rddreg [dreg:$0x7];
	[tilespmem:s0+$0x125F0] =	vst v63  }
0x28d: {  	[hbm4b:s22+s4] =	stream.linear.scatter [tilespmem:s23], [sflag:$0x8], $0x4000, $0x38;
	[tilespmem:$0x16400] =	vst v63  }
0x28e: {  	_ =	swait.ge [sflag:s25], $0x4000  }
0x28f: {  	[sflag:s25] =	ssyncset.done $0x0  }
0x290: {  	[sflag:s25] =	ssyncadd.s32 $0xFFFFC000  }
0x291: {  	_ =	swait.ge [sflag:s28], $0x4000  }
0x292: {  	[sflag:s28] =	ssyncset.done $0x0  }
0x293: {  	s2 =	sadd.s32 $0x1, s2;
	[sflag:s28] =	ssyncadd.s32 $0xFFFFC000  }
0x294: {  	p0 =	sne.s32 s2, s14;
	_ =	swait.ge [sflag:s30], $0x4000  }
.Ltmp9:
0x295: {  	[sflag:s30] =	ssyncset.done $0x0;
	(pc) =	sbr.rel @p0 .LBB2_1-.Ltmp9, $4  }
0x296: {  	[sflag:s30] =	ssyncadd.s32 $0xFFFFC000  }
0x297: {  	_ =	swait.ge [sflag:s31], $0x4000  }
0x298: {  	[sflag:s31] =	ssyncset.done $0x0  }
0x299: {  	[sflag:s31] =	ssyncadd.s32 $0xFFFFC000  }
0x29a: {  	_ =	sfence.sel $0x180000  }
0x29b: {  	[bflag:$0x0] =	sbarrier.arrive $0xFFFF  }
0x29c: {  	_ =	strace $0x90000047  }
0x29d: {  	s0 =	stileid.u32;
	[bflag:$0x2] =	sbarrier.arrive $0xFFFF  }
0x29e: {  	p0 =	sne.s32 s0, $0x0;
	s0 =	rddreg [dreg:$0x3]  }
0x29f: {  	s0 =	sadd.s32 @!p0 $0x100000, s0  }
0x2a0: {  	[sflag:s0] =	ssyncadd.tile.s32 @!p0 $0x1;
	_ =	shalt  }
.Lfunc_end2:
_tile_overlayer_lowered:
.L_overlay_start_2:
0x2a1: {  	(tag) =	ssettag $0x2  }
0x2a2: {  	s0 =	rddreg [dreg:$0x0];
	s2 =	stileid.u32  }
0x2a3: {  	s1 =	rddreg [dreg:$0x1];
	p0 =	sne.s32 s2, $0x0  }
0x2a4: {  	s3 =	rddreg [dreg:$0x2];
	[bflag:$0x3] =	sbarrier.arrive $0xFFFF;
	s2 =	simm.s32 @!p0 $0x1C09  }
0x2a5: {  	[timem:s3], [sflag:s2] =	dma.local @!p0 [hbm:s0], s1  }
0x2a6: {  	s0 =	simm.s32 @!p0 $0x9  }
0x2a7: {  	_ =	swait.ge @!p0 [sflag:s0], s1  }
0x2a8: {  	s1 =	ssub.s32 @!p0 $0x0, s1;
	[sflag:s0] =	ssyncset.done @!p0 $0x0  }
0x2a9: {  	[sflag:s0] =	ssyncadd.s32 @!p0 s1  }
0x2aa: {  	[bflag:$0x3] =	sbarrier.arrive $0xFFFF  }
0x2ab: {  	_ =	shalt  }

</sc_bundles>
